<compile_context>
chip_gen: v7x
topology: tpu7x:2x2x1
jax: 0.10.2.dev20260603
libtpu: 0.0.44.dev20260713+nightly
codegen_flags: <defaults>
</compile_context>

<pallas_src>
import functools

import jax
import jax.numpy as jnp
from jax import lax
from jax.experimental import pallas as pl
from jax.experimental.pallas import tpu as pltpu
from jax.experimental.pallas import tpu_sc as plsc

N = 8388608
NW = 32
PER_W = N // NW
CH = 4096
NCHUNK = PER_W // CH
GROUPS = CH // 128
NSLOT = 4
assert NCHUNK % NSLOT == 0
assert NSLOT * (CH + 4 * CH) <= 131071

_mesh = plsc.VectorSubcoreMesh(core_axis_name="c", subcore_axis_name="s")


def _sc_body(x_hbm, out_hbm, xbuf, obuf, insem, outsem):
    wid = lax.axis_index("s") * 2 + lax.axis_index("c")
    xbase = wid * PER_W
    obase = wid * (PER_W * 4)

    def compute_chunk(slot):
        @plsc.parallel_loop(0, GROUPS, step=1, unroll=1)
        def group_body(g):
            for u in range(8):
                v = xbuf[pl.ds(slot * CH + g * 128 + u * 16, 16)]
                a = jnp.abs(v)
                one = jnp.int32(1)
                zero = jnp.int32(0)
                s1 = jnp.where(a > 100.0, one, zero)
                s2 = jnp.where(a > 500.0, one, zero)
                s3 = jnp.where(a > 1000.0, one, zero)
                base = slot * CH * 4 + g * 512 + u * 16
                obuf[pl.ds(base, 16)] = one - s1
                obuf[pl.ds(base + 128, 16)] = s1 - s2
                obuf[pl.ds(base + 256, 16)] = s2 - s3
                obuf[pl.ds(base + 384, 16)] = s3

    def in_copy(g, slot):
        return pltpu.make_async_copy(
            x_hbm.at[pl.ds(xbase + g * CH, CH)],
            xbuf.at[pl.ds(slot * CH, CH)], insem.at[slot])

    def out_copy(g, slot):
        return pltpu.make_async_copy(
            obuf.at[pl.ds(slot * CH * 4, CH * 4)],
            out_hbm.at[pl.ds(obase + g * CH * 4, CH * 4)],
            outsem.at[slot])

    for slot in range(NSLOT):
        in_copy(slot, slot).start()

    def step(gg, _):
        for slot in range(NSLOT):
            g = NSLOT * gg + slot
            in_copy(g, slot).wait()

            @pl.when(gg > 0)
            def _wait_prev_out():
                out_copy(g - NSLOT, slot).wait()

            compute_chunk(slot)
            out_copy(g, slot).start()

            @pl.when(g + NSLOT < NCHUNK)
            def _prefetch_in():
                in_copy(g + NSLOT, slot).start()
        return 0

    lax.fori_loop(0, NCHUNK // NSLOT, step, 0)
    for slot in range(NSLOT):
        out_copy(NCHUNK - NSLOT + slot, slot).wait()


@jax.jit
def kernel(x):
    sc_call = functools.partial(
        pl.kernel,
        mesh=_mesh,
        out_type=jax.ShapeDtypeStruct((N * 4,), jnp.int32),
        scratch_types=[
            pltpu.VMEM((NSLOT * CH,), jnp.float32),
            pltpu.VMEM((NSLOT * CH * 4,), jnp.int32),
            pltpu.SemaphoreType.DMA((NSLOT,)),
            pltpu.SemaphoreType.DMA((NSLOT,)),
        ],
    )(_sc_body)
    out = sc_call(x)
    return (out.reshape(N // 128, 4, 128)
               .transpose(0, 2, 1)
               .reshape(N, 4))

# --- scband reference (transcript-rebuilt; emitter-appended) ---
"""Pipeline reference for scband-cut-embedder-bins-61572651155961 (READ-ONLY COPY).

The authoritative reference and input builder live on the scoring server;
editing this copy changes nothing except your own understanding.
"""

import jax, jax.numpy as jnp
import numpy as np

def setup_inputs(seed: int = 0) -> dict:
    key = jax.random.key(seed)
    # randn scaled by 700 so |x| spreads across all four bins (-1, 100, 500, 1000)
    x = jax.random.normal(key, (8388608,), dtype=jnp.float32) * 700.0
    return {"x": x}

def reference(x):
    # buffer: bins = [-1, 100, 500, 1000]
    bins = jnp.array([-1.0, 100.0, 500.0, 1000.0], dtype=jnp.float32)
    # torch.searchsorted(bins, abs(x)) with right=False == jnp.searchsorted side='left'
    idx = jnp.searchsorted(bins, jnp.abs(x), side='left') - 1
    # abs(x) >= 0 > -1 so idx in [0, 3]; one_hot over len(bins)=4 classes
    out = jax.nn.one_hot(idx, 4, dtype=jnp.int32)
    return out

if __name__ == "__main__":
    import jax
    _d = setup_inputs()
    print(jax.jit(kernel)(*tuple(_d.values())))

</pallas_src>

<mosaic_0001>
#map = affine_map<(d0, d1) -> (0)>
module attributes {stable_mosaic.version = 14 : i64} {
  func.func @_sc_body(%arg0: i32, %arg1: i32, %arg2: memref<8388608xf32, #tpu.memory_space<hbm>>, %arg3: memref<33554432xi32, #tpu.memory_space<hbm>>, %arg4: memref<16384xf32, #tpu.memory_space<vmem>>, %arg5: memref<65536xi32, #tpu.memory_space<vmem>>, %arg6: memref<4x!tpu.dma_semaphore, #tpu.memory_space<semaphore_mem>>, %arg7: memref<4x!tpu.dma_semaphore, #tpu.memory_space<semaphore_mem>>) attributes {dimension_semantics = [#tpu.dimension_semantics<core_parallel>, #tpu.dimension_semantics<subcore_parallel>], iteration_bounds = array<i64: 2, 16>, scalar_prefetch = 0 : i64, scratch_operands = 4 : i64, tpu.core_type = #tpu.core_type<sc_vector_subcore>, window_params = [{transform_indices = #map}, {transform_indices = #map}]} {
    %mul3A = arith.constant 2 : i32
    %mul3A_0 = arith.muli %arg1, %mul3A : i32
    %add3A = arith.addi %mul3A_0, %arg0 : i32
    %mul3A_1 = arith.constant 262144 : i32
    %mul3A_2 = arith.muli %add3A, %mul3A_1 : i32
    %mul3A_3 = arith.constant 1048576 : i32
    %mul3A_4 = arith.muli %add3A, %mul3A_3 : i32
    %add3A_5 = arith.constant 0 : i32
    %add3A_6 = arith.addi %mul3A_2, %add3A_5 : i32
    %dma_start3A = arith.constant 0 : i32
    %dma_start3A_7 = arith.constant 0 : i32
    %dma_start3A_8 = tpu.memref_slice %arg4[%dma_start3A_7] : memref<16384xf32, #tpu.memory_space<vmem>> -> memref<4096xf32, #tpu.memory_space<vmem>>
    %dma_start3A_9 = tpu.memref_slice %arg2[%add3A_6] : memref<8388608xf32, #tpu.memory_space<hbm>> -> memref<4096xf32, #tpu.memory_space<hbm>>
    %dma_start3A_10 = tpu.memref_slice %arg6[%dma_start3A] : memref<4x!tpu.dma_semaphore, #tpu.memory_space<semaphore_mem>> -> memref<1x!tpu.dma_semaphore, #tpu.memory_space<semaphore_mem>>
    %dma_start3A_11 = tpu.memref_squeeze %dma_start3A_10 : memref<1x!tpu.dma_semaphore, #tpu.memory_space<semaphore_mem>> -> memref<!tpu.dma_semaphore, #tpu.memory_space<semaphore_mem>>
    %dma_start3A_12 = arith.constant 0 : i32
    %dma_start3A_13 = tpu.memref_slice %arg4[%dma_start3A_12] : memref<16384xf32, #tpu.memory_space<vmem>> -> memref<4096xf32, #tpu.memory_space<vmem>>
    %dma_start3A_14 = tpu.memref_slice %arg2[%add3A_6] : memref<8388608xf32, #tpu.memory_space<hbm>> -> memref<4096xf32, #tpu.memory_space<hbm>>
    tpu.enqueue_dma source(%dma_start3A_14 : memref<4096xf32, #tpu.memory_space<hbm>>) target(%dma_start3A_13 : memref<4096xf32, #tpu.memory_space<vmem>>) target_semaphore(%dma_start3A_11 : memref<!tpu.dma_semaphore, #tpu.memory_space<semaphore_mem>>)
    %add3A_15 = arith.constant 4096 : i32
    %add3A_16 = arith.addi %mul3A_2, %add3A_15 : i32
    %dma_start3A_17 = arith.constant 1 : i32
    %dma_start3A_18 = arith.constant 4096 : i32
    %dma_start3A_19 = tpu.memref_slice %arg4[%dma_start3A_18] : memref<16384xf32, #tpu.memory_space<vmem>> -> memref<4096xf32, #tpu.memory_space<vmem>>
    %dma_start3A_20 = tpu.memref_slice %arg2[%add3A_16] : memref<8388608xf32, #tpu.memory_space<hbm>> -> memref<4096xf32, #tpu.memory_space<hbm>>
    %dma_start3A_21 = tpu.memref_slice %arg6[%dma_start3A_17] : memref<4x!tpu.dma_semaphore, #tpu.memory_space<semaphore_mem>> -> memref<1x!tpu.dma_semaphore, #tpu.memory_space<semaphore_mem>>
    %dma_start3A_22 = tpu.memref_squeeze %dma_start3A_21 : memref<1x!tpu.dma_semaphore, #tpu.memory_space<semaphore_mem>> -> memref<!tpu.dma_semaphore, #tpu.memory_space<semaphore_mem>>
    %dma_start3A_23 = arith.constant 4096 : i32
    %dma_start3A_24 = tpu.memref_slice %arg4[%dma_start3A_23] : memref<16384xf32, #tpu.memory_space<vmem>> -> memref<4096xf32, #tpu.memory_space<vmem>>
    %dma_start3A_25 = tpu.memref_slice %arg2[%add3A_16] : memref<8388608xf32, #tpu.memory_space<hbm>> -> memref<4096xf32, #tpu.memory_space<hbm>>
    tpu.enqueue_dma source(%dma_start3A_25 : memref<4096xf32, #tpu.memory_space<hbm>>) target(%dma_start3A_24 : memref<4096xf32, #tpu.memory_space<vmem>>) target_semaphore(%dma_start3A_22 : memref<!tpu.dma_semaphore, #tpu.memory_space<semaphore_mem>>)
    %add3A_26 = arith.constant 8192 : i32
    %add3A_27 = arith.addi %mul3A_2, %add3A_26 : i32
    %dma_start3A_28 = arith.constant 2 : i32
    %dma_start3A_29 = arith.constant 8192 : i32
    %dma_start3A_30 = tpu.memref_slice %arg4[%dma_start3A_29] : memref<16384xf32, #tpu.memory_space<vmem>> -> memref<4096xf32, #tpu.memory_space<vmem>>
    %dma_start3A_31 = tpu.memref_slice %arg2[%add3A_27] : memref<8388608xf32, #tpu.memory_space<hbm>> -> memref<4096xf32, #tpu.memory_space<hbm>>
    %dma_start3A_32 = tpu.memref_slice %arg6[%dma_start3A_28] : memref<4x!tpu.dma_semaphore, #tpu.memory_space<semaphore_mem>> -> memref<1x!tpu.dma_semaphore, #tpu.memory_space<semaphore_mem>>
    %dma_start3A_33 = tpu.memref_squeeze %dma_start3A_32 : memref<1x!tpu.dma_semaphore, #tpu.memory_space<semaphore_mem>> -> memref<!tpu.dma_semaphore, #tpu.memory_space<semaphore_mem>>
    %dma_start3A_34 = arith.constant 8192 : i32
    %dma_start3A_35 = tpu.memref_slice %arg4[%dma_start3A_34] : memref<16384xf32, #tpu.memory_space<vmem>> -> memref<4096xf32, #tpu.memory_space<vmem>>
    %dma_start3A_36 = tpu.memref_slice %arg2[%add3A_27] : memref<8388608xf32, #tpu.memory_space<hbm>> -> memref<4096xf32, #tpu.memory_space<hbm>>
    tpu.enqueue_dma source(%dma_start3A_36 : memref<4096xf32, #tpu.memory_space<hbm>>) target(%dma_start3A_35 : memref<4096xf32, #tpu.memory_space<vmem>>) target_semaphore(%dma_start3A_33 : memref<!tpu.dma_semaphore, #tpu.memory_space<semaphore_mem>>)
    %add3A_37 = arith.constant 12288 : i32
    %add3A_38 = arith.addi %mul3A_2, %add3A_37 : i32
    %dma_start3A_39 = arith.constant 3 : i32
    %dma_start3A_40 = arith.constant 12288 : i32
    %dma_start3A_41 = tpu.memref_slice %arg4[%dma_start3A_40] : memref<16384xf32, #tpu.memory_space<vmem>> -> memref<4096xf32, #tpu.memory_space<vmem>>
    %dma_start3A_42 = tpu.memref_slice %arg2[%add3A_38] : memref<8388608xf32, #tpu.memory_space<hbm>> -> memref<4096xf32, #tpu.memory_space<hbm>>
    %dma_start3A_43 = tpu.memref_slice %arg6[%dma_start3A_39] : memref<4x!tpu.dma_semaphore, #tpu.memory_space<semaphore_mem>> -> memref<1x!tpu.dma_semaphore, #tpu.memory_space<semaphore_mem>>
    %dma_start3A_44 = tpu.memref_squeeze %dma_start3A_43 : memref<1x!tpu.dma_semaphore, #tpu.memory_space<semaphore_mem>> -> memref<!tpu.dma_semaphore, #tpu.memory_space<semaphore_mem>>
    %dma_start3A_45 = arith.constant 12288 : i32
    %dma_start3A_46 = tpu.memref_slice %arg4[%dma_start3A_45] : memref<16384xf32, #tpu.memory_space<vmem>> -> memref<4096xf32, #tpu.memory_space<vmem>>
    %dma_start3A_47 = tpu.memref_slice %arg2[%add3A_38] : memref<8388608xf32, #tpu.memory_space<hbm>> -> memref<4096xf32, #tpu.memory_space<hbm>>
    tpu.enqueue_dma source(%dma_start3A_47 : memref<4096xf32, #tpu.memory_space<hbm>>) target(%dma_start3A_46 : memref<4096xf32, #tpu.memory_space<vmem>>) target_semaphore(%dma_start3A_44 : memref<!tpu.dma_semaphore, #tpu.memory_space<semaphore_mem>>)
    %scan3A = arith.constant 0 : i32
    %scan3A_48 = arith.constant 0 : i32
    %scan3A_49 = arith.constant 16 : i32
    %scan3A_50 = arith.addi %scan3A_48, %scan3A_49 : i32
    %scan3A_51 = arith.constant 1 : i32
    %scan3A_52 = scf.for %scan3A_97 = %scan3A_48 to %scan3A_50 step %scan3A_51 iter_args(%scan3A_98 = %scan3A) -> (i32)  : i32 {
      %mul3A_99 = arith.constant 4 : i32
      %mul3A_100 = arith.muli %mul3A_99, %scan3A_97 : i32
      %add3A_101 = arith.constant 0 : i32
      %add3A_102 = arith.addi %mul3A_100, %add3A_101 : i32
      %mul3A_103 = arith.constant 4096 : i32
      %mul3A_104 = arith.muli %add3A_102, %mul3A_103 : i32
      %add3A_105 = arith.addi %mul3A_2, %mul3A_104 : i32
      %dma_wait3A_106 = arith.constant 0 : i32
      %dma_wait3A_107 = arith.constant 0 : i32
      %dma_wait3A_108 = tpu.memref_slice %arg4[%dma_wait3A_107] : memref<16384xf32, #tpu.memory_space<vmem>> -> memref<4096xf32, #tpu.memory_space<vmem>>
      %dma_wait3A_109 = tpu.memref_slice %arg2[%add3A_105] : memref<8388608xf32, #tpu.memory_space<hbm>> -> memref<4096xf32, #tpu.memory_space<hbm>>
      %dma_wait3A_110 = tpu.memref_slice %arg6[%dma_wait3A_106] : memref<4x!tpu.dma_semaphore, #tpu.memory_space<semaphore_mem>> -> memref<1x!tpu.dma_semaphore, #tpu.memory_space<semaphore_mem>>
      %dma_wait3A_111 = tpu.memref_squeeze %dma_wait3A_110 : memref<1x!tpu.dma_semaphore, #tpu.memory_space<semaphore_mem>> -> memref<!tpu.dma_semaphore, #tpu.memory_space<semaphore_mem>>
      %dma_wait3A_112 = arith.constant 0 : i32
      %dma_wait3A_113 = tpu.memref_slice %arg4[%dma_wait3A_112] : memref<16384xf32, #tpu.memory_space<vmem>> -> memref<4096xf32, #tpu.memory_space<vmem>>
      %dma_wait3A_114 = tpu.memref_slice %arg2[%add3A_105] : memref<8388608xf32, #tpu.memory_space<hbm>> -> memref<4096xf32, #tpu.memory_space<hbm>>
      tpu.wait_dma2 semaphore(%dma_wait3A_111 : memref<!tpu.dma_semaphore, #tpu.memory_space<semaphore_mem>>) src(%dma_wait3A_114 : memref<4096xf32, #tpu.memory_space<hbm>>) dst(%dma_wait3A_113 : memref<4096xf32, #tpu.memory_space<vmem>>)
      %gt3A = arith.constant 0 : i32
      %gt3A_115 = arith.cmpi sgt, %scan3A_97, %gt3A : i32
      %convert_element_type3A = arith.extui %gt3A_115 : i1 to i32
      %cond3A = arith.constant 0 : i32
      %cond3A_116 = arith.cmpi ne, %convert_element_type3A, %cond3A : i32
      scf.if %cond3A_116 {
        %sub3A = arith.constant 4 : i32
        %sub3A_275 = arith.subi %add3A_102, %sub3A : i32
        %mul3A_276 = arith.constant 4096 : i32
        %mul3A_277 = arith.muli %sub3A_275, %mul3A_276 : i32
        %mul3A_278 = arith.constant 4 : i32
        %mul3A_279 = arith.muli %mul3A_277, %mul3A_278 : i32
        %add3A_280 = arith.addi %mul3A_4, %mul3A_279 : i32
        %dma_wait3A_281 = arith.constant 0 : i32
        %dma_wait3A_282 = arith.constant 0 : i32
        %dma_wait3A_283 = tpu.memref_slice %arg5[%dma_wait3A_282] : memref<65536xi32, #tpu.memory_space<vmem>> -> memref<16384xi32, #tpu.memory_space<vmem>>
        %dma_wait3A_284 = tpu.memref_slice %arg3[%add3A_280] : memref<33554432xi32, #tpu.memory_space<hbm>> -> memref<16384xi32, #tpu.memory_space<hbm>>
        %dma_wait3A_285 = tpu.memref_slice %arg7[%dma_wait3A_281] : memref<4x!tpu.dma_semaphore, #tpu.memory_space<semaphore_mem>> -> memref<1x!tpu.dma_semaphore, #tpu.memory_space<semaphore_mem>>
        %dma_wait3A_286 = tpu.memref_squeeze %dma_wait3A_285 : memref<1x!tpu.dma_semaphore, #tpu.memory_space<semaphore_mem>> -> memref<!tpu.dma_semaphore, #tpu.memory_space<semaphore_mem>>
        %dma_wait3A_287 = tpu.memref_slice %arg3[%add3A_280] : memref<33554432xi32, #tpu.memory_space<hbm>> -> memref<16384xi32, #tpu.memory_space<hbm>>
        %dma_wait3A_288 = arith.constant 0 : i32
        %dma_wait3A_289 = tpu.memref_slice %arg5[%dma_wait3A_288] : memref<65536xi32, #tpu.memory_space<vmem>> -> memref<16384xi32, #tpu.memory_space<vmem>>
        tpu.wait_dma2 semaphore(%dma_wait3A_286 : memref<!tpu.dma_semaphore, #tpu.memory_space<semaphore_mem>>) src(%dma_wait3A_289 : memref<16384xi32, #tpu.memory_space<vmem>>) dst(%dma_wait3A_287 : memref<16384xi32, #tpu.memory_space<hbm>>)
      } else {
      }
      %parallel_loop3A = arith.constant 0 : i32
      %parallel_loop3A_117 = arith.constant 32 : i32
      %parallel_loop3A_118 = arith.constant 1 : i32
      scf.for %parallel_loop3A_275 = %parallel_loop3A to %parallel_loop3A_117 step %parallel_loop3A_118  : i32 {
        %parallel_loop3A_276 = arith.constant 128 : i32
        %parallel_loop3A_277 = arith.muli %parallel_loop3A_275, %parallel_loop3A_276 : i32
        %parallel_loop3A_278 = arith.constant 0 : i32
        %parallel_loop3A_279 = arith.addi %parallel_loop3A_278, %parallel_loop3A_277 : i32
        %parallel_loop3A_280 = arith.constant 0 : i32
        %parallel_loop3A_281 = arith.addi %parallel_loop3A_279, %parallel_loop3A_280 : i32
        %parallel_loop3A_282 = arith.index_cast %parallel_loop3A_281 : i32 to index
        %parallel_loop3A_283 = tpu.vector_load %arg4[%parallel_loop3A_282] {strides = array<i32>} : memref<16384xf32, #tpu.memory_space<vmem>>, vector<16xf32>,
        %parallel_loop3A_284 = vector.shape_cast %parallel_loop3A_283 : vector<16xf32> to vector<16xf32>
        %parallel_loop3A_285 = math.absf %parallel_loop3A_284 : vector<16xf32>
        %parallel_loop3A_286 = arith.constant 1.000000e+02 : f32
        %parallel_loop3A_287 = vector.broadcast %parallel_loop3A_286 : f32 to vector<16xf32>
        %parallel_loop3A_288 = arith.cmpf ogt, %parallel_loop3A_285, %parallel_loop3A_287 : vector<16xf32>
        %parallel_loop3A_289 = arith.constant 1 : i32
        %parallel_loop3A_290 = arith.constant 0 : i32
        %parallel_loop3A_291 = vector.broadcast %parallel_loop3A_289 : i32 to vector<16xi32>
        %parallel_loop3A_292 = vector.broadcast %parallel_loop3A_290 : i32 to vector<16xi32>
        %parallel_loop3A_293 = arith.select %parallel_loop3A_288, %parallel_loop3A_291, %parallel_loop3A_292 : vector<16xi1>, vector<16xi32>
        %parallel_loop3A_294 = arith.constant 5.000000e+02 : f32
        %parallel_loop3A_295 = vector.broadcast %parallel_loop3A_294 : f32 to vector<16xf32>
        %parallel_loop3A_296 = arith.cmpf ogt, %parallel_loop3A_285, %parallel_loop3A_295 : vector<16xf32>
        %parallel_loop3A_297 = arith.constant 1 : i32
        %parallel_loop3A_298 = arith.constant 0 : i32
        %parallel_loop3A_299 = vector.broadcast %parallel_loop3A_297 : i32 to vector<16xi32>
        %parallel_loop3A_300 = vector.broadcast %parallel_loop3A_298 : i32 to vector<16xi32>
        %parallel_loop3A_301 = arith.select %parallel_loop3A_296, %parallel_loop3A_299, %parallel_loop3A_300 : vector<16xi1>, vector<16xi32>
        %parallel_loop3A_302 = arith.constant 1.000000e+03 : f32
        %parallel_loop3A_303 = vector.broadcast %parallel_loop3A_302 : f32 to vector<16xf32>
        %parallel_loop3A_304 = arith.cmpf ogt, %parallel_loop3A_285, %parallel_loop3A_303 : vector<16xf32>
        %parallel_loop3A_305 = arith.constant 1 : i32
        %parallel_loop3A_306 = arith.constant 0 : i32
        %parallel_loop3A_307 = vector.broadcast %parallel_loop3A_305 : i32 to vector<16xi32>
        %parallel_loop3A_308 = vector.broadcast %parallel_loop3A_306 : i32 to vector<16xi32>
        %parallel_loop3A_309 = arith.select %parallel_loop3A_304, %parallel_loop3A_307, %parallel_loop3A_308 : vector<16xi1>, vector<16xi32>
        %parallel_loop3A_310 = arith.constant 512 : i32
        %parallel_loop3A_311 = arith.muli %parallel_loop3A_275, %parallel_loop3A_310 : i32
        %parallel_loop3A_312 = arith.constant 0 : i32
        %parallel_loop3A_313 = arith.addi %parallel_loop3A_312, %parallel_loop3A_311 : i32
        %parallel_loop3A_314 = arith.constant 0 : i32
        %parallel_loop3A_315 = arith.addi %parallel_loop3A_313, %parallel_loop3A_314 : i32
        %parallel_loop3A_316 = arith.constant 1 : i32
        %parallel_loop3A_317 = vector.broadcast %parallel_loop3A_316 : i32 to vector<16xi32>
        %parallel_loop3A_318 = arith.subi %parallel_loop3A_317, %parallel_loop3A_293 : vector<16xi32>
        %parallel_loop3A_319 = arith.index_cast %parallel_loop3A_315 : i32 to index
        %parallel_loop3A_320 = tpu.vector_load %arg5[%parallel_loop3A_319] {strides = array<i32>} : memref<65536xi32, #tpu.memory_space<vmem>>, vector<16xi32>,
        %parallel_loop3A_321 = vector.shape_cast %parallel_loop3A_320 : vector<16xi32> to vector<16xi32>
        %parallel_loop3A_322 = vector.shape_cast %parallel_loop3A_318 : vector<16xi32> to vector<16xi32>
        tpu.vector_store %arg5[%parallel_loop3A_319], %parallel_loop3A_322 {strides = array<i32>} : memref<65536xi32, #tpu.memory_space<vmem>>, vector<16xi32>,
        %parallel_loop3A_323 = arith.subi %parallel_loop3A_293, %parallel_loop3A_301 : vector<16xi32>
        %parallel_loop3A_324 = arith.constant 128 : i32
        %parallel_loop3A_325 = arith.addi %parallel_loop3A_315, %parallel_loop3A_324 : i32
        %parallel_loop3A_326 = arith.index_cast %parallel_loop3A_325 : i32 to index
        %parallel_loop3A_327 = tpu.vector_load %arg5[%parallel_loop3A_326] {strides = array<i32>} : memref<65536xi32, #tpu.memory_space<vmem>>, vector<16xi32>,
        %parallel_loop3A_328 = vector.shape_cast %parallel_loop3A_327 : vector<16xi32> to vector<16xi32>
        %parallel_loop3A_329 = vector.shape_cast %parallel_loop3A_323 : vector<16xi32> to vector<16xi32>
        tpu.vector_store %arg5[%parallel_loop3A_326], %parallel_loop3A_329 {strides = array<i32>} : memref<65536xi32, #tpu.memory_space<vmem>>, vector<16xi32>,
        %parallel_loop3A_330 = arith.subi %parallel_loop3A_301, %parallel_loop3A_309 : vector<16xi32>
        %parallel_loop3A_331 = arith.constant 256 : i32
        %parallel_loop3A_332 = arith.addi %parallel_loop3A_315, %parallel_loop3A_331 : i32
        %parallel_loop3A_333 = arith.index_cast %parallel_loop3A_332 : i32 to index
        %parallel_loop3A_334 = tpu.vector_load %arg5[%parallel_loop3A_333] {strides = array<i32>} : memref<65536xi32, #tpu.memory_space<vmem>>, vector<16xi32>,
        %parallel_loop3A_335 = vector.shape_cast %parallel_loop3A_334 : vector<16xi32> to vector<16xi32>
        %parallel_loop3A_336 = vector.shape_cast %parallel_loop3A_330 : vector<16xi32> to vector<16xi32>
        tpu.vector_store %arg5[%parallel_loop3A_333], %parallel_loop3A_336 {strides = array<i32>} : memref<65536xi32, #tpu.memory_space<vmem>>, vector<16xi32>,
        %parallel_loop3A_337 = arith.constant 384 : i32
        %parallel_loop3A_338 = arith.addi %parallel_loop3A_315, %parallel_loop3A_337 : i32
        %parallel_loop3A_339 = arith.index_cast %parallel_loop3A_338 : i32 to index
        %parallel_loop3A_340 = tpu.vector_load %arg5[%parallel_loop3A_339] {strides = array<i32>} : memref<65536xi32, #tpu.memory_space<vmem>>, vector<16xi32>,
        %parallel_loop3A_341 = vector.shape_cast %parallel_loop3A_340 : vector<16xi32> to vector<16xi32>
        %parallel_loop3A_342 = vector.shape_cast %parallel_loop3A_309 : vector<16xi32> to vector<16xi32>
        tpu.vector_store %arg5[%parallel_loop3A_339], %parallel_loop3A_342 {strides = array<i32>} : memref<65536xi32, #tpu.memory_space<vmem>>, vector<16xi32>,
        %parallel_loop3A_343 = arith.constant 128 : i32
        %parallel_loop3A_344 = arith.muli %parallel_loop3A_275, %parallel_loop3A_343 : i32
        %parallel_loop3A_345 = arith.constant 0 : i32
        %parallel_loop3A_346 = arith.addi %parallel_loop3A_345, %parallel_loop3A_344 : i32
        %parallel_loop3A_347 = arith.constant 16 : i32
        %parallel_loop3A_348 = arith.addi %parallel_loop3A_346, %parallel_loop3A_347 : i32
        %parallel_loop3A_349 = arith.index_cast %parallel_loop3A_348 : i32 to index
        %parallel_loop3A_350 = tpu.vector_load %arg4[%parallel_loop3A_349] {strides = array<i32>} : memref<16384xf32, #tpu.memory_space<vmem>>, vector<16xf32>,
        %parallel_loop3A_351 = vector.shape_cast %parallel_loop3A_350 : vector<16xf32> to vector<16xf32>
        %parallel_loop3A_352 = math.absf %parallel_loop3A_351 : vector<16xf32>
        %parallel_loop3A_353 = arith.constant 1.000000e+02 : f32
        %parallel_loop3A_354 = vector.broadcast %parallel_loop3A_353 : f32 to vector<16xf32>
        %parallel_loop3A_355 = arith.cmpf ogt, %parallel_loop3A_352, %parallel_loop3A_354 : vector<16xf32>
        %parallel_loop3A_356 = arith.constant 1 : i32
        %parallel_loop3A_357 = arith.constant 0 : i32
        %parallel_loop3A_358 = vector.broadcast %parallel_loop3A_356 : i32 to vector<16xi32>
        %parallel_loop3A_359 = vector.broadcast %parallel_loop3A_357 : i32 to vector<16xi32>
        %parallel_loop3A_360 = arith.select %parallel_loop3A_355, %parallel_loop3A_358, %parallel_loop3A_359 : vector<16xi1>, vector<16xi32>
        %parallel_loop3A_361 = arith.constant 5.000000e+02 : f32
        %parallel_loop3A_362 = vector.broadcast %parallel_loop3A_361 : f32 to vector<16xf32>
        %parallel_loop3A_363 = arith.cmpf ogt, %parallel_loop3A_352, %parallel_loop3A_362 : vector<16xf32>
        %parallel_loop3A_364 = arith.constant 1 : i32
        %parallel_loop3A_365 = arith.constant 0 : i32
        %parallel_loop3A_366 = vector.broadcast %parallel_loop3A_364 : i32 to vector<16xi32>
        %parallel_loop3A_367 = vector.broadcast %parallel_loop3A_365 : i32 to vector<16xi32>
        %parallel_loop3A_368 = arith.select %parallel_loop3A_363, %parallel_loop3A_366, %parallel_loop3A_367 : vector<16xi1>, vector<16xi32>
        %parallel_loop3A_369 = arith.constant 1.000000e+03 : f32
        %parallel_loop3A_370 = vector.broadcast %parallel_loop3A_369 : f32 to vector<16xf32>
        %parallel_loop3A_371 = arith.cmpf ogt, %parallel_loop3A_352, %parallel_loop3A_370 : vector<16xf32>
        %parallel_loop3A_372 = arith.constant 1 : i32
        %parallel_loop3A_373 = arith.constant 0 : i32
        %parallel_loop3A_374 = vector.broadcast %parallel_loop3A_372 : i32 to vector<16xi32>
        %parallel_loop3A_375 = vector.broadcast %parallel_loop3A_373 : i32 to vector<16xi32>
        %parallel_loop3A_376 = arith.select %parallel_loop3A_371, %parallel_loop3A_374, %parallel_loop3A_375 : vector<16xi1>, vector<16xi32>
        %parallel_loop3A_377 = arith.constant 512 : i32
        %parallel_loop3A_378 = arith.muli %parallel_loop3A_275, %parallel_loop3A_377 : i32
        %parallel_loop3A_379 = arith.constant 0 : i32
        %parallel_loop3A_380 = arith.addi %parallel_loop3A_379, %parallel_loop3A_378 : i32
        %parallel_loop3A_381 = arith.constant 16 : i32
        %parallel_loop3A_382 = arith.addi %parallel_loop3A_380, %parallel_loop3A_381 : i32
        %parallel_loop3A_383 = arith.constant 1 : i32
        %parallel_loop3A_384 = vector.broadcast %parallel_loop3A_383 : i32 to vector<16xi32>
        %parallel_loop3A_385 = arith.subi %parallel_loop3A_384, %parallel_loop3A_360 : vector<16xi32>
        %parallel_loop3A_386 = arith.index_cast %parallel_loop3A_382 : i32 to index
        %parallel_loop3A_387 = tpu.vector_load %arg5[%parallel_loop3A_386] {strides = array<i32>} : memref<65536xi32, #tpu.memory_space<vmem>>, vector<16xi32>,
        %parallel_loop3A_388 = vector.shape_cast %parallel_loop3A_387 : vector<16xi32> to vector<16xi32>
        %parallel_loop3A_389 = vector.shape_cast %parallel_loop3A_385 : vector<16xi32> to vector<16xi32>
        tpu.vector_store %arg5[%parallel_loop3A_386], %parallel_loop3A_389 {strides = array<i32>} : memref<65536xi32, #tpu.memory_space<vmem>>, vector<16xi32>,
        %parallel_loop3A_390 = arith.subi %parallel_loop3A_360, %parallel_loop3A_368 : vector<16xi32>
        %parallel_loop3A_391 = arith.constant 128 : i32
        %parallel_loop3A_392 = arith.addi %parallel_loop3A_382, %parallel_loop3A_391 : i32
        %parallel_loop3A_393 = arith.index_cast %parallel_loop3A_392 : i32 to index
        %parallel_loop3A_394 = tpu.vector_load %arg5[%parallel_loop3A_393] {strides = array<i32>} : memref<65536xi32, #tpu.memory_space<vmem>>, vector<16xi32>,
        %parallel_loop3A_395 = vector.shape_cast %parallel_loop3A_394 : vector<16xi32> to vector<16xi32>
        %parallel_loop3A_396 = vector.shape_cast %parallel_loop3A_390 : vector<16xi32> to vector<16xi32>
        tpu.vector_store %arg5[%parallel_loop3A_393], %parallel_loop3A_396 {strides = array<i32>} : memref<65536xi32, #tpu.memory_space<vmem>>, vector<16xi32>,
        %parallel_loop3A_397 = arith.subi %parallel_loop3A_368, %parallel_loop3A_376 : vector<16xi32>
        %parallel_loop3A_398 = arith.constant 256 : i32
        %parallel_loop3A_399 = arith.addi %parallel_loop3A_382, %parallel_loop3A_398 : i32
        %parallel_loop3A_400 = arith.index_cast %parallel_loop3A_399 : i32 to index
        %parallel_loop3A_401 = tpu.vector_load %arg5[%parallel_loop3A_400] {strides = array<i32>} : memref<65536xi32, #tpu.memory_space<vmem>>, vector<16xi32>,
        %parallel_loop3A_402 = vector.shape_cast %parallel_loop3A_401 : vector<16xi32> to vector<16xi32>
        %parallel_loop3A_403 = vector.shape_cast %parallel_loop3A_397 : vector<16xi32> to vector<16xi32>
        tpu.vector_store %arg5[%parallel_loop3A_400], %parallel_loop3A_403 {strides = array<i32>} : memref<65536xi32, #tpu.memory_space<vmem>>, vector<16xi32>,
        %parallel_loop3A_404 = arith.constant 384 : i32
        %parallel_loop3A_405 = arith.addi %parallel_loop3A_382, %parallel_loop3A_404 : i32
        %parallel_loop3A_406 = arith.index_cast %parallel_loop3A_405 : i32 to index
        %parallel_loop3A_407 = tpu.vector_load %arg5[%parallel_loop3A_406] {strides = array<i32>} : memref<65536xi32, #tpu.memory_space<vmem>>, vector<16xi32>,
        %parallel_loop3A_408 = vector.shape_cast %parallel_loop3A_407 : vector<16xi32> to vector<16xi32>
        %parallel_loop3A_409 = vector.shape_cast %parallel_loop3A_376 : vector<16xi32> to vector<16xi32>
        tpu.vector_store %arg5[%parallel_loop3A_406], %parallel_loop3A_409 {strides = array<i32>} : memref<65536xi32, #tpu.memory_space<vmem>>, vector<16xi32>,
        %parallel_loop3A_410 = arith.constant 128 : i32
        %parallel_loop3A_411 = arith.muli %parallel_loop3A_275, %parallel_loop3A_410 : i32
        %parallel_loop3A_412 = arith.constant 0 : i32
        %parallel_loop3A_413 = arith.addi %parallel_loop3A_412, %parallel_loop3A_411 : i32
        %parallel_loop3A_414 = arith.constant 32 : i32
        %parallel_loop3A_415 = arith.addi %parallel_loop3A_413, %parallel_loop3A_414 : i32
        %parallel_loop3A_416 = arith.index_cast %parallel_loop3A_415 : i32 to index
        %parallel_loop3A_417 = tpu.vector_load %arg4[%parallel_loop3A_416] {strides = array<i32>} : memref<16384xf32, #tpu.memory_space<vmem>>, vector<16xf32>,
        %parallel_loop3A_418 = vector.shape_cast %parallel_loop3A_417 : vector<16xf32> to vector<16xf32>
        %parallel_loop3A_419 = math.absf %parallel_loop3A_418 : vector<16xf32>
        %parallel_loop3A_420 = arith.constant 1.000000e+02 : f32
        %parallel_loop3A_421 = vector.broadcast %parallel_loop3A_420 : f32 to vector<16xf32>
        %parallel_loop3A_422 = arith.cmpf ogt, %parallel_loop3A_419, %parallel_loop3A_421 : vector<16xf32>
        %parallel_loop3A_423 = arith.constant 1 : i32
        %parallel_loop3A_424 = arith.constant 0 : i32
        %parallel_loop3A_425 = vector.broadcast %parallel_loop3A_423 : i32 to vector<16xi32>
        %parallel_loop3A_426 = vector.broadcast %parallel_loop3A_424 : i32 to vector<16xi32>
        %parallel_loop3A_427 = arith.select %parallel_loop3A_422, %parallel_loop3A_425, %parallel_loop3A_426 : vector<16xi1>, vector<16xi32>
        %parallel_loop3A_428 = arith.constant 5.000000e+02 : f32
        %parallel_loop3A_429 = vector.broadcast %parallel_loop3A_428 : f32 to vector<16xf32>
        %parallel_loop3A_430 = arith.cmpf ogt, %parallel_loop3A_419, %parallel_loop3A_429 : vector<16xf32>
        %parallel_loop3A_431 = arith.constant 1 : i32
        %parallel_loop3A_432 = arith.constant 0 : i32
        %parallel_loop3A_433 = vector.broadcast %parallel_loop3A_431 : i32 to vector<16xi32>
        %parallel_loop3A_434 = vector.broadcast %parallel_loop3A_432 : i32 to vector<16xi32>
        %parallel_loop3A_435 = arith.select %parallel_loop3A_430, %parallel_loop3A_433, %parallel_loop3A_434 : vector<16xi1>, vector<16xi32>
        %parallel_loop3A_436 = arith.constant 1.000000e+03 : f32
        %parallel_loop3A_437 = vector.broadcast %parallel_loop3A_436 : f32 to vector<16xf32>
        %parallel_loop3A_438 = arith.cmpf ogt, %parallel_loop3A_419, %parallel_loop3A_437 : vector<16xf32>
        %parallel_loop3A_439 = arith.constant 1 : i32
        %parallel_loop3A_440 = arith.constant 0 : i32
        %parallel_loop3A_441 = vector.broadcast %parallel_loop3A_439 : i32 to vector<16xi32>
        %parallel_loop3A_442 = vector.broadcast %parallel_loop3A_440 : i32 to vector<16xi32>
        %parallel_loop3A_443 = arith.select %parallel_loop3A_438, %parallel_loop3A_441, %parallel_loop3A_442 : vector<16xi1>, vector<16xi32>
        %parallel_loop3A_444 = arith.constant 512 : i32
        %parallel_loop3A_445 = arith.muli %parallel_loop3A_275, %parallel_loop3A_444 : i32
        %parallel_loop3A_446 = arith.constant 0 : i32
        %parallel_loop3A_447 = arith.addi %parallel_loop3A_446, %parallel_loop3A_445 : i32
        %parallel_loop3A_448 = arith.constant 32 : i32
        %parallel_loop3A_449 = arith.addi %parallel_loop3A_447, %parallel_loop3A_448 : i32
        %parallel_loop3A_450 = arith.constant 1 : i32
        %parallel_loop3A_451 = vector.broadcast %parallel_loop3A_450 : i32 to vector<16xi32>
        %parallel_loop3A_452 = arith.subi %parallel_loop3A_451, %parallel_loop3A_427 : vector<16xi32>
        %parallel_loop3A_453 = arith.index_cast %parallel_loop3A_449 : i32 to index
        %parallel_loop3A_454 = tpu.vector_load %arg5[%parallel_loop3A_453] {strides = array<i32>} : memref<65536xi32, #tpu.memory_space<vmem>>, vector<16xi32>,
        %parallel_loop3A_455 = vector.shape_cast %parallel_loop3A_454 : vector<16xi32> to vector<16xi32>
        %parallel_loop3A_456 = vector.shape_cast %parallel_loop3A_452 : vector<16xi32> to vector<16xi32>
        tpu.vector_store %arg5[%parallel_loop3A_453], %parallel_loop3A_456 {strides = array<i32>} : memref<65536xi32, #tpu.memory_space<vmem>>, vector<16xi32>,
        %parallel_loop3A_457 = arith.subi %parallel_loop3A_427, %parallel_loop3A_435 : vector<16xi32>
        %parallel_loop3A_458 = arith.constant 128 : i32
        %parallel_loop3A_459 = arith.addi %parallel_loop3A_449, %parallel_loop3A_458 : i32
        %parallel_loop3A_460 = arith.index_cast %parallel_loop3A_459 : i32 to index
        %parallel_loop3A_461 = tpu.vector_load %arg5[%parallel_loop3A_460] {strides = array<i32>} : memref<65536xi32, #tpu.memory_space<vmem>>, vector<16xi32>,
        %parallel_loop3A_462 = vector.shape_cast %parallel_loop3A_461 : vector<16xi32> to vector<16xi32>
        %parallel_loop3A_463 = vector.shape_cast %parallel_loop3A_457 : vector<16xi32> to vector<16xi32>
        tpu.vector_store %arg5[%parallel_loop3A_460], %parallel_loop3A_463 {strides = array<i32>} : memref<65536xi32, #tpu.memory_space<vmem>>, vector<16xi32>,
        %parallel_loop3A_464 = arith.subi %parallel_loop3A_435, %parallel_loop3A_443 : vector<16xi32>
        %parallel_loop3A_465 = arith.constant 256 : i32
        %parallel_loop3A_466 = arith.addi %parallel_loop3A_449, %parallel_loop3A_465 : i32
        %parallel_loop3A_467 = arith.index_cast %parallel_loop3A_466 : i32 to index
        %parallel_loop3A_468 = tpu.vector_load %arg5[%parallel_loop3A_467] {strides = array<i32>} : memref<65536xi32, #tpu.memory_space<vmem>>, vector<16xi32>,
        %parallel_loop3A_469 = vector.shape_cast %parallel_loop3A_468 : vector<16xi32> to vector<16xi32>
        %parallel_loop3A_470 = vector.shape_cast %parallel_loop3A_464 : vector<16xi32> to vector<16xi32>
        tpu.vector_store %arg5[%parallel_loop3A_467], %parallel_loop3A_470 {strides = array<i32>} : memref<65536xi32, #tpu.memory_space<vmem>>, vector<16xi32>,
        %parallel_loop3A_471 = arith.constant 384 : i32
        %parallel_loop3A_472 = arith.addi %parallel_loop3A_449, %parallel_loop3A_471 : i32
        %parallel_loop3A_473 = arith.index_cast %parallel_loop3A_472 : i32 to index
        %parallel_loop3A_474 = tpu.vector_load %arg5[%parallel_loop3A_473] {strides = array<i32>} : memref<65536xi32, #tpu.memory_space<vmem>>, vector<16xi32>,
        %parallel_loop3A_475 = vector.shape_cast %parallel_loop3A_474 : vector<16xi32> to vector<16xi32>
        %parallel_loop3A_476 = vector.shape_cast %parallel_loop3A_443 : vector<16xi32> to vector<16xi32>
        tpu.vector_store %arg5[%parallel_loop3A_473], %parallel_loop3A_476 {strides = array<i32>} : memref<65536xi32, #tpu.memory_space<vmem>>, vector<16xi32>,
        %parallel_loop3A_477 = arith.constant 128 : i32
        %parallel_loop3A_478 = arith.muli %parallel_loop3A_275, %parallel_loop3A_477 : i32
        %parallel_loop3A_479 = arith.constant 0 : i32
        %parallel_loop3A_480 = arith.addi %parallel_loop3A_479, %parallel_loop3A_478 : i32
        %parallel_loop3A_481 = arith.constant 48 : i32
        %parallel_loop3A_482 = arith.addi %parallel_loop3A_480, %parallel_loop3A_481 : i32
        %parallel_loop3A_483 = arith.index_cast %parallel_loop3A_482 : i32 to index
        %parallel_loop3A_484 = tpu.vector_load %arg4[%parallel_loop3A_483] {strides = array<i32>} : memref<16384xf32, #tpu.memory_space<vmem>>, vector<16xf32>,
        %parallel_loop3A_485 = vector.shape_cast %parallel_loop3A_484 : vector<16xf32> to vector<16xf32>
        %parallel_loop3A_486 = math.absf %parallel_loop3A_485 : vector<16xf32>
        %parallel_loop3A_487 = arith.constant 1.000000e+02 : f32
        %parallel_loop3A_488 = vector.broadcast %parallel_loop3A_487 : f32 to vector<16xf32>
        %parallel_loop3A_489 = arith.cmpf ogt, %parallel_loop3A_486, %parallel_loop3A_488 : vector<16xf32>
        %parallel_loop3A_490 = arith.constant 1 : i32
        %parallel_loop3A_491 = arith.constant 0 : i32
        %parallel_loop3A_492 = vector.broadcast %parallel_loop3A_490 : i32 to vector<16xi32>
        %parallel_loop3A_493 = vector.broadcast %parallel_loop3A_491 : i32 to vector<16xi32>
        %parallel_loop3A_494 = arith.select %parallel_loop3A_489, %parallel_loop3A_492, %parallel_loop3A_493 : vector<16xi1>, vector<16xi32>
        %parallel_loop3A_495 = arith.constant 5.000000e+02 : f32
        %parallel_loop3A_496 = vector.broadcast %parallel_loop3A_495 : f32 to vector<16xf32>
        %parallel_loop3A_497 = arith.cmpf ogt, %parallel_loop3A_486, %parallel_loop3A_496 : vector<16xf32>
        %parallel_loop3A_498 = arith.constant 1 : i32
        %parallel_loop3A_499 = arith.constant 0 : i32
        %parallel_loop3A_500 = vector.broadcast %parallel_loop3A_498 : i32 to vector<16xi32>
        %parallel_loop3A_501 = vector.broadcast %parallel_loop3A_499 : i32 to vector<16xi32>
        %parallel_loop3A_502 = arith.select %parallel_loop3A_497, %parallel_loop3A_500, %parallel_loop3A_501 : vector<16xi1>, vector<16xi32>
        %parallel_loop3A_503 = arith.constant 1.000000e+03 : f32
        %parallel_loop3A_504 = vector.broadcast %parallel_loop3A_503 : f32 to vector<16xf32>
        %parallel_loop3A_505 = arith.cmpf ogt, %parallel_loop3A_486, %parallel_loop3A_504 : vector<16xf32>
        %parallel_loop3A_506 = arith.constant 1 : i32
        %parallel_loop3A_507 = arith.constant 0 : i32
        %parallel_loop3A_508 = vector.broadcast %parallel_loop3A_506 : i32 to vector<16xi32>
        %parallel_loop3A_509 = vector.broadcast %parallel_loop3A_507 : i32 to vector<16xi32>
        %parallel_loop3A_510 = arith.select %parallel_loop3A_505, %parallel_loop3A_508, %parallel_loop3A_509 : vector<16xi1>, vector<16xi32>
        %parallel_loop3A_511 = arith.constant 512 : i32
        %parallel_loop3A_512 = arith.muli %parallel_loop3A_275, %parallel_loop3A_511 : i32
        %parallel_loop3A_513 = arith.constant 0 : i32
        %parallel_loop3A_514 = arith.addi %parallel_loop3A_513, %parallel_loop3A_512 : i32
        %parallel_loop3A_515 = arith.constant 48 : i32
        %parallel_loop3A_516 = arith.addi %parallel_loop3A_514, %parallel_loop3A_515 : i32
        %parallel_loop3A_517 = arith.constant 1 : i32
        %parallel_loop3A_518 = vector.broadcast %parallel_loop3A_517 : i32 to vector<16xi32>
        %parallel_loop3A_519 = arith.subi %parallel_loop3A_518, %parallel_loop3A_494 : vector<16xi32>
        %parallel_loop3A_520 = arith.index_cast %parallel_loop3A_516 : i32 to index
        %parallel_loop3A_521 = tpu.vector_load %arg5[%parallel_loop3A_520] {strides = array<i32>} : memref<65536xi32, #tpu.memory_space<vmem>>, vector<16xi32>,
        %parallel_loop3A_522 = vector.shape_cast %parallel_loop3A_521 : vector<16xi32> to vector<16xi32>
        %parallel_loop3A_523 = vector.shape_cast %parallel_loop3A_519 : vector<16xi32> to vector<16xi32>
        tpu.vector_store %arg5[%parallel_loop3A_520], %parallel_loop3A_523 {strides = array<i32>} : memref<65536xi32, #tpu.memory_space<vmem>>, vector<16xi32>,
        %parallel_loop3A_524 = arith.subi %parallel_loop3A_494, %parallel_loop3A_502 : vector<16xi32>
        %parallel_loop3A_525 = arith.constant 128 : i32
        %parallel_loop3A_526 = arith.addi %parallel_loop3A_516, %parallel_loop3A_525 : i32
        %parallel_loop3A_527 = arith.index_cast %parallel_loop3A_526 : i32 to index
        %parallel_loop3A_528 = tpu.vector_load %arg5[%parallel_loop3A_527] {strides = array<i32>} : memref<65536xi32, #tpu.memory_space<vmem>>, vector<16xi32>,
        %parallel_loop3A_529 = vector.shape_cast %parallel_loop3A_528 : vector<16xi32> to vector<16xi32>
        %parallel_loop3A_530 = vector.shape_cast %parallel_loop3A_524 : vector<16xi32> to vector<16xi32>
        tpu.vector_store %arg5[%parallel_loop3A_527], %parallel_loop3A_530 {strides = array<i32>} : memref<65536xi32, #tpu.memory_space<vmem>>, vector<16xi32>,
        %parallel_loop3A_531 = arith.subi %parallel_loop3A_502, %parallel_loop3A_510 : vector<16xi32>
        %parallel_loop3A_532 = arith.constant 256 : i32
        %parallel_loop3A_533 = arith.addi %parallel_loop3A_516, %parallel_loop3A_532 : i32
        %parallel_loop3A_534 = arith.index_cast %parallel_loop3A_533 : i32 to index
        %parallel_loop3A_535 = tpu.vector_load %arg5[%parallel_loop3A_534] {strides = array<i32>} : memref<65536xi32, #tpu.memory_space<vmem>>, vector<16xi32>,
        %parallel_loop3A_536 = vector.shape_cast %parallel_loop3A_535 : vector<16xi32> to vector<16xi32>
        %parallel_loop3A_537 = vector.shape_cast %parallel_loop3A_531 : vector<16xi32> to vector<16xi32>
        tpu.vector_store %arg5[%parallel_loop3A_534], %parallel_loop3A_537 {strides = array<i32>} : memref<65536xi32, #tpu.memory_space<vmem>>, vector<16xi32>,
        %parallel_loop3A_538 = arith.constant 384 : i32
        %parallel_loop3A_539 = arith.addi %parallel_loop3A_516, %parallel_loop3A_538 : i32
        %parallel_loop3A_540 = arith.index_cast %parallel_loop3A_539 : i32 to index
        %parallel_loop3A_541 = tpu.vector_load %arg5[%parallel_loop3A_540] {strides = array<i32>} : memref<65536xi32, #tpu.memory_space<vmem>>, vector<16xi32>,
        %parallel_loop3A_542 = vector.shape_cast %parallel_loop3A_541 : vector<16xi32> to vector<16xi32>
        %parallel_loop3A_543 = vector.shape_cast %parallel_loop3A_510 : vector<16xi32> to vector<16xi32>
        tpu.vector_store %arg5[%parallel_loop3A_540], %parallel_loop3A_543 {strides = array<i32>} : memref<65536xi32, #tpu.memory_space<vmem>>, vector<16xi32>,
        %parallel_loop3A_544 = arith.constant 128 : i32
        %parallel_loop3A_545 = arith.muli %parallel_loop3A_275, %parallel_loop3A_544 : i32
        %parallel_loop3A_546 = arith.constant 0 : i32
        %parallel_loop3A_547 = arith.addi %parallel_loop3A_546, %parallel_loop3A_545 : i32
        %parallel_loop3A_548 = arith.constant 64 : i32
        %parallel_loop3A_549 = arith.addi %parallel_loop3A_547, %parallel_loop3A_548 : i32
        %parallel_loop3A_550 = arith.index_cast %parallel_loop3A_549 : i32 to index
        %parallel_loop3A_551 = tpu.vector_load %arg4[%parallel_loop3A_550] {strides = array<i32>} : memref<16384xf32, #tpu.memory_space<vmem>>, vector<16xf32>,
        %parallel_loop3A_552 = vector.shape_cast %parallel_loop3A_551 : vector<16xf32> to vector<16xf32>
        %parallel_loop3A_553 = math.absf %parallel_loop3A_552 : vector<16xf32>
        %parallel_loop3A_554 = arith.constant 1.000000e+02 : f32
        %parallel_loop3A_555 = vector.broadcast %parallel_loop3A_554 : f32 to vector<16xf32>
        %parallel_loop3A_556 = arith.cmpf ogt, %parallel_loop3A_553, %parallel_loop3A_555 : vector<16xf32>
        %parallel_loop3A_557 = arith.constant 1 : i32
        %parallel_loop3A_558 = arith.constant 0 : i32
        %parallel_loop3A_559 = vector.broadcast %parallel_loop3A_557 : i32 to vector<16xi32>
        %parallel_loop3A_560 = vector.broadcast %parallel_loop3A_558 : i32 to vector<16xi32>
        %parallel_loop3A_561 = arith.select %parallel_loop3A_556, %parallel_loop3A_559, %parallel_loop3A_560 : vector<16xi1>, vector<16xi32>
        %parallel_loop3A_562 = arith.constant 5.000000e+02 : f32
        %parallel_loop3A_563 = vector.broadcast %parallel_loop3A_562 : f32 to vector<16xf32>
        %parallel_loop3A_564 = arith.cmpf ogt, %parallel_loop3A_553, %parallel_loop3A_563 : vector<16xf32>
        %parallel_loop3A_565 = arith.constant 1 : i32
        %parallel_loop3A_566 = arith.constant 0 : i32
        %parallel_loop3A_567 = vector.broadcast %parallel_loop3A_565 : i32 to vector<16xi32>
        %parallel_loop3A_568 = vector.broadcast %parallel_loop3A_566 : i32 to vector<16xi32>
        %parallel_loop3A_569 = arith.select %parallel_loop3A_564, %parallel_loop3A_567, %parallel_loop3A_568 : vector<16xi1>, vector<16xi32>
        %parallel_loop3A_570 = arith.constant 1.000000e+03 : f32
        %parallel_loop3A_571 = vector.broadcast %parallel_loop3A_570 : f32 to vector<16xf32>
        %parallel_loop3A_572 = arith.cmpf ogt, %parallel_loop3A_553, %parallel_loop3A_571 : vector<16xf32>
        %parallel_loop3A_573 = arith.constant 1 : i32
        %parallel_loop3A_574 = arith.constant 0 : i32
        %parallel_loop3A_575 = vector.broadcast %parallel_loop3A_573 : i32 to vector<16xi32>
        %parallel_loop3A_576 = vector.broadcast %parallel_loop3A_574 : i32 to vector<16xi32>
        %parallel_loop3A_577 = arith.select %parallel_loop3A_572, %parallel_loop3A_575, %parallel_loop3A_576 : vector<16xi1>, vector<16xi32>
        %parallel_loop3A_578 = arith.constant 512 : i32
        %parallel_loop3A_579 = arith.muli %parallel_loop3A_275, %parallel_loop3A_578 : i32
        %parallel_loop3A_580 = arith.constant 0 : i32
        %parallel_loop3A_581 = arith.addi %parallel_loop3A_580, %parallel_loop3A_579 : i32
        %parallel_loop3A_582 = arith.constant 64 : i32
        %parallel_loop3A_583 = arith.addi %parallel_loop3A_581, %parallel_loop3A_582 : i32
        %parallel_loop3A_584 = arith.constant 1 : i32
        %parallel_loop3A_585 = vector.broadcast %parallel_loop3A_584 : i32 to vector<16xi32>
        %parallel_loop3A_586 = arith.subi %parallel_loop3A_585, %parallel_loop3A_561 : vector<16xi32>
        %parallel_loop3A_587 = arith.index_cast %parallel_loop3A_583 : i32 to index
        %parallel_loop3A_588 = tpu.vector_load %arg5[%parallel_loop3A_587] {strides = array<i32>} : memref<65536xi32, #tpu.memory_space<vmem>>, vector<16xi32>,
        %parallel_loop3A_589 = vector.shape_cast %parallel_loop3A_588 : vector<16xi32> to vector<16xi32>
        %parallel_loop3A_590 = vector.shape_cast %parallel_loop3A_586 : vector<16xi32> to vector<16xi32>
        tpu.vector_store %arg5[%parallel_loop3A_587], %parallel_loop3A_590 {strides = array<i32>} : memref<65536xi32, #tpu.memory_space<vmem>>, vector<16xi32>,
        %parallel_loop3A_591 = arith.subi %parallel_loop3A_561, %parallel_loop3A_569 : vector<16xi32>
        %parallel_loop3A_592 = arith.constant 128 : i32
        %parallel_loop3A_593 = arith.addi %parallel_loop3A_583, %parallel_loop3A_592 : i32
        %parallel_loop3A_594 = arith.index_cast %parallel_loop3A_593 : i32 to index
        %parallel_loop3A_595 = tpu.vector_load %arg5[%parallel_loop3A_594] {strides = array<i32>} : memref<65536xi32, #tpu.memory_space<vmem>>, vector<16xi32>,
        %parallel_loop3A_596 = vector.shape_cast %parallel_loop3A_595 : vector<16xi32> to vector<16xi32>
        %parallel_loop3A_597 = vector.shape_cast %parallel_loop3A_591 : vector<16xi32> to vector<16xi32>
        tpu.vector_store %arg5[%parallel_loop3A_594], %parallel_loop3A_597 {strides = array<i32>} : memref<65536xi32, #tpu.memory_space<vmem>>, vector<16xi32>,
        %parallel_loop3A_598 = arith.subi %parallel_loop3A_569, %parallel_loop3A_577 : vector<16xi32>
        %parallel_loop3A_599 = arith.constant 256 : i32
        %parallel_loop3A_600 = arith.addi %parallel_loop3A_583, %parallel_loop3A_599 : i32
        %parallel_loop3A_601 = arith.index_cast %parallel_loop3A_600 : i32 to index
        %parallel_loop3A_602 = tpu.vector_load %arg5[%parallel_loop3A_601] {strides = array<i32>} : memref<65536xi32, #tpu.memory_space<vmem>>, vector<16xi32>,
        %parallel_loop3A_603 = vector.shape_cast %parallel_loop3A_602 : vector<16xi32> to vector<16xi32>
        %parallel_loop3A_604 = vector.shape_cast %parallel_loop3A_598 : vector<16xi32> to vector<16xi32>
        tpu.vector_store %arg5[%parallel_loop3A_601], %parallel_loop3A_604 {strides = array<i32>} : memref<65536xi32, #tpu.memory_space<vmem>>, vector<16xi32>,
        %parallel_loop3A_605 = arith.constant 384 : i32
        %parallel_loop3A_606 = arith.addi %parallel_loop3A_583, %parallel_loop3A_605 : i32
        %parallel_loop3A_607 = arith.index_cast %parallel_loop3A_606 : i32 to index
        %parallel_loop3A_608 = tpu.vector_load %arg5[%parallel_loop3A_607] {strides = array<i32>} : memref<65536xi32, #tpu.memory_space<vmem>>, vector<16xi32>,
        %parallel_loop3A_609 = vector.shape_cast %parallel_loop3A_608 : vector<16xi32> to vector<16xi32>
        %parallel_loop3A_610 = vector.shape_cast %parallel_loop3A_577 : vector<16xi32> to vector<16xi32>
        tpu.vector_store %arg5[%parallel_loop3A_607], %parallel_loop3A_610 {strides = array<i32>} : memref<65536xi32, #tpu.memory_space<vmem>>, vector<16xi32>,
        %parallel_loop3A_611 = arith.constant 128 : i32
        %parallel_loop3A_612 = arith.muli %parallel_loop3A_275, %parallel_loop3A_611 : i32
        %parallel_loop3A_613 = arith.constant 0 : i32
        %parallel_loop3A_614 = arith.addi %parallel_loop3A_613, %parallel_loop3A_612 : i32
        %parallel_loop3A_615 = arith.constant 80 : i32
        %parallel_loop3A_616 = arith.addi %parallel_loop3A_614, %parallel_loop3A_615 : i32
        %parallel_loop3A_617 = arith.index_cast %parallel_loop3A_616 : i32 to index
        %parallel_loop3A_618 = tpu.vector_load %arg4[%parallel_loop3A_617] {strides = array<i32>} : memref<16384xf32, #tpu.memory_space<vmem>>, vector<16xf32>,
        %parallel_loop3A_619 = vector.shape_cast %parallel_loop3A_618 : vector<16xf32> to vector<16xf32>
        %parallel_loop3A_620 = math.absf %parallel_loop3A_619 : vector<16xf32>
        %parallel_loop3A_621 = arith.constant 1.000000e+02 : f32
        %parallel_loop3A_622 = vector.broadcast %parallel_loop3A_621 : f32 to vector<16xf32>
        %parallel_loop3A_623 = arith.cmpf ogt, %parallel_loop3A_620, %parallel_loop3A_622 : vector<16xf32>
        %parallel_loop3A_624 = arith.constant 1 : i32
        %parallel_loop3A_625 = arith.constant 0 : i32
        %parallel_loop3A_626 = vector.broadcast %parallel_loop3A_624 : i32 to vector<16xi32>
        %parallel_loop3A_627 = vector.broadcast %parallel_loop3A_625 : i32 to vector<16xi32>
        %parallel_loop3A_628 = arith.select %parallel_loop3A_623, %parallel_loop3A_626, %parallel_loop3A_627 : vector<16xi1>, vector<16xi32>
        %parallel_loop3A_629 = arith.constant 5.000000e+02 : f32
        %parallel_loop3A_630 = vector.broadcast %parallel_loop3A_629 : f32 to vector<16xf32>
        %parallel_loop3A_631 = arith.cmpf ogt, %parallel_loop3A_620, %parallel_loop3A_630 : vector<16xf32>
        %parallel_loop3A_632 = arith.constant 1 : i32
        %parallel_loop3A_633 = arith.constant 0 : i32
        %parallel_loop3A_634 = vector.broadcast %parallel_loop3A_632 : i32 to vector<16xi32>
        %parallel_loop3A_635 = vector.broadcast %parallel_loop3A_633 : i32 to vector<16xi32>
        %parallel_loop3A_636 = arith.select %parallel_loop3A_631, %parallel_loop3A_634, %parallel_loop3A_635 : vector<16xi1>, vector<16xi32>
        %parallel_loop3A_637 = arith.constant 1.000000e+03 : f32
        %parallel_loop3A_638 = vector.broadcast %parallel_loop3A_637 : f32 to vector<16xf32>
        %parallel_loop3A_639 = arith.cmpf ogt, %parallel_loop3A_620, %parallel_loop3A_638 : vector<16xf32>
        %parallel_loop3A_640 = arith.constant 1 : i32
        %parallel_loop3A_641 = arith.constant 0 : i32
        %parallel_loop3A_642 = vector.broadcast %parallel_loop3A_640 : i32 to vector<16xi32>
        %parallel_loop3A_643 = vector.broadcast %parallel_loop3A_641 : i32 to vector<16xi32>
        %parallel_loop3A_644 = arith.select %parallel_loop3A_639, %parallel_loop3A_642, %parallel_loop3A_643 : vector<16xi1>, vector<16xi32>
        %parallel_loop3A_645 = arith.constant 512 : i32
        %parallel_loop3A_646 = arith.muli %parallel_loop3A_275, %parallel_loop3A_645 : i32
        %parallel_loop3A_647 = arith.constant 0 : i32
        %parallel_loop3A_648 = arith.addi %parallel_loop3A_647, %parallel_loop3A_646 : i32
        %parallel_loop3A_649 = arith.constant 80 : i32
        %parallel_loop3A_650 = arith.addi %parallel_loop3A_648, %parallel_loop3A_649 : i32
        %parallel_loop3A_651 = arith.constant 1 : i32
        %parallel_loop3A_652 = vector.broadcast %parallel_loop3A_651 : i32 to vector<16xi32>
        %parallel_loop3A_653 = arith.subi %parallel_loop3A_652, %parallel_loop3A_628 : vector<16xi32>
        %parallel_loop3A_654 = arith.index_cast %parallel_loop3A_650 : i32 to index
        %parallel_loop3A_655 = tpu.vector_load %arg5[%parallel_loop3A_654] {strides = array<i32>} : memref<65536xi32, #tpu.memory_space<vmem>>, vector<16xi32>,
        %parallel_loop3A_656 = vector.shape_cast %parallel_loop3A_655 : vector<16xi32> to vector<16xi32>
        %parallel_loop3A_657 = vector.shape_cast %parallel_loop3A_653 : vector<16xi32> to vector<16xi32>
        tpu.vector_store %arg5[%parallel_loop3A_654], %parallel_loop3A_657 {strides = array<i32>} : memref<65536xi32, #tpu.memory_space<vmem>>, vector<16xi32>,
        %parallel_loop3A_658 = arith.subi %parallel_loop3A_628, %parallel_loop3A_636 : vector<16xi32>
        %parallel_loop3A_659 = arith.constant 128 : i32
        %parallel_loop3A_660 = arith.addi %parallel_loop3A_650, %parallel_loop3A_659 : i32
        %parallel_loop3A_661 = arith.index_cast %parallel_loop3A_660 : i32 to index
        %parallel_loop3A_662 = tpu.vector_load %arg5[%parallel_loop3A_661] {strides = array<i32>} : memref<65536xi32, #tpu.memory_space<vmem>>, vector<16xi32>,
        %parallel_loop3A_663 = vector.shape_cast %parallel_loop3A_662 : vector<16xi32> to vector<16xi32>
        %parallel_loop3A_664 = vector.shape_cast %parallel_loop3A_658 : vector<16xi32> to vector<16xi32>
        tpu.vector_store %arg5[%parallel_loop3A_661], %parallel_loop3A_664 {strides = array<i32>} : memref<65536xi32, #tpu.memory_space<vmem>>, vector<16xi32>,
        %parallel_loop3A_665 = arith.subi %parallel_loop3A_636, %parallel_loop3A_644 : vector<16xi32>
        %parallel_loop3A_666 = arith.constant 256 : i32
        %parallel_loop3A_667 = arith.addi %parallel_loop3A_650, %parallel_loop3A_666 : i32
        %parallel_loop3A_668 = arith.index_cast %parallel_loop3A_667 : i32 to index
        %parallel_loop3A_669 = tpu.vector_load %arg5[%parallel_loop3A_668] {strides = array<i32>} : memref<65536xi32, #tpu.memory_space<vmem>>, vector<16xi32>,
        %parallel_loop3A_670 = vector.shape_cast %parallel_loop3A_669 : vector<16xi32> to vector<16xi32>
        %parallel_loop3A_671 = vector.shape_cast %parallel_loop3A_665 : vector<16xi32> to vector<16xi32>
        tpu.vector_store %arg5[%parallel_loop3A_668], %parallel_loop3A_671 {strides = array<i32>} : memref<65536xi32, #tpu.memory_space<vmem>>, vector<16xi32>,
        %parallel_loop3A_672 = arith.constant 384 : i32
        %parallel_loop3A_673 = arith.addi %parallel_loop3A_650, %parallel_loop3A_672 : i32
        %parallel_loop3A_674 = arith.index_cast %parallel_loop3A_673 : i32 to index
        %parallel_loop3A_675 = tpu.vector_load %arg5[%parallel_loop3A_674] {strides = array<i32>} : memref<65536xi32, #tpu.memory_space<vmem>>, vector<16xi32>,
        %parallel_loop3A_676 = vector.shape_cast %parallel_loop3A_675 : vector<16xi32> to vector<16xi32>
        %parallel_loop3A_677 = vector.shape_cast %parallel_loop3A_644 : vector<16xi32> to vector<16xi32>
        tpu.vector_store %arg5[%parallel_loop3A_674], %parallel_loop3A_677 {strides = array<i32>} : memref<65536xi32, #tpu.memory_space<vmem>>, vector<16xi32>,
        %parallel_loop3A_678 = arith.constant 128 : i32
        %parallel_loop3A_679 = arith.muli %parallel_loop3A_275, %parallel_loop3A_678 : i32
        %parallel_loop3A_680 = arith.constant 0 : i32
        %parallel_loop3A_681 = arith.addi %parallel_loop3A_680, %parallel_loop3A_679 : i32
        %parallel_loop3A_682 = arith.constant 96 : i32
        %parallel_loop3A_683 = arith.addi %parallel_loop3A_681, %parallel_loop3A_682 : i32
        %parallel_loop3A_684 = arith.index_cast %parallel_loop3A_683 : i32 to index
        %parallel_loop3A_685 = tpu.vector_load %arg4[%parallel_loop3A_684] {strides = array<i32>} : memref<16384xf32, #tpu.memory_space<vmem>>, vector<16xf32>,
        %parallel_loop3A_686 = vector.shape_cast %parallel_loop3A_685 : vector<16xf32> to vector<16xf32>
        %parallel_loop3A_687 = math.absf %parallel_loop3A_686 : vector<16xf32>
        %parallel_loop3A_688 = arith.constant 1.000000e+02 : f32
        %parallel_loop3A_689 = vector.broadcast %parallel_loop3A_688 : f32 to vector<16xf32>
        %parallel_loop3A_690 = arith.cmpf ogt, %parallel_loop3A_687, %parallel_loop3A_689 : vector<16xf32>
        %parallel_loop3A_691 = arith.constant 1 : i32
        %parallel_loop3A_692 = arith.constant 0 : i32
        %parallel_loop3A_693 = vector.broadcast %parallel_loop3A_691 : i32 to vector<16xi32>
        %parallel_loop3A_694 = vector.broadcast %parallel_loop3A_692 : i32 to vector<16xi32>
        %parallel_loop3A_695 = arith.select %parallel_loop3A_690, %parallel_loop3A_693, %parallel_loop3A_694 : vector<16xi1>, vector<16xi32>
        %parallel_loop3A_696 = arith.constant 5.000000e+02 : f32
        %parallel_loop3A_697 = vector.broadcast %parallel_loop3A_696 : f32 to vector<16xf32>
        %parallel_loop3A_698 = arith.cmpf ogt, %parallel_loop3A_687, %parallel_loop3A_697 : vector<16xf32>
        %parallel_loop3A_699 = arith.constant 1 : i32
        %parallel_loop3A_700 = arith.constant 0 : i32
        %parallel_loop3A_701 = vector.broadcast %parallel_loop3A_699 : i32 to vector<16xi32>
        %parallel_loop3A_702 = vector.broadcast %parallel_loop3A_700 : i32 to vector<16xi32>
        %parallel_loop3A_703 = arith.select %parallel_loop3A_698, %parallel_loop3A_701, %parallel_loop3A_702 : vector<16xi1>, vector<16xi32>
        %parallel_loop3A_704 = arith.constant 1.000000e+03 : f32
        %parallel_loop3A_705 = vector.broadcast %parallel_loop3A_704 : f32 to vector<16xf32>
        %parallel_loop3A_706 = arith.cmpf ogt, %parallel_loop3A_687, %parallel_loop3A_705 : vector<16xf32>
        %parallel_loop3A_707 = arith.constant 1 : i32
        %parallel_loop3A_708 = arith.constant 0 : i32
        %parallel_loop3A_709 = vector.broadcast %parallel_loop3A_707 : i32 to vector<16xi32>
        %parallel_loop3A_710 = vector.broadcast %parallel_loop3A_708 : i32 to vector<16xi32>
        %parallel_loop3A_711 = arith.select %parallel_loop3A_706, %parallel_loop3A_709, %parallel_loop3A_710 : vector<16xi1>, vector<16xi32>
        %parallel_loop3A_712 = arith.constant 512 : i32
        %parallel_loop3A_713 = arith.muli %parallel_loop3A_275, %parallel_loop3A_712 : i32
        %parallel_loop3A_714 = arith.constant 0 : i32
        %parallel_loop3A_715 = arith.addi %parallel_loop3A_714, %parallel_loop3A_713 : i32
        %parallel_loop3A_716 = arith.constant 96 : i32
        %parallel_loop3A_717 = arith.addi %parallel_loop3A_715, %parallel_loop3A_716 : i32
        %parallel_loop3A_718 = arith.constant 1 : i32
        %parallel_loop3A_719 = vector.broadcast %parallel_loop3A_718 : i32 to vector<16xi32>
        %parallel_loop3A_720 = arith.subi %parallel_loop3A_719, %parallel_loop3A_695 : vector<16xi32>
        %parallel_loop3A_721 = arith.index_cast %parallel_loop3A_717 : i32 to index
        %parallel_loop3A_722 = tpu.vector_load %arg5[%parallel_loop3A_721] {strides = array<i32>} : memref<65536xi32, #tpu.memory_space<vmem>>, vector<16xi32>,
        %parallel_loop3A_723 = vector.shape_cast %parallel_loop3A_722 : vector<16xi32> to vector<16xi32>
        %parallel_loop3A_724 = vector.shape_cast %parallel_loop3A_720 : vector<16xi32> to vector<16xi32>
        tpu.vector_store %arg5[%parallel_loop3A_721], %parallel_loop3A_724 {strides = array<i32>} : memref<65536xi32, #tpu.memory_space<vmem>>, vector<16xi32>,
        %parallel_loop3A_725 = arith.subi %parallel_loop3A_695, %parallel_loop3A_703 : vector<16xi32>
        %parallel_loop3A_726 = arith.constant 128 : i32
        %parallel_loop3A_727 = arith.addi %parallel_loop3A_717, %parallel_loop3A_726 : i32
        %parallel_loop3A_728 = arith.index_cast %parallel_loop3A_727 : i32 to index
        %parallel_loop3A_729 = tpu.vector_load %arg5[%parallel_loop3A_728] {strides = array<i32>} : memref<65536xi32, #tpu.memory_space<vmem>>, vector<16xi32>,
        %parallel_loop3A_730 = vector.shape_cast %parallel_loop3A_729 : vector<16xi32> to vector<16xi32>
        %parallel_loop3A_731 = vector.shape_cast %parallel_loop3A_725 : vector<16xi32> to vector<16xi32>
        tpu.vector_store %arg5[%parallel_loop3A_728], %parallel_loop3A_731 {strides = array<i32>} : memref<65536xi32, #tpu.memory_space<vmem>>, vector<16xi32>,
        %parallel_loop3A_732 = arith.subi %parallel_loop3A_703, %parallel_loop3A_711 : vector<16xi32>
        %parallel_loop3A_733 = arith.constant 256 : i32
        %parallel_loop3A_734 = arith.addi %parallel_loop3A_717, %parallel_loop3A_733 : i32
        %parallel_loop3A_735 = arith.index_cast %parallel_loop3A_734 : i32 to index
        %parallel_loop3A_736 = tpu.vector_load %arg5[%parallel_loop3A_735] {strides = array<i32>} : memref<65536xi32, #tpu.memory_space<vmem>>, vector<16xi32>,
        %parallel_loop3A_737 = vector.shape_cast %parallel_loop3A_736 : vector<16xi32> to vector<16xi32>
        %parallel_loop3A_738 = vector.shape_cast %parallel_loop3A_732 : vector<16xi32> to vector<16xi32>
        tpu.vector_store %arg5[%parallel_loop3A_735], %parallel_loop3A_738 {strides = array<i32>} : memref<65536xi32, #tpu.memory_space<vmem>>, vector<16xi32>,
        %parallel_loop3A_739 = arith.constant 384 : i32
        %parallel_loop3A_740 = arith.addi %parallel_loop3A_717, %parallel_loop3A_739 : i32
        %parallel_loop3A_741 = arith.index_cast %parallel_loop3A_740 : i32 to index
        %parallel_loop3A_742 = tpu.vector_load %arg5[%parallel_loop3A_741] {strides = array<i32>} : memref<65536xi32, #tpu.memory_space<vmem>>, vector<16xi32>,
        %parallel_loop3A_743 = vector.shape_cast %parallel_loop3A_742 : vector<16xi32> to vector<16xi32>
        %parallel_loop3A_744 = vector.shape_cast %parallel_loop3A_711 : vector<16xi32> to vector<16xi32>
        tpu.vector_store %arg5[%parallel_loop3A_741], %parallel_loop3A_744 {strides = array<i32>} : memref<65536xi32, #tpu.memory_space<vmem>>, vector<16xi32>,
        %parallel_loop3A_745 = arith.constant 128 : i32
        %parallel_loop3A_746 = arith.muli %parallel_loop3A_275, %parallel_loop3A_745 : i32
        %parallel_loop3A_747 = arith.constant 0 : i32
        %parallel_loop3A_748 = arith.addi %parallel_loop3A_747, %parallel_loop3A_746 : i32
        %parallel_loop3A_749 = arith.constant 112 : i32
        %parallel_loop3A_750 = arith.addi %parallel_loop3A_748, %parallel_loop3A_749 : i32
        %parallel_loop3A_751 = arith.index_cast %parallel_loop3A_750 : i32 to index
        %parallel_loop3A_752 = tpu.vector_load %arg4[%parallel_loop3A_751] {strides = array<i32>} : memref<16384xf32, #tpu.memory_space<vmem>>, vector<16xf32>,
        %parallel_loop3A_753 = vector.shape_cast %parallel_loop3A_752 : vector<16xf32> to vector<16xf32>
        %parallel_loop3A_754 = math.absf %parallel_loop3A_753 : vector<16xf32>
        %parallel_loop3A_755 = arith.constant 1.000000e+02 : f32
        %parallel_loop3A_756 = vector.broadcast %parallel_loop3A_755 : f32 to vector<16xf32>
        %parallel_loop3A_757 = arith.cmpf ogt, %parallel_loop3A_754, %parallel_loop3A_756 : vector<16xf32>
        %parallel_loop3A_758 = arith.constant 1 : i32
        %parallel_loop3A_759 = arith.constant 0 : i32
        %parallel_loop3A_760 = vector.broadcast %parallel_loop3A_758 : i32 to vector<16xi32>
        %parallel_loop3A_761 = vector.broadcast %parallel_loop3A_759 : i32 to vector<16xi32>
        %parallel_loop3A_762 = arith.select %parallel_loop3A_757, %parallel_loop3A_760, %parallel_loop3A_761 : vector<16xi1>, vector<16xi32>
        %parallel_loop3A_763 = arith.constant 5.000000e+02 : f32
        %parallel_loop3A_764 = vector.broadcast %parallel_loop3A_763 : f32 to vector<16xf32>
        %parallel_loop3A_765 = arith.cmpf ogt, %parallel_loop3A_754, %parallel_loop3A_764 : vector<16xf32>
        %parallel_loop3A_766 = arith.constant 1 : i32
        %parallel_loop3A_767 = arith.constant 0 : i32
        %parallel_loop3A_768 = vector.broadcast %parallel_loop3A_766 : i32 to vector<16xi32>
        %parallel_loop3A_769 = vector.broadcast %parallel_loop3A_767 : i32 to vector<16xi32>
        %parallel_loop3A_770 = arith.select %parallel_loop3A_765, %parallel_loop3A_768, %parallel_loop3A_769 : vector<16xi1>, vector<16xi32>
        %parallel_loop3A_771 = arith.constant 1.000000e+03 : f32
        %parallel_loop3A_772 = vector.broadcast %parallel_loop3A_771 : f32 to vector<16xf32>
        %parallel_loop3A_773 = arith.cmpf ogt, %parallel_loop3A_754, %parallel_loop3A_772 : vector<16xf32>
        %parallel_loop3A_774 = arith.constant 1 : i32
        %parallel_loop3A_775 = arith.constant 0 : i32
        %parallel_loop3A_776 = vector.broadcast %parallel_loop3A_774 : i32 to vector<16xi32>
        %parallel_loop3A_777 = vector.broadcast %parallel_loop3A_775 : i32 to vector<16xi32>
        %parallel_loop3A_778 = arith.select %parallel_loop3A_773, %parallel_loop3A_776, %parallel_loop3A_777 : vector<16xi1>, vector<16xi32>
        %parallel_loop3A_779 = arith.constant 512 : i32
        %parallel_loop3A_780 = arith.muli %parallel_loop3A_275, %parallel_loop3A_779 : i32
        %parallel_loop3A_781 = arith.constant 0 : i32
        %parallel_loop3A_782 = arith.addi %parallel_loop3A_781, %parallel_loop3A_780 : i32
        %parallel_loop3A_783 = arith.constant 112 : i32
        %parallel_loop3A_784 = arith.addi %parallel_loop3A_782, %parallel_loop3A_783 : i32
        %parallel_loop3A_785 = arith.constant 1 : i32
        %parallel_loop3A_786 = vector.broadcast %parallel_loop3A_785 : i32 to vector<16xi32>
        %parallel_loop3A_787 = arith.subi %parallel_loop3A_786, %parallel_loop3A_762 : vector<16xi32>
        %parallel_loop3A_788 = arith.index_cast %parallel_loop3A_784 : i32 to index
        %parallel_loop3A_789 = tpu.vector_load %arg5[%parallel_loop3A_788] {strides = array<i32>} : memref<65536xi32, #tpu.memory_space<vmem>>, vector<16xi32>,
        %parallel_loop3A_790 = vector.shape_cast %parallel_loop3A_789 : vector<16xi32> to vector<16xi32>
        %parallel_loop3A_791 = vector.shape_cast %parallel_loop3A_787 : vector<16xi32> to vector<16xi32>
        tpu.vector_store %arg5[%parallel_loop3A_788], %parallel_loop3A_791 {strides = array<i32>} : memref<65536xi32, #tpu.memory_space<vmem>>, vector<16xi32>,
        %parallel_loop3A_792 = arith.subi %parallel_loop3A_762, %parallel_loop3A_770 : vector<16xi32>
        %parallel_loop3A_793 = arith.constant 128 : i32
        %parallel_loop3A_794 = arith.addi %parallel_loop3A_784, %parallel_loop3A_793 : i32
        %parallel_loop3A_795 = arith.index_cast %parallel_loop3A_794 : i32 to index
        %parallel_loop3A_796 = tpu.vector_load %arg5[%parallel_loop3A_795] {strides = array<i32>} : memref<65536xi32, #tpu.memory_space<vmem>>, vector<16xi32>,
        %parallel_loop3A_797 = vector.shape_cast %parallel_loop3A_796 : vector<16xi32> to vector<16xi32>
        %parallel_loop3A_798 = vector.shape_cast %parallel_loop3A_792 : vector<16xi32> to vector<16xi32>
        tpu.vector_store %arg5[%parallel_loop3A_795], %parallel_loop3A_798 {strides = array<i32>} : memref<65536xi32, #tpu.memory_space<vmem>>, vector<16xi32>,
        %parallel_loop3A_799 = arith.subi %parallel_loop3A_770, %parallel_loop3A_778 : vector<16xi32>
        %parallel_loop3A_800 = arith.constant 256 : i32
        %parallel_loop3A_801 = arith.addi %parallel_loop3A_784, %parallel_loop3A_800 : i32
        %parallel_loop3A_802 = arith.index_cast %parallel_loop3A_801 : i32 to index
        %parallel_loop3A_803 = tpu.vector_load %arg5[%parallel_loop3A_802] {strides = array<i32>} : memref<65536xi32, #tpu.memory_space<vmem>>, vector<16xi32>,
        %parallel_loop3A_804 = vector.shape_cast %parallel_loop3A_803 : vector<16xi32> to vector<16xi32>
        %parallel_loop3A_805 = vector.shape_cast %parallel_loop3A_799 : vector<16xi32> to vector<16xi32>
        tpu.vector_store %arg5[%parallel_loop3A_802], %parallel_loop3A_805 {strides = array<i32>} : memref<65536xi32, #tpu.memory_space<vmem>>, vector<16xi32>,
        %parallel_loop3A_806 = arith.constant 384 : i32
        %parallel_loop3A_807 = arith.addi %parallel_loop3A_784, %parallel_loop3A_806 : i32
        %parallel_loop3A_808 = arith.index_cast %parallel_loop3A_807 : i32 to index
        %parallel_loop3A_809 = tpu.vector_load %arg5[%parallel_loop3A_808] {strides = array<i32>} : memref<65536xi32, #tpu.memory_space<vmem>>, vector<16xi32>,
        %parallel_loop3A_810 = vector.shape_cast %parallel_loop3A_809 : vector<16xi32> to vector<16xi32>
        %parallel_loop3A_811 = vector.shape_cast %parallel_loop3A_778 : vector<16xi32> to vector<16xi32>
        tpu.vector_store %arg5[%parallel_loop3A_808], %parallel_loop3A_811 {strides = array<i32>} : memref<65536xi32, #tpu.memory_space<vmem>>, vector<16xi32>,
      } {sc.loop_unroll_factor = 1 : i64, sc.parallel_access}
      %mul3A_119 = arith.constant 4096 : i32
      %mul3A_120 = arith.muli %add3A_102, %mul3A_119 : i32
      %mul3A_121 = arith.constant 4 : i32
      %mul3A_122 = arith.muli %mul3A_120, %mul3A_121 : i32
      %add3A_123 = arith.addi %mul3A_4, %mul3A_122 : i32
      %dma_start3A_124 = arith.constant 0 : i32
      %dma_start3A_125 = arith.constant 0 : i32
      %dma_start3A_126 = tpu.memref_slice %arg5[%dma_start3A_125] : memref<65536xi32, #tpu.memory_space<vmem>> -> memref<16384xi32, #tpu.memory_space<vmem>>
      %dma_start3A_127 = tpu.memref_slice %arg3[%add3A_123] : memref<33554432xi32, #tpu.memory_space<hbm>> -> memref<16384xi32, #tpu.memory_space<hbm>>
      %dma_start3A_128 = tpu.memref_slice %arg7[%dma_start3A_124] : memref<4x!tpu.dma_semaphore, #tpu.memory_space<semaphore_mem>> -> memref<1x!tpu.dma_semaphore, #tpu.memory_space<semaphore_mem>>
      %dma_start3A_129 = tpu.memref_squeeze %dma_start3A_128 : memref<1x!tpu.dma_semaphore, #tpu.memory_space<semaphore_mem>> -> memref<!tpu.dma_semaphore, #tpu.memory_space<semaphore_mem>>
      %dma_start3A_130 = tpu.memref_slice %arg3[%add3A_123] : memref<33554432xi32, #tpu.memory_space<hbm>> -> memref<16384xi32, #tpu.memory_space<hbm>>
      %dma_start3A_131 = arith.constant 0 : i32
      %dma_start3A_132 = tpu.memref_slice %arg5[%dma_start3A_131] : memref<65536xi32, #tpu.memory_space<vmem>> -> memref<16384xi32, #tpu.memory_space<vmem>>
      tpu.enqueue_dma source(%dma_start3A_132 : memref<16384xi32, #tpu.memory_space<vmem>>) target(%dma_start3A_130 : memref<16384xi32, #tpu.memory_space<hbm>>) target_semaphore(%dma_start3A_129 : memref<!tpu.dma_semaphore, #tpu.memory_space<semaphore_mem>>)
      %add3A_133 = arith.constant 4 : i32
      %add3A_134 = arith.addi %add3A_102, %add3A_133 : i32
      %lt3A = arith.constant 64 : i32
      %lt3A_135 = arith.cmpi slt, %add3A_134, %lt3A : i32
      %convert_element_type3A_136 = arith.extui %lt3A_135 : i1 to i32
      %cond3A_137 = arith.constant 0 : i32
      %cond3A_138 = arith.cmpi ne, %convert_element_type3A_136, %cond3A_137 : i32
      scf.if %cond3A_138 {
        %add3A_275 = arith.constant 4 : i32
        %add3A_276 = arith.addi %add3A_102, %add3A_275 : i32
        %mul3A_277 = arith.constant 4096 : i32
        %mul3A_278 = arith.muli %add3A_276, %mul3A_277 : i32
        %add3A_279 = arith.addi %mul3A_2, %mul3A_278 : i32
        %dma_start3A_280 = arith.constant 0 : i32
        %dma_start3A_281 = arith.constant 0 : i32
        %dma_start3A_282 = tpu.memref_slice %arg4[%dma_start3A_281] : memref<16384xf32, #tpu.memory_space<vmem>> -> memref<4096xf32, #tpu.memory_space<vmem>>
        %dma_start3A_283 = tpu.memref_slice %arg2[%add3A_279] : memref<8388608xf32, #tpu.memory_space<hbm>> -> memref<4096xf32, #tpu.memory_space<hbm>>
        %dma_start3A_284 = tpu.memref_slice %arg6[%dma_start3A_280] : memref<4x!tpu.dma_semaphore, #tpu.memory_space<semaphore_mem>> -> memref<1x!tpu.dma_semaphore, #tpu.memory_space<semaphore_mem>>
        %dma_start3A_285 = tpu.memref_squeeze %dma_start3A_284 : memref<1x!tpu.dma_semaphore, #tpu.memory_space<semaphore_mem>> -> memref<!tpu.dma_semaphore, #tpu.memory_space<semaphore_mem>>
        %dma_start3A_286 = arith.constant 0 : i32
        %dma_start3A_287 = tpu.memref_slice %arg4[%dma_start3A_286] : memref<16384xf32, #tpu.memory_space<vmem>> -> memref<4096xf32, #tpu.memory_space<vmem>>
        %dma_start3A_288 = tpu.memref_slice %arg2[%add3A_279] : memref<8388608xf32, #tpu.memory_space<hbm>> -> memref<4096xf32, #tpu.memory_space<hbm>>
        tpu.enqueue_dma source(%dma_start3A_288 : memref<4096xf32, #tpu.memory_space<hbm>>) target(%dma_start3A_287 : memref<4096xf32, #tpu.memory_space<vmem>>) target_semaphore(%dma_start3A_285 : memref<!tpu.dma_semaphore, #tpu.memory_space<semaphore_mem>>)
      } else {
      }
      %mul3A_139 = arith.constant 4 : i32
      %mul3A_140 = arith.muli %mul3A_139, %scan3A_97 : i32
      %add3A_141 = arith.constant 1 : i32
      %add3A_142 = arith.addi %mul3A_140, %add3A_141 : i32
      %mul3A_143 = arith.constant 4096 : i32
      %mul3A_144 = arith.muli %add3A_142, %mul3A_143 : i32
      %add3A_145 = arith.addi %mul3A_2, %mul3A_144 : i32
      %dma_wait3A_146 = arith.constant 1 : i32
      %dma_wait3A_147 = arith.constant 4096 : i32
      %dma_wait3A_148 = tpu.memref_slice %arg4[%dma_wait3A_147] : memref<16384xf32, #tpu.memory_space<vmem>> -> memref<4096xf32, #tpu.memory_space<vmem>>
      %dma_wait3A_149 = tpu.memref_slice %arg2[%add3A_145] : memref<8388608xf32, #tpu.memory_space<hbm>> -> memref<4096xf32, #tpu.memory_space<hbm>>
      %dma_wait3A_150 = tpu.memref_slice %arg6[%dma_wait3A_146] : memref<4x!tpu.dma_semaphore, #tpu.memory_space<semaphore_mem>> -> memref<1x!tpu.dma_semaphore, #tpu.memory_space<semaphore_mem>>
      %dma_wait3A_151 = tpu.memref_squeeze %dma_wait3A_150 : memref<1x!tpu.dma_semaphore, #tpu.memory_space<semaphore_mem>> -> memref<!tpu.dma_semaphore, #tpu.memory_space<semaphore_mem>>
      %dma_wait3A_152 = arith.constant 4096 : i32
      %dma_wait3A_153 = tpu.memref_slice %arg4[%dma_wait3A_152] : memref<16384xf32, #tpu.memory_space<vmem>> -> memref<4096xf32, #tpu.memory_space<vmem>>
      %dma_wait3A_154 = tpu.memref_slice %arg2[%add3A_145] : memref<8388608xf32, #tpu.memory_space<hbm>> -> memref<4096xf32, #tpu.memory_space<hbm>>
      tpu.wait_dma2 semaphore(%dma_wait3A_151 : memref<!tpu.dma_semaphore, #tpu.memory_space<semaphore_mem>>) src(%dma_wait3A_154 : memref<4096xf32, #tpu.memory_space<hbm>>) dst(%dma_wait3A_153 : memref<4096xf32, #tpu.memory_space<vmem>>)
      %gt3A_155 = arith.constant 0 : i32
      %gt3A_156 = arith.cmpi sgt, %scan3A_97, %gt3A_155 : i32
      %convert_element_type3A_157 = arith.extui %gt3A_156 : i1 to i32
      %cond3A_158 = arith.constant 0 : i32
      %cond3A_159 = arith.cmpi ne, %convert_element_type3A_157, %cond3A_158 : i32
      scf.if %cond3A_159 {
        %sub3A = arith.constant 4 : i32
        %sub3A_275 = arith.subi %add3A_142, %sub3A : i32
        %mul3A_276 = arith.constant 4096 : i32
        %mul3A_277 = arith.muli %sub3A_275, %mul3A_276 : i32
        %mul3A_278 = arith.constant 4 : i32
        %mul3A_279 = arith.muli %mul3A_277, %mul3A_278 : i32
        %add3A_280 = arith.addi %mul3A_4, %mul3A_279 : i32
        %dma_wait3A_281 = arith.constant 1 : i32
        %dma_wait3A_282 = arith.constant 16384 : i32
        %dma_wait3A_283 = tpu.memref_slice %arg5[%dma_wait3A_282] : memref<65536xi32, #tpu.memory_space<vmem>> -> memref<16384xi32, #tpu.memory_space<vmem>>
        %dma_wait3A_284 = tpu.memref_slice %arg3[%add3A_280] : memref<33554432xi32, #tpu.memory_space<hbm>> -> memref<16384xi32, #tpu.memory_space<hbm>>
        %dma_wait3A_285 = tpu.memref_slice %arg7[%dma_wait3A_281] : memref<4x!tpu.dma_semaphore, #tpu.memory_space<semaphore_mem>> -> memref<1x!tpu.dma_semaphore, #tpu.memory_space<semaphore_mem>>
        %dma_wait3A_286 = tpu.memref_squeeze %dma_wait3A_285 : memref<1x!tpu.dma_semaphore, #tpu.memory_space<semaphore_mem>> -> memref<!tpu.dma_semaphore, #tpu.memory_space<semaphore_mem>>
        %dma_wait3A_287 = tpu.memref_slice %arg3[%add3A_280] : memref<33554432xi32, #tpu.memory_space<hbm>> -> memref<16384xi32, #tpu.memory_space<hbm>>
        %dma_wait3A_288 = arith.constant 16384 : i32
        %dma_wait3A_289 = tpu.memref_slice %arg5[%dma_wait3A_288] : memref<65536xi32, #tpu.memory_space<vmem>> -> memref<16384xi32, #tpu.memory_space<vmem>>
        tpu.wait_dma2 semaphore(%dma_wait3A_286 : memref<!tpu.dma_semaphore, #tpu.memory_space<semaphore_mem>>) src(%dma_wait3A_289 : memref<16384xi32, #tpu.memory_space<vmem>>) dst(%dma_wait3A_287 : memref<16384xi32, #tpu.memory_space<hbm>>)
      } else {
      }
      %parallel_loop3A_160 = arith.constant 0 : i32
      %parallel_loop3A_161 = arith.constant 32 : i32
      %parallel_loop3A_162 = arith.constant 1 : i32
      scf.for %parallel_loop3A_275 = %parallel_loop3A_160 to %parallel_loop3A_161 step %parallel_loop3A_162  : i32 {
        %parallel_loop3A_276 = arith.constant 128 : i32
        %parallel_loop3A_277 = arith.muli %parallel_loop3A_275, %parallel_loop3A_276 : i32
        %parallel_loop3A_278 = arith.constant 4096 : i32
        %parallel_loop3A_279 = arith.addi %parallel_loop3A_278, %parallel_loop3A_277 : i32
        %parallel_loop3A_280 = arith.constant 0 : i32
        %parallel_loop3A_281 = arith.addi %parallel_loop3A_279, %parallel_loop3A_280 : i32
        %parallel_loop3A_282 = arith.index_cast %parallel_loop3A_281 : i32 to index
        %parallel_loop3A_283 = tpu.vector_load %arg4[%parallel_loop3A_282] {strides = array<i32>} : memref<16384xf32, #tpu.memory_space<vmem>>, vector<16xf32>,
        %parallel_loop3A_284 = vector.shape_cast %parallel_loop3A_283 : vector<16xf32> to vector<16xf32>
        %parallel_loop3A_285 = math.absf %parallel_loop3A_284 : vector<16xf32>
        %parallel_loop3A_286 = arith.constant 1.000000e+02 : f32
        %parallel_loop3A_287 = vector.broadcast %parallel_loop3A_286 : f32 to vector<16xf32>
        %parallel_loop3A_288 = arith.cmpf ogt, %parallel_loop3A_285, %parallel_loop3A_287 : vector<16xf32>
        %parallel_loop3A_289 = arith.constant 1 : i32
        %parallel_loop3A_290 = arith.constant 0 : i32
        %parallel_loop3A_291 = vector.broadcast %parallel_loop3A_289 : i32 to vector<16xi32>
        %parallel_loop3A_292 = vector.broadcast %parallel_loop3A_290 : i32 to vector<16xi32>
        %parallel_loop3A_293 = arith.select %parallel_loop3A_288, %parallel_loop3A_291, %parallel_loop3A_292 : vector<16xi1>, vector<16xi32>
        %parallel_loop3A_294 = arith.constant 5.000000e+02 : f32
        %parallel_loop3A_295 = vector.broadcast %parallel_loop3A_294 : f32 to vector<16xf32>
        %parallel_loop3A_296 = arith.cmpf ogt, %parallel_loop3A_285, %parallel_loop3A_295 : vector<16xf32>
        %parallel_loop3A_297 = arith.constant 1 : i32
        %parallel_loop3A_298 = arith.constant 0 : i32
        %parallel_loop3A_299 = vector.broadcast %parallel_loop3A_297 : i32 to vector<16xi32>
        %parallel_loop3A_300 = vector.broadcast %parallel_loop3A_298 : i32 to vector<16xi32>
        %parallel_loop3A_301 = arith.select %parallel_loop3A_296, %parallel_loop3A_299, %parallel_loop3A_300 : vector<16xi1>, vector<16xi32>
        %parallel_loop3A_302 = arith.constant 1.000000e+03 : f32
        %parallel_loop3A_303 = vector.broadcast %parallel_loop3A_302 : f32 to vector<16xf32>
        %parallel_loop3A_304 = arith.cmpf ogt, %parallel_loop3A_285, %parallel_loop3A_303 : vector<16xf32>
        %parallel_loop3A_305 = arith.constant 1 : i32
        %parallel_loop3A_306 = arith.constant 0 : i32
        %parallel_loop3A_307 = vector.broadcast %parallel_loop3A_305 : i32 to vector<16xi32>
        %parallel_loop3A_308 = vector.broadcast %parallel_loop3A_306 : i32 to vector<16xi32>
        %parallel_loop3A_309 = arith.select %parallel_loop3A_304, %parallel_loop3A_307, %parallel_loop3A_308 : vector<16xi1>, vector<16xi32>
        %parallel_loop3A_310 = arith.constant 512 : i32
        %parallel_loop3A_311 = arith.muli %parallel_loop3A_275, %parallel_loop3A_310 : i32
        %parallel_loop3A_312 = arith.constant 16384 : i32
        %parallel_loop3A_313 = arith.addi %parallel_loop3A_312, %parallel_loop3A_311 : i32
        %parallel_loop3A_314 = arith.constant 0 : i32
        %parallel_loop3A_315 = arith.addi %parallel_loop3A_313, %parallel_loop3A_314 : i32
        %parallel_loop3A_316 = arith.constant 1 : i32
        %parallel_loop3A_317 = vector.broadcast %parallel_loop3A_316 : i32 to vector<16xi32>
        %parallel_loop3A_318 = arith.subi %parallel_loop3A_317, %parallel_loop3A_293 : vector<16xi32>
        %parallel_loop3A_319 = arith.index_cast %parallel_loop3A_315 : i32 to index
        %parallel_loop3A_320 = tpu.vector_load %arg5[%parallel_loop3A_319] {strides = array<i32>} : memref<65536xi32, #tpu.memory_space<vmem>>, vector<16xi32>,
        %parallel_loop3A_321 = vector.shape_cast %parallel_loop3A_320 : vector<16xi32> to vector<16xi32>
        %parallel_loop3A_322 = vector.shape_cast %parallel_loop3A_318 : vector<16xi32> to vector<16xi32>
        tpu.vector_store %arg5[%parallel_loop3A_319], %parallel_loop3A_322 {strides = array<i32>} : memref<65536xi32, #tpu.memory_space<vmem>>, vector<16xi32>,
        %parallel_loop3A_323 = arith.subi %parallel_loop3A_293, %parallel_loop3A_301 : vector<16xi32>
        %parallel_loop3A_324 = arith.constant 128 : i32
        %parallel_loop3A_325 = arith.addi %parallel_loop3A_315, %parallel_loop3A_324 : i32
        %parallel_loop3A_326 = arith.index_cast %parallel_loop3A_325 : i32 to index
        %parallel_loop3A_327 = tpu.vector_load %arg5[%parallel_loop3A_326] {strides = array<i32>} : memref<65536xi32, #tpu.memory_space<vmem>>, vector<16xi32>,
        %parallel_loop3A_328 = vector.shape_cast %parallel_loop3A_327 : vector<16xi32> to vector<16xi32>
        %parallel_loop3A_329 = vector.shape_cast %parallel_loop3A_323 : vector<16xi32> to vector<16xi32>
        tpu.vector_store %arg5[%parallel_loop3A_326], %parallel_loop3A_329 {strides = array<i32>} : memref<65536xi32, #tpu.memory_space<vmem>>, vector<16xi32>,
        %parallel_loop3A_330 = arith.subi %parallel_loop3A_301, %parallel_loop3A_309 : vector<16xi32>
        %parallel_loop3A_331 = arith.constant 256 : i32
        %parallel_loop3A_332 = arith.addi %parallel_loop3A_315, %parallel_loop3A_331 : i32
        %parallel_loop3A_333 = arith.index_cast %parallel_loop3A_332 : i32 to index
        %parallel_loop3A_334 = tpu.vector_load %arg5[%parallel_loop3A_333] {strides = array<i32>} : memref<65536xi32, #tpu.memory_space<vmem>>, vector<16xi32>,
        %parallel_loop3A_335 = vector.shape_cast %parallel_loop3A_334 : vector<16xi32> to vector<16xi32>
        %parallel_loop3A_336 = vector.shape_cast %parallel_loop3A_330 : vector<16xi32> to vector<16xi32>
        tpu.vector_store %arg5[%parallel_loop3A_333], %parallel_loop3A_336 {strides = array<i32>} : memref<65536xi32, #tpu.memory_space<vmem>>, vector<16xi32>,
        %parallel_loop3A_337 = arith.constant 384 : i32
        %parallel_loop3A_338 = arith.addi %parallel_loop3A_315, %parallel_loop3A_337 : i32
        %parallel_loop3A_339 = arith.index_cast %parallel_loop3A_338 : i32 to index
        %parallel_loop3A_340 = tpu.vector_load %arg5[%parallel_loop3A_339] {strides = array<i32>} : memref<65536xi32, #tpu.memory_space<vmem>>, vector<16xi32>,
        %parallel_loop3A_341 = vector.shape_cast %parallel_loop3A_340 : vector<16xi32> to vector<16xi32>
        %parallel_loop3A_342 = vector.shape_cast %parallel_loop3A_309 : vector<16xi32> to vector<16xi32>
        tpu.vector_store %arg5[%parallel_loop3A_339], %parallel_loop3A_342 {strides = array<i32>} : memref<65536xi32, #tpu.memory_space<vmem>>, vector<16xi32>,
        %parallel_loop3A_343 = arith.constant 128 : i32
        %parallel_loop3A_344 = arith.muli %parallel_loop3A_275, %parallel_loop3A_343 : i32
        %parallel_loop3A_345 = arith.constant 4096 : i32
        %parallel_loop3A_346 = arith.addi %parallel_loop3A_345, %parallel_loop3A_344 : i32
        %parallel_loop3A_347 = arith.constant 16 : i32
        %parallel_loop3A_348 = arith.addi %parallel_loop3A_346, %parallel_loop3A_347 : i32
        %parallel_loop3A_349 = arith.index_cast %parallel_loop3A_348 : i32 to index
        %parallel_loop3A_350 = tpu.vector_load %arg4[%parallel_loop3A_349] {strides = array<i32>} : memref<16384xf32, #tpu.memory_space<vmem>>, vector<16xf32>,
        %parallel_loop3A_351 = vector.shape_cast %parallel_loop3A_350 : vector<16xf32> to vector<16xf32>
        %parallel_loop3A_352 = math.absf %parallel_loop3A_351 : vector<16xf32>
        %parallel_loop3A_353 = arith.constant 1.000000e+02 : f32
        %parallel_loop3A_354 = vector.broadcast %parallel_loop3A_353 : f32 to vector<16xf32>
        %parallel_loop3A_355 = arith.cmpf ogt, %parallel_loop3A_352, %parallel_loop3A_354 : vector<16xf32>
        %parallel_loop3A_356 = arith.constant 1 : i32
        %parallel_loop3A_357 = arith.constant 0 : i32
        %parallel_loop3A_358 = vector.broadcast %parallel_loop3A_356 : i32 to vector<16xi32>
        %parallel_loop3A_359 = vector.broadcast %parallel_loop3A_357 : i32 to vector<16xi32>
        %parallel_loop3A_360 = arith.select %parallel_loop3A_355, %parallel_loop3A_358, %parallel_loop3A_359 : vector<16xi1>, vector<16xi32>
        %parallel_loop3A_361 = arith.constant 5.000000e+02 : f32
        %parallel_loop3A_362 = vector.broadcast %parallel_loop3A_361 : f32 to vector<16xf32>
        %parallel_loop3A_363 = arith.cmpf ogt, %parallel_loop3A_352, %parallel_loop3A_362 : vector<16xf32>
        %parallel_loop3A_364 = arith.constant 1 : i32
        %parallel_loop3A_365 = arith.constant 0 : i32
        %parallel_loop3A_366 = vector.broadcast %parallel_loop3A_364 : i32 to vector<16xi32>
        %parallel_loop3A_367 = vector.broadcast %parallel_loop3A_365 : i32 to vector<16xi32>
        %parallel_loop3A_368 = arith.select %parallel_loop3A_363, %parallel_loop3A_366, %parallel_loop3A_367 : vector<16xi1>, vector<16xi32>
        %parallel_loop3A_369 = arith.constant 1.000000e+03 : f32
        %parallel_loop3A_370 = vector.broadcast %parallel_loop3A_369 : f32 to vector<16xf32>
        %parallel_loop3A_371 = arith.cmpf ogt, %parallel_loop3A_352, %parallel_loop3A_370 : vector<16xf32>
        %parallel_loop3A_372 = arith.constant 1 : i32
        %parallel_loop3A_373 = arith.constant 0 : i32
        %parallel_loop3A_374 = vector.broadcast %parallel_loop3A_372 : i32 to vector<16xi32>
        %parallel_loop3A_375 = vector.broadcast %parallel_loop3A_373 : i32 to vector<16xi32>
        %parallel_loop3A_376 = arith.select %parallel_loop3A_371, %parallel_loop3A_374, %parallel_loop3A_375 : vector<16xi1>, vector<16xi32>
        %parallel_loop3A_377 = arith.constant 512 : i32
        %parallel_loop3A_378 = arith.muli %parallel_loop3A_275, %parallel_loop3A_377 : i32
        %parallel_loop3A_379 = arith.constant 16384 : i32
        %parallel_loop3A_380 = arith.addi %parallel_loop3A_379, %parallel_loop3A_378 : i32
        %parallel_loop3A_381 = arith.constant 16 : i32
        %parallel_loop3A_382 = arith.addi %parallel_loop3A_380, %parallel_loop3A_381 : i32
        %parallel_loop3A_383 = arith.constant 1 : i32
        %parallel_loop3A_384 = vector.broadcast %parallel_loop3A_383 : i32 to vector<16xi32>
        %parallel_loop3A_385 = arith.subi %parallel_loop3A_384, %parallel_loop3A_360 : vector<16xi32>
        %parallel_loop3A_386 = arith.index_cast %parallel_loop3A_382 : i32 to index
        %parallel_loop3A_387 = tpu.vector_load %arg5[%parallel_loop3A_386] {strides = array<i32>} : memref<65536xi32, #tpu.memory_space<vmem>>, vector<16xi32>,
        %parallel_loop3A_388 = vector.shape_cast %parallel_loop3A_387 : vector<16xi32> to vector<16xi32>
        %parallel_loop3A_389 = vector.shape_cast %parallel_loop3A_385 : vector<16xi32> to vector<16xi32>
        tpu.vector_store %arg5[%parallel_loop3A_386], %parallel_loop3A_389 {strides = array<i32>} : memref<65536xi32, #tpu.memory_space<vmem>>, vector<16xi32>,
        %parallel_loop3A_390 = arith.subi %parallel_loop3A_360, %parallel_loop3A_368 : vector<16xi32>
        %parallel_loop3A_391 = arith.constant 128 : i32
        %parallel_loop3A_392 = arith.addi %parallel_loop3A_382, %parallel_loop3A_391 : i32
        %parallel_loop3A_393 = arith.index_cast %parallel_loop3A_392 : i32 to index
        %parallel_loop3A_394 = tpu.vector_load %arg5[%parallel_loop3A_393] {strides = array<i32>} : memref<65536xi32, #tpu.memory_space<vmem>>, vector<16xi32>,
        %parallel_loop3A_395 = vector.shape_cast %parallel_loop3A_394 : vector<16xi32> to vector<16xi32>
        %parallel_loop3A_396 = vector.shape_cast %parallel_loop3A_390 : vector<16xi32> to vector<16xi32>
        tpu.vector_store %arg5[%parallel_loop3A_393], %parallel_loop3A_396 {strides = array<i32>} : memref<65536xi32, #tpu.memory_space<vmem>>, vector<16xi32>,
        %parallel_loop3A_397 = arith.subi %parallel_loop3A_368, %parallel_loop3A_376 : vector<16xi32>
        %parallel_loop3A_398 = arith.constant 256 : i32
        %parallel_loop3A_399 = arith.addi %parallel_loop3A_382, %parallel_loop3A_398 : i32
        %parallel_loop3A_400 = arith.index_cast %parallel_loop3A_399 : i32 to index
        %parallel_loop3A_401 = tpu.vector_load %arg5[%parallel_loop3A_400] {strides = array<i32>} : memref<65536xi32, #tpu.memory_space<vmem>>, vector<16xi32>,
        %parallel_loop3A_402 = vector.shape_cast %parallel_loop3A_401 : vector<16xi32> to vector<16xi32>
        %parallel_loop3A_403 = vector.shape_cast %parallel_loop3A_397 : vector<16xi32> to vector<16xi32>
        tpu.vector_store %arg5[%parallel_loop3A_400], %parallel_loop3A_403 {strides = array<i32>} : memref<65536xi32, #tpu.memory_space<vmem>>, vector<16xi32>,
        %parallel_loop3A_404 = arith.constant 384 : i32
        %parallel_loop3A_405 = arith.addi %parallel_loop3A_382, %parallel_loop3A_404 : i32
        %parallel_loop3A_406 = arith.index_cast %parallel_loop3A_405 : i32 to index
        %parallel_loop3A_407 = tpu.vector_load %arg5[%parallel_loop3A_406] {strides = array<i32>} : memref<65536xi32, #tpu.memory_space<vmem>>, vector<16xi32>,
        %parallel_loop3A_408 = vector.shape_cast %parallel_loop3A_407 : vector<16xi32> to vector<16xi32>
        %parallel_loop3A_409 = vector.shape_cast %parallel_loop3A_376 : vector<16xi32> to vector<16xi32>
        tpu.vector_store %arg5[%parallel_loop3A_406], %parallel_loop3A_409 {strides = array<i32>} : memref<65536xi32, #tpu.memory_space<vmem>>, vector<16xi32>,
        %parallel_loop3A_410 = arith.constant 128 : i32
        %parallel_loop3A_411 = arith.muli %parallel_loop3A_275, %parallel_loop3A_410 : i32
        %parallel_loop3A_412 = arith.constant 4096 : i32
        %parallel_loop3A_413 = arith.addi %parallel_loop3A_412, %parallel_loop3A_411 : i32
        %parallel_loop3A_414 = arith.constant 32 : i32
        %parallel_loop3A_415 = arith.addi %parallel_loop3A_413, %parallel_loop3A_414 : i32
        %parallel_loop3A_416 = arith.index_cast %parallel_loop3A_415 : i32 to index
        %parallel_loop3A_417 = tpu.vector_load %arg4[%parallel_loop3A_416] {strides = array<i32>} : memref<16384xf32, #tpu.memory_space<vmem>>, vector<16xf32>,
        %parallel_loop3A_418 = vector.shape_cast %parallel_loop3A_417 : vector<16xf32> to vector<16xf32>
        %parallel_loop3A_419 = math.absf %parallel_loop3A_418 : vector<16xf32>
        %parallel_loop3A_420 = arith.constant 1.000000e+02 : f32
        %parallel_loop3A_421 = vector.broadcast %parallel_loop3A_420 : f32 to vector<16xf32>
        %parallel_loop3A_422 = arith.cmpf ogt, %parallel_loop3A_419, %parallel_loop3A_421 : vector<16xf32>
        %parallel_loop3A_423 = arith.constant 1 : i32
        %parallel_loop3A_424 = arith.constant 0 : i32
        %parallel_loop3A_425 = vector.broadcast %parallel_loop3A_423 : i32 to vector<16xi32>
        %parallel_loop3A_426 = vector.broadcast %parallel_loop3A_424 : i32 to vector<16xi32>
        %parallel_loop3A_427 = arith.select %parallel_loop3A_422, %parallel_loop3A_425, %parallel_loop3A_426 : vector<16xi1>, vector<16xi32>
        %parallel_loop3A_428 = arith.constant 5.000000e+02 : f32
        %parallel_loop3A_429 = vector.broadcast %parallel_loop3A_428 : f32 to vector<16xf32>
        %parallel_loop3A_430 = arith.cmpf ogt, %parallel_loop3A_419, %parallel_loop3A_429 : vector<16xf32>
        %parallel_loop3A_431 = arith.constant 1 : i32
        %parallel_loop3A_432 = arith.constant 0 : i32
        %parallel_loop3A_433 = vector.broadcast %parallel_loop3A_431 : i32 to vector<16xi32>
        %parallel_loop3A_434 = vector.broadcast %parallel_loop3A_432 : i32 to vector<16xi32>
        %parallel_loop3A_435 = arith.select %parallel_loop3A_430, %parallel_loop3A_433, %parallel_loop3A_434 : vector<16xi1>, vector<16xi32>
        %parallel_loop3A_436 = arith.constant 1.000000e+03 : f32
        %parallel_loop3A_437 = vector.broadcast %parallel_loop3A_436 : f32 to vector<16xf32>
        %parallel_loop3A_438 = arith.cmpf ogt, %parallel_loop3A_419, %parallel_loop3A_437 : vector<16xf32>
        %parallel_loop3A_439 = arith.constant 1 : i32
        %parallel_loop3A_440 = arith.constant 0 : i32
        %parallel_loop3A_441 = vector.broadcast %parallel_loop3A_439 : i32 to vector<16xi32>
        %parallel_loop3A_442 = vector.broadcast %parallel_loop3A_440 : i32 to vector<16xi32>
        %parallel_loop3A_443 = arith.select %parallel_loop3A_438, %parallel_loop3A_441, %parallel_loop3A_442 : vector<16xi1>, vector<16xi32>
        %parallel_loop3A_444 = arith.constant 512 : i32
        %parallel_loop3A_445 = arith.muli %parallel_loop3A_275, %parallel_loop3A_444 : i32
        %parallel_loop3A_446 = arith.constant 16384 : i32
        %parallel_loop3A_447 = arith.addi %parallel_loop3A_446, %parallel_loop3A_445 : i32
        %parallel_loop3A_448 = arith.constant 32 : i32
        %parallel_loop3A_449 = arith.addi %parallel_loop3A_447, %parallel_loop3A_448 : i32
        %parallel_loop3A_450 = arith.constant 1 : i32
        %parallel_loop3A_451 = vector.broadcast %parallel_loop3A_450 : i32 to vector<16xi32>
        %parallel_loop3A_452 = arith.subi %parallel_loop3A_451, %parallel_loop3A_427 : vector<16xi32>
        %parallel_loop3A_453 = arith.index_cast %parallel_loop3A_449 : i32 to index
        %parallel_loop3A_454 = tpu.vector_load %arg5[%parallel_loop3A_453] {strides = array<i32>} : memref<65536xi32, #tpu.memory_space<vmem>>, vector<16xi32>,
        %parallel_loop3A_455 = vector.shape_cast %parallel_loop3A_454 : vector<16xi32> to vector<16xi32>
        %parallel_loop3A_456 = vector.shape_cast %parallel_loop3A_452 : vector<16xi32> to vector<16xi32>
        tpu.vector_store %arg5[%parallel_loop3A_453], %parallel_loop3A_456 {strides = array<i32>} : memref<65536xi32, #tpu.memory_space<vmem>>, vector<16xi32>,
        %parallel_loop3A_457 = arith.subi %parallel_loop3A_427, %parallel_loop3A_435 : vector<16xi32>
        %parallel_loop3A_458 = arith.constant 128 : i32
        %parallel_loop3A_459 = arith.addi %parallel_loop3A_449, %parallel_loop3A_458 : i32
        %parallel_loop3A_460 = arith.index_cast %parallel_loop3A_459 : i32 to index
        %parallel_loop3A_461 = tpu.vector_load %arg5[%parallel_loop3A_460] {strides = array<i32>} : memref<65536xi32, #tpu.memory_space<vmem>>, vector<16xi32>,
        %parallel_loop3A_462 = vector.shape_cast %parallel_loop3A_461 : vector<16xi32> to vector<16xi32>
        %parallel_loop3A_463 = vector.shape_cast %parallel_loop3A_457 : vector<16xi32> to vector<16xi32>
        tpu.vector_store %arg5[%parallel_loop3A_460], %parallel_loop3A_463 {strides = array<i32>} : memref<65536xi32, #tpu.memory_space<vmem>>, vector<16xi32>,
        %parallel_loop3A_464 = arith.subi %parallel_loop3A_435, %parallel_loop3A_443 : vector<16xi32>
        %parallel_loop3A_465 = arith.constant 256 : i32
        %parallel_loop3A_466 = arith.addi %parallel_loop3A_449, %parallel_loop3A_465 : i32
        %parallel_loop3A_467 = arith.index_cast %parallel_loop3A_466 : i32 to index
        %parallel_loop3A_468 = tpu.vector_load %arg5[%parallel_loop3A_467] {strides = array<i32>} : memref<65536xi32, #tpu.memory_space<vmem>>, vector<16xi32>,
        %parallel_loop3A_469 = vector.shape_cast %parallel_loop3A_468 : vector<16xi32> to vector<16xi32>
        %parallel_loop3A_470 = vector.shape_cast %parallel_loop3A_464 : vector<16xi32> to vector<16xi32>
        tpu.vector_store %arg5[%parallel_loop3A_467], %parallel_loop3A_470 {strides = array<i32>} : memref<65536xi32, #tpu.memory_space<vmem>>, vector<16xi32>,
        %parallel_loop3A_471 = arith.constant 384 : i32
        %parallel_loop3A_472 = arith.addi %parallel_loop3A_449, %parallel_loop3A_471 : i32
        %parallel_loop3A_473 = arith.index_cast %parallel_loop3A_472 : i32 to index
        %parallel_loop3A_474 = tpu.vector_load %arg5[%parallel_loop3A_473] {strides = array<i32>} : memref<65536xi32, #tpu.memory_space<vmem>>, vector<16xi32>,
        %parallel_loop3A_475 = vector.shape_cast %parallel_loop3A_474 : vector<16xi32> to vector<16xi32>
        %parallel_loop3A_476 = vector.shape_cast %parallel_loop3A_443 : vector<16xi32> to vector<16xi32>
        tpu.vector_store %arg5[%parallel_loop3A_473], %parallel_loop3A_476 {strides = array<i32>} : memref<65536xi32, #tpu.memory_space<vmem>>, vector<16xi32>,
        %parallel_loop3A_477 = arith.constant 128 : i32
        %parallel_loop3A_478 = arith.muli %parallel_loop3A_275, %parallel_loop3A_477 : i32
        %parallel_loop3A_479 = arith.constant 4096 : i32
        %parallel_loop3A_480 = arith.addi %parallel_loop3A_479, %parallel_loop3A_478 : i32
        %parallel_loop3A_481 = arith.constant 48 : i32
        %parallel_loop3A_482 = arith.addi %parallel_loop3A_480, %parallel_loop3A_481 : i32
        %parallel_loop3A_483 = arith.index_cast %parallel_loop3A_482 : i32 to index
        %parallel_loop3A_484 = tpu.vector_load %arg4[%parallel_loop3A_483] {strides = array<i32>} : memref<16384xf32, #tpu.memory_space<vmem>>, vector<16xf32>,
        %parallel_loop3A_485 = vector.shape_cast %parallel_loop3A_484 : vector<16xf32> to vector<16xf32>
        %parallel_loop3A_486 = math.absf %parallel_loop3A_485 : vector<16xf32>
        %parallel_loop3A_487 = arith.constant 1.000000e+02 : f32
        %parallel_loop3A_488 = vector.broadcast %parallel_loop3A_487 : f32 to vector<16xf32>
        %parallel_loop3A_489 = arith.cmpf ogt, %parallel_loop3A_486, %parallel_loop3A_488 : vector<16xf32>
        %parallel_loop3A_490 = arith.constant 1 : i32
        %parallel_loop3A_491 = arith.constant 0 : i32
        %parallel_loop3A_492 = vector.broadcast %parallel_loop3A_490 : i32 to vector<16xi32>
        %parallel_loop3A_493 = vector.broadcast %parallel_loop3A_491 : i32 to vector<16xi32>
        %parallel_loop3A_494 = arith.select %parallel_loop3A_489, %parallel_loop3A_492, %parallel_loop3A_493 : vector<16xi1>, vector<16xi32>
        %parallel_loop3A_495 = arith.constant 5.000000e+02 : f32
        %parallel_loop3A_496 = vector.broadcast %parallel_loop3A_495 : f32 to vector<16xf32>
        %parallel_loop3A_497 = arith.cmpf ogt, %parallel_loop3A_486, %parallel_loop3A_496 : vector<16xf32>
        %parallel_loop3A_498 = arith.constant 1 : i32
        %parallel_loop3A_499 = arith.constant 0 : i32
        %parallel_loop3A_500 = vector.broadcast %parallel_loop3A_498 : i32 to vector<16xi32>
        %parallel_loop3A_501 = vector.broadcast %parallel_loop3A_499 : i32 to vector<16xi32>
        %parallel_loop3A_502 = arith.select %parallel_loop3A_497, %parallel_loop3A_500, %parallel_loop3A_501 : vector<16xi1>, vector<16xi32>
        %parallel_loop3A_503 = arith.constant 1.000000e+03 : f32
        %parallel_loop3A_504 = vector.broadcast %parallel_loop3A_503 : f32 to vector<16xf32>
        %parallel_loop3A_505 = arith.cmpf ogt, %parallel_loop3A_486, %parallel_loop3A_504 : vector<16xf32>
        %parallel_loop3A_506 = arith.constant 1 : i32
        %parallel_loop3A_507 = arith.constant 0 : i32
        %parallel_loop3A_508 = vector.broadcast %parallel_loop3A_506 : i32 to vector<16xi32>
        %parallel_loop3A_509 = vector.broadcast %parallel_loop3A_507 : i32 to vector<16xi32>
        %parallel_loop3A_510 = arith.select %parallel_loop3A_505, %parallel_loop3A_508, %parallel_loop3A_509 : vector<16xi1>, vector<16xi32>
        %parallel_loop3A_511 = arith.constant 512 : i32
        %parallel_loop3A_512 = arith.muli %parallel_loop3A_275, %parallel_loop3A_511 : i32
        %parallel_loop3A_513 = arith.constant 16384 : i32
        %parallel_loop3A_514 = arith.addi %parallel_loop3A_513, %parallel_loop3A_512 : i32
        %parallel_loop3A_515 = arith.constant 48 : i32
        %parallel_loop3A_516 = arith.addi %parallel_loop3A_514, %parallel_loop3A_515 : i32
        %parallel_loop3A_517 = arith.constant 1 : i32
        %parallel_loop3A_518 = vector.broadcast %parallel_loop3A_517 : i32 to vector<16xi32>
        %parallel_loop3A_519 = arith.subi %parallel_loop3A_518, %parallel_loop3A_494 : vector<16xi32>
        %parallel_loop3A_520 = arith.index_cast %parallel_loop3A_516 : i32 to index
        %parallel_loop3A_521 = tpu.vector_load %arg5[%parallel_loop3A_520] {strides = array<i32>} : memref<65536xi32, #tpu.memory_space<vmem>>, vector<16xi32>,
        %parallel_loop3A_522 = vector.shape_cast %parallel_loop3A_521 : vector<16xi32> to vector<16xi32>
        %parallel_loop3A_523 = vector.shape_cast %parallel_loop3A_519 : vector<16xi32> to vector<16xi32>
        tpu.vector_store %arg5[%parallel_loop3A_520], %parallel_loop3A_523 {strides = array<i32>} : memref<65536xi32, #tpu.memory_space<vmem>>, vector<16xi32>,
        %parallel_loop3A_524 = arith.subi %parallel_loop3A_494, %parallel_loop3A_502 : vector<16xi32>
        %parallel_loop3A_525 = arith.constant 128 : i32
        %parallel_loop3A_526 = arith.addi %parallel_loop3A_516, %parallel_loop3A_525 : i32
        %parallel_loop3A_527 = arith.index_cast %parallel_loop3A_526 : i32 to index
        %parallel_loop3A_528 = tpu.vector_load %arg5[%parallel_loop3A_527] {strides = array<i32>} : memref<65536xi32, #tpu.memory_space<vmem>>, vector<16xi32>,
        %parallel_loop3A_529 = vector.shape_cast %parallel_loop3A_528 : vector<16xi32> to vector<16xi32>
        %parallel_loop3A_530 = vector.shape_cast %parallel_loop3A_524 : vector<16xi32> to vector<16xi32>
        tpu.vector_store %arg5[%parallel_loop3A_527], %parallel_loop3A_530 {strides = array<i32>} : memref<65536xi32, #tpu.memory_space<vmem>>, vector<16xi32>,
        %parallel_loop3A_531 = arith.subi %parallel_loop3A_502, %parallel_loop3A_510 : vector<16xi32>
        %parallel_loop3A_532 = arith.constant 256 : i32
        %parallel_loop3A_533 = arith.addi %parallel_loop3A_516, %parallel_loop3A_532 : i32
        %parallel_loop3A_534 = arith.index_cast %parallel_loop3A_533 : i32 to index
        %parallel_loop3A_535 = tpu.vector_load %arg5[%parallel_loop3A_534] {strides = array<i32>} : memref<65536xi32, #tpu.memory_space<vmem>>, vector<16xi32>,
        %parallel_loop3A_536 = vector.shape_cast %parallel_loop3A_535 : vector<16xi32> to vector<16xi32>
        %parallel_loop3A_537 = vector.shape_cast %parallel_loop3A_531 : vector<16xi32> to vector<16xi32>
        tpu.vector_store %arg5[%parallel_loop3A_534], %parallel_loop3A_537 {strides = array<i32>} : memref<65536xi32, #tpu.memory_space<vmem>>, vector<16xi32>,
        %parallel_loop3A_538 = arith.constant 384 : i32
        %parallel_loop3A_539 = arith.addi %parallel_loop3A_516, %parallel_loop3A_538 : i32
        %parallel_loop3A_540 = arith.index_cast %parallel_loop3A_539 : i32 to index
        %parallel_loop3A_541 = tpu.vector_load %arg5[%parallel_loop3A_540] {strides = array<i32>} : memref<65536xi32, #tpu.memory_space<vmem>>, vector<16xi32>,
        %parallel_loop3A_542 = vector.shape_cast %parallel_loop3A_541 : vector<16xi32> to vector<16xi32>
        %parallel_loop3A_543 = vector.shape_cast %parallel_loop3A_510 : vector<16xi32> to vector<16xi32>
        tpu.vector_store %arg5[%parallel_loop3A_540], %parallel_loop3A_543 {strides = array<i32>} : memref<65536xi32, #tpu.memory_space<vmem>>, vector<16xi32>,
        %parallel_loop3A_544 = arith.constant 128 : i32
        %parallel_loop3A_545 = arith.muli %parallel_loop3A_275, %parallel_loop3A_544 : i32
        %parallel_loop3A_546 = arith.constant 4096 : i32
        %parallel_loop3A_547 = arith.addi %parallel_loop3A_546, %parallel_loop3A_545 : i32
        %parallel_loop3A_548 = arith.constant 64 : i32
        %parallel_loop3A_549 = arith.addi %parallel_loop3A_547, %parallel_loop3A_548 : i32
        %parallel_loop3A_550 = arith.index_cast %parallel_loop3A_549 : i32 to index
        %parallel_loop3A_551 = tpu.vector_load %arg4[%parallel_loop3A_550] {strides = array<i32>} : memref<16384xf32, #tpu.memory_space<vmem>>, vector<16xf32>,
        %parallel_loop3A_552 = vector.shape_cast %parallel_loop3A_551 : vector<16xf32> to vector<16xf32>
        %parallel_loop3A_553 = math.absf %parallel_loop3A_552 : vector<16xf32>
        %parallel_loop3A_554 = arith.constant 1.000000e+02 : f32
        %parallel_loop3A_555 = vector.broadcast %parallel_loop3A_554 : f32 to vector<16xf32>
        %parallel_loop3A_556 = arith.cmpf ogt, %parallel_loop3A_553, %parallel_loop3A_555 : vector<16xf32>
        %parallel_loop3A_557 = arith.constant 1 : i32
        %parallel_loop3A_558 = arith.constant 0 : i32
        %parallel_loop3A_559 = vector.broadcast %parallel_loop3A_557 : i32 to vector<16xi32>
        %parallel_loop3A_560 = vector.broadcast %parallel_loop3A_558 : i32 to vector<16xi32>
        %parallel_loop3A_561 = arith.select %parallel_loop3A_556, %parallel_loop3A_559, %parallel_loop3A_560 : vector<16xi1>, vector<16xi32>
        %parallel_loop3A_562 = arith.constant 5.000000e+02 : f32
        %parallel_loop3A_563 = vector.broadcast %parallel_loop3A_562 : f32 to vector<16xf32>
        %parallel_loop3A_564 = arith.cmpf ogt, %parallel_loop3A_553, %parallel_loop3A_563 : vector<16xf32>
        %parallel_loop3A_565 = arith.constant 1 : i32
        %parallel_loop3A_566 = arith.constant 0 : i32
        %parallel_loop3A_567 = vector.broadcast %parallel_loop3A_565 : i32 to vector<16xi32>
        %parallel_loop3A_568 = vector.broadcast %parallel_loop3A_566 : i32 to vector<16xi32>
        %parallel_loop3A_569 = arith.select %parallel_loop3A_564, %parallel_loop3A_567, %parallel_loop3A_568 : vector<16xi1>, vector<16xi32>
        %parallel_loop3A_570 = arith.constant 1.000000e+03 : f32
        %parallel_loop3A_571 = vector.broadcast %parallel_loop3A_570 : f32 to vector<16xf32>
        %parallel_loop3A_572 = arith.cmpf ogt, %parallel_loop3A_553, %parallel_loop3A_571 : vector<16xf32>
        %parallel_loop3A_573 = arith.constant 1 : i32
        %parallel_loop3A_574 = arith.constant 0 : i32
        %parallel_loop3A_575 = vector.broadcast %parallel_loop3A_573 : i32 to vector<16xi32>
        %parallel_loop3A_576 = vector.broadcast %parallel_loop3A_574 : i32 to vector<16xi32>
        %parallel_loop3A_577 = arith.select %parallel_loop3A_572, %parallel_loop3A_575, %parallel_loop3A_576 : vector<16xi1>, vector<16xi32>
        %parallel_loop3A_578 = arith.constant 512 : i32
        %parallel_loop3A_579 = arith.muli %parallel_loop3A_275, %parallel_loop3A_578 : i32
        %parallel_loop3A_580 = arith.constant 16384 : i32
        %parallel_loop3A_581 = arith.addi %parallel_loop3A_580, %parallel_loop3A_579 : i32
        %parallel_loop3A_582 = arith.constant 64 : i32
        %parallel_loop3A_583 = arith.addi %parallel_loop3A_581, %parallel_loop3A_582 : i32
        %parallel_loop3A_584 = arith.constant 1 : i32
        %parallel_loop3A_585 = vector.broadcast %parallel_loop3A_584 : i32 to vector<16xi32>
        %parallel_loop3A_586 = arith.subi %parallel_loop3A_585, %parallel_loop3A_561 : vector<16xi32>
        %parallel_loop3A_587 = arith.index_cast %parallel_loop3A_583 : i32 to index
        %parallel_loop3A_588 = tpu.vector_load %arg5[%parallel_loop3A_587] {strides = array<i32>} : memref<65536xi32, #tpu.memory_space<vmem>>, vector<16xi32>,
        %parallel_loop3A_589 = vector.shape_cast %parallel_loop3A_588 : vector<16xi32> to vector<16xi32>
        %parallel_loop3A_590 = vector.shape_cast %parallel_loop3A_586 : vector<16xi32> to vector<16xi32>
        tpu.vector_store %arg5[%parallel_loop3A_587], %parallel_loop3A_590 {strides = array<i32>} : memref<65536xi32, #tpu.memory_space<vmem>>, vector<16xi32>,
        %parallel_loop3A_591 = arith.subi %parallel_loop3A_561, %parallel_loop3A_569 : vector<16xi32>
        %parallel_loop3A_592 = arith.constant 128 : i32
        %parallel_loop3A_593 = arith.addi %parallel_loop3A_583, %parallel_loop3A_592 : i32
        %parallel_loop3A_594 = arith.index_cast %parallel_loop3A_593 : i32 to index
        %parallel_loop3A_595 = tpu.vector_load %arg5[%parallel_loop3A_594] {strides = array<i32>} : memref<65536xi32, #tpu.memory_space<vmem>>, vector<16xi32>,
        %parallel_loop3A_596 = vector.shape_cast %parallel_loop3A_595 : vector<16xi32> to vector<16xi32>
        %parallel_loop3A_597 = vector.shape_cast %parallel_loop3A_591 : vector<16xi32> to vector<16xi32>
        tpu.vector_store %arg5[%parallel_loop3A_594], %parallel_loop3A_597 {strides = array<i32>} : memref<65536xi32, #tpu.memory_space<vmem>>, vector<16xi32>,
        %parallel_loop3A_598 = arith.subi %parallel_loop3A_569, %parallel_loop3A_577 : vector<16xi32>
        %parallel_loop3A_599 = arith.constant 256 : i32
        %parallel_loop3A_600 = arith.addi %parallel_loop3A_583, %parallel_loop3A_599 : i32
        %parallel_loop3A_601 = arith.index_cast %parallel_loop3A_600 : i32 to index
        %parallel_loop3A_602 = tpu.vector_load %arg5[%parallel_loop3A_601] {strides = array<i32>} : memref<65536xi32, #tpu.memory_space<vmem>>, vector<16xi32>,
        %parallel_loop3A_603 = vector.shape_cast %parallel_loop3A_602 : vector<16xi32> to vector<16xi32>
        %parallel_loop3A_604 = vector.shape_cast %parallel_loop3A_598 : vector<16xi32> to vector<16xi32>
        tpu.vector_store %arg5[%parallel_loop3A_601], %parallel_loop3A_604 {strides = array<i32>} : memref<65536xi32, #tpu.memory_space<vmem>>, vector<16xi32>,
        %parallel_loop3A_605 = arith.constant 384 : i32
        %parallel_loop3A_606 = arith.addi %parallel_loop3A_583, %parallel_loop3A_605 : i32
        %parallel_loop3A_607 = arith.index_cast %parallel_loop3A_606 : i32 to index
        %parallel_loop3A_608 = tpu.vector_load %arg5[%parallel_loop3A_607] {strides = array<i32>} : memref<65536xi32, #tpu.memory_space<vmem>>, vector<16xi32>,
        %parallel_loop3A_609 = vector.shape_cast %parallel_loop3A_608 : vector<16xi32> to vector<16xi32>
        %parallel_loop3A_610 = vector.shape_cast %parallel_loop3A_577 : vector<16xi32> to vector<16xi32>
        tpu.vector_store %arg5[%parallel_loop3A_607], %parallel_loop3A_610 {strides = array<i32>} : memref<65536xi32, #tpu.memory_space<vmem>>, vector<16xi32>,
        %parallel_loop3A_611 = arith.constant 128 : i32
        %parallel_loop3A_612 = arith.muli %parallel_loop3A_275, %parallel_loop3A_611 : i32
        %parallel_loop3A_613 = arith.constant 4096 : i32
        %parallel_loop3A_614 = arith.addi %parallel_loop3A_613, %parallel_loop3A_612 : i32
        %parallel_loop3A_615 = arith.constant 80 : i32
        %parallel_loop3A_616 = arith.addi %parallel_loop3A_614, %parallel_loop3A_615 : i32
        %parallel_loop3A_617 = arith.index_cast %parallel_loop3A_616 : i32 to index
        %parallel_loop3A_618 = tpu.vector_load %arg4[%parallel_loop3A_617] {strides = array<i32>} : memref<16384xf32, #tpu.memory_space<vmem>>, vector<16xf32>,
        %parallel_loop3A_619 = vector.shape_cast %parallel_loop3A_618 : vector<16xf32> to vector<16xf32>
        %parallel_loop3A_620 = math.absf %parallel_loop3A_619 : vector<16xf32>
        %parallel_loop3A_621 = arith.constant 1.000000e+02 : f32
        %parallel_loop3A_622 = vector.broadcast %parallel_loop3A_621 : f32 to vector<16xf32>
        %parallel_loop3A_623 = arith.cmpf ogt, %parallel_loop3A_620, %parallel_loop3A_622 : vector<16xf32>
        %parallel_loop3A_624 = arith.constant 1 : i32
        %parallel_loop3A_625 = arith.constant 0 : i32
        %parallel_loop3A_626 = vector.broadcast %parallel_loop3A_624 : i32 to vector<16xi32>
        %parallel_loop3A_627 = vector.broadcast %parallel_loop3A_625 : i32 to vector<16xi32>
        %parallel_loop3A_628 = arith.select %parallel_loop3A_623, %parallel_loop3A_626, %parallel_loop3A_627 : vector<16xi1>, vector<16xi32>
        %parallel_loop3A_629 = arith.constant 5.000000e+02 : f32
        %parallel_loop3A_630 = vector.broadcast %parallel_loop3A_629 : f32 to vector<16xf32>
        %parallel_loop3A_631 = arith.cmpf ogt, %parallel_loop3A_620, %parallel_loop3A_630 : vector<16xf32>
        %parallel_loop3A_632 = arith.constant 1 : i32
        %parallel_loop3A_633 = arith.constant 0 : i32
        %parallel_loop3A_634 = vector.broadcast %parallel_loop3A_632 : i32 to vector<16xi32>
        %parallel_loop3A_635 = vector.broadcast %parallel_loop3A_633 : i32 to vector<16xi32>
        %parallel_loop3A_636 = arith.select %parallel_loop3A_631, %parallel_loop3A_634, %parallel_loop3A_635 : vector<16xi1>, vector<16xi32>
        %parallel_loop3A_637 = arith.constant 1.000000e+03 : f32
        %parallel_loop3A_638 = vector.broadcast %parallel_loop3A_637 : f32 to vector<16xf32>
        %parallel_loop3A_639 = arith.cmpf ogt, %parallel_loop3A_620, %parallel_loop3A_638 : vector<16xf32>
        %parallel_loop3A_640 = arith.constant 1 : i32
        %parallel_loop3A_641 = arith.constant 0 : i32
        %parallel_loop3A_642 = vector.broadcast %parallel_loop3A_640 : i32 to vector<16xi32>
        %parallel_loop3A_643 = vector.broadcast %parallel_loop3A_641 : i32 to vector<16xi32>
        %parallel_loop3A_644 = arith.select %parallel_loop3A_639, %parallel_loop3A_642, %parallel_loop3A_643 : vector<16xi1>, vector<16xi32>
        %parallel_loop3A_645 = arith.constant 512 : i32
        %parallel_loop3A_646 = arith.muli %parallel_loop3A_275, %parallel_loop3A_645 : i32
        %parallel_loop3A_647 = arith.constant 16384 : i32
        %parallel_loop3A_648 = arith.addi %parallel_loop3A_647, %parallel_loop3A_646 : i32
        %parallel_loop3A_649 = arith.constant 80 : i32
        %parallel_loop3A_650 = arith.addi %parallel_loop3A_648, %parallel_loop3A_649 : i32
        %parallel_loop3A_651 = arith.constant 1 : i32
        %parallel_loop3A_652 = vector.broadcast %parallel_loop3A_651 : i32 to vector<16xi32>
        %parallel_loop3A_653 = arith.subi %parallel_loop3A_652, %parallel_loop3A_628 : vector<16xi32>
        %parallel_loop3A_654 = arith.index_cast %parallel_loop3A_650 : i32 to index
        %parallel_loop3A_655 = tpu.vector_load %arg5[%parallel_loop3A_654] {strides = array<i32>} : memref<65536xi32, #tpu.memory_space<vmem>>, vector<16xi32>,
        %parallel_loop3A_656 = vector.shape_cast %parallel_loop3A_655 : vector<16xi32> to vector<16xi32>
        %parallel_loop3A_657 = vector.shape_cast %parallel_loop3A_653 : vector<16xi32> to vector<16xi32>
        tpu.vector_store %arg5[%parallel_loop3A_654], %parallel_loop3A_657 {strides = array<i32>} : memref<65536xi32, #tpu.memory_space<vmem>>, vector<16xi32>,
        %parallel_loop3A_658 = arith.subi %parallel_loop3A_628, %parallel_loop3A_636 : vector<16xi32>
        %parallel_loop3A_659 = arith.constant 128 : i32
        %parallel_loop3A_660 = arith.addi %parallel_loop3A_650, %parallel_loop3A_659 : i32
        %parallel_loop3A_661 = arith.index_cast %parallel_loop3A_660 : i32 to index
        %parallel_loop3A_662 = tpu.vector_load %arg5[%parallel_loop3A_661] {strides = array<i32>} : memref<65536xi32, #tpu.memory_space<vmem>>, vector<16xi32>,
        %parallel_loop3A_663 = vector.shape_cast %parallel_loop3A_662 : vector<16xi32> to vector<16xi32>
        %parallel_loop3A_664 = vector.shape_cast %parallel_loop3A_658 : vector<16xi32> to vector<16xi32>
        tpu.vector_store %arg5[%parallel_loop3A_661], %parallel_loop3A_664 {strides = array<i32>} : memref<65536xi32, #tpu.memory_space<vmem>>, vector<16xi32>,
        %parallel_loop3A_665 = arith.subi %parallel_loop3A_636, %parallel_loop3A_644 : vector<16xi32>
        %parallel_loop3A_666 = arith.constant 256 : i32
        %parallel_loop3A_667 = arith.addi %parallel_loop3A_650, %parallel_loop3A_666 : i32
        %parallel_loop3A_668 = arith.index_cast %parallel_loop3A_667 : i32 to index
        %parallel_loop3A_669 = tpu.vector_load %arg5[%parallel_loop3A_668] {strides = array<i32>} : memref<65536xi32, #tpu.memory_space<vmem>>, vector<16xi32>,
        %parallel_loop3A_670 = vector.shape_cast %parallel_loop3A_669 : vector<16xi32> to vector<16xi32>
        %parallel_loop3A_671 = vector.shape_cast %parallel_loop3A_665 : vector<16xi32> to vector<16xi32>
        tpu.vector_store %arg5[%parallel_loop3A_668], %parallel_loop3A_671 {strides = array<i32>} : memref<65536xi32, #tpu.memory_space<vmem>>, vector<16xi32>,
        %parallel_loop3A_672 = arith.constant 384 : i32
        %parallel_loop3A_673 = arith.addi %parallel_loop3A_650, %parallel_loop3A_672 : i32
        %parallel_loop3A_674 = arith.index_cast %parallel_loop3A_673 : i32 to index
        %parallel_loop3A_675 = tpu.vector_load %arg5[%parallel_loop3A_674] {strides = array<i32>} : memref<65536xi32, #tpu.memory_space<vmem>>, vector<16xi32>,
        %parallel_loop3A_676 = vector.shape_cast %parallel_loop3A_675 : vector<16xi32> to vector<16xi32>
        %parallel_loop3A_677 = vector.shape_cast %parallel_loop3A_644 : vector<16xi32> to vector<16xi32>
        tpu.vector_store %arg5[%parallel_loop3A_674], %parallel_loop3A_677 {strides = array<i32>} : memref<65536xi32, #tpu.memory_space<vmem>>, vector<16xi32>,
        %parallel_loop3A_678 = arith.constant 128 : i32
        %parallel_loop3A_679 = arith.muli %parallel_loop3A_275, %parallel_loop3A_678 : i32
        %parallel_loop3A_680 = arith.constant 4096 : i32
        %parallel_loop3A_681 = arith.addi %parallel_loop3A_680, %parallel_loop3A_679 : i32
        %parallel_loop3A_682 = arith.constant 96 : i32
        %parallel_loop3A_683 = arith.addi %parallel_loop3A_681, %parallel_loop3A_682 : i32
        %parallel_loop3A_684 = arith.index_cast %parallel_loop3A_683 : i32 to index
        %parallel_loop3A_685 = tpu.vector_load %arg4[%parallel_loop3A_684] {strides = array<i32>} : memref<16384xf32, #tpu.memory_space<vmem>>, vector<16xf32>,
        %parallel_loop3A_686 = vector.shape_cast %parallel_loop3A_685 : vector<16xf32> to vector<16xf32>
        %parallel_loop3A_687 = math.absf %parallel_loop3A_686 : vector<16xf32>
        %parallel_loop3A_688 = arith.constant 1.000000e+02 : f32
        %parallel_loop3A_689 = vector.broadcast %parallel_loop3A_688 : f32 to vector<16xf32>
        %parallel_loop3A_690 = arith.cmpf ogt, %parallel_loop3A_687, %parallel_loop3A_689 : vector<16xf32>
        %parallel_loop3A_691 = arith.constant 1 : i32
        %parallel_loop3A_692 = arith.constant 0 : i32
        %parallel_loop3A_693 = vector.broadcast %parallel_loop3A_691 : i32 to vector<16xi32>
        %parallel_loop3A_694 = vector.broadcast %parallel_loop3A_692 : i32 to vector<16xi32>
        %parallel_loop3A_695 = arith.select %parallel_loop3A_690, %parallel_loop3A_693, %parallel_loop3A_694 : vector<16xi1>, vector<16xi32>
        %parallel_loop3A_696 = arith.constant 5.000000e+02 : f32
        %parallel_loop3A_697 = vector.broadcast %parallel_loop3A_696 : f32 to vector<16xf32>
        %parallel_loop3A_698 = arith.cmpf ogt, %parallel_loop3A_687, %parallel_loop3A_697 : vector<16xf32>
        %parallel_loop3A_699 = arith.constant 1 : i32
        %parallel_loop3A_700 = arith.constant 0 : i32
        %parallel_loop3A_701 = vector.broadcast %parallel_loop3A_699 : i32 to vector<16xi32>
        %parallel_loop3A_702 = vector.broadcast %parallel_loop3A_700 : i32 to vector<16xi32>
        %parallel_loop3A_703 = arith.select %parallel_loop3A_698, %parallel_loop3A_701, %parallel_loop3A_702 : vector<16xi1>, vector<16xi32>
        %parallel_loop3A_704 = arith.constant 1.000000e+03 : f32
        %parallel_loop3A_705 = vector.broadcast %parallel_loop3A_704 : f32 to vector<16xf32>
        %parallel_loop3A_706 = arith.cmpf ogt, %parallel_loop3A_687, %parallel_loop3A_705 : vector<16xf32>
        %parallel_loop3A_707 = arith.constant 1 : i32
        %parallel_loop3A_708 = arith.constant 0 : i32
        %parallel_loop3A_709 = vector.broadcast %parallel_loop3A_707 : i32 to vector<16xi32>
        %parallel_loop3A_710 = vector.broadcast %parallel_loop3A_708 : i32 to vector<16xi32>
        %parallel_loop3A_711 = arith.select %parallel_loop3A_706, %parallel_loop3A_709, %parallel_loop3A_710 : vector<16xi1>, vector<16xi32>
        %parallel_loop3A_712 = arith.constant 512 : i32
        %parallel_loop3A_713 = arith.muli %parallel_loop3A_275, %parallel_loop3A_712 : i32
        %parallel_loop3A_714 = arith.constant 16384 : i32
        %parallel_loop3A_715 = arith.addi %parallel_loop3A_714, %parallel_loop3A_713 : i32
        %parallel_loop3A_716 = arith.constant 96 : i32
        %parallel_loop3A_717 = arith.addi %parallel_loop3A_715, %parallel_loop3A_716 : i32
        %parallel_loop3A_718 = arith.constant 1 : i32
        %parallel_loop3A_719 = vector.broadcast %parallel_loop3A_718 : i32 to vector<16xi32>
        %parallel_loop3A_720 = arith.subi %parallel_loop3A_719, %parallel_loop3A_695 : vector<16xi32>
        %parallel_loop3A_721 = arith.index_cast %parallel_loop3A_717 : i32 to index
        %parallel_loop3A_722 = tpu.vector_load %arg5[%parallel_loop3A_721] {strides = array<i32>} : memref<65536xi32, #tpu.memory_space<vmem>>, vector<16xi32>,
        %parallel_loop3A_723 = vector.shape_cast %parallel_loop3A_722 : vector<16xi32> to vector<16xi32>
        %parallel_loop3A_724 = vector.shape_cast %parallel_loop3A_720 : vector<16xi32> to vector<16xi32>
        tpu.vector_store %arg5[%parallel_loop3A_721], %parallel_loop3A_724 {strides = array<i32>} : memref<65536xi32, #tpu.memory_space<vmem>>, vector<16xi32>,
        %parallel_loop3A_725 = arith.subi %parallel_loop3A_695, %parallel_loop3A_703 : vector<16xi32>
        %parallel_loop3A_726 = arith.constant 128 : i32
        %parallel_loop3A_727 = arith.addi %parallel_loop3A_717, %parallel_loop3A_726 : i32
        %parallel_loop3A_728 = arith.index_cast %parallel_loop3A_727 : i32 to index
        %parallel_loop3A_729 = tpu.vector_load %arg5[%parallel_loop3A_728] {strides = array<i32>} : memref<65536xi32, #tpu.memory_space<vmem>>, vector<16xi32>,
        %parallel_loop3A_730 = vector.shape_cast %parallel_loop3A_729 : vector<16xi32> to vector<16xi32>
        %parallel_loop3A_731 = vector.shape_cast %parallel_loop3A_725 : vector<16xi32> to vector<16xi32>
        tpu.vector_store %arg5[%parallel_loop3A_728], %parallel_loop3A_731 {strides = array<i32>} : memref<65536xi32, #tpu.memory_space<vmem>>, vector<16xi32>,
        %parallel_loop3A_732 = arith.subi %parallel_loop3A_703, %parallel_loop3A_711 : vector<16xi32>
        %parallel_loop3A_733 = arith.constant 256 : i32
        %parallel_loop3A_734 = arith.addi %parallel_loop3A_717, %parallel_loop3A_733 : i32
        %parallel_loop3A_735 = arith.index_cast %parallel_loop3A_734 : i32 to index
        %parallel_loop3A_736 = tpu.vector_load %arg5[%parallel_loop3A_735] {strides = array<i32>} : memref<65536xi32, #tpu.memory_space<vmem>>, vector<16xi32>,
        %parallel_loop3A_737 = vector.shape_cast %parallel_loop3A_736 : vector<16xi32> to vector<16xi32>
        %parallel_loop3A_738 = vector.shape_cast %parallel_loop3A_732 : vector<16xi32> to vector<16xi32>
        tpu.vector_store %arg5[%parallel_loop3A_735], %parallel_loop3A_738 {strides = array<i32>} : memref<65536xi32, #tpu.memory_space<vmem>>, vector<16xi32>,
        %parallel_loop3A_739 = arith.constant 384 : i32
        %parallel_loop3A_740 = arith.addi %parallel_loop3A_717, %parallel_loop3A_739 : i32
        %parallel_loop3A_741 = arith.index_cast %parallel_loop3A_740 : i32 to index
        %parallel_loop3A_742 = tpu.vector_load %arg5[%parallel_loop3A_741] {strides = array<i32>} : memref<65536xi32, #tpu.memory_space<vmem>>, vector<16xi32>,
        %parallel_loop3A_743 = vector.shape_cast %parallel_loop3A_742 : vector<16xi32> to vector<16xi32>
        %parallel_loop3A_744 = vector.shape_cast %parallel_loop3A_711 : vector<16xi32> to vector<16xi32>
        tpu.vector_store %arg5[%parallel_loop3A_741], %parallel_loop3A_744 {strides = array<i32>} : memref<65536xi32, #tpu.memory_space<vmem>>, vector<16xi32>,
        %parallel_loop3A_745 = arith.constant 128 : i32
        %parallel_loop3A_746 = arith.muli %parallel_loop3A_275, %parallel_loop3A_745 : i32
        %parallel_loop3A_747 = arith.constant 4096 : i32
        %parallel_loop3A_748 = arith.addi %parallel_loop3A_747, %parallel_loop3A_746 : i32
        %parallel_loop3A_749 = arith.constant 112 : i32
        %parallel_loop3A_750 = arith.addi %parallel_loop3A_748, %parallel_loop3A_749 : i32
        %parallel_loop3A_751 = arith.index_cast %parallel_loop3A_750 : i32 to index
        %parallel_loop3A_752 = tpu.vector_load %arg4[%parallel_loop3A_751] {strides = array<i32>} : memref<16384xf32, #tpu.memory_space<vmem>>, vector<16xf32>,
        %parallel_loop3A_753 = vector.shape_cast %parallel_loop3A_752 : vector<16xf32> to vector<16xf32>
        %parallel_loop3A_754 = math.absf %parallel_loop3A_753 : vector<16xf32>
        %parallel_loop3A_755 = arith.constant 1.000000e+02 : f32
        %parallel_loop3A_756 = vector.broadcast %parallel_loop3A_755 : f32 to vector<16xf32>
        %parallel_loop3A_757 = arith.cmpf ogt, %parallel_loop3A_754, %parallel_loop3A_756 : vector<16xf32>
        %parallel_loop3A_758 = arith.constant 1 : i32
        %parallel_loop3A_759 = arith.constant 0 : i32
        %parallel_loop3A_760 = vector.broadcast %parallel_loop3A_758 : i32 to vector<16xi32>
        %parallel_loop3A_761 = vector.broadcast %parallel_loop3A_759 : i32 to vector<16xi32>
        %parallel_loop3A_762 = arith.select %parallel_loop3A_757, %parallel_loop3A_760, %parallel_loop3A_761 : vector<16xi1>, vector<16xi32>
        %parallel_loop3A_763 = arith.constant 5.000000e+02 : f32
        %parallel_loop3A_764 = vector.broadcast %parallel_loop3A_763 : f32 to vector<16xf32>
        %parallel_loop3A_765 = arith.cmpf ogt, %parallel_loop3A_754, %parallel_loop3A_764 : vector<16xf32>
        %parallel_loop3A_766 = arith.constant 1 : i32
        %parallel_loop3A_767 = arith.constant 0 : i32
        %parallel_loop3A_768 = vector.broadcast %parallel_loop3A_766 : i32 to vector<16xi32>
        %parallel_loop3A_769 = vector.broadcast %parallel_loop3A_767 : i32 to vector<16xi32>
        %parallel_loop3A_770 = arith.select %parallel_loop3A_765, %parallel_loop3A_768, %parallel_loop3A_769 : vector<16xi1>, vector<16xi32>
        %parallel_loop3A_771 = arith.constant 1.000000e+03 : f32
        %parallel_loop3A_772 = vector.broadcast %parallel_loop3A_771 : f32 to vector<16xf32>
        %parallel_loop3A_773 = arith.cmpf ogt, %parallel_loop3A_754, %parallel_loop3A_772 : vector<16xf32>
        %parallel_loop3A_774 = arith.constant 1 : i32
        %parallel_loop3A_775 = arith.constant 0 : i32
        %parallel_loop3A_776 = vector.broadcast %parallel_loop3A_774 : i32 to vector<16xi32>
        %parallel_loop3A_777 = vector.broadcast %parallel_loop3A_775 : i32 to vector<16xi32>
        %parallel_loop3A_778 = arith.select %parallel_loop3A_773, %parallel_loop3A_776, %parallel_loop3A_777 : vector<16xi1>, vector<16xi32>
        %parallel_loop3A_779 = arith.constant 512 : i32
        %parallel_loop3A_780 = arith.muli %parallel_loop3A_275, %parallel_loop3A_779 : i32
        %parallel_loop3A_781 = arith.constant 16384 : i32
        %parallel_loop3A_782 = arith.addi %parallel_loop3A_781, %parallel_loop3A_780 : i32
        %parallel_loop3A_783 = arith.constant 112 : i32
        %parallel_loop3A_784 = arith.addi %parallel_loop3A_782, %parallel_loop3A_783 : i32
        %parallel_loop3A_785 = arith.constant 1 : i32
        %parallel_loop3A_786 = vector.broadcast %parallel_loop3A_785 : i32 to vector<16xi32>
        %parallel_loop3A_787 = arith.subi %parallel_loop3A_786, %parallel_loop3A_762 : vector<16xi32>
        %parallel_loop3A_788 = arith.index_cast %parallel_loop3A_784 : i32 to index
        %parallel_loop3A_789 = tpu.vector_load %arg5[%parallel_loop3A_788] {strides = array<i32>} : memref<65536xi32, #tpu.memory_space<vmem>>, vector<16xi32>,
        %parallel_loop3A_790 = vector.shape_cast %parallel_loop3A_789 : vector<16xi32> to vector<16xi32>
        %parallel_loop3A_791 = vector.shape_cast %parallel_loop3A_787 : vector<16xi32> to vector<16xi32>
        tpu.vector_store %arg5[%parallel_loop3A_788], %parallel_loop3A_791 {strides = array<i32>} : memref<65536xi32, #tpu.memory_space<vmem>>, vector<16xi32>,
        %parallel_loop3A_792 = arith.subi %parallel_loop3A_762, %parallel_loop3A_770 : vector<16xi32>
        %parallel_loop3A_793 = arith.constant 128 : i32
        %parallel_loop3A_794 = arith.addi %parallel_loop3A_784, %parallel_loop3A_793 : i32
        %parallel_loop3A_795 = arith.index_cast %parallel_loop3A_794 : i32 to index
        %parallel_loop3A_796 = tpu.vector_load %arg5[%parallel_loop3A_795] {strides = array<i32>} : memref<65536xi32, #tpu.memory_space<vmem>>, vector<16xi32>,
        %parallel_loop3A_797 = vector.shape_cast %parallel_loop3A_796 : vector<16xi32> to vector<16xi32>
        %parallel_loop3A_798 = vector.shape_cast %parallel_loop3A_792 : vector<16xi32> to vector<16xi32>
        tpu.vector_store %arg5[%parallel_loop3A_795], %parallel_loop3A_798 {strides = array<i32>} : memref<65536xi32, #tpu.memory_space<vmem>>, vector<16xi32>,
        %parallel_loop3A_799 = arith.subi %parallel_loop3A_770, %parallel_loop3A_778 : vector<16xi32>
        %parallel_loop3A_800 = arith.constant 256 : i32
        %parallel_loop3A_801 = arith.addi %parallel_loop3A_784, %parallel_loop3A_800 : i32
        %parallel_loop3A_802 = arith.index_cast %parallel_loop3A_801 : i32 to index
        %parallel_loop3A_803 = tpu.vector_load %arg5[%parallel_loop3A_802] {strides = array<i32>} : memref<65536xi32, #tpu.memory_space<vmem>>, vector<16xi32>,
        %parallel_loop3A_804 = vector.shape_cast %parallel_loop3A_803 : vector<16xi32> to vector<16xi32>
        %parallel_loop3A_805 = vector.shape_cast %parallel_loop3A_799 : vector<16xi32> to vector<16xi32>
        tpu.vector_store %arg5[%parallel_loop3A_802], %parallel_loop3A_805 {strides = array<i32>} : memref<65536xi32, #tpu.memory_space<vmem>>, vector<16xi32>,
        %parallel_loop3A_806 = arith.constant 384 : i32
        %parallel_loop3A_807 = arith.addi %parallel_loop3A_784, %parallel_loop3A_806 : i32
        %parallel_loop3A_808 = arith.index_cast %parallel_loop3A_807 : i32 to index
        %parallel_loop3A_809 = tpu.vector_load %arg5[%parallel_loop3A_808] {strides = array<i32>} : memref<65536xi32, #tpu.memory_space<vmem>>, vector<16xi32>,
        %parallel_loop3A_810 = vector.shape_cast %parallel_loop3A_809 : vector<16xi32> to vector<16xi32>
        %parallel_loop3A_811 = vector.shape_cast %parallel_loop3A_778 : vector<16xi32> to vector<16xi32>
        tpu.vector_store %arg5[%parallel_loop3A_808], %parallel_loop3A_811 {strides = array<i32>} : memref<65536xi32, #tpu.memory_space<vmem>>, vector<16xi32>,
      } {sc.loop_unroll_factor = 1 : i64, sc.parallel_access}
      %mul3A_163 = arith.constant 4096 : i32
      %mul3A_164 = arith.muli %add3A_142, %mul3A_163 : i32
      %mul3A_165 = arith.constant 4 : i32
      %mul3A_166 = arith.muli %mul3A_164, %mul3A_165 : i32
      %add3A_167 = arith.addi %mul3A_4, %mul3A_166 : i32
      %dma_start3A_168 = arith.constant 1 : i32
      %dma_start3A_169 = arith.constant 16384 : i32
      %dma_start3A_170 = tpu.memref_slice %arg5[%dma_start3A_169] : memref<65536xi32, #tpu.memory_space<vmem>> -> memref<16384xi32, #tpu.memory_space<vmem>>
      %dma_start3A_171 = tpu.memref_slice %arg3[%add3A_167] : memref<33554432xi32, #tpu.memory_space<hbm>> -> memref<16384xi32, #tpu.memory_space<hbm>>
      %dma_start3A_172 = tpu.memref_slice %arg7[%dma_start3A_168] : memref<4x!tpu.dma_semaphore, #tpu.memory_space<semaphore_mem>> -> memref<1x!tpu.dma_semaphore, #tpu.memory_space<semaphore_mem>>
      %dma_start3A_173 = tpu.memref_squeeze %dma_start3A_172 : memref<1x!tpu.dma_semaphore, #tpu.memory_space<semaphore_mem>> -> memref<!tpu.dma_semaphore, #tpu.memory_space<semaphore_mem>>
      %dma_start3A_174 = tpu.memref_slice %arg3[%add3A_167] : memref<33554432xi32, #tpu.memory_space<hbm>> -> memref<16384xi32, #tpu.memory_space<hbm>>
      %dma_start3A_175 = arith.constant 16384 : i32
      %dma_start3A_176 = tpu.memref_slice %arg5[%dma_start3A_175] : memref<65536xi32, #tpu.memory_space<vmem>> -> memref<16384xi32, #tpu.memory_space<vmem>>
      tpu.enqueue_dma source(%dma_start3A_176 : memref<16384xi32, #tpu.memory_space<vmem>>) target(%dma_start3A_174 : memref<16384xi32, #tpu.memory_space<hbm>>) target_semaphore(%dma_start3A_173 : memref<!tpu.dma_semaphore, #tpu.memory_space<semaphore_mem>>)
      %add3A_177 = arith.constant 4 : i32
      %add3A_178 = arith.addi %add3A_142, %add3A_177 : i32
      %lt3A_179 = arith.constant 64 : i32
      %lt3A_180 = arith.cmpi slt, %add3A_178, %lt3A_179 : i32
      %convert_element_type3A_181 = arith.extui %lt3A_180 : i1 to i32
      %cond3A_182 = arith.constant 0 : i32
      %cond3A_183 = arith.cmpi ne, %convert_element_type3A_181, %cond3A_182 : i32
      scf.if %cond3A_183 {
        %add3A_275 = arith.constant 4 : i32
        %add3A_276 = arith.addi %add3A_142, %add3A_275 : i32
        %mul3A_277 = arith.constant 4096 : i32
        %mul3A_278 = arith.muli %add3A_276, %mul3A_277 : i32
        %add3A_279 = arith.addi %mul3A_2, %mul3A_278 : i32
        %dma_start3A_280 = arith.constant 1 : i32
        %dma_start3A_281 = arith.constant 4096 : i32
        %dma_start3A_282 = tpu.memref_slice %arg4[%dma_start3A_281] : memref<16384xf32, #tpu.memory_space<vmem>> -> memref<4096xf32, #tpu.memory_space<vmem>>
        %dma_start3A_283 = tpu.memref_slice %arg2[%add3A_279] : memref<8388608xf32, #tpu.memory_space<hbm>> -> memref<4096xf32, #tpu.memory_space<hbm>>
        %dma_start3A_284 = tpu.memref_slice %arg6[%dma_start3A_280] : memref<4x!tpu.dma_semaphore, #tpu.memory_space<semaphore_mem>> -> memref<1x!tpu.dma_semaphore, #tpu.memory_space<semaphore_mem>>
        %dma_start3A_285 = tpu.memref_squeeze %dma_start3A_284 : memref<1x!tpu.dma_semaphore, #tpu.memory_space<semaphore_mem>> -> memref<!tpu.dma_semaphore, #tpu.memory_space<semaphore_mem>>
        %dma_start3A_286 = arith.constant 4096 : i32
        %dma_start3A_287 = tpu.memref_slice %arg4[%dma_start3A_286] : memref<16384xf32, #tpu.memory_space<vmem>> -> memref<4096xf32, #tpu.memory_space<vmem>>
        %dma_start3A_288 = tpu.memref_slice %arg2[%add3A_279] : memref<8388608xf32, #tpu.memory_space<hbm>> -> memref<4096xf32, #tpu.memory_space<hbm>>
        tpu.enqueue_dma source(%dma_start3A_288 : memref<4096xf32, #tpu.memory_space<hbm>>) target(%dma_start3A_287 : memref<4096xf32, #tpu.memory_space<vmem>>) target_semaphore(%dma_start3A_285 : memref<!tpu.dma_semaphore, #tpu.memory_space<semaphore_mem>>)
      } else {
      }
      %mul3A_184 = arith.constant 4 : i32
      %mul3A_185 = arith.muli %mul3A_184, %scan3A_97 : i32
      %add3A_186 = arith.constant 2 : i32
      %add3A_187 = arith.addi %mul3A_185, %add3A_186 : i32
      %mul3A_188 = arith.constant 4096 : i32
      %mul3A_189 = arith.muli %add3A_187, %mul3A_188 : i32
      %add3A_190 = arith.addi %mul3A_2, %mul3A_189 : i32
      %dma_wait3A_191 = arith.constant 2 : i32
      %dma_wait3A_192 = arith.constant 8192 : i32
      %dma_wait3A_193 = tpu.memref_slice %arg4[%dma_wait3A_192] : memref<16384xf32, #tpu.memory_space<vmem>> -> memref<4096xf32, #tpu.memory_space<vmem>>
      %dma_wait3A_194 = tpu.memref_slice %arg2[%add3A_190] : memref<8388608xf32, #tpu.memory_space<hbm>> -> memref<4096xf32, #tpu.memory_space<hbm>>
      %dma_wait3A_195 = tpu.memref_slice %arg6[%dma_wait3A_191] : memref<4x!tpu.dma_semaphore, #tpu.memory_space<semaphore_mem>> -> memref<1x!tpu.dma_semaphore, #tpu.memory_space<semaphore_mem>>
      %dma_wait3A_196 = tpu.memref_squeeze %dma_wait3A_195 : memref<1x!tpu.dma_semaphore, #tpu.memory_space<semaphore_mem>> -> memref<!tpu.dma_semaphore, #tpu.memory_space<semaphore_mem>>
      %dma_wait3A_197 = arith.constant 8192 : i32
      %dma_wait3A_198 = tpu.memref_slice %arg4[%dma_wait3A_197] : memref<16384xf32, #tpu.memory_space<vmem>> -> memref<4096xf32, #tpu.memory_space<vmem>>
      %dma_wait3A_199 = tpu.memref_slice %arg2[%add3A_190] : memref<8388608xf32, #tpu.memory_space<hbm>> -> memref<4096xf32, #tpu.memory_space<hbm>>
      tpu.wait_dma2 semaphore(%dma_wait3A_196 : memref<!tpu.dma_semaphore, #tpu.memory_space<semaphore_mem>>) src(%dma_wait3A_199 : memref<4096xf32, #tpu.memory_space<hbm>>) dst(%dma_wait3A_198 : memref<4096xf32, #tpu.memory_space<vmem>>)
      %gt3A_200 = arith.constant 0 : i32
      %gt3A_201 = arith.cmpi sgt, %scan3A_97, %gt3A_200 : i32
      %convert_element_type3A_202 = arith.extui %gt3A_201 : i1 to i32
      %cond3A_203 = arith.constant 0 : i32
      %cond3A_204 = arith.cmpi ne, %convert_element_type3A_202, %cond3A_203 : i32
      scf.if %cond3A_204 {
        %sub3A = arith.constant 4 : i32
        %sub3A_275 = arith.subi %add3A_187, %sub3A : i32
        %mul3A_276 = arith.constant 4096 : i32
        %mul3A_277 = arith.muli %sub3A_275, %mul3A_276 : i32
        %mul3A_278 = arith.constant 4 : i32
        %mul3A_279 = arith.muli %mul3A_277, %mul3A_278 : i32
        %add3A_280 = arith.addi %mul3A_4, %mul3A_279 : i32
        %dma_wait3A_281 = arith.constant 2 : i32
        %dma_wait3A_282 = arith.constant 32768 : i32
        %dma_wait3A_283 = tpu.memref_slice %arg5[%dma_wait3A_282] : memref<65536xi32, #tpu.memory_space<vmem>> -> memref<16384xi32, #tpu.memory_space<vmem>>
        %dma_wait3A_284 = tpu.memref_slice %arg3[%add3A_280] : memref<33554432xi32, #tpu.memory_space<hbm>> -> memref<16384xi32, #tpu.memory_space<hbm>>
        %dma_wait3A_285 = tpu.memref_slice %arg7[%dma_wait3A_281] : memref<4x!tpu.dma_semaphore, #tpu.memory_space<semaphore_mem>> -> memref<1x!tpu.dma_semaphore, #tpu.memory_space<semaphore_mem>>
        %dma_wait3A_286 = tpu.memref_squeeze %dma_wait3A_285 : memref<1x!tpu.dma_semaphore, #tpu.memory_space<semaphore_mem>> -> memref<!tpu.dma_semaphore, #tpu.memory_space<semaphore_mem>>
        %dma_wait3A_287 = tpu.memref_slice %arg3[%add3A_280] : memref<33554432xi32, #tpu.memory_space<hbm>> -> memref<16384xi32, #tpu.memory_space<hbm>>
        %dma_wait3A_288 = arith.constant 32768 : i32
        %dma_wait3A_289 = tpu.memref_slice %arg5[%dma_wait3A_288] : memref<65536xi32, #tpu.memory_space<vmem>> -> memref<16384xi32, #tpu.memory_space<vmem>>
        tpu.wait_dma2 semaphore(%dma_wait3A_286 : memref<!tpu.dma_semaphore, #tpu.memory_space<semaphore_mem>>) src(%dma_wait3A_289 : memref<16384xi32, #tpu.memory_space<vmem>>) dst(%dma_wait3A_287 : memref<16384xi32, #tpu.memory_space<hbm>>)
      } else {
      }
      %parallel_loop3A_205 = arith.constant 0 : i32
      %parallel_loop3A_206 = arith.constant 32 : i32
      %parallel_loop3A_207 = arith.constant 1 : i32
      scf.for %parallel_loop3A_275 = %parallel_loop3A_205 to %parallel_loop3A_206 step %parallel_loop3A_207  : i32 {
        %parallel_loop3A_276 = arith.constant 128 : i32
        %parallel_loop3A_277 = arith.muli %parallel_loop3A_275, %parallel_loop3A_276 : i32
        %parallel_loop3A_278 = arith.constant 8192 : i32
        %parallel_loop3A_279 = arith.addi %parallel_loop3A_278, %parallel_loop3A_277 : i32
        %parallel_loop3A_280 = arith.constant 0 : i32
        %parallel_loop3A_281 = arith.addi %parallel_loop3A_279, %parallel_loop3A_280 : i32
        %parallel_loop3A_282 = arith.index_cast %parallel_loop3A_281 : i32 to index
        %parallel_loop3A_283 = tpu.vector_load %arg4[%parallel_loop3A_282] {strides = array<i32>} : memref<16384xf32, #tpu.memory_space<vmem>>, vector<16xf32>,
        %parallel_loop3A_284 = vector.shape_cast %parallel_loop3A_283 : vector<16xf32> to vector<16xf32>
        %parallel_loop3A_285 = math.absf %parallel_loop3A_284 : vector<16xf32>
        %parallel_loop3A_286 = arith.constant 1.000000e+02 : f32
        %parallel_loop3A_287 = vector.broadcast %parallel_loop3A_286 : f32 to vector<16xf32>
        %parallel_loop3A_288 = arith.cmpf ogt, %parallel_loop3A_285, %parallel_loop3A_287 : vector<16xf32>
        %parallel_loop3A_289 = arith.constant 1 : i32
        %parallel_loop3A_290 = arith.constant 0 : i32
        %parallel_loop3A_291 = vector.broadcast %parallel_loop3A_289 : i32 to vector<16xi32>
        %parallel_loop3A_292 = vector.broadcast %parallel_loop3A_290 : i32 to vector<16xi32>
        %parallel_loop3A_293 = arith.select %parallel_loop3A_288, %parallel_loop3A_291, %parallel_loop3A_292 : vector<16xi1>, vector<16xi32>
        %parallel_loop3A_294 = arith.constant 5.000000e+02 : f32
        %parallel_loop3A_295 = vector.broadcast %parallel_loop3A_294 : f32 to vector<16xf32>
        %parallel_loop3A_296 = arith.cmpf ogt, %parallel_loop3A_285, %parallel_loop3A_295 : vector<16xf32>
        %parallel_loop3A_297 = arith.constant 1 : i32
        %parallel_loop3A_298 = arith.constant 0 : i32
        %parallel_loop3A_299 = vector.broadcast %parallel_loop3A_297 : i32 to vector<16xi32>
        %parallel_loop3A_300 = vector.broadcast %parallel_loop3A_298 : i32 to vector<16xi32>
        %parallel_loop3A_301 = arith.select %parallel_loop3A_296, %parallel_loop3A_299, %parallel_loop3A_300 : vector<16xi1>, vector<16xi32>
        %parallel_loop3A_302 = arith.constant 1.000000e+03 : f32
        %parallel_loop3A_303 = vector.broadcast %parallel_loop3A_302 : f32 to vector<16xf32>
        %parallel_loop3A_304 = arith.cmpf ogt, %parallel_loop3A_285, %parallel_loop3A_303 : vector<16xf32>
        %parallel_loop3A_305 = arith.constant 1 : i32
        %parallel_loop3A_306 = arith.constant 0 : i32
        %parallel_loop3A_307 = vector.broadcast %parallel_loop3A_305 : i32 to vector<16xi32>
        %parallel_loop3A_308 = vector.broadcast %parallel_loop3A_306 : i32 to vector<16xi32>
        %parallel_loop3A_309 = arith.select %parallel_loop3A_304, %parallel_loop3A_307, %parallel_loop3A_308 : vector<16xi1>, vector<16xi32>
        %parallel_loop3A_310 = arith.constant 512 : i32
        %parallel_loop3A_311 = arith.muli %parallel_loop3A_275, %parallel_loop3A_310 : i32
        %parallel_loop3A_312 = arith.constant 32768 : i32
        %parallel_loop3A_313 = arith.addi %parallel_loop3A_312, %parallel_loop3A_311 : i32
        %parallel_loop3A_314 = arith.constant 0 : i32
        %parallel_loop3A_315 = arith.addi %parallel_loop3A_313, %parallel_loop3A_314 : i32
        %parallel_loop3A_316 = arith.constant 1 : i32
        %parallel_loop3A_317 = vector.broadcast %parallel_loop3A_316 : i32 to vector<16xi32>
        %parallel_loop3A_318 = arith.subi %parallel_loop3A_317, %parallel_loop3A_293 : vector<16xi32>
        %parallel_loop3A_319 = arith.index_cast %parallel_loop3A_315 : i32 to index
        %parallel_loop3A_320 = tpu.vector_load %arg5[%parallel_loop3A_319] {strides = array<i32>} : memref<65536xi32, #tpu.memory_space<vmem>>, vector<16xi32>,
        %parallel_loop3A_321 = vector.shape_cast %parallel_loop3A_320 : vector<16xi32> to vector<16xi32>
        %parallel_loop3A_322 = vector.shape_cast %parallel_loop3A_318 : vector<16xi32> to vector<16xi32>
        tpu.vector_store %arg5[%parallel_loop3A_319], %parallel_loop3A_322 {strides = array<i32>} : memref<65536xi32, #tpu.memory_space<vmem>>, vector<16xi32>,
        %parallel_loop3A_323 = arith.subi %parallel_loop3A_293, %parallel_loop3A_301 : vector<16xi32>
        %parallel_loop3A_324 = arith.constant 128 : i32
        %parallel_loop3A_325 = arith.addi %parallel_loop3A_315, %parallel_loop3A_324 : i32
        %parallel_loop3A_326 = arith.index_cast %parallel_loop3A_325 : i32 to index
        %parallel_loop3A_327 = tpu.vector_load %arg5[%parallel_loop3A_326] {strides = array<i32>} : memref<65536xi32, #tpu.memory_space<vmem>>, vector<16xi32>,
        %parallel_loop3A_328 = vector.shape_cast %parallel_loop3A_327 : vector<16xi32> to vector<16xi32>
        %parallel_loop3A_329 = vector.shape_cast %parallel_loop3A_323 : vector<16xi32> to vector<16xi32>
        tpu.vector_store %arg5[%parallel_loop3A_326], %parallel_loop3A_329 {strides = array<i32>} : memref<65536xi32, #tpu.memory_space<vmem>>, vector<16xi32>,
        %parallel_loop3A_330 = arith.subi %parallel_loop3A_301, %parallel_loop3A_309 : vector<16xi32>
        %parallel_loop3A_331 = arith.constant 256 : i32
        %parallel_loop3A_332 = arith.addi %parallel_loop3A_315, %parallel_loop3A_331 : i32
        %parallel_loop3A_333 = arith.index_cast %parallel_loop3A_332 : i32 to index
        %parallel_loop3A_334 = tpu.vector_load %arg5[%parallel_loop3A_333] {strides = array<i32>} : memref<65536xi32, #tpu.memory_space<vmem>>, vector<16xi32>,
        %parallel_loop3A_335 = vector.shape_cast %parallel_loop3A_334 : vector<16xi32> to vector<16xi32>
        %parallel_loop3A_336 = vector.shape_cast %parallel_loop3A_330 : vector<16xi32> to vector<16xi32>
        tpu.vector_store %arg5[%parallel_loop3A_333], %parallel_loop3A_336 {strides = array<i32>} : memref<65536xi32, #tpu.memory_space<vmem>>, vector<16xi32>,
        %parallel_loop3A_337 = arith.constant 384 : i32
        %parallel_loop3A_338 = arith.addi %parallel_loop3A_315, %parallel_loop3A_337 : i32
        %parallel_loop3A_339 = arith.index_cast %parallel_loop3A_338 : i32 to index
        %parallel_loop3A_340 = tpu.vector_load %arg5[%parallel_loop3A_339] {strides = array<i32>} : memref<65536xi32, #tpu.memory_space<vmem>>, vector<16xi32>,
        %parallel_loop3A_341 = vector.shape_cast %parallel_loop3A_340 : vector<16xi32> to vector<16xi32>
        %parallel_loop3A_342 = vector.shape_cast %parallel_loop3A_309 : vector<16xi32> to vector<16xi32>
        tpu.vector_store %arg5[%parallel_loop3A_339], %parallel_loop3A_342 {strides = array<i32>} : memref<65536xi32, #tpu.memory_space<vmem>>, vector<16xi32>,
        %parallel_loop3A_343 = arith.constant 128 : i32
        %parallel_loop3A_344 = arith.muli %parallel_loop3A_275, %parallel_loop3A_343 : i32
        %parallel_loop3A_345 = arith.constant 8192 : i32
        %parallel_loop3A_346 = arith.addi %parallel_loop3A_345, %parallel_loop3A_344 : i32
        %parallel_loop3A_347 = arith.constant 16 : i32
        %parallel_loop3A_348 = arith.addi %parallel_loop3A_346, %parallel_loop3A_347 : i32
        %parallel_loop3A_349 = arith.index_cast %parallel_loop3A_348 : i32 to index
        %parallel_loop3A_350 = tpu.vector_load %arg4[%parallel_loop3A_349] {strides = array<i32>} : memref<16384xf32, #tpu.memory_space<vmem>>, vector<16xf32>,
        %parallel_loop3A_351 = vector.shape_cast %parallel_loop3A_350 : vector<16xf32> to vector<16xf32>
        %parallel_loop3A_352 = math.absf %parallel_loop3A_351 : vector<16xf32>
        %parallel_loop3A_353 = arith.constant 1.000000e+02 : f32
        %parallel_loop3A_354 = vector.broadcast %parallel_loop3A_353 : f32 to vector<16xf32>
        %parallel_loop3A_355 = arith.cmpf ogt, %parallel_loop3A_352, %parallel_loop3A_354 : vector<16xf32>
        %parallel_loop3A_356 = arith.constant 1 : i32
        %parallel_loop3A_357 = arith.constant 0 : i32
        %parallel_loop3A_358 = vector.broadcast %parallel_loop3A_356 : i32 to vector<16xi32>
        %parallel_loop3A_359 = vector.broadcast %parallel_loop3A_357 : i32 to vector<16xi32>
        %parallel_loop3A_360 = arith.select %parallel_loop3A_355, %parallel_loop3A_358, %parallel_loop3A_359 : vector<16xi1>, vector<16xi32>
        %parallel_loop3A_361 = arith.constant 5.000000e+02 : f32
        %parallel_loop3A_362 = vector.broadcast %parallel_loop3A_361 : f32 to vector<16xf32>
        %parallel_loop3A_363 = arith.cmpf ogt, %parallel_loop3A_352, %parallel_loop3A_362 : vector<16xf32>
        %parallel_loop3A_364 = arith.constant 1 : i32
        %parallel_loop3A_365 = arith.constant 0 : i32
        %parallel_loop3A_366 = vector.broadcast %parallel_loop3A_364 : i32 to vector<16xi32>
        %parallel_loop3A_367 = vector.broadcast %parallel_loop3A_365 : i32 to vector<16xi32>
        %parallel_loop3A_368 = arith.select %parallel_loop3A_363, %parallel_loop3A_366, %parallel_loop3A_367 : vector<16xi1>, vector<16xi32>
        %parallel_loop3A_369 = arith.constant 1.000000e+03 : f32
        %parallel_loop3A_370 = vector.broadcast %parallel_loop3A_369 : f32 to vector<16xf32>
        %parallel_loop3A_371 = arith.cmpf ogt, %parallel_loop3A_352, %parallel_loop3A_370 : vector<16xf32>
        %parallel_loop3A_372 = arith.constant 1 : i32
        %parallel_loop3A_373 = arith.constant 0 : i32
        %parallel_loop3A_374 = vector.broadcast %parallel_loop3A_372 : i32 to vector<16xi32>
        %parallel_loop3A_375 = vector.broadcast %parallel_loop3A_373 : i32 to vector<16xi32>
        %parallel_loop3A_376 = arith.select %parallel_loop3A_371, %parallel_loop3A_374, %parallel_loop3A_375 : vector<16xi1>, vector<16xi32>
        %parallel_loop3A_377 = arith.constant 512 : i32
        %parallel_loop3A_378 = arith.muli %parallel_loop3A_275, %parallel_loop3A_377 : i32
        %parallel_loop3A_379 = arith.constant 32768 : i32
        %parallel_loop3A_380 = arith.addi %parallel_loop3A_379, %parallel_loop3A_378 : i32
        %parallel_loop3A_381 = arith.constant 16 : i32
        %parallel_loop3A_382 = arith.addi %parallel_loop3A_380, %parallel_loop3A_381 : i32
        %parallel_loop3A_383 = arith.constant 1 : i32
        %parallel_loop3A_384 = vector.broadcast %parallel_loop3A_383 : i32 to vector<16xi32>
        %parallel_loop3A_385 = arith.subi %parallel_loop3A_384, %parallel_loop3A_360 : vector<16xi32>
        %parallel_loop3A_386 = arith.index_cast %parallel_loop3A_382 : i32 to index
        %parallel_loop3A_387 = tpu.vector_load %arg5[%parallel_loop3A_386] {strides = array<i32>} : memref<65536xi32, #tpu.memory_space<vmem>>, vector<16xi32>,
        %parallel_loop3A_388 = vector.shape_cast %parallel_loop3A_387 : vector<16xi32> to vector<16xi32>
        %parallel_loop3A_389 = vector.shape_cast %parallel_loop3A_385 : vector<16xi32> to vector<16xi32>
        tpu.vector_store %arg5[%parallel_loop3A_386], %parallel_loop3A_389 {strides = array<i32>} : memref<65536xi32, #tpu.memory_space<vmem>>, vector<16xi32>,
        %parallel_loop3A_390 = arith.subi %parallel_loop3A_360, %parallel_loop3A_368 : vector<16xi32>
        %parallel_loop3A_391 = arith.constant 128 : i32
        %parallel_loop3A_392 = arith.addi %parallel_loop3A_382, %parallel_loop3A_391 : i32
        %parallel_loop3A_393 = arith.index_cast %parallel_loop3A_392 : i32 to index
        %parallel_loop3A_394 = tpu.vector_load %arg5[%parallel_loop3A_393] {strides = array<i32>} : memref<65536xi32, #tpu.memory_space<vmem>>, vector<16xi32>,
        %parallel_loop3A_395 = vector.shape_cast %parallel_loop3A_394 : vector<16xi32> to vector<16xi32>
        %parallel_loop3A_396 = vector.shape_cast %parallel_loop3A_390 : vector<16xi32> to vector<16xi32>
        tpu.vector_store %arg5[%parallel_loop3A_393], %parallel_loop3A_396 {strides = array<i32>} : memref<65536xi32, #tpu.memory_space<vmem>>, vector<16xi32>,
        %parallel_loop3A_397 = arith.subi %parallel_loop3A_368, %parallel_loop3A_376 : vector<16xi32>
        %parallel_loop3A_398 = arith.constant 256 : i32
        %parallel_loop3A_399 = arith.addi %parallel_loop3A_382, %parallel_loop3A_398 : i32
        %parallel_loop3A_400 = arith.index_cast %parallel_loop3A_399 : i32 to index
        %parallel_loop3A_401 = tpu.vector_load %arg5[%parallel_loop3A_400] {strides = array<i32>} : memref<65536xi32, #tpu.memory_space<vmem>>, vector<16xi32>,
        %parallel_loop3A_402 = vector.shape_cast %parallel_loop3A_401 : vector<16xi32> to vector<16xi32>
        %parallel_loop3A_403 = vector.shape_cast %parallel_loop3A_397 : vector<16xi32> to vector<16xi32>
        tpu.vector_store %arg5[%parallel_loop3A_400], %parallel_loop3A_403 {strides = array<i32>} : memref<65536xi32, #tpu.memory_space<vmem>>, vector<16xi32>,
        %parallel_loop3A_404 = arith.constant 384 : i32
        %parallel_loop3A_405 = arith.addi %parallel_loop3A_382, %parallel_loop3A_404 : i32
        %parallel_loop3A_406 = arith.index_cast %parallel_loop3A_405 : i32 to index
        %parallel_loop3A_407 = tpu.vector_load %arg5[%parallel_loop3A_406] {strides = array<i32>} : memref<65536xi32, #tpu.memory_space<vmem>>, vector<16xi32>,
        %parallel_loop3A_408 = vector.shape_cast %parallel_loop3A_407 : vector<16xi32> to vector<16xi32>
        %parallel_loop3A_409 = vector.shape_cast %parallel_loop3A_376 : vector<16xi32> to vector<16xi32>
        tpu.vector_store %arg5[%parallel_loop3A_406], %parallel_loop3A_409 {strides = array<i32>} : memref<65536xi32, #tpu.memory_space<vmem>>, vector<16xi32>,
        %parallel_loop3A_410 = arith.constant 128 : i32
        %parallel_loop3A_411 = arith.muli %parallel_loop3A_275, %parallel_loop3A_410 : i32
        %parallel_loop3A_412 = arith.constant 8192 : i32
        %parallel_loop3A_413 = arith.addi %parallel_loop3A_412, %parallel_loop3A_411 : i32
        %parallel_loop3A_414 = arith.constant 32 : i32
        %parallel_loop3A_415 = arith.addi %parallel_loop3A_413, %parallel_loop3A_414 : i32
        %parallel_loop3A_416 = arith.index_cast %parallel_loop3A_415 : i32 to index
        %parallel_loop3A_417 = tpu.vector_load %arg4[%parallel_loop3A_416] {strides = array<i32>} : memref<16384xf32, #tpu.memory_space<vmem>>, vector<16xf32>,
        %parallel_loop3A_418 = vector.shape_cast %parallel_loop3A_417 : vector<16xf32> to vector<16xf32>
        %parallel_loop3A_419 = math.absf %parallel_loop3A_418 : vector<16xf32>
        %parallel_loop3A_420 = arith.constant 1.000000e+02 : f32
        %parallel_loop3A_421 = vector.broadcast %parallel_loop3A_420 : f32 to vector<16xf32>
        %parallel_loop3A_422 = arith.cmpf ogt, %parallel_loop3A_419, %parallel_loop3A_421 : vector<16xf32>
        %parallel_loop3A_423 = arith.constant 1 : i32
        %parallel_loop3A_424 = arith.constant 0 : i32
        %parallel_loop3A_425 = vector.broadcast %parallel_loop3A_423 : i32 to vector<16xi32>
        %parallel_loop3A_426 = vector.broadcast %parallel_loop3A_424 : i32 to vector<16xi32>
        %parallel_loop3A_427 = arith.select %parallel_loop3A_422, %parallel_loop3A_425, %parallel_loop3A_426 : vector<16xi1>, vector<16xi32>
        %parallel_loop3A_428 = arith.constant 5.000000e+02 : f32
        %parallel_loop3A_429 = vector.broadcast %parallel_loop3A_428 : f32 to vector<16xf32>
        %parallel_loop3A_430 = arith.cmpf ogt, %parallel_loop3A_419, %parallel_loop3A_429 : vector<16xf32>
        %parallel_loop3A_431 = arith.constant 1 : i32
        %parallel_loop3A_432 = arith.constant 0 : i32
        %parallel_loop3A_433 = vector.broadcast %parallel_loop3A_431 : i32 to vector<16xi32>
        %parallel_loop3A_434 = vector.broadcast %parallel_loop3A_432 : i32 to vector<16xi32>
        %parallel_loop3A_435 = arith.select %parallel_loop3A_430, %parallel_loop3A_433, %parallel_loop3A_434 : vector<16xi1>, vector<16xi32>
        %parallel_loop3A_436 = arith.constant 1.000000e+03 : f32
        %parallel_loop3A_437 = vector.broadcast %parallel_loop3A_436 : f32 to vector<16xf32>
        %parallel_loop3A_438 = arith.cmpf ogt, %parallel_loop3A_419, %parallel_loop3A_437 : vector<16xf32>
        %parallel_loop3A_439 = arith.constant 1 : i32
        %parallel_loop3A_440 = arith.constant 0 : i32
        %parallel_loop3A_441 = vector.broadcast %parallel_loop3A_439 : i32 to vector<16xi32>
        %parallel_loop3A_442 = vector.broadcast %parallel_loop3A_440 : i32 to vector<16xi32>
        %parallel_loop3A_443 = arith.select %parallel_loop3A_438, %parallel_loop3A_441, %parallel_loop3A_442 : vector<16xi1>, vector<16xi32>
        %parallel_loop3A_444 = arith.constant 512 : i32
        %parallel_loop3A_445 = arith.muli %parallel_loop3A_275, %parallel_loop3A_444 : i32
        %parallel_loop3A_446 = arith.constant 32768 : i32
        %parallel_loop3A_447 = arith.addi %parallel_loop3A_446, %parallel_loop3A_445 : i32
        %parallel_loop3A_448 = arith.constant 32 : i32
        %parallel_loop3A_449 = arith.addi %parallel_loop3A_447, %parallel_loop3A_448 : i32
        %parallel_loop3A_450 = arith.constant 1 : i32
        %parallel_loop3A_451 = vector.broadcast %parallel_loop3A_450 : i32 to vector<16xi32>
        %parallel_loop3A_452 = arith.subi %parallel_loop3A_451, %parallel_loop3A_427 : vector<16xi32>
        %parallel_loop3A_453 = arith.index_cast %parallel_loop3A_449 : i32 to index
        %parallel_loop3A_454 = tpu.vector_load %arg5[%parallel_loop3A_453] {strides = array<i32>} : memref<65536xi32, #tpu.memory_space<vmem>>, vector<16xi32>,
        %parallel_loop3A_455 = vector.shape_cast %parallel_loop3A_454 : vector<16xi32> to vector<16xi32>
        %parallel_loop3A_456 = vector.shape_cast %parallel_loop3A_452 : vector<16xi32> to vector<16xi32>
        tpu.vector_store %arg5[%parallel_loop3A_453], %parallel_loop3A_456 {strides = array<i32>} : memref<65536xi32, #tpu.memory_space<vmem>>, vector<16xi32>,
        %parallel_loop3A_457 = arith.subi %parallel_loop3A_427, %parallel_loop3A_435 : vector<16xi32>
        %parallel_loop3A_458 = arith.constant 128 : i32
        %parallel_loop3A_459 = arith.addi %parallel_loop3A_449, %parallel_loop3A_458 : i32
        %parallel_loop3A_460 = arith.index_cast %parallel_loop3A_459 : i32 to index
        %parallel_loop3A_461 = tpu.vector_load %arg5[%parallel_loop3A_460] {strides = array<i32>} : memref<65536xi32, #tpu.memory_space<vmem>>, vector<16xi32>,
        %parallel_loop3A_462 = vector.shape_cast %parallel_loop3A_461 : vector<16xi32> to vector<16xi32>
        %parallel_loop3A_463 = vector.shape_cast %parallel_loop3A_457 : vector<16xi32> to vector<16xi32>
        tpu.vector_store %arg5[%parallel_loop3A_460], %parallel_loop3A_463 {strides = array<i32>} : memref<65536xi32, #tpu.memory_space<vmem>>, vector<16xi32>,
        %parallel_loop3A_464 = arith.subi %parallel_loop3A_435, %parallel_loop3A_443 : vector<16xi32>
        %parallel_loop3A_465 = arith.constant 256 : i32
        %parallel_loop3A_466 = arith.addi %parallel_loop3A_449, %parallel_loop3A_465 : i32
        %parallel_loop3A_467 = arith.index_cast %parallel_loop3A_466 : i32 to index
        %parallel_loop3A_468 = tpu.vector_load %arg5[%parallel_loop3A_467] {strides = array<i32>} : memref<65536xi32, #tpu.memory_space<vmem>>, vector<16xi32>,
        %parallel_loop3A_469 = vector.shape_cast %parallel_loop3A_468 : vector<16xi32> to vector<16xi32>
        %parallel_loop3A_470 = vector.shape_cast %parallel_loop3A_464 : vector<16xi32> to vector<16xi32>
        tpu.vector_store %arg5[%parallel_loop3A_467], %parallel_loop3A_470 {strides = array<i32>} : memref<65536xi32, #tpu.memory_space<vmem>>, vector<16xi32>,
        %parallel_loop3A_471 = arith.constant 384 : i32
        %parallel_loop3A_472 = arith.addi %parallel_loop3A_449, %parallel_loop3A_471 : i32
        %parallel_loop3A_473 = arith.index_cast %parallel_loop3A_472 : i32 to index
        %parallel_loop3A_474 = tpu.vector_load %arg5[%parallel_loop3A_473] {strides = array<i32>} : memref<65536xi32, #tpu.memory_space<vmem>>, vector<16xi32>,
        %parallel_loop3A_475 = vector.shape_cast %parallel_loop3A_474 : vector<16xi32> to vector<16xi32>
        %parallel_loop3A_476 = vector.shape_cast %parallel_loop3A_443 : vector<16xi32> to vector<16xi32>
        tpu.vector_store %arg5[%parallel_loop3A_473], %parallel_loop3A_476 {strides = array<i32>} : memref<65536xi32, #tpu.memory_space<vmem>>, vector<16xi32>,
        %parallel_loop3A_477 = arith.constant 128 : i32
        %parallel_loop3A_478 = arith.muli %parallel_loop3A_275, %parallel_loop3A_477 : i32
        %parallel_loop3A_479 = arith.constant 8192 : i32
        %parallel_loop3A_480 = arith.addi %parallel_loop3A_479, %parallel_loop3A_478 : i32
        %parallel_loop3A_481 = arith.constant 48 : i32
        %parallel_loop3A_482 = arith.addi %parallel_loop3A_480, %parallel_loop3A_481 : i32
        %parallel_loop3A_483 = arith.index_cast %parallel_loop3A_482 : i32 to index
        %parallel_loop3A_484 = tpu.vector_load %arg4[%parallel_loop3A_483] {strides = array<i32>} : memref<16384xf32, #tpu.memory_space<vmem>>, vector<16xf32>,
        %parallel_loop3A_485 = vector.shape_cast %parallel_loop3A_484 : vector<16xf32> to vector<16xf32>
        %parallel_loop3A_486 = math.absf %parallel_loop3A_485 : vector<16xf32>
        %parallel_loop3A_487 = arith.constant 1.000000e+02 : f32
        %parallel_loop3A_488 = vector.broadcast %parallel_loop3A_487 : f32 to vector<16xf32>
        %parallel_loop3A_489 = arith.cmpf ogt, %parallel_loop3A_486, %parallel_loop3A_488 : vector<16xf32>
        %parallel_loop3A_490 = arith.constant 1 : i32
        %parallel_loop3A_491 = arith.constant 0 : i32
        %parallel_loop3A_492 = vector.broadcast %parallel_loop3A_490 : i32 to vector<16xi32>
        %parallel_loop3A_493 = vector.broadcast %parallel_loop3A_491 : i32 to vector<16xi32>
        %parallel_loop3A_494 = arith.select %parallel_loop3A_489, %parallel_loop3A_492, %parallel_loop3A_493 : vector<16xi1>, vector<16xi32>
        %parallel_loop3A_495 = arith.constant 5.000000e+02 : f32
        %parallel_loop3A_496 = vector.broadcast %parallel_loop3A_495 : f32 to vector<16xf32>
        %parallel_loop3A_497 = arith.cmpf ogt, %parallel_loop3A_486, %parallel_loop3A_496 : vector<16xf32>
        %parallel_loop3A_498 = arith.constant 1 : i32
        %parallel_loop3A_499 = arith.constant 0 : i32
        %parallel_loop3A_500 = vector.broadcast %parallel_loop3A_498 : i32 to vector<16xi32>
        %parallel_loop3A_501 = vector.broadcast %parallel_loop3A_499 : i32 to vector<16xi32>
        %parallel_loop3A_502 = arith.select %parallel_loop3A_497, %parallel_loop3A_500, %parallel_loop3A_501 : vector<16xi1>, vector<16xi32>
        %parallel_loop3A_503 = arith.constant 1.000000e+03 : f32
        %parallel_loop3A_504 = vector.broadcast %parallel_loop3A_503 : f32 to vector<16xf32>
        %parallel_loop3A_505 = arith.cmpf ogt, %parallel_loop3A_486, %parallel_loop3A_504 : vector<16xf32>
        %parallel_loop3A_506 = arith.constant 1 : i32
        %parallel_loop3A_507 = arith.constant 0 : i32
        %parallel_loop3A_508 = vector.broadcast %parallel_loop3A_506 : i32 to vector<16xi32>
        %parallel_loop3A_509 = vector.broadcast %parallel_loop3A_507 : i32 to vector<16xi32>
        %parallel_loop3A_510 = arith.select %parallel_loop3A_505, %parallel_loop3A_508, %parallel_loop3A_509 : vector<16xi1>, vector<16xi32>
        %parallel_loop3A_511 = arith.constant 512 : i32
        %parallel_loop3A_512 = arith.muli %parallel_loop3A_275, %parallel_loop3A_511 : i32
        %parallel_loop3A_513 = arith.constant 32768 : i32
        %parallel_loop3A_514 = arith.addi %parallel_loop3A_513, %parallel_loop3A_512 : i32
        %parallel_loop3A_515 = arith.constant 48 : i32
        %parallel_loop3A_516 = arith.addi %parallel_loop3A_514, %parallel_loop3A_515 : i32
        %parallel_loop3A_517 = arith.constant 1 : i32
        %parallel_loop3A_518 = vector.broadcast %parallel_loop3A_517 : i32 to vector<16xi32>
        %parallel_loop3A_519 = arith.subi %parallel_loop3A_518, %parallel_loop3A_494 : vector<16xi32>
        %parallel_loop3A_520 = arith.index_cast %parallel_loop3A_516 : i32 to index
        %parallel_loop3A_521 = tpu.vector_load %arg5[%parallel_loop3A_520] {strides = array<i32>} : memref<65536xi32, #tpu.memory_space<vmem>>, vector<16xi32>,
        %parallel_loop3A_522 = vector.shape_cast %parallel_loop3A_521 : vector<16xi32> to vector<16xi32>
        %parallel_loop3A_523 = vector.shape_cast %parallel_loop3A_519 : vector<16xi32> to vector<16xi32>
        tpu.vector_store %arg5[%parallel_loop3A_520], %parallel_loop3A_523 {strides = array<i32>} : memref<65536xi32, #tpu.memory_space<vmem>>, vector<16xi32>,
        %parallel_loop3A_524 = arith.subi %parallel_loop3A_494, %parallel_loop3A_502 : vector<16xi32>
        %parallel_loop3A_525 = arith.constant 128 : i32
        %parallel_loop3A_526 = arith.addi %parallel_loop3A_516, %parallel_loop3A_525 : i32
        %parallel_loop3A_527 = arith.index_cast %parallel_loop3A_526 : i32 to index
        %parallel_loop3A_528 = tpu.vector_load %arg5[%parallel_loop3A_527] {strides = array<i32>} : memref<65536xi32, #tpu.memory_space<vmem>>, vector<16xi32>,
        %parallel_loop3A_529 = vector.shape_cast %parallel_loop3A_528 : vector<16xi32> to vector<16xi32>
        %parallel_loop3A_530 = vector.shape_cast %parallel_loop3A_524 : vector<16xi32> to vector<16xi32>
        tpu.vector_store %arg5[%parallel_loop3A_527], %parallel_loop3A_530 {strides = array<i32>} : memref<65536xi32, #tpu.memory_space<vmem>>, vector<16xi32>,
        %parallel_loop3A_531 = arith.subi %parallel_loop3A_502, %parallel_loop3A_510 : vector<16xi32>
        %parallel_loop3A_532 = arith.constant 256 : i32
        %parallel_loop3A_533 = arith.addi %parallel_loop3A_516, %parallel_loop3A_532 : i32
        %parallel_loop3A_534 = arith.index_cast %parallel_loop3A_533 : i32 to index
        %parallel_loop3A_535 = tpu.vector_load %arg5[%parallel_loop3A_534] {strides = array<i32>} : memref<65536xi32, #tpu.memory_space<vmem>>, vector<16xi32>,
        %parallel_loop3A_536 = vector.shape_cast %parallel_loop3A_535 : vector<16xi32> to vector<16xi32>
        %parallel_loop3A_537 = vector.shape_cast %parallel_loop3A_531 : vector<16xi32> to vector<16xi32>
        tpu.vector_store %arg5[%parallel_loop3A_534], %parallel_loop3A_537 {strides = array<i32>} : memref<65536xi32, #tpu.memory_space<vmem>>, vector<16xi32>,
        %parallel_loop3A_538 = arith.constant 384 : i32
        %parallel_loop3A_539 = arith.addi %parallel_loop3A_516, %parallel_loop3A_538 : i32
        %parallel_loop3A_540 = arith.index_cast %parallel_loop3A_539 : i32 to index
        %parallel_loop3A_541 = tpu.vector_load %arg5[%parallel_loop3A_540] {strides = array<i32>} : memref<65536xi32, #tpu.memory_space<vmem>>, vector<16xi32>,
        %parallel_loop3A_542 = vector.shape_cast %parallel_loop3A_541 : vector<16xi32> to vector<16xi32>
        %parallel_loop3A_543 = vector.shape_cast %parallel_loop3A_510 : vector<16xi32> to vector<16xi32>
        tpu.vector_store %arg5[%parallel_loop3A_540], %parallel_loop3A_543 {strides = array<i32>} : memref<65536xi32, #tpu.memory_space<vmem>>, vector<16xi32>,
        %parallel_loop3A_544 = arith.constant 128 : i32
        %parallel_loop3A_545 = arith.muli %parallel_loop3A_275, %parallel_loop3A_544 : i32
        %parallel_loop3A_546 = arith.constant 8192 : i32
        %parallel_loop3A_547 = arith.addi %parallel_loop3A_546, %parallel_loop3A_545 : i32
        %parallel_loop3A_548 = arith.constant 64 : i32
        %parallel_loop3A_549 = arith.addi %parallel_loop3A_547, %parallel_loop3A_548 : i32
        %parallel_loop3A_550 = arith.index_cast %parallel_loop3A_549 : i32 to index
        %parallel_loop3A_551 = tpu.vector_load %arg4[%parallel_loop3A_550] {strides = array<i32>} : memref<16384xf32, #tpu.memory_space<vmem>>, vector<16xf32>,
        %parallel_loop3A_552 = vector.shape_cast %parallel_loop3A_551 : vector<16xf32> to vector<16xf32>
        %parallel_loop3A_553 = math.absf %parallel_loop3A_552 : vector<16xf32>
        %parallel_loop3A_554 = arith.constant 1.000000e+02 : f32
        %parallel_loop3A_555 = vector.broadcast %parallel_loop3A_554 : f32 to vector<16xf32>
        %parallel_loop3A_556 = arith.cmpf ogt, %parallel_loop3A_553, %parallel_loop3A_555 : vector<16xf32>
        %parallel_loop3A_557 = arith.constant 1 : i32
        %parallel_loop3A_558 = arith.constant 0 : i32
        %parallel_loop3A_559 = vector.broadcast %parallel_loop3A_557 : i32 to vector<16xi32>
        %parallel_loop3A_560 = vector.broadcast %parallel_loop3A_558 : i32 to vector<16xi32>
        %parallel_loop3A_561 = arith.select %parallel_loop3A_556, %parallel_loop3A_559, %parallel_loop3A_560 : vector<16xi1>, vector<16xi32>
        %parallel_loop3A_562 = arith.constant 5.000000e+02 : f32
        %parallel_loop3A_563 = vector.broadcast %parallel_loop3A_562 : f32 to vector<16xf32>
        %parallel_loop3A_564 = arith.cmpf ogt, %parallel_loop3A_553, %parallel_loop3A_563 : vector<16xf32>
        %parallel_loop3A_565 = arith.constant 1 : i32
        %parallel_loop3A_566 = arith.constant 0 : i32
        %parallel_loop3A_567 = vector.broadcast %parallel_loop3A_565 : i32 to vector<16xi32>
        %parallel_loop3A_568 = vector.broadcast %parallel_loop3A_566 : i32 to vector<16xi32>
        %parallel_loop3A_569 = arith.select %parallel_loop3A_564, %parallel_loop3A_567, %parallel_loop3A_568 : vector<16xi1>, vector<16xi32>
        %parallel_loop3A_570 = arith.constant 1.000000e+03 : f32
        %parallel_loop3A_571 = vector.broadcast %parallel_loop3A_570 : f32 to vector<16xf32>
        %parallel_loop3A_572 = arith.cmpf ogt, %parallel_loop3A_553, %parallel_loop3A_571 : vector<16xf32>
        %parallel_loop3A_573 = arith.constant 1 : i32
        %parallel_loop3A_574 = arith.constant 0 : i32
        %parallel_loop3A_575 = vector.broadcast %parallel_loop3A_573 : i32 to vector<16xi32>
        %parallel_loop3A_576 = vector.broadcast %parallel_loop3A_574 : i32 to vector<16xi32>
        %parallel_loop3A_577 = arith.select %parallel_loop3A_572, %parallel_loop3A_575, %parallel_loop3A_576 : vector<16xi1>, vector<16xi32>
        %parallel_loop3A_578 = arith.constant 512 : i32
        %parallel_loop3A_579 = arith.muli %parallel_loop3A_275, %parallel_loop3A_578 : i32
        %parallel_loop3A_580 = arith.constant 32768 : i32
        %parallel_loop3A_581 = arith.addi %parallel_loop3A_580, %parallel_loop3A_579 : i32
        %parallel_loop3A_582 = arith.constant 64 : i32
        %parallel_loop3A_583 = arith.addi %parallel_loop3A_581, %parallel_loop3A_582 : i32
        %parallel_loop3A_584 = arith.constant 1 : i32
        %parallel_loop3A_585 = vector.broadcast %parallel_loop3A_584 : i32 to vector<16xi32>
        %parallel_loop3A_586 = arith.subi %parallel_loop3A_585, %parallel_loop3A_561 : vector<16xi32>
        %parallel_loop3A_587 = arith.index_cast %parallel_loop3A_583 : i32 to index
        %parallel_loop3A_588 = tpu.vector_load %arg5[%parallel_loop3A_587] {strides = array<i32>} : memref<65536xi32, #tpu.memory_space<vmem>>, vector<16xi32>,
        %parallel_loop3A_589 = vector.shape_cast %parallel_loop3A_588 : vector<16xi32> to vector<16xi32>
        %parallel_loop3A_590 = vector.shape_cast %parallel_loop3A_586 : vector<16xi32> to vector<16xi32>
        tpu.vector_store %arg5[%parallel_loop3A_587], %parallel_loop3A_590 {strides = array<i32>} : memref<65536xi32, #tpu.memory_space<vmem>>, vector<16xi32>,
        %parallel_loop3A_591 = arith.subi %parallel_loop3A_561, %parallel_loop3A_569 : vector<16xi32>
        %parallel_loop3A_592 = arith.constant 128 : i32
        %parallel_loop3A_593 = arith.addi %parallel_loop3A_583, %parallel_loop3A_592 : i32
        %parallel_loop3A_594 = arith.index_cast %parallel_loop3A_593 : i32 to index
        %parallel_loop3A_595 = tpu.vector_load %arg5[%parallel_loop3A_594] {strides = array<i32>} : memref<65536xi32, #tpu.memory_space<vmem>>, vector<16xi32>,
        %parallel_loop3A_596 = vector.shape_cast %parallel_loop3A_595 : vector<16xi32> to vector<16xi32>
        %parallel_loop3A_597 = vector.shape_cast %parallel_loop3A_591 : vector<16xi32> to vector<16xi32>
        tpu.vector_store %arg5[%parallel_loop3A_594], %parallel_loop3A_597 {strides = array<i32>} : memref<65536xi32, #tpu.memory_space<vmem>>, vector<16xi32>,
        %parallel_loop3A_598 = arith.subi %parallel_loop3A_569, %parallel_loop3A_577 : vector<16xi32>
        %parallel_loop3A_599 = arith.constant 256 : i32
        %parallel_loop3A_600 = arith.addi %parallel_loop3A_583, %parallel_loop3A_599 : i32
        %parallel_loop3A_601 = arith.index_cast %parallel_loop3A_600 : i32 to index
        %parallel_loop3A_602 = tpu.vector_load %arg5[%parallel_loop3A_601] {strides = array<i32>} : memref<65536xi32, #tpu.memory_space<vmem>>, vector<16xi32>,
        %parallel_loop3A_603 = vector.shape_cast %parallel_loop3A_602 : vector<16xi32> to vector<16xi32>
        %parallel_loop3A_604 = vector.shape_cast %parallel_loop3A_598 : vector<16xi32> to vector<16xi32>
        tpu.vector_store %arg5[%parallel_loop3A_601], %parallel_loop3A_604 {strides = array<i32>} : memref<65536xi32, #tpu.memory_space<vmem>>, vector<16xi32>,
        %parallel_loop3A_605 = arith.constant 384 : i32
        %parallel_loop3A_606 = arith.addi %parallel_loop3A_583, %parallel_loop3A_605 : i32
        %parallel_loop3A_607 = arith.index_cast %parallel_loop3A_606 : i32 to index
        %parallel_loop3A_608 = tpu.vector_load %arg5[%parallel_loop3A_607] {strides = array<i32>} : memref<65536xi32, #tpu.memory_space<vmem>>, vector<16xi32>,
        %parallel_loop3A_609 = vector.shape_cast %parallel_loop3A_608 : vector<16xi32> to vector<16xi32>
        %parallel_loop3A_610 = vector.shape_cast %parallel_loop3A_577 : vector<16xi32> to vector<16xi32>
        tpu.vector_store %arg5[%parallel_loop3A_607], %parallel_loop3A_610 {strides = array<i32>} : memref<65536xi32, #tpu.memory_space<vmem>>, vector<16xi32>,
        %parallel_loop3A_611 = arith.constant 128 : i32
        %parallel_loop3A_612 = arith.muli %parallel_loop3A_275, %parallel_loop3A_611 : i32
        %parallel_loop3A_613 = arith.constant 8192 : i32
        %parallel_loop3A_614 = arith.addi %parallel_loop3A_613, %parallel_loop3A_612 : i32
        %parallel_loop3A_615 = arith.constant 80 : i32
        %parallel_loop3A_616 = arith.addi %parallel_loop3A_614, %parallel_loop3A_615 : i32
        %parallel_loop3A_617 = arith.index_cast %parallel_loop3A_616 : i32 to index
        %parallel_loop3A_618 = tpu.vector_load %arg4[%parallel_loop3A_617] {strides = array<i32>} : memref<16384xf32, #tpu.memory_space<vmem>>, vector<16xf32>,
        %parallel_loop3A_619 = vector.shape_cast %parallel_loop3A_618 : vector<16xf32> to vector<16xf32>
        %parallel_loop3A_620 = math.absf %parallel_loop3A_619 : vector<16xf32>
        %parallel_loop3A_621 = arith.constant 1.000000e+02 : f32
        %parallel_loop3A_622 = vector.broadcast %parallel_loop3A_621 : f32 to vector<16xf32>
        %parallel_loop3A_623 = arith.cmpf ogt, %parallel_loop3A_620, %parallel_loop3A_622 : vector<16xf32>
        %parallel_loop3A_624 = arith.constant 1 : i32
        %parallel_loop3A_625 = arith.constant 0 : i32
        %parallel_loop3A_626 = vector.broadcast %parallel_loop3A_624 : i32 to vector<16xi32>
        %parallel_loop3A_627 = vector.broadcast %parallel_loop3A_625 : i32 to vector<16xi32>
        %parallel_loop3A_628 = arith.select %parallel_loop3A_623, %parallel_loop3A_626, %parallel_loop3A_627 : vector<16xi1>, vector<16xi32>
        %parallel_loop3A_629 = arith.constant 5.000000e+02 : f32
        %parallel_loop3A_630 = vector.broadcast %parallel_loop3A_629 : f32 to vector<16xf32>
        %parallel_loop3A_631 = arith.cmpf ogt, %parallel_loop3A_620, %parallel_loop3A_630 : vector<16xf32>
        %parallel_loop3A_632 = arith.constant 1 : i32
        %parallel_loop3A_633 = arith.constant 0 : i32
        %parallel_loop3A_634 = vector.broadcast %parallel_loop3A_632 : i32 to vector<16xi32>
        %parallel_loop3A_635 = vector.broadcast %parallel_loop3A_633 : i32 to vector<16xi32>
        %parallel_loop3A_636 = arith.select %parallel_loop3A_631, %parallel_loop3A_634, %parallel_loop3A_635 : vector<16xi1>, vector<16xi32>
        %parallel_loop3A_637 = arith.constant 1.000000e+03 : f32
        %parallel_loop3A_638 = vector.broadcast %parallel_loop3A_637 : f32 to vector<16xf32>
        %parallel_loop3A_639 = arith.cmpf ogt, %parallel_loop3A_620, %parallel_loop3A_638 : vector<16xf32>
        %parallel_loop3A_640 = arith.constant 1 : i32
        %parallel_loop3A_641 = arith.constant 0 : i32
        %parallel_loop3A_642 = vector.broadcast %parallel_loop3A_640 : i32 to vector<16xi32>
        %parallel_loop3A_643 = vector.broadcast %parallel_loop3A_641 : i32 to vector<16xi32>
        %parallel_loop3A_644 = arith.select %parallel_loop3A_639, %parallel_loop3A_642, %parallel_loop3A_643 : vector<16xi1>, vector<16xi32>
        %parallel_loop3A_645 = arith.constant 512 : i32
        %parallel_loop3A_646 = arith.muli %parallel_loop3A_275, %parallel_loop3A_645 : i32
        %parallel_loop3A_647 = arith.constant 32768 : i32
        %parallel_loop3A_648 = arith.addi %parallel_loop3A_647, %parallel_loop3A_646 : i32
        %parallel_loop3A_649 = arith.constant 80 : i32
        %parallel_loop3A_650 = arith.addi %parallel_loop3A_648, %parallel_loop3A_649 : i32
        %parallel_loop3A_651 = arith.constant 1 : i32
        %parallel_loop3A_652 = vector.broadcast %parallel_loop3A_651 : i32 to vector<16xi32>
        %parallel_loop3A_653 = arith.subi %parallel_loop3A_652, %parallel_loop3A_628 : vector<16xi32>
        %parallel_loop3A_654 = arith.index_cast %parallel_loop3A_650 : i32 to index
        %parallel_loop3A_655 = tpu.vector_load %arg5[%parallel_loop3A_654] {strides = array<i32>} : memref<65536xi32, #tpu.memory_space<vmem>>, vector<16xi32>,
        %parallel_loop3A_656 = vector.shape_cast %parallel_loop3A_655 : vector<16xi32> to vector<16xi32>
        %parallel_loop3A_657 = vector.shape_cast %parallel_loop3A_653 : vector<16xi32> to vector<16xi32>
        tpu.vector_store %arg5[%parallel_loop3A_654], %parallel_loop3A_657 {strides = array<i32>} : memref<65536xi32, #tpu.memory_space<vmem>>, vector<16xi32>,
        %parallel_loop3A_658 = arith.subi %parallel_loop3A_628, %parallel_loop3A_636 : vector<16xi32>
        %parallel_loop3A_659 = arith.constant 128 : i32
        %parallel_loop3A_660 = arith.addi %parallel_loop3A_650, %parallel_loop3A_659 : i32
        %parallel_loop3A_661 = arith.index_cast %parallel_loop3A_660 : i32 to index
        %parallel_loop3A_662 = tpu.vector_load %arg5[%parallel_loop3A_661] {strides = array<i32>} : memref<65536xi32, #tpu.memory_space<vmem>>, vector<16xi32>,
        %parallel_loop3A_663 = vector.shape_cast %parallel_loop3A_662 : vector<16xi32> to vector<16xi32>
        %parallel_loop3A_664 = vector.shape_cast %parallel_loop3A_658 : vector<16xi32> to vector<16xi32>
        tpu.vector_store %arg5[%parallel_loop3A_661], %parallel_loop3A_664 {strides = array<i32>} : memref<65536xi32, #tpu.memory_space<vmem>>, vector<16xi32>,
        %parallel_loop3A_665 = arith.subi %parallel_loop3A_636, %parallel_loop3A_644 : vector<16xi32>
        %parallel_loop3A_666 = arith.constant 256 : i32
        %parallel_loop3A_667 = arith.addi %parallel_loop3A_650, %parallel_loop3A_666 : i32
        %parallel_loop3A_668 = arith.index_cast %parallel_loop3A_667 : i32 to index
        %parallel_loop3A_669 = tpu.vector_load %arg5[%parallel_loop3A_668] {strides = array<i32>} : memref<65536xi32, #tpu.memory_space<vmem>>, vector<16xi32>,
        %parallel_loop3A_670 = vector.shape_cast %parallel_loop3A_669 : vector<16xi32> to vector<16xi32>
        %parallel_loop3A_671 = vector.shape_cast %parallel_loop3A_665 : vector<16xi32> to vector<16xi32>
        tpu.vector_store %arg5[%parallel_loop3A_668], %parallel_loop3A_671 {strides = array<i32>} : memref<65536xi32, #tpu.memory_space<vmem>>, vector<16xi32>,
        %parallel_loop3A_672 = arith.constant 384 : i32
        %parallel_loop3A_673 = arith.addi %parallel_loop3A_650, %parallel_loop3A_672 : i32
        %parallel_loop3A_674 = arith.index_cast %parallel_loop3A_673 : i32 to index
        %parallel_loop3A_675 = tpu.vector_load %arg5[%parallel_loop3A_674] {strides = array<i32>} : memref<65536xi32, #tpu.memory_space<vmem>>, vector<16xi32>,
        %parallel_loop3A_676 = vector.shape_cast %parallel_loop3A_675 : vector<16xi32> to vector<16xi32>
        %parallel_loop3A_677 = vector.shape_cast %parallel_loop3A_644 : vector<16xi32> to vector<16xi32>
        tpu.vector_store %arg5[%parallel_loop3A_674], %parallel_loop3A_677 {strides = array<i32>} : memref<65536xi32, #tpu.memory_space<vmem>>, vector<16xi32>,
        %parallel_loop3A_678 = arith.constant 128 : i32
        %parallel_loop3A_679 = arith.muli %parallel_loop3A_275, %parallel_loop3A_678 : i32
        %parallel_loop3A_680 = arith.constant 8192 : i32
        %parallel_loop3A_681 = arith.addi %parallel_loop3A_680, %parallel_loop3A_679 : i32
        %parallel_loop3A_682 = arith.constant 96 : i32
        %parallel_loop3A_683 = arith.addi %parallel_loop3A_681, %parallel_loop3A_682 : i32
        %parallel_loop3A_684 = arith.index_cast %parallel_loop3A_683 : i32 to index
        %parallel_loop3A_685 = tpu.vector_load %arg4[%parallel_loop3A_684] {strides = array<i32>} : memref<16384xf32, #tpu.memory_space<vmem>>, vector<16xf32>,
        %parallel_loop3A_686 = vector.shape_cast %parallel_loop3A_685 : vector<16xf32> to vector<16xf32>
        %parallel_loop3A_687 = math.absf %parallel_loop3A_686 : vector<16xf32>
        %parallel_loop3A_688 = arith.constant 1.000000e+02 : f32
        %parallel_loop3A_689 = vector.broadcast %parallel_loop3A_688 : f32 to vector<16xf32>
        %parallel_loop3A_690 = arith.cmpf ogt, %parallel_loop3A_687, %parallel_loop3A_689 : vector<16xf32>
        %parallel_loop3A_691 = arith.constant 1 : i32
        %parallel_loop3A_692 = arith.constant 0 : i32
        %parallel_loop3A_693 = vector.broadcast %parallel_loop3A_691 : i32 to vector<16xi32>
        %parallel_loop3A_694 = vector.broadcast %parallel_loop3A_692 : i32 to vector<16xi32>
        %parallel_loop3A_695 = arith.select %parallel_loop3A_690, %parallel_loop3A_693, %parallel_loop3A_694 : vector<16xi1>, vector<16xi32>
        %parallel_loop3A_696 = arith.constant 5.000000e+02 : f32
        %parallel_loop3A_697 = vector.broadcast %parallel_loop3A_696 : f32 to vector<16xf32>
        %parallel_loop3A_698 = arith.cmpf ogt, %parallel_loop3A_687, %parallel_loop3A_697 : vector<16xf32>
        %parallel_loop3A_699 = arith.constant 1 : i32
        %parallel_loop3A_700 = arith.constant 0 : i32
        %parallel_loop3A_701 = vector.broadcast %parallel_loop3A_699 : i32 to vector<16xi32>
        %parallel_loop3A_702 = vector.broadcast %parallel_loop3A_700 : i32 to vector<16xi32>
        %parallel_loop3A_703 = arith.select %parallel_loop3A_698, %parallel_loop3A_701, %parallel_loop3A_702 : vector<16xi1>, vector<16xi32>
        %parallel_loop3A_704 = arith.constant 1.000000e+03 : f32
        %parallel_loop3A_705 = vector.broadcast %parallel_loop3A_704 : f32 to vector<16xf32>
        %parallel_loop3A_706 = arith.cmpf ogt, %parallel_loop3A_687, %parallel_loop3A_705 : vector<16xf32>
        %parallel_loop3A_707 = arith.constant 1 : i32
        %parallel_loop3A_708 = arith.constant 0 : i32
        %parallel_loop3A_709 = vector.broadcast %parallel_loop3A_707 : i32 to vector<16xi32>
        %parallel_loop3A_710 = vector.broadcast %parallel_loop3A_708 : i32 to vector<16xi32>
        %parallel_loop3A_711 = arith.select %parallel_loop3A_706, %parallel_loop3A_709, %parallel_loop3A_710 : vector<16xi1>, vector<16xi32>
        %parallel_loop3A_712 = arith.constant 512 : i32
        %parallel_loop3A_713 = arith.muli %parallel_loop3A_275, %parallel_loop3A_712 : i32
        %parallel_loop3A_714 = arith.constant 32768 : i32
        %parallel_loop3A_715 = arith.addi %parallel_loop3A_714, %parallel_loop3A_713 : i32
        %parallel_loop3A_716 = arith.constant 96 : i32
        %parallel_loop3A_717 = arith.addi %parallel_loop3A_715, %parallel_loop3A_716 : i32
        %parallel_loop3A_718 = arith.constant 1 : i32
        %parallel_loop3A_719 = vector.broadcast %parallel_loop3A_718 : i32 to vector<16xi32>
        %parallel_loop3A_720 = arith.subi %parallel_loop3A_719, %parallel_loop3A_695 : vector<16xi32>
        %parallel_loop3A_721 = arith.index_cast %parallel_loop3A_717 : i32 to index
        %parallel_loop3A_722 = tpu.vector_load %arg5[%parallel_loop3A_721] {strides = array<i32>} : memref<65536xi32, #tpu.memory_space<vmem>>, vector<16xi32>,
        %parallel_loop3A_723 = vector.shape_cast %parallel_loop3A_722 : vector<16xi32> to vector<16xi32>
        %parallel_loop3A_724 = vector.shape_cast %parallel_loop3A_720 : vector<16xi32> to vector<16xi32>
        tpu.vector_store %arg5[%parallel_loop3A_721], %parallel_loop3A_724 {strides = array<i32>} : memref<65536xi32, #tpu.memory_space<vmem>>, vector<16xi32>,
        %parallel_loop3A_725 = arith.subi %parallel_loop3A_695, %parallel_loop3A_703 : vector<16xi32>
        %parallel_loop3A_726 = arith.constant 128 : i32
        %parallel_loop3A_727 = arith.addi %parallel_loop3A_717, %parallel_loop3A_726 : i32
        %parallel_loop3A_728 = arith.index_cast %parallel_loop3A_727 : i32 to index
        %parallel_loop3A_729 = tpu.vector_load %arg5[%parallel_loop3A_728] {strides = array<i32>} : memref<65536xi32, #tpu.memory_space<vmem>>, vector<16xi32>,
        %parallel_loop3A_730 = vector.shape_cast %parallel_loop3A_729 : vector<16xi32> to vector<16xi32>
        %parallel_loop3A_731 = vector.shape_cast %parallel_loop3A_725 : vector<16xi32> to vector<16xi32>
        tpu.vector_store %arg5[%parallel_loop3A_728], %parallel_loop3A_731 {strides = array<i32>} : memref<65536xi32, #tpu.memory_space<vmem>>, vector<16xi32>,
        %parallel_loop3A_732 = arith.subi %parallel_loop3A_703, %parallel_loop3A_711 : vector<16xi32>
        %parallel_loop3A_733 = arith.constant 256 : i32
        %parallel_loop3A_734 = arith.addi %parallel_loop3A_717, %parallel_loop3A_733 : i32
        %parallel_loop3A_735 = arith.index_cast %parallel_loop3A_734 : i32 to index
        %parallel_loop3A_736 = tpu.vector_load %arg5[%parallel_loop3A_735] {strides = array<i32>} : memref<65536xi32, #tpu.memory_space<vmem>>, vector<16xi32>,
        %parallel_loop3A_737 = vector.shape_cast %parallel_loop3A_736 : vector<16xi32> to vector<16xi32>
        %parallel_loop3A_738 = vector.shape_cast %parallel_loop3A_732 : vector<16xi32> to vector<16xi32>
        tpu.vector_store %arg5[%parallel_loop3A_735], %parallel_loop3A_738 {strides = array<i32>} : memref<65536xi32, #tpu.memory_space<vmem>>, vector<16xi32>,
        %parallel_loop3A_739 = arith.constant 384 : i32
        %parallel_loop3A_740 = arith.addi %parallel_loop3A_717, %parallel_loop3A_739 : i32
        %parallel_loop3A_741 = arith.index_cast %parallel_loop3A_740 : i32 to index
        %parallel_loop3A_742 = tpu.vector_load %arg5[%parallel_loop3A_741] {strides = array<i32>} : memref<65536xi32, #tpu.memory_space<vmem>>, vector<16xi32>,
        %parallel_loop3A_743 = vector.shape_cast %parallel_loop3A_742 : vector<16xi32> to vector<16xi32>
        %parallel_loop3A_744 = vector.shape_cast %parallel_loop3A_711 : vector<16xi32> to vector<16xi32>
        tpu.vector_store %arg5[%parallel_loop3A_741], %parallel_loop3A_744 {strides = array<i32>} : memref<65536xi32, #tpu.memory_space<vmem>>, vector<16xi32>,
        %parallel_loop3A_745 = arith.constant 128 : i32
        %parallel_loop3A_746 = arith.muli %parallel_loop3A_275, %parallel_loop3A_745 : i32
        %parallel_loop3A_747 = arith.constant 8192 : i32
        %parallel_loop3A_748 = arith.addi %parallel_loop3A_747, %parallel_loop3A_746 : i32
        %parallel_loop3A_749 = arith.constant 112 : i32
        %parallel_loop3A_750 = arith.addi %parallel_loop3A_748, %parallel_loop3A_749 : i32
        %parallel_loop3A_751 = arith.index_cast %parallel_loop3A_750 : i32 to index
        %parallel_loop3A_752 = tpu.vector_load %arg4[%parallel_loop3A_751] {strides = array<i32>} : memref<16384xf32, #tpu.memory_space<vmem>>, vector<16xf32>,
        %parallel_loop3A_753 = vector.shape_cast %parallel_loop3A_752 : vector<16xf32> to vector<16xf32>
        %parallel_loop3A_754 = math.absf %parallel_loop3A_753 : vector<16xf32>
        %parallel_loop3A_755 = arith.constant 1.000000e+02 : f32
        %parallel_loop3A_756 = vector.broadcast %parallel_loop3A_755 : f32 to vector<16xf32>
        %parallel_loop3A_757 = arith.cmpf ogt, %parallel_loop3A_754, %parallel_loop3A_756 : vector<16xf32>
        %parallel_loop3A_758 = arith.constant 1 : i32
        %parallel_loop3A_759 = arith.constant 0 : i32
        %parallel_loop3A_760 = vector.broadcast %parallel_loop3A_758 : i32 to vector<16xi32>
        %parallel_loop3A_761 = vector.broadcast %parallel_loop3A_759 : i32 to vector<16xi32>
        %parallel_loop3A_762 = arith.select %parallel_loop3A_757, %parallel_loop3A_760, %parallel_loop3A_761 : vector<16xi1>, vector<16xi32>
        %parallel_loop3A_763 = arith.constant 5.000000e+02 : f32
        %parallel_loop3A_764 = vector.broadcast %parallel_loop3A_763 : f32 to vector<16xf32>
        %parallel_loop3A_765 = arith.cmpf ogt, %parallel_loop3A_754, %parallel_loop3A_764 : vector<16xf32>
        %parallel_loop3A_766 = arith.constant 1 : i32
        %parallel_loop3A_767 = arith.constant 0 : i32
        %parallel_loop3A_768 = vector.broadcast %parallel_loop3A_766 : i32 to vector<16xi32>
        %parallel_loop3A_769 = vector.broadcast %parallel_loop3A_767 : i32 to vector<16xi32>
        %parallel_loop3A_770 = arith.select %parallel_loop3A_765, %parallel_loop3A_768, %parallel_loop3A_769 : vector<16xi1>, vector<16xi32>
        %parallel_loop3A_771 = arith.constant 1.000000e+03 : f32
        %parallel_loop3A_772 = vector.broadcast %parallel_loop3A_771 : f32 to vector<16xf32>
        %parallel_loop3A_773 = arith.cmpf ogt, %parallel_loop3A_754, %parallel_loop3A_772 : vector<16xf32>
        %parallel_loop3A_774 = arith.constant 1 : i32
        %parallel_loop3A_775 = arith.constant 0 : i32
        %parallel_loop3A_776 = vector.broadcast %parallel_loop3A_774 : i32 to vector<16xi32>
        %parallel_loop3A_777 = vector.broadcast %parallel_loop3A_775 : i32 to vector<16xi32>
        %parallel_loop3A_778 = arith.select %parallel_loop3A_773, %parallel_loop3A_776, %parallel_loop3A_777 : vector<16xi1>, vector<16xi32>
        %parallel_loop3A_779 = arith.constant 512 : i32
        %parallel_loop3A_780 = arith.muli %parallel_loop3A_275, %parallel_loop3A_779 : i32
        %parallel_loop3A_781 = arith.constant 32768 : i32
        %parallel_loop3A_782 = arith.addi %parallel_loop3A_781, %parallel_loop3A_780 : i32
        %parallel_loop3A_783 = arith.constant 112 : i32
        %parallel_loop3A_784 = arith.addi %parallel_loop3A_782, %parallel_loop3A_783 : i32
        %parallel_loop3A_785 = arith.constant 1 : i32
        %parallel_loop3A_786 = vector.broadcast %parallel_loop3A_785 : i32 to vector<16xi32>
        %parallel_loop3A_787 = arith.subi %parallel_loop3A_786, %parallel_loop3A_762 : vector<16xi32>
        %parallel_loop3A_788 = arith.index_cast %parallel_loop3A_784 : i32 to index
        %parallel_loop3A_789 = tpu.vector_load %arg5[%parallel_loop3A_788] {strides = array<i32>} : memref<65536xi32, #tpu.memory_space<vmem>>, vector<16xi32>,
        %parallel_loop3A_790 = vector.shape_cast %parallel_loop3A_789 : vector<16xi32> to vector<16xi32>
        %parallel_loop3A_791 = vector.shape_cast %parallel_loop3A_787 : vector<16xi32> to vector<16xi32>
        tpu.vector_store %arg5[%parallel_loop3A_788], %parallel_loop3A_791 {strides = array<i32>} : memref<65536xi32, #tpu.memory_space<vmem>>, vector<16xi32>,
        %parallel_loop3A_792 = arith.subi %parallel_loop3A_762, %parallel_loop3A_770 : vector<16xi32>
        %parallel_loop3A_793 = arith.constant 128 : i32
        %parallel_loop3A_794 = arith.addi %parallel_loop3A_784, %parallel_loop3A_793 : i32
        %parallel_loop3A_795 = arith.index_cast %parallel_loop3A_794 : i32 to index
        %parallel_loop3A_796 = tpu.vector_load %arg5[%parallel_loop3A_795] {strides = array<i32>} : memref<65536xi32, #tpu.memory_space<vmem>>, vector<16xi32>,
        %parallel_loop3A_797 = vector.shape_cast %parallel_loop3A_796 : vector<16xi32> to vector<16xi32>
        %parallel_loop3A_798 = vector.shape_cast %parallel_loop3A_792 : vector<16xi32> to vector<16xi32>
        tpu.vector_store %arg5[%parallel_loop3A_795], %parallel_loop3A_798 {strides = array<i32>} : memref<65536xi32, #tpu.memory_space<vmem>>, vector<16xi32>,
        %parallel_loop3A_799 = arith.subi %parallel_loop3A_770, %parallel_loop3A_778 : vector<16xi32>
        %parallel_loop3A_800 = arith.constant 256 : i32
        %parallel_loop3A_801 = arith.addi %parallel_loop3A_784, %parallel_loop3A_800 : i32
        %parallel_loop3A_802 = arith.index_cast %parallel_loop3A_801 : i32 to index
        %parallel_loop3A_803 = tpu.vector_load %arg5[%parallel_loop3A_802] {strides = array<i32>} : memref<65536xi32, #tpu.memory_space<vmem>>, vector<16xi32>,
        %parallel_loop3A_804 = vector.shape_cast %parallel_loop3A_803 : vector<16xi32> to vector<16xi32>
        %parallel_loop3A_805 = vector.shape_cast %parallel_loop3A_799 : vector<16xi32> to vector<16xi32>
        tpu.vector_store %arg5[%parallel_loop3A_802], %parallel_loop3A_805 {strides = array<i32>} : memref<65536xi32, #tpu.memory_space<vmem>>, vector<16xi32>,
        %parallel_loop3A_806 = arith.constant 384 : i32
        %parallel_loop3A_807 = arith.addi %parallel_loop3A_784, %parallel_loop3A_806 : i32
        %parallel_loop3A_808 = arith.index_cast %parallel_loop3A_807 : i32 to index
        %parallel_loop3A_809 = tpu.vector_load %arg5[%parallel_loop3A_808] {strides = array<i32>} : memref<65536xi32, #tpu.memory_space<vmem>>, vector<16xi32>,
        %parallel_loop3A_810 = vector.shape_cast %parallel_loop3A_809 : vector<16xi32> to vector<16xi32>
        %parallel_loop3A_811 = vector.shape_cast %parallel_loop3A_778 : vector<16xi32> to vector<16xi32>
        tpu.vector_store %arg5[%parallel_loop3A_808], %parallel_loop3A_811 {strides = array<i32>} : memref<65536xi32, #tpu.memory_space<vmem>>, vector<16xi32>,
      } {sc.loop_unroll_factor = 1 : i64, sc.parallel_access}
      %mul3A_208 = arith.constant 4096 : i32
      %mul3A_209 = arith.muli %add3A_187, %mul3A_208 : i32
      %mul3A_210 = arith.constant 4 : i32
      %mul3A_211 = arith.muli %mul3A_209, %mul3A_210 : i32
      %add3A_212 = arith.addi %mul3A_4, %mul3A_211 : i32
      %dma_start3A_213 = arith.constant 2 : i32
      %dma_start3A_214 = arith.constant 32768 : i32
      %dma_start3A_215 = tpu.memref_slice %arg5[%dma_start3A_214] : memref<65536xi32, #tpu.memory_space<vmem>> -> memref<16384xi32, #tpu.memory_space<vmem>>
      %dma_start3A_216 = tpu.memref_slice %arg3[%add3A_212] : memref<33554432xi32, #tpu.memory_space<hbm>> -> memref<16384xi32, #tpu.memory_space<hbm>>
      %dma_start3A_217 = tpu.memref_slice %arg7[%dma_start3A_213] : memref<4x!tpu.dma_semaphore, #tpu.memory_space<semaphore_mem>> -> memref<1x!tpu.dma_semaphore, #tpu.memory_space<semaphore_mem>>
      %dma_start3A_218 = tpu.memref_squeeze %dma_start3A_217 : memref<1x!tpu.dma_semaphore, #tpu.memory_space<semaphore_mem>> -> memref<!tpu.dma_semaphore, #tpu.memory_space<semaphore_mem>>
      %dma_start3A_219 = tpu.memref_slice %arg3[%add3A_212] : memref<33554432xi32, #tpu.memory_space<hbm>> -> memref<16384xi32, #tpu.memory_space<hbm>>
      %dma_start3A_220 = arith.constant 32768 : i32
      %dma_start3A_221 = tpu.memref_slice %arg5[%dma_start3A_220] : memref<65536xi32, #tpu.memory_space<vmem>> -> memref<16384xi32, #tpu.memory_space<vmem>>
      tpu.enqueue_dma source(%dma_start3A_221 : memref<16384xi32, #tpu.memory_space<vmem>>) target(%dma_start3A_219 : memref<16384xi32, #tpu.memory_space<hbm>>) target_semaphore(%dma_start3A_218 : memref<!tpu.dma_semaphore, #tpu.memory_space<semaphore_mem>>)
      %add3A_222 = arith.constant 4 : i32
      %add3A_223 = arith.addi %add3A_187, %add3A_222 : i32
      %lt3A_224 = arith.constant 64 : i32
      %lt3A_225 = arith.cmpi slt, %add3A_223, %lt3A_224 : i32
      %convert_element_type3A_226 = arith.extui %lt3A_225 : i1 to i32
      %cond3A_227 = arith.constant 0 : i32
      %cond3A_228 = arith.cmpi ne, %convert_element_type3A_226, %cond3A_227 : i32
      scf.if %cond3A_228 {
        %add3A_275 = arith.constant 4 : i32
        %add3A_276 = arith.addi %add3A_187, %add3A_275 : i32
        %mul3A_277 = arith.constant 4096 : i32
        %mul3A_278 = arith.muli %add3A_276, %mul3A_277 : i32
        %add3A_279 = arith.addi %mul3A_2, %mul3A_278 : i32
        %dma_start3A_280 = arith.constant 2 : i32
        %dma_start3A_281 = arith.constant 8192 : i32
        %dma_start3A_282 = tpu.memref_slice %arg4[%dma_start3A_281] : memref<16384xf32, #tpu.memory_space<vmem>> -> memref<4096xf32, #tpu.memory_space<vmem>>
        %dma_start3A_283 = tpu.memref_slice %arg2[%add3A_279] : memref<8388608xf32, #tpu.memory_space<hbm>> -> memref<4096xf32, #tpu.memory_space<hbm>>
        %dma_start3A_284 = tpu.memref_slice %arg6[%dma_start3A_280] : memref<4x!tpu.dma_semaphore, #tpu.memory_space<semaphore_mem>> -> memref<1x!tpu.dma_semaphore, #tpu.memory_space<semaphore_mem>>
        %dma_start3A_285 = tpu.memref_squeeze %dma_start3A_284 : memref<1x!tpu.dma_semaphore, #tpu.memory_space<semaphore_mem>> -> memref<!tpu.dma_semaphore, #tpu.memory_space<semaphore_mem>>
        %dma_start3A_286 = arith.constant 8192 : i32
        %dma_start3A_287 = tpu.memref_slice %arg4[%dma_start3A_286] : memref<16384xf32, #tpu.memory_space<vmem>> -> memref<4096xf32, #tpu.memory_space<vmem>>
        %dma_start3A_288 = tpu.memref_slice %arg2[%add3A_279] : memref<8388608xf32, #tpu.memory_space<hbm>> -> memref<4096xf32, #tpu.memory_space<hbm>>
        tpu.enqueue_dma source(%dma_start3A_288 : memref<4096xf32, #tpu.memory_space<hbm>>) target(%dma_start3A_287 : memref<4096xf32, #tpu.memory_space<vmem>>) target_semaphore(%dma_start3A_285 : memref<!tpu.dma_semaphore, #tpu.memory_space<semaphore_mem>>)
      } else {
      }
      %mul3A_229 = arith.constant 4 : i32
      %mul3A_230 = arith.muli %mul3A_229, %scan3A_97 : i32
      %add3A_231 = arith.constant 3 : i32
      %add3A_232 = arith.addi %mul3A_230, %add3A_231 : i32
      %mul3A_233 = arith.constant 4096 : i32
      %mul3A_234 = arith.muli %add3A_232, %mul3A_233 : i32
      %add3A_235 = arith.addi %mul3A_2, %mul3A_234 : i32
      %dma_wait3A_236 = arith.constant 3 : i32
      %dma_wait3A_237 = arith.constant 12288 : i32
      %dma_wait3A_238 = tpu.memref_slice %arg4[%dma_wait3A_237] : memref<16384xf32, #tpu.memory_space<vmem>> -> memref<4096xf32, #tpu.memory_space<vmem>>
      %dma_wait3A_239 = tpu.memref_slice %arg2[%add3A_235] : memref<8388608xf32, #tpu.memory_space<hbm>> -> memref<4096xf32, #tpu.memory_space<hbm>>
      %dma_wait3A_240 = tpu.memref_slice %arg6[%dma_wait3A_236] : memref<4x!tpu.dma_semaphore, #tpu.memory_space<semaphore_mem>> -> memref<1x!tpu.dma_semaphore, #tpu.memory_space<semaphore_mem>>
      %dma_wait3A_241 = tpu.memref_squeeze %dma_wait3A_240 : memref<1x!tpu.dma_semaphore, #tpu.memory_space<semaphore_mem>> -> memref<!tpu.dma_semaphore, #tpu.memory_space<semaphore_mem>>
      %dma_wait3A_242 = arith.constant 12288 : i32
      %dma_wait3A_243 = tpu.memref_slice %arg4[%dma_wait3A_242] : memref<16384xf32, #tpu.memory_space<vmem>> -> memref<4096xf32, #tpu.memory_space<vmem>>
      %dma_wait3A_244 = tpu.memref_slice %arg2[%add3A_235] : memref<8388608xf32, #tpu.memory_space<hbm>> -> memref<4096xf32, #tpu.memory_space<hbm>>
      tpu.wait_dma2 semaphore(%dma_wait3A_241 : memref<!tpu.dma_semaphore, #tpu.memory_space<semaphore_mem>>) src(%dma_wait3A_244 : memref<4096xf32, #tpu.memory_space<hbm>>) dst(%dma_wait3A_243 : memref<4096xf32, #tpu.memory_space<vmem>>)
      %gt3A_245 = arith.constant 0 : i32
      %gt3A_246 = arith.cmpi sgt, %scan3A_97, %gt3A_245 : i32
      %convert_element_type3A_247 = arith.extui %gt3A_246 : i1 to i32
      %cond3A_248 = arith.constant 0 : i32
      %cond3A_249 = arith.cmpi ne, %convert_element_type3A_247, %cond3A_248 : i32
      scf.if %cond3A_249 {
        %sub3A = arith.constant 4 : i32
        %sub3A_275 = arith.subi %add3A_232, %sub3A : i32
        %mul3A_276 = arith.constant 4096 : i32
        %mul3A_277 = arith.muli %sub3A_275, %mul3A_276 : i32
        %mul3A_278 = arith.constant 4 : i32
        %mul3A_279 = arith.muli %mul3A_277, %mul3A_278 : i32
        %add3A_280 = arith.addi %mul3A_4, %mul3A_279 : i32
        %dma_wait3A_281 = arith.constant 3 : i32
        %dma_wait3A_282 = arith.constant 49152 : i32
        %dma_wait3A_283 = tpu.memref_slice %arg5[%dma_wait3A_282] : memref<65536xi32, #tpu.memory_space<vmem>> -> memref<16384xi32, #tpu.memory_space<vmem>>
        %dma_wait3A_284 = tpu.memref_slice %arg3[%add3A_280] : memref<33554432xi32, #tpu.memory_space<hbm>> -> memref<16384xi32, #tpu.memory_space<hbm>>
        %dma_wait3A_285 = tpu.memref_slice %arg7[%dma_wait3A_281] : memref<4x!tpu.dma_semaphore, #tpu.memory_space<semaphore_mem>> -> memref<1x!tpu.dma_semaphore, #tpu.memory_space<semaphore_mem>>
        %dma_wait3A_286 = tpu.memref_squeeze %dma_wait3A_285 : memref<1x!tpu.dma_semaphore, #tpu.memory_space<semaphore_mem>> -> memref<!tpu.dma_semaphore, #tpu.memory_space<semaphore_mem>>
        %dma_wait3A_287 = tpu.memref_slice %arg3[%add3A_280] : memref<33554432xi32, #tpu.memory_space<hbm>> -> memref<16384xi32, #tpu.memory_space<hbm>>
        %dma_wait3A_288 = arith.constant 49152 : i32
        %dma_wait3A_289 = tpu.memref_slice %arg5[%dma_wait3A_288] : memref<65536xi32, #tpu.memory_space<vmem>> -> memref<16384xi32, #tpu.memory_space<vmem>>
        tpu.wait_dma2 semaphore(%dma_wait3A_286 : memref<!tpu.dma_semaphore, #tpu.memory_space<semaphore_mem>>) src(%dma_wait3A_289 : memref<16384xi32, #tpu.memory_space<vmem>>) dst(%dma_wait3A_287 : memref<16384xi32, #tpu.memory_space<hbm>>)
      } else {
      }
      %parallel_loop3A_250 = arith.constant 0 : i32
      %parallel_loop3A_251 = arith.constant 32 : i32
      %parallel_loop3A_252 = arith.constant 1 : i32
      scf.for %parallel_loop3A_275 = %parallel_loop3A_250 to %parallel_loop3A_251 step %parallel_loop3A_252  : i32 {
        %parallel_loop3A_276 = arith.constant 128 : i32
        %parallel_loop3A_277 = arith.muli %parallel_loop3A_275, %parallel_loop3A_276 : i32
        %parallel_loop3A_278 = arith.constant 12288 : i32
        %parallel_loop3A_279 = arith.addi %parallel_loop3A_278, %parallel_loop3A_277 : i32
        %parallel_loop3A_280 = arith.constant 0 : i32
        %parallel_loop3A_281 = arith.addi %parallel_loop3A_279, %parallel_loop3A_280 : i32
        %parallel_loop3A_282 = arith.index_cast %parallel_loop3A_281 : i32 to index
        %parallel_loop3A_283 = tpu.vector_load %arg4[%parallel_loop3A_282] {strides = array<i32>} : memref<16384xf32, #tpu.memory_space<vmem>>, vector<16xf32>,
        %parallel_loop3A_284 = vector.shape_cast %parallel_loop3A_283 : vector<16xf32> to vector<16xf32>
        %parallel_loop3A_285 = math.absf %parallel_loop3A_284 : vector<16xf32>
        %parallel_loop3A_286 = arith.constant 1.000000e+02 : f32
        %parallel_loop3A_287 = vector.broadcast %parallel_loop3A_286 : f32 to vector<16xf32>
        %parallel_loop3A_288 = arith.cmpf ogt, %parallel_loop3A_285, %parallel_loop3A_287 : vector<16xf32>
        %parallel_loop3A_289 = arith.constant 1 : i32
        %parallel_loop3A_290 = arith.constant 0 : i32
        %parallel_loop3A_291 = vector.broadcast %parallel_loop3A_289 : i32 to vector<16xi32>
        %parallel_loop3A_292 = vector.broadcast %parallel_loop3A_290 : i32 to vector<16xi32>
        %parallel_loop3A_293 = arith.select %parallel_loop3A_288, %parallel_loop3A_291, %parallel_loop3A_292 : vector<16xi1>, vector<16xi32>
        %parallel_loop3A_294 = arith.constant 5.000000e+02 : f32
        %parallel_loop3A_295 = vector.broadcast %parallel_loop3A_294 : f32 to vector<16xf32>
        %parallel_loop3A_296 = arith.cmpf ogt, %parallel_loop3A_285, %parallel_loop3A_295 : vector<16xf32>
        %parallel_loop3A_297 = arith.constant 1 : i32
        %parallel_loop3A_298 = arith.constant 0 : i32
        %parallel_loop3A_299 = vector.broadcast %parallel_loop3A_297 : i32 to vector<16xi32>
        %parallel_loop3A_300 = vector.broadcast %parallel_loop3A_298 : i32 to vector<16xi32>
        %parallel_loop3A_301 = arith.select %parallel_loop3A_296, %parallel_loop3A_299, %parallel_loop3A_300 : vector<16xi1>, vector<16xi32>
        %parallel_loop3A_302 = arith.constant 1.000000e+03 : f32
        %parallel_loop3A_303 = vector.broadcast %parallel_loop3A_302 : f32 to vector<16xf32>
        %parallel_loop3A_304 = arith.cmpf ogt, %parallel_loop3A_285, %parallel_loop3A_303 : vector<16xf32>
        %parallel_loop3A_305 = arith.constant 1 : i32
        %parallel_loop3A_306 = arith.constant 0 : i32
        %parallel_loop3A_307 = vector.broadcast %parallel_loop3A_305 : i32 to vector<16xi32>
        %parallel_loop3A_308 = vector.broadcast %parallel_loop3A_306 : i32 to vector<16xi32>
        %parallel_loop3A_309 = arith.select %parallel_loop3A_304, %parallel_loop3A_307, %parallel_loop3A_308 : vector<16xi1>, vector<16xi32>
        %parallel_loop3A_310 = arith.constant 512 : i32
        %parallel_loop3A_311 = arith.muli %parallel_loop3A_275, %parallel_loop3A_310 : i32
        %parallel_loop3A_312 = arith.constant 49152 : i32
        %parallel_loop3A_313 = arith.addi %parallel_loop3A_312, %parallel_loop3A_311 : i32
        %parallel_loop3A_314 = arith.constant 0 : i32
        %parallel_loop3A_315 = arith.addi %parallel_loop3A_313, %parallel_loop3A_314 : i32
        %parallel_loop3A_316 = arith.constant 1 : i32
        %parallel_loop3A_317 = vector.broadcast %parallel_loop3A_316 : i32 to vector<16xi32>
        %parallel_loop3A_318 = arith.subi %parallel_loop3A_317, %parallel_loop3A_293 : vector<16xi32>
        %parallel_loop3A_319 = arith.index_cast %parallel_loop3A_315 : i32 to index
        %parallel_loop3A_320 = tpu.vector_load %arg5[%parallel_loop3A_319] {strides = array<i32>} : memref<65536xi32, #tpu.memory_space<vmem>>, vector<16xi32>,
        %parallel_loop3A_321 = vector.shape_cast %parallel_loop3A_320 : vector<16xi32> to vector<16xi32>
        %parallel_loop3A_322 = vector.shape_cast %parallel_loop3A_318 : vector<16xi32> to vector<16xi32>
        tpu.vector_store %arg5[%parallel_loop3A_319], %parallel_loop3A_322 {strides = array<i32>} : memref<65536xi32, #tpu.memory_space<vmem>>, vector<16xi32>,
        %parallel_loop3A_323 = arith.subi %parallel_loop3A_293, %parallel_loop3A_301 : vector<16xi32>
        %parallel_loop3A_324 = arith.constant 128 : i32
        %parallel_loop3A_325 = arith.addi %parallel_loop3A_315, %parallel_loop3A_324 : i32
        %parallel_loop3A_326 = arith.index_cast %parallel_loop3A_325 : i32 to index
        %parallel_loop3A_327 = tpu.vector_load %arg5[%parallel_loop3A_326] {strides = array<i32>} : memref<65536xi32, #tpu.memory_space<vmem>>, vector<16xi32>,
        %parallel_loop3A_328 = vector.shape_cast %parallel_loop3A_327 : vector<16xi32> to vector<16xi32>
        %parallel_loop3A_329 = vector.shape_cast %parallel_loop3A_323 : vector<16xi32> to vector<16xi32>
        tpu.vector_store %arg5[%parallel_loop3A_326], %parallel_loop3A_329 {strides = array<i32>} : memref<65536xi32, #tpu.memory_space<vmem>>, vector<16xi32>,
        %parallel_loop3A_330 = arith.subi %parallel_loop3A_301, %parallel_loop3A_309 : vector<16xi32>
        %parallel_loop3A_331 = arith.constant 256 : i32
        %parallel_loop3A_332 = arith.addi %parallel_loop3A_315, %parallel_loop3A_331 : i32
        %parallel_loop3A_333 = arith.index_cast %parallel_loop3A_332 : i32 to index
        %parallel_loop3A_334 = tpu.vector_load %arg5[%parallel_loop3A_333] {strides = array<i32>} : memref<65536xi32, #tpu.memory_space<vmem>>, vector<16xi32>,
        %parallel_loop3A_335 = vector.shape_cast %parallel_loop3A_334 : vector<16xi32> to vector<16xi32>
        %parallel_loop3A_336 = vector.shape_cast %parallel_loop3A_330 : vector<16xi32> to vector<16xi32>
        tpu.vector_store %arg5[%parallel_loop3A_333], %parallel_loop3A_336 {strides = array<i32>} : memref<65536xi32, #tpu.memory_space<vmem>>, vector<16xi32>,
        %parallel_loop3A_337 = arith.constant 384 : i32
        %parallel_loop3A_338 = arith.addi %parallel_loop3A_315, %parallel_loop3A_337 : i32
        %parallel_loop3A_339 = arith.index_cast %parallel_loop3A_338 : i32 to index
        %parallel_loop3A_340 = tpu.vector_load %arg5[%parallel_loop3A_339] {strides = array<i32>} : memref<65536xi32, #tpu.memory_space<vmem>>, vector<16xi32>,
        %parallel_loop3A_341 = vector.shape_cast %parallel_loop3A_340 : vector<16xi32> to vector<16xi32>
        %parallel_loop3A_342 = vector.shape_cast %parallel_loop3A_309 : vector<16xi32> to vector<16xi32>
        tpu.vector_store %arg5[%parallel_loop3A_339], %parallel_loop3A_342 {strides = array<i32>} : memref<65536xi32, #tpu.memory_space<vmem>>, vector<16xi32>,
        %parallel_loop3A_343 = arith.constant 128 : i32
        %parallel_loop3A_344 = arith.muli %parallel_loop3A_275, %parallel_loop3A_343 : i32
        %parallel_loop3A_345 = arith.constant 12288 : i32
        %parallel_loop3A_346 = arith.addi %parallel_loop3A_345, %parallel_loop3A_344 : i32
        %parallel_loop3A_347 = arith.constant 16 : i32
        %parallel_loop3A_348 = arith.addi %parallel_loop3A_346, %parallel_loop3A_347 : i32
        %parallel_loop3A_349 = arith.index_cast %parallel_loop3A_348 : i32 to index
        %parallel_loop3A_350 = tpu.vector_load %arg4[%parallel_loop3A_349] {strides = array<i32>} : memref<16384xf32, #tpu.memory_space<vmem>>, vector<16xf32>,
        %parallel_loop3A_351 = vector.shape_cast %parallel_loop3A_350 : vector<16xf32> to vector<16xf32>
        %parallel_loop3A_352 = math.absf %parallel_loop3A_351 : vector<16xf32>
        %parallel_loop3A_353 = arith.constant 1.000000e+02 : f32
        %parallel_loop3A_354 = vector.broadcast %parallel_loop3A_353 : f32 to vector<16xf32>
        %parallel_loop3A_355 = arith.cmpf ogt, %parallel_loop3A_352, %parallel_loop3A_354 : vector<16xf32>
        %parallel_loop3A_356 = arith.constant 1 : i32
        %parallel_loop3A_357 = arith.constant 0 : i32
        %parallel_loop3A_358 = vector.broadcast %parallel_loop3A_356 : i32 to vector<16xi32>
        %parallel_loop3A_359 = vector.broadcast %parallel_loop3A_357 : i32 to vector<16xi32>
        %parallel_loop3A_360 = arith.select %parallel_loop3A_355, %parallel_loop3A_358, %parallel_loop3A_359 : vector<16xi1>, vector<16xi32>
        %parallel_loop3A_361 = arith.constant 5.000000e+02 : f32
        %parallel_loop3A_362 = vector.broadcast %parallel_loop3A_361 : f32 to vector<16xf32>
        %parallel_loop3A_363 = arith.cmpf ogt, %parallel_loop3A_352, %parallel_loop3A_362 : vector<16xf32>
        %parallel_loop3A_364 = arith.constant 1 : i32
        %parallel_loop3A_365 = arith.constant 0 : i32
        %parallel_loop3A_366 = vector.broadcast %parallel_loop3A_364 : i32 to vector<16xi32>
        %parallel_loop3A_367 = vector.broadcast %parallel_loop3A_365 : i32 to vector<16xi32>
        %parallel_loop3A_368 = arith.select %parallel_loop3A_363, %parallel_loop3A_366, %parallel_loop3A_367 : vector<16xi1>, vector<16xi32>
        %parallel_loop3A_369 = arith.constant 1.000000e+03 : f32
        %parallel_loop3A_370 = vector.broadcast %parallel_loop3A_369 : f32 to vector<16xf32>
        %parallel_loop3A_371 = arith.cmpf ogt, %parallel_loop3A_352, %parallel_loop3A_370 : vector<16xf32>
        %parallel_loop3A_372 = arith.constant 1 : i32
        %parallel_loop3A_373 = arith.constant 0 : i32
        %parallel_loop3A_374 = vector.broadcast %parallel_loop3A_372 : i32 to vector<16xi32>
        %parallel_loop3A_375 = vector.broadcast %parallel_loop3A_373 : i32 to vector<16xi32>
        %parallel_loop3A_376 = arith.select %parallel_loop3A_371, %parallel_loop3A_374, %parallel_loop3A_375 : vector<16xi1>, vector<16xi32>
        %parallel_loop3A_377 = arith.constant 512 : i32
        %parallel_loop3A_378 = arith.muli %parallel_loop3A_275, %parallel_loop3A_377 : i32
        %parallel_loop3A_379 = arith.constant 49152 : i32
        %parallel_loop3A_380 = arith.addi %parallel_loop3A_379, %parallel_loop3A_378 : i32
        %parallel_loop3A_381 = arith.constant 16 : i32
        %parallel_loop3A_382 = arith.addi %parallel_loop3A_380, %parallel_loop3A_381 : i32
        %parallel_loop3A_383 = arith.constant 1 : i32
        %parallel_loop3A_384 = vector.broadcast %parallel_loop3A_383 : i32 to vector<16xi32>
        %parallel_loop3A_385 = arith.subi %parallel_loop3A_384, %parallel_loop3A_360 : vector<16xi32>
        %parallel_loop3A_386 = arith.index_cast %parallel_loop3A_382 : i32 to index
        %parallel_loop3A_387 = tpu.vector_load %arg5[%parallel_loop3A_386] {strides = array<i32>} : memref<65536xi32, #tpu.memory_space<vmem>>, vector<16xi32>,
        %parallel_loop3A_388 = vector.shape_cast %parallel_loop3A_387 : vector<16xi32> to vector<16xi32>
        %parallel_loop3A_389 = vector.shape_cast %parallel_loop3A_385 : vector<16xi32> to vector<16xi32>
        tpu.vector_store %arg5[%parallel_loop3A_386], %parallel_loop3A_389 {strides = array<i32>} : memref<65536xi32, #tpu.memory_space<vmem>>, vector<16xi32>,
        %parallel_loop3A_390 = arith.subi %parallel_loop3A_360, %parallel_loop3A_368 : vector<16xi32>
        %parallel_loop3A_391 = arith.constant 128 : i32
        %parallel_loop3A_392 = arith.addi %parallel_loop3A_382, %parallel_loop3A_391 : i32
        %parallel_loop3A_393 = arith.index_cast %parallel_loop3A_392 : i32 to index
        %parallel_loop3A_394 = tpu.vector_load %arg5[%parallel_loop3A_393] {strides = array<i32>} : memref<65536xi32, #tpu.memory_space<vmem>>, vector<16xi32>,
        %parallel_loop3A_395 = vector.shape_cast %parallel_loop3A_394 : vector<16xi32> to vector<16xi32>
        %parallel_loop3A_396 = vector.shape_cast %parallel_loop3A_390 : vector<16xi32> to vector<16xi32>
        tpu.vector_store %arg5[%parallel_loop3A_393], %parallel_loop3A_396 {strides = array<i32>} : memref<65536xi32, #tpu.memory_space<vmem>>, vector<16xi32>,
        %parallel_loop3A_397 = arith.subi %parallel_loop3A_368, %parallel_loop3A_376 : vector<16xi32>
        %parallel_loop3A_398 = arith.constant 256 : i32
        %parallel_loop3A_399 = arith.addi %parallel_loop3A_382, %parallel_loop3A_398 : i32
        %parallel_loop3A_400 = arith.index_cast %parallel_loop3A_399 : i32 to index
        %parallel_loop3A_401 = tpu.vector_load %arg5[%parallel_loop3A_400] {strides = array<i32>} : memref<65536xi32, #tpu.memory_space<vmem>>, vector<16xi32>,
        %parallel_loop3A_402 = vector.shape_cast %parallel_loop3A_401 : vector<16xi32> to vector<16xi32>
        %parallel_loop3A_403 = vector.shape_cast %parallel_loop3A_397 : vector<16xi32> to vector<16xi32>
        tpu.vector_store %arg5[%parallel_loop3A_400], %parallel_loop3A_403 {strides = array<i32>} : memref<65536xi32, #tpu.memory_space<vmem>>, vector<16xi32>,
        %parallel_loop3A_404 = arith.constant 384 : i32
        %parallel_loop3A_405 = arith.addi %parallel_loop3A_382, %parallel_loop3A_404 : i32
        %parallel_loop3A_406 = arith.index_cast %parallel_loop3A_405 : i32 to index
        %parallel_loop3A_407 = tpu.vector_load %arg5[%parallel_loop3A_406] {strides = array<i32>} : memref<65536xi32, #tpu.memory_space<vmem>>, vector<16xi32>,
        %parallel_loop3A_408 = vector.shape_cast %parallel_loop3A_407 : vector<16xi32> to vector<16xi32>
        %parallel_loop3A_409 = vector.shape_cast %parallel_loop3A_376 : vector<16xi32> to vector<16xi32>
        tpu.vector_store %arg5[%parallel_loop3A_406], %parallel_loop3A_409 {strides = array<i32>} : memref<65536xi32, #tpu.memory_space<vmem>>, vector<16xi32>,
        %parallel_loop3A_410 = arith.constant 128 : i32
        %parallel_loop3A_411 = arith.muli %parallel_loop3A_275, %parallel_loop3A_410 : i32
        %parallel_loop3A_412 = arith.constant 12288 : i32
        %parallel_loop3A_413 = arith.addi %parallel_loop3A_412, %parallel_loop3A_411 : i32
        %parallel_loop3A_414 = arith.constant 32 : i32
        %parallel_loop3A_415 = arith.addi %parallel_loop3A_413, %parallel_loop3A_414 : i32
        %parallel_loop3A_416 = arith.index_cast %parallel_loop3A_415 : i32 to index
        %parallel_loop3A_417 = tpu.vector_load %arg4[%parallel_loop3A_416] {strides = array<i32>} : memref<16384xf32, #tpu.memory_space<vmem>>, vector<16xf32>,
        %parallel_loop3A_418 = vector.shape_cast %parallel_loop3A_417 : vector<16xf32> to vector<16xf32>
        %parallel_loop3A_419 = math.absf %parallel_loop3A_418 : vector<16xf32>
        %parallel_loop3A_420 = arith.constant 1.000000e+02 : f32
        %parallel_loop3A_421 = vector.broadcast %parallel_loop3A_420 : f32 to vector<16xf32>
        %parallel_loop3A_422 = arith.cmpf ogt, %parallel_loop3A_419, %parallel_loop3A_421 : vector<16xf32>
        %parallel_loop3A_423 = arith.constant 1 : i32
        %parallel_loop3A_424 = arith.constant 0 : i32
        %parallel_loop3A_425 = vector.broadcast %parallel_loop3A_423 : i32 to vector<16xi32>
        %parallel_loop3A_426 = vector.broadcast %parallel_loop3A_424 : i32 to vector<16xi32>
        %parallel_loop3A_427 = arith.select %parallel_loop3A_422, %parallel_loop3A_425, %parallel_loop3A_426 : vector<16xi1>, vector<16xi32>
        %parallel_loop3A_428 = arith.constant 5.000000e+02 : f32
        %parallel_loop3A_429 = vector.broadcast %parallel_loop3A_428 : f32 to vector<16xf32>
        %parallel_loop3A_430 = arith.cmpf ogt, %parallel_loop3A_419, %parallel_loop3A_429 : vector<16xf32>
        %parallel_loop3A_431 = arith.constant 1 : i32
        %parallel_loop3A_432 = arith.constant 0 : i32
        %parallel_loop3A_433 = vector.broadcast %parallel_loop3A_431 : i32 to vector<16xi32>
        %parallel_loop3A_434 = vector.broadcast %parallel_loop3A_432 : i32 to vector<16xi32>
        %parallel_loop3A_435 = arith.select %parallel_loop3A_430, %parallel_loop3A_433, %parallel_loop3A_434 : vector<16xi1>, vector<16xi32>
        %parallel_loop3A_436 = arith.constant 1.000000e+03 : f32
        %parallel_loop3A_437 = vector.broadcast %parallel_loop3A_436 : f32 to vector<16xf32>
        %parallel_loop3A_438 = arith.cmpf ogt, %parallel_loop3A_419, %parallel_loop3A_437 : vector<16xf32>
        %parallel_loop3A_439 = arith.constant 1 : i32
        %parallel_loop3A_440 = arith.constant 0 : i32
        %parallel_loop3A_441 = vector.broadcast %parallel_loop3A_439 : i32 to vector<16xi32>
        %parallel_loop3A_442 = vector.broadcast %parallel_loop3A_440 : i32 to vector<16xi32>
        %parallel_loop3A_443 = arith.select %parallel_loop3A_438, %parallel_loop3A_441, %parallel_loop3A_442 : vector<16xi1>, vector<16xi32>
        %parallel_loop3A_444 = arith.constant 512 : i32
        %parallel_loop3A_445 = arith.muli %parallel_loop3A_275, %parallel_loop3A_444 : i32
        %parallel_loop3A_446 = arith.constant 49152 : i32
        %parallel_loop3A_447 = arith.addi %parallel_loop3A_446, %parallel_loop3A_445 : i32
        %parallel_loop3A_448 = arith.constant 32 : i32
        %parallel_loop3A_449 = arith.addi %parallel_loop3A_447, %parallel_loop3A_448 : i32
        %parallel_loop3A_450 = arith.constant 1 : i32
        %parallel_loop3A_451 = vector.broadcast %parallel_loop3A_450 : i32 to vector<16xi32>
        %parallel_loop3A_452 = arith.subi %parallel_loop3A_451, %parallel_loop3A_427 : vector<16xi32>
        %parallel_loop3A_453 = arith.index_cast %parallel_loop3A_449 : i32 to index
        %parallel_loop3A_454 = tpu.vector_load %arg5[%parallel_loop3A_453] {strides = array<i32>} : memref<65536xi32, #tpu.memory_space<vmem>>, vector<16xi32>,
        %parallel_loop3A_455 = vector.shape_cast %parallel_loop3A_454 : vector<16xi32> to vector<16xi32>
        %parallel_loop3A_456 = vector.shape_cast %parallel_loop3A_452 : vector<16xi32> to vector<16xi32>
        tpu.vector_store %arg5[%parallel_loop3A_453], %parallel_loop3A_456 {strides = array<i32>} : memref<65536xi32, #tpu.memory_space<vmem>>, vector<16xi32>,
        %parallel_loop3A_457 = arith.subi %parallel_loop3A_427, %parallel_loop3A_435 : vector<16xi32>
        %parallel_loop3A_458 = arith.constant 128 : i32
        %parallel_loop3A_459 = arith.addi %parallel_loop3A_449, %parallel_loop3A_458 : i32
        %parallel_loop3A_460 = arith.index_cast %parallel_loop3A_459 : i32 to index
        %parallel_loop3A_461 = tpu.vector_load %arg5[%parallel_loop3A_460] {strides = array<i32>} : memref<65536xi32, #tpu.memory_space<vmem>>, vector<16xi32>,
        %parallel_loop3A_462 = vector.shape_cast %parallel_loop3A_461 : vector<16xi32> to vector<16xi32>
        %parallel_loop3A_463 = vector.shape_cast %parallel_loop3A_457 : vector<16xi32> to vector<16xi32>
        tpu.vector_store %arg5[%parallel_loop3A_460], %parallel_loop3A_463 {strides = array<i32>} : memref<65536xi32, #tpu.memory_space<vmem>>, vector<16xi32>,
        %parallel_loop3A_464 = arith.subi %parallel_loop3A_435, %parallel_loop3A_443 : vector<16xi32>
        %parallel_loop3A_465 = arith.constant 256 : i32
        %parallel_loop3A_466 = arith.addi %parallel_loop3A_449, %parallel_loop3A_465 : i32
        %parallel_loop3A_467 = arith.index_cast %parallel_loop3A_466 : i32 to index
        %parallel_loop3A_468 = tpu.vector_load %arg5[%parallel_loop3A_467] {strides = array<i32>} : memref<65536xi32, #tpu.memory_space<vmem>>, vector<16xi32>,
        %parallel_loop3A_469 = vector.shape_cast %parallel_loop3A_468 : vector<16xi32> to vector<16xi32>
        %parallel_loop3A_470 = vector.shape_cast %parallel_loop3A_464 : vector<16xi32> to vector<16xi32>
        tpu.vector_store %arg5[%parallel_loop3A_467], %parallel_loop3A_470 {strides = array<i32>} : memref<65536xi32, #tpu.memory_space<vmem>>, vector<16xi32>,
        %parallel_loop3A_471 = arith.constant 384 : i32
        %parallel_loop3A_472 = arith.addi %parallel_loop3A_449, %parallel_loop3A_471 : i32
        %parallel_loop3A_473 = arith.index_cast %parallel_loop3A_472 : i32 to index
        %parallel_loop3A_474 = tpu.vector_load %arg5[%parallel_loop3A_473] {strides = array<i32>} : memref<65536xi32, #tpu.memory_space<vmem>>, vector<16xi32>,
        %parallel_loop3A_475 = vector.shape_cast %parallel_loop3A_474 : vector<16xi32> to vector<16xi32>
        %parallel_loop3A_476 = vector.shape_cast %parallel_loop3A_443 : vector<16xi32> to vector<16xi32>
        tpu.vector_store %arg5[%parallel_loop3A_473], %parallel_loop3A_476 {strides = array<i32>} : memref<65536xi32, #tpu.memory_space<vmem>>, vector<16xi32>,
        %parallel_loop3A_477 = arith.constant 128 : i32
        %parallel_loop3A_478 = arith.muli %parallel_loop3A_275, %parallel_loop3A_477 : i32
        %parallel_loop3A_479 = arith.constant 12288 : i32
        %parallel_loop3A_480 = arith.addi %parallel_loop3A_479, %parallel_loop3A_478 : i32
        %parallel_loop3A_481 = arith.constant 48 : i32
        %parallel_loop3A_482 = arith.addi %parallel_loop3A_480, %parallel_loop3A_481 : i32
        %parallel_loop3A_483 = arith.index_cast %parallel_loop3A_482 : i32 to index
        %parallel_loop3A_484 = tpu.vector_load %arg4[%parallel_loop3A_483] {strides = array<i32>} : memref<16384xf32, #tpu.memory_space<vmem>>, vector<16xf32>,
        %parallel_loop3A_485 = vector.shape_cast %parallel_loop3A_484 : vector<16xf32> to vector<16xf32>
        %parallel_loop3A_486 = math.absf %parallel_loop3A_485 : vector<16xf32>
        %parallel_loop3A_487 = arith.constant 1.000000e+02 : f32
        %parallel_loop3A_488 = vector.broadcast %parallel_loop3A_487 : f32 to vector<16xf32>
        %parallel_loop3A_489 = arith.cmpf ogt, %parallel_loop3A_486, %parallel_loop3A_488 : vector<16xf32>
        %parallel_loop3A_490 = arith.constant 1 : i32
        %parallel_loop3A_491 = arith.constant 0 : i32
        %parallel_loop3A_492 = vector.broadcast %parallel_loop3A_490 : i32 to vector<16xi32>
        %parallel_loop3A_493 = vector.broadcast %parallel_loop3A_491 : i32 to vector<16xi32>
        %parallel_loop3A_494 = arith.select %parallel_loop3A_489, %parallel_loop3A_492, %parallel_loop3A_493 : vector<16xi1>, vector<16xi32>
        %parallel_loop3A_495 = arith.constant 5.000000e+02 : f32
        %parallel_loop3A_496 = vector.broadcast %parallel_loop3A_495 : f32 to vector<16xf32>
        %parallel_loop3A_497 = arith.cmpf ogt, %parallel_loop3A_486, %parallel_loop3A_496 : vector<16xf32>
        %parallel_loop3A_498 = arith.constant 1 : i32
        %parallel_loop3A_499 = arith.constant 0 : i32
        %parallel_loop3A_500 = vector.broadcast %parallel_loop3A_498 : i32 to vector<16xi32>
        %parallel_loop3A_501 = vector.broadcast %parallel_loop3A_499 : i32 to vector<16xi32>
        %parallel_loop3A_502 = arith.select %parallel_loop3A_497, %parallel_loop3A_500, %parallel_loop3A_501 : vector<16xi1>, vector<16xi32>
        %parallel_loop3A_503 = arith.constant 1.000000e+03 : f32
        %parallel_loop3A_504 = vector.broadcast %parallel_loop3A_503 : f32 to vector<16xf32>
        %parallel_loop3A_505 = arith.cmpf ogt, %parallel_loop3A_486, %parallel_loop3A_504 : vector<16xf32>
        %parallel_loop3A_506 = arith.constant 1 : i32
        %parallel_loop3A_507 = arith.constant 0 : i32
        %parallel_loop3A_508 = vector.broadcast %parallel_loop3A_506 : i32 to vector<16xi32>
        %parallel_loop3A_509 = vector.broadcast %parallel_loop3A_507 : i32 to vector<16xi32>
        %parallel_loop3A_510 = arith.select %parallel_loop3A_505, %parallel_loop3A_508, %parallel_loop3A_509 : vector<16xi1>, vector<16xi32>
        %parallel_loop3A_511 = arith.constant 512 : i32
        %parallel_loop3A_512 = arith.muli %parallel_loop3A_275, %parallel_loop3A_511 : i32
        %parallel_loop3A_513 = arith.constant 49152 : i32
        %parallel_loop3A_514 = arith.addi %parallel_loop3A_513, %parallel_loop3A_512 : i32
        %parallel_loop3A_515 = arith.constant 48 : i32
        %parallel_loop3A_516 = arith.addi %parallel_loop3A_514, %parallel_loop3A_515 : i32
        %parallel_loop3A_517 = arith.constant 1 : i32
        %parallel_loop3A_518 = vector.broadcast %parallel_loop3A_517 : i32 to vector<16xi32>
        %parallel_loop3A_519 = arith.subi %parallel_loop3A_518, %parallel_loop3A_494 : vector<16xi32>
        %parallel_loop3A_520 = arith.index_cast %parallel_loop3A_516 : i32 to index
        %parallel_loop3A_521 = tpu.vector_load %arg5[%parallel_loop3A_520] {strides = array<i32>} : memref<65536xi32, #tpu.memory_space<vmem>>, vector<16xi32>,
        %parallel_loop3A_522 = vector.shape_cast %parallel_loop3A_521 : vector<16xi32> to vector<16xi32>
        %parallel_loop3A_523 = vector.shape_cast %parallel_loop3A_519 : vector<16xi32> to vector<16xi32>
        tpu.vector_store %arg5[%parallel_loop3A_520], %parallel_loop3A_523 {strides = array<i32>} : memref<65536xi32, #tpu.memory_space<vmem>>, vector<16xi32>,
        %parallel_loop3A_524 = arith.subi %parallel_loop3A_494, %parallel_loop3A_502 : vector<16xi32>
        %parallel_loop3A_525 = arith.constant 128 : i32
        %parallel_loop3A_526 = arith.addi %parallel_loop3A_516, %parallel_loop3A_525 : i32
        %parallel_loop3A_527 = arith.index_cast %parallel_loop3A_526 : i32 to index
        %parallel_loop3A_528 = tpu.vector_load %arg5[%parallel_loop3A_527] {strides = array<i32>} : memref<65536xi32, #tpu.memory_space<vmem>>, vector<16xi32>,
        %parallel_loop3A_529 = vector.shape_cast %parallel_loop3A_528 : vector<16xi32> to vector<16xi32>
        %parallel_loop3A_530 = vector.shape_cast %parallel_loop3A_524 : vector<16xi32> to vector<16xi32>
        tpu.vector_store %arg5[%parallel_loop3A_527], %parallel_loop3A_530 {strides = array<i32>} : memref<65536xi32, #tpu.memory_space<vmem>>, vector<16xi32>,
        %parallel_loop3A_531 = arith.subi %parallel_loop3A_502, %parallel_loop3A_510 : vector<16xi32>
        %parallel_loop3A_532 = arith.constant 256 : i32
        %parallel_loop3A_533 = arith.addi %parallel_loop3A_516, %parallel_loop3A_532 : i32
        %parallel_loop3A_534 = arith.index_cast %parallel_loop3A_533 : i32 to index
        %parallel_loop3A_535 = tpu.vector_load %arg5[%parallel_loop3A_534] {strides = array<i32>} : memref<65536xi32, #tpu.memory_space<vmem>>, vector<16xi32>,
        %parallel_loop3A_536 = vector.shape_cast %parallel_loop3A_535 : vector<16xi32> to vector<16xi32>
        %parallel_loop3A_537 = vector.shape_cast %parallel_loop3A_531 : vector<16xi32> to vector<16xi32>
        tpu.vector_store %arg5[%parallel_loop3A_534], %parallel_loop3A_537 {strides = array<i32>} : memref<65536xi32, #tpu.memory_space<vmem>>, vector<16xi32>,
        %parallel_loop3A_538 = arith.constant 384 : i32
        %parallel_loop3A_539 = arith.addi %parallel_loop3A_516, %parallel_loop3A_538 : i32
        %parallel_loop3A_540 = arith.index_cast %parallel_loop3A_539 : i32 to index
        %parallel_loop3A_541 = tpu.vector_load %arg5[%parallel_loop3A_540] {strides = array<i32>} : memref<65536xi32, #tpu.memory_space<vmem>>, vector<16xi32>,
        %parallel_loop3A_542 = vector.shape_cast %parallel_loop3A_541 : vector<16xi32> to vector<16xi32>
        %parallel_loop3A_543 = vector.shape_cast %parallel_loop3A_510 : vector<16xi32> to vector<16xi32>
        tpu.vector_store %arg5[%parallel_loop3A_540], %parallel_loop3A_543 {strides = array<i32>} : memref<65536xi32, #tpu.memory_space<vmem>>, vector<16xi32>,
        %parallel_loop3A_544 = arith.constant 128 : i32
        %parallel_loop3A_545 = arith.muli %parallel_loop3A_275, %parallel_loop3A_544 : i32
        %parallel_loop3A_546 = arith.constant 12288 : i32
        %parallel_loop3A_547 = arith.addi %parallel_loop3A_546, %parallel_loop3A_545 : i32
        %parallel_loop3A_548 = arith.constant 64 : i32
        %parallel_loop3A_549 = arith.addi %parallel_loop3A_547, %parallel_loop3A_548 : i32
        %parallel_loop3A_550 = arith.index_cast %parallel_loop3A_549 : i32 to index
        %parallel_loop3A_551 = tpu.vector_load %arg4[%parallel_loop3A_550] {strides = array<i32>} : memref<16384xf32, #tpu.memory_space<vmem>>, vector<16xf32>,
        %parallel_loop3A_552 = vector.shape_cast %parallel_loop3A_551 : vector<16xf32> to vector<16xf32>
        %parallel_loop3A_553 = math.absf %parallel_loop3A_552 : vector<16xf32>
        %parallel_loop3A_554 = arith.constant 1.000000e+02 : f32
        %parallel_loop3A_555 = vector.broadcast %parallel_loop3A_554 : f32 to vector<16xf32>
        %parallel_loop3A_556 = arith.cmpf ogt, %parallel_loop3A_553, %parallel_loop3A_555 : vector<16xf32>
        %parallel_loop3A_557 = arith.constant 1 : i32
        %parallel_loop3A_558 = arith.constant 0 : i32
        %parallel_loop3A_559 = vector.broadcast %parallel_loop3A_557 : i32 to vector<16xi32>
        %parallel_loop3A_560 = vector.broadcast %parallel_loop3A_558 : i32 to vector<16xi32>
        %parallel_loop3A_561 = arith.select %parallel_loop3A_556, %parallel_loop3A_559, %parallel_loop3A_560 : vector<16xi1>, vector<16xi32>
        %parallel_loop3A_562 = arith.constant 5.000000e+02 : f32
        %parallel_loop3A_563 = vector.broadcast %parallel_loop3A_562 : f32 to vector<16xf32>
        %parallel_loop3A_564 = arith.cmpf ogt, %parallel_loop3A_553, %parallel_loop3A_563 : vector<16xf32>
        %parallel_loop3A_565 = arith.constant 1 : i32
        %parallel_loop3A_566 = arith.constant 0 : i32
        %parallel_loop3A_567 = vector.broadcast %parallel_loop3A_565 : i32 to vector<16xi32>
        %parallel_loop3A_568 = vector.broadcast %parallel_loop3A_566 : i32 to vector<16xi32>
        %parallel_loop3A_569 = arith.select %parallel_loop3A_564, %parallel_loop3A_567, %parallel_loop3A_568 : vector<16xi1>, vector<16xi32>
        %parallel_loop3A_570 = arith.constant 1.000000e+03 : f32
        %parallel_loop3A_571 = vector.broadcast %parallel_loop3A_570 : f32 to vector<16xf32>
        %parallel_loop3A_572 = arith.cmpf ogt, %parallel_loop3A_553, %parallel_loop3A_571 : vector<16xf32>
        %parallel_loop3A_573 = arith.constant 1 : i32
        %parallel_loop3A_574 = arith.constant 0 : i32
        %parallel_loop3A_575 = vector.broadcast %parallel_loop3A_573 : i32 to vector<16xi32>
        %parallel_loop3A_576 = vector.broadcast %parallel_loop3A_574 : i32 to vector<16xi32>
        %parallel_loop3A_577 = arith.select %parallel_loop3A_572, %parallel_loop3A_575, %parallel_loop3A_576 : vector<16xi1>, vector<16xi32>
        %parallel_loop3A_578 = arith.constant 512 : i32
        %parallel_loop3A_579 = arith.muli %parallel_loop3A_275, %parallel_loop3A_578 : i32
        %parallel_loop3A_580 = arith.constant 49152 : i32
        %parallel_loop3A_581 = arith.addi %parallel_loop3A_580, %parallel_loop3A_579 : i32
        %parallel_loop3A_582 = arith.constant 64 : i32
        %parallel_loop3A_583 = arith.addi %parallel_loop3A_581, %parallel_loop3A_582 : i32
        %parallel_loop3A_584 = arith.constant 1 : i32
        %parallel_loop3A_585 = vector.broadcast %parallel_loop3A_584 : i32 to vector<16xi32>
        %parallel_loop3A_586 = arith.subi %parallel_loop3A_585, %parallel_loop3A_561 : vector<16xi32>
        %parallel_loop3A_587 = arith.index_cast %parallel_loop3A_583 : i32 to index
        %parallel_loop3A_588 = tpu.vector_load %arg5[%parallel_loop3A_587] {strides = array<i32>} : memref<65536xi32, #tpu.memory_space<vmem>>, vector<16xi32>,
        %parallel_loop3A_589 = vector.shape_cast %parallel_loop3A_588 : vector<16xi32> to vector<16xi32>
        %parallel_loop3A_590 = vector.shape_cast %parallel_loop3A_586 : vector<16xi32> to vector<16xi32>
        tpu.vector_store %arg5[%parallel_loop3A_587], %parallel_loop3A_590 {strides = array<i32>} : memref<65536xi32, #tpu.memory_space<vmem>>, vector<16xi32>,
        %parallel_loop3A_591 = arith.subi %parallel_loop3A_561, %parallel_loop3A_569 : vector<16xi32>
        %parallel_loop3A_592 = arith.constant 128 : i32
        %parallel_loop3A_593 = arith.addi %parallel_loop3A_583, %parallel_loop3A_592 : i32
        %parallel_loop3A_594 = arith.index_cast %parallel_loop3A_593 : i32 to index
        %parallel_loop3A_595 = tpu.vector_load %arg5[%parallel_loop3A_594] {strides = array<i32>} : memref<65536xi32, #tpu.memory_space<vmem>>, vector<16xi32>,
        %parallel_loop3A_596 = vector.shape_cast %parallel_loop3A_595 : vector<16xi32> to vector<16xi32>
        %parallel_loop3A_597 = vector.shape_cast %parallel_loop3A_591 : vector<16xi32> to vector<16xi32>
        tpu.vector_store %arg5[%parallel_loop3A_594], %parallel_loop3A_597 {strides = array<i32>} : memref<65536xi32, #tpu.memory_space<vmem>>, vector<16xi32>,
        %parallel_loop3A_598 = arith.subi %parallel_loop3A_569, %parallel_loop3A_577 : vector<16xi32>
        %parallel_loop3A_599 = arith.constant 256 : i32
        %parallel_loop3A_600 = arith.addi %parallel_loop3A_583, %parallel_loop3A_599 : i32
        %parallel_loop3A_601 = arith.index_cast %parallel_loop3A_600 : i32 to index
        %parallel_loop3A_602 = tpu.vector_load %arg5[%parallel_loop3A_601] {strides = array<i32>} : memref<65536xi32, #tpu.memory_space<vmem>>, vector<16xi32>,
        %parallel_loop3A_603 = vector.shape_cast %parallel_loop3A_602 : vector<16xi32> to vector<16xi32>
        %parallel_loop3A_604 = vector.shape_cast %parallel_loop3A_598 : vector<16xi32> to vector<16xi32>
        tpu.vector_store %arg5[%parallel_loop3A_601], %parallel_loop3A_604 {strides = array<i32>} : memref<65536xi32, #tpu.memory_space<vmem>>, vector<16xi32>,
        %parallel_loop3A_605 = arith.constant 384 : i32
        %parallel_loop3A_606 = arith.addi %parallel_loop3A_583, %parallel_loop3A_605 : i32
        %parallel_loop3A_607 = arith.index_cast %parallel_loop3A_606 : i32 to index
        %parallel_loop3A_608 = tpu.vector_load %arg5[%parallel_loop3A_607] {strides = array<i32>} : memref<65536xi32, #tpu.memory_space<vmem>>, vector<16xi32>,
        %parallel_loop3A_609 = vector.shape_cast %parallel_loop3A_608 : vector<16xi32> to vector<16xi32>
        %parallel_loop3A_610 = vector.shape_cast %parallel_loop3A_577 : vector<16xi32> to vector<16xi32>
        tpu.vector_store %arg5[%parallel_loop3A_607], %parallel_loop3A_610 {strides = array<i32>} : memref<65536xi32, #tpu.memory_space<vmem>>, vector<16xi32>,
        %parallel_loop3A_611 = arith.constant 128 : i32
        %parallel_loop3A_612 = arith.muli %parallel_loop3A_275, %parallel_loop3A_611 : i32
        %parallel_loop3A_613 = arith.constant 12288 : i32
        %parallel_loop3A_614 = arith.addi %parallel_loop3A_613, %parallel_loop3A_612 : i32
        %parallel_loop3A_615 = arith.constant 80 : i32
        %parallel_loop3A_616 = arith.addi %parallel_loop3A_614, %parallel_loop3A_615 : i32
        %parallel_loop3A_617 = arith.index_cast %parallel_loop3A_616 : i32 to index
        %parallel_loop3A_618 = tpu.vector_load %arg4[%parallel_loop3A_617] {strides = array<i32>} : memref<16384xf32, #tpu.memory_space<vmem>>, vector<16xf32>,
        %parallel_loop3A_619 = vector.shape_cast %parallel_loop3A_618 : vector<16xf32> to vector<16xf32>
        %parallel_loop3A_620 = math.absf %parallel_loop3A_619 : vector<16xf32>
        %parallel_loop3A_621 = arith.constant 1.000000e+02 : f32
        %parallel_loop3A_622 = vector.broadcast %parallel_loop3A_621 : f32 to vector<16xf32>
        %parallel_loop3A_623 = arith.cmpf ogt, %parallel_loop3A_620, %parallel_loop3A_622 : vector<16xf32>
        %parallel_loop3A_624 = arith.constant 1 : i32
        %parallel_loop3A_625 = arith.constant 0 : i32
        %parallel_loop3A_626 = vector.broadcast %parallel_loop3A_624 : i32 to vector<16xi32>
        %parallel_loop3A_627 = vector.broadcast %parallel_loop3A_625 : i32 to vector<16xi32>
        %parallel_loop3A_628 = arith.select %parallel_loop3A_623, %parallel_loop3A_626, %parallel_loop3A_627 : vector<16xi1>, vector<16xi32>
        %parallel_loop3A_629 = arith.constant 5.000000e+02 : f32
        %parallel_loop3A_630 = vector.broadcast %parallel_loop3A_629 : f32 to vector<16xf32>
        %parallel_loop3A_631 = arith.cmpf ogt, %parallel_loop3A_620, %parallel_loop3A_630 : vector<16xf32>
        %parallel_loop3A_632 = arith.constant 1 : i32
        %parallel_loop3A_633 = arith.constant 0 : i32
        %parallel_loop3A_634 = vector.broadcast %parallel_loop3A_632 : i32 to vector<16xi32>
        %parallel_loop3A_635 = vector.broadcast %parallel_loop3A_633 : i32 to vector<16xi32>
        %parallel_loop3A_636 = arith.select %parallel_loop3A_631, %parallel_loop3A_634, %parallel_loop3A_635 : vector<16xi1>, vector<16xi32>
        %parallel_loop3A_637 = arith.constant 1.000000e+03 : f32
        %parallel_loop3A_638 = vector.broadcast %parallel_loop3A_637 : f32 to vector<16xf32>
        %parallel_loop3A_639 = arith.cmpf ogt, %parallel_loop3A_620, %parallel_loop3A_638 : vector<16xf32>
        %parallel_loop3A_640 = arith.constant 1 : i32
        %parallel_loop3A_641 = arith.constant 0 : i32
        %parallel_loop3A_642 = vector.broadcast %parallel_loop3A_640 : i32 to vector<16xi32>
        %parallel_loop3A_643 = vector.broadcast %parallel_loop3A_641 : i32 to vector<16xi32>
        %parallel_loop3A_644 = arith.select %parallel_loop3A_639, %parallel_loop3A_642, %parallel_loop3A_643 : vector<16xi1>, vector<16xi32>
        %parallel_loop3A_645 = arith.constant 512 : i32
        %parallel_loop3A_646 = arith.muli %parallel_loop3A_275, %parallel_loop3A_645 : i32
        %parallel_loop3A_647 = arith.constant 49152 : i32
        %parallel_loop3A_648 = arith.addi %parallel_loop3A_647, %parallel_loop3A_646 : i32
        %parallel_loop3A_649 = arith.constant 80 : i32
        %parallel_loop3A_650 = arith.addi %parallel_loop3A_648, %parallel_loop3A_649 : i32
        %parallel_loop3A_651 = arith.constant 1 : i32
        %parallel_loop3A_652 = vector.broadcast %parallel_loop3A_651 : i32 to vector<16xi32>
        %parallel_loop3A_653 = arith.subi %parallel_loop3A_652, %parallel_loop3A_628 : vector<16xi32>
        %parallel_loop3A_654 = arith.index_cast %parallel_loop3A_650 : i32 to index
        %parallel_loop3A_655 = tpu.vector_load %arg5[%parallel_loop3A_654] {strides = array<i32>} : memref<65536xi32, #tpu.memory_space<vmem>>, vector<16xi32>,
        %parallel_loop3A_656 = vector.shape_cast %parallel_loop3A_655 : vector<16xi32> to vector<16xi32>
        %parallel_loop3A_657 = vector.shape_cast %parallel_loop3A_653 : vector<16xi32> to vector<16xi32>
        tpu.vector_store %arg5[%parallel_loop3A_654], %parallel_loop3A_657 {strides = array<i32>} : memref<65536xi32, #tpu.memory_space<vmem>>, vector<16xi32>,
        %parallel_loop3A_658 = arith.subi %parallel_loop3A_628, %parallel_loop3A_636 : vector<16xi32>
        %parallel_loop3A_659 = arith.constant 128 : i32
        %parallel_loop3A_660 = arith.addi %parallel_loop3A_650, %parallel_loop3A_659 : i32
        %parallel_loop3A_661 = arith.index_cast %parallel_loop3A_660 : i32 to index
        %parallel_loop3A_662 = tpu.vector_load %arg5[%parallel_loop3A_661] {strides = array<i32>} : memref<65536xi32, #tpu.memory_space<vmem>>, vector<16xi32>,
        %parallel_loop3A_663 = vector.shape_cast %parallel_loop3A_662 : vector<16xi32> to vector<16xi32>
        %parallel_loop3A_664 = vector.shape_cast %parallel_loop3A_658 : vector<16xi32> to vector<16xi32>
        tpu.vector_store %arg5[%parallel_loop3A_661], %parallel_loop3A_664 {strides = array<i32>} : memref<65536xi32, #tpu.memory_space<vmem>>, vector<16xi32>,
        %parallel_loop3A_665 = arith.subi %parallel_loop3A_636, %parallel_loop3A_644 : vector<16xi32>
        %parallel_loop3A_666 = arith.constant 256 : i32
        %parallel_loop3A_667 = arith.addi %parallel_loop3A_650, %parallel_loop3A_666 : i32
        %parallel_loop3A_668 = arith.index_cast %parallel_loop3A_667 : i32 to index
        %parallel_loop3A_669 = tpu.vector_load %arg5[%parallel_loop3A_668] {strides = array<i32>} : memref<65536xi32, #tpu.memory_space<vmem>>, vector<16xi32>,
        %parallel_loop3A_670 = vector.shape_cast %parallel_loop3A_669 : vector<16xi32> to vector<16xi32>
        %parallel_loop3A_671 = vector.shape_cast %parallel_loop3A_665 : vector<16xi32> to vector<16xi32>
        tpu.vector_store %arg5[%parallel_loop3A_668], %parallel_loop3A_671 {strides = array<i32>} : memref<65536xi32, #tpu.memory_space<vmem>>, vector<16xi32>,
        %parallel_loop3A_672 = arith.constant 384 : i32
        %parallel_loop3A_673 = arith.addi %parallel_loop3A_650, %parallel_loop3A_672 : i32
        %parallel_loop3A_674 = arith.index_cast %parallel_loop3A_673 : i32 to index
        %parallel_loop3A_675 = tpu.vector_load %arg5[%parallel_loop3A_674] {strides = array<i32>} : memref<65536xi32, #tpu.memory_space<vmem>>, vector<16xi32>,
        %parallel_loop3A_676 = vector.shape_cast %parallel_loop3A_675 : vector<16xi32> to vector<16xi32>
        %parallel_loop3A_677 = vector.shape_cast %parallel_loop3A_644 : vector<16xi32> to vector<16xi32>
        tpu.vector_store %arg5[%parallel_loop3A_674], %parallel_loop3A_677 {strides = array<i32>} : memref<65536xi32, #tpu.memory_space<vmem>>, vector<16xi32>,
        %parallel_loop3A_678 = arith.constant 128 : i32
        %parallel_loop3A_679 = arith.muli %parallel_loop3A_275, %parallel_loop3A_678 : i32
        %parallel_loop3A_680 = arith.constant 12288 : i32
        %parallel_loop3A_681 = arith.addi %parallel_loop3A_680, %parallel_loop3A_679 : i32
        %parallel_loop3A_682 = arith.constant 96 : i32
        %parallel_loop3A_683 = arith.addi %parallel_loop3A_681, %parallel_loop3A_682 : i32
        %parallel_loop3A_684 = arith.index_cast %parallel_loop3A_683 : i32 to index
        %parallel_loop3A_685 = tpu.vector_load %arg4[%parallel_loop3A_684] {strides = array<i32>} : memref<16384xf32, #tpu.memory_space<vmem>>, vector<16xf32>,
        %parallel_loop3A_686 = vector.shape_cast %parallel_loop3A_685 : vector<16xf32> to vector<16xf32>
        %parallel_loop3A_687 = math.absf %parallel_loop3A_686 : vector<16xf32>
        %parallel_loop3A_688 = arith.constant 1.000000e+02 : f32
        %parallel_loop3A_689 = vector.broadcast %parallel_loop3A_688 : f32 to vector<16xf32>
        %parallel_loop3A_690 = arith.cmpf ogt, %parallel_loop3A_687, %parallel_loop3A_689 : vector<16xf32>
        %parallel_loop3A_691 = arith.constant 1 : i32
        %parallel_loop3A_692 = arith.constant 0 : i32
        %parallel_loop3A_693 = vector.broadcast %parallel_loop3A_691 : i32 to vector<16xi32>
        %parallel_loop3A_694 = vector.broadcast %parallel_loop3A_692 : i32 to vector<16xi32>
        %parallel_loop3A_695 = arith.select %parallel_loop3A_690, %parallel_loop3A_693, %parallel_loop3A_694 : vector<16xi1>, vector<16xi32>
        %parallel_loop3A_696 = arith.constant 5.000000e+02 : f32
        %parallel_loop3A_697 = vector.broadcast %parallel_loop3A_696 : f32 to vector<16xf32>
        %parallel_loop3A_698 = arith.cmpf ogt, %parallel_loop3A_687, %parallel_loop3A_697 : vector<16xf32>
        %parallel_loop3A_699 = arith.constant 1 : i32
        %parallel_loop3A_700 = arith.constant 0 : i32
        %parallel_loop3A_701 = vector.broadcast %parallel_loop3A_699 : i32 to vector<16xi32>
        %parallel_loop3A_702 = vector.broadcast %parallel_loop3A_700 : i32 to vector<16xi32>
        %parallel_loop3A_703 = arith.select %parallel_loop3A_698, %parallel_loop3A_701, %parallel_loop3A_702 : vector<16xi1>, vector<16xi32>
        %parallel_loop3A_704 = arith.constant 1.000000e+03 : f32
        %parallel_loop3A_705 = vector.broadcast %parallel_loop3A_704 : f32 to vector<16xf32>
        %parallel_loop3A_706 = arith.cmpf ogt, %parallel_loop3A_687, %parallel_loop3A_705 : vector<16xf32>
        %parallel_loop3A_707 = arith.constant 1 : i32
        %parallel_loop3A_708 = arith.constant 0 : i32
        %parallel_loop3A_709 = vector.broadcast %parallel_loop3A_707 : i32 to vector<16xi32>
        %parallel_loop3A_710 = vector.broadcast %parallel_loop3A_708 : i32 to vector<16xi32>
        %parallel_loop3A_711 = arith.select %parallel_loop3A_706, %parallel_loop3A_709, %parallel_loop3A_710 : vector<16xi1>, vector<16xi32>
        %parallel_loop3A_712 = arith.constant 512 : i32
        %parallel_loop3A_713 = arith.muli %parallel_loop3A_275, %parallel_loop3A_712 : i32
        %parallel_loop3A_714 = arith.constant 49152 : i32
        %parallel_loop3A_715 = arith.addi %parallel_loop3A_714, %parallel_loop3A_713 : i32
        %parallel_loop3A_716 = arith.constant 96 : i32
        %parallel_loop3A_717 = arith.addi %parallel_loop3A_715, %parallel_loop3A_716 : i32
        %parallel_loop3A_718 = arith.constant 1 : i32
        %parallel_loop3A_719 = vector.broadcast %parallel_loop3A_718 : i32 to vector<16xi32>
        %parallel_loop3A_720 = arith.subi %parallel_loop3A_719, %parallel_loop3A_695 : vector<16xi32>
        %parallel_loop3A_721 = arith.index_cast %parallel_loop3A_717 : i32 to index
        %parallel_loop3A_722 = tpu.vector_load %arg5[%parallel_loop3A_721] {strides = array<i32>} : memref<65536xi32, #tpu.memory_space<vmem>>, vector<16xi32>,
        %parallel_loop3A_723 = vector.shape_cast %parallel_loop3A_722 : vector<16xi32> to vector<16xi32>
        %parallel_loop3A_724 = vector.shape_cast %parallel_loop3A_720 : vector<16xi32> to vector<16xi32>
        tpu.vector_store %arg5[%parallel_loop3A_721], %parallel_loop3A_724 {strides = array<i32>} : memref<65536xi32, #tpu.memory_space<vmem>>, vector<16xi32>,
        %parallel_loop3A_725 = arith.subi %parallel_loop3A_695, %parallel_loop3A_703 : vector<16xi32>
        %parallel_loop3A_726 = arith.constant 128 : i32
        %parallel_loop3A_727 = arith.addi %parallel_loop3A_717, %parallel_loop3A_726 : i32
        %parallel_loop3A_728 = arith.index_cast %parallel_loop3A_727 : i32 to index
        %parallel_loop3A_729 = tpu.vector_load %arg5[%parallel_loop3A_728] {strides = array<i32>} : memref<65536xi32, #tpu.memory_space<vmem>>, vector<16xi32>,
        %parallel_loop3A_730 = vector.shape_cast %parallel_loop3A_729 : vector<16xi32> to vector<16xi32>
        %parallel_loop3A_731 = vector.shape_cast %parallel_loop3A_725 : vector<16xi32> to vector<16xi32>
        tpu.vector_store %arg5[%parallel_loop3A_728], %parallel_loop3A_731 {strides = array<i32>} : memref<65536xi32, #tpu.memory_space<vmem>>, vector<16xi32>,
        %parallel_loop3A_732 = arith.subi %parallel_loop3A_703, %parallel_loop3A_711 : vector<16xi32>
        %parallel_loop3A_733 = arith.constant 256 : i32
        %parallel_loop3A_734 = arith.addi %parallel_loop3A_717, %parallel_loop3A_733 : i32
        %parallel_loop3A_735 = arith.index_cast %parallel_loop3A_734 : i32 to index
        %parallel_loop3A_736 = tpu.vector_load %arg5[%parallel_loop3A_735] {strides = array<i32>} : memref<65536xi32, #tpu.memory_space<vmem>>, vector<16xi32>,
        %parallel_loop3A_737 = vector.shape_cast %parallel_loop3A_736 : vector<16xi32> to vector<16xi32>
        %parallel_loop3A_738 = vector.shape_cast %parallel_loop3A_732 : vector<16xi32> to vector<16xi32>
        tpu.vector_store %arg5[%parallel_loop3A_735], %parallel_loop3A_738 {strides = array<i32>} : memref<65536xi32, #tpu.memory_space<vmem>>, vector<16xi32>,
        %parallel_loop3A_739 = arith.constant 384 : i32
        %parallel_loop3A_740 = arith.addi %parallel_loop3A_717, %parallel_loop3A_739 : i32
        %parallel_loop3A_741 = arith.index_cast %parallel_loop3A_740 : i32 to index
        %parallel_loop3A_742 = tpu.vector_load %arg5[%parallel_loop3A_741] {strides = array<i32>} : memref<65536xi32, #tpu.memory_space<vmem>>, vector<16xi32>,
        %parallel_loop3A_743 = vector.shape_cast %parallel_loop3A_742 : vector<16xi32> to vector<16xi32>
        %parallel_loop3A_744 = vector.shape_cast %parallel_loop3A_711 : vector<16xi32> to vector<16xi32>
        tpu.vector_store %arg5[%parallel_loop3A_741], %parallel_loop3A_744 {strides = array<i32>} : memref<65536xi32, #tpu.memory_space<vmem>>, vector<16xi32>,
        %parallel_loop3A_745 = arith.constant 128 : i32
        %parallel_loop3A_746 = arith.muli %parallel_loop3A_275, %parallel_loop3A_745 : i32
        %parallel_loop3A_747 = arith.constant 12288 : i32
        %parallel_loop3A_748 = arith.addi %parallel_loop3A_747, %parallel_loop3A_746 : i32
        %parallel_loop3A_749 = arith.constant 112 : i32
        %parallel_loop3A_750 = arith.addi %parallel_loop3A_748, %parallel_loop3A_749 : i32
        %parallel_loop3A_751 = arith.index_cast %parallel_loop3A_750 : i32 to index
        %parallel_loop3A_752 = tpu.vector_load %arg4[%parallel_loop3A_751] {strides = array<i32>} : memref<16384xf32, #tpu.memory_space<vmem>>, vector<16xf32>,
        %parallel_loop3A_753 = vector.shape_cast %parallel_loop3A_752 : vector<16xf32> to vector<16xf32>
        %parallel_loop3A_754 = math.absf %parallel_loop3A_753 : vector<16xf32>
        %parallel_loop3A_755 = arith.constant 1.000000e+02 : f32
        %parallel_loop3A_756 = vector.broadcast %parallel_loop3A_755 : f32 to vector<16xf32>
        %parallel_loop3A_757 = arith.cmpf ogt, %parallel_loop3A_754, %parallel_loop3A_756 : vector<16xf32>
        %parallel_loop3A_758 = arith.constant 1 : i32
        %parallel_loop3A_759 = arith.constant 0 : i32
        %parallel_loop3A_760 = vector.broadcast %parallel_loop3A_758 : i32 to vector<16xi32>
        %parallel_loop3A_761 = vector.broadcast %parallel_loop3A_759 : i32 to vector<16xi32>
        %parallel_loop3A_762 = arith.select %parallel_loop3A_757, %parallel_loop3A_760, %parallel_loop3A_761 : vector<16xi1>, vector<16xi32>
        %parallel_loop3A_763 = arith.constant 5.000000e+02 : f32
        %parallel_loop3A_764 = vector.broadcast %parallel_loop3A_763 : f32 to vector<16xf32>
        %parallel_loop3A_765 = arith.cmpf ogt, %parallel_loop3A_754, %parallel_loop3A_764 : vector<16xf32>
        %parallel_loop3A_766 = arith.constant 1 : i32
        %parallel_loop3A_767 = arith.constant 0 : i32
        %parallel_loop3A_768 = vector.broadcast %parallel_loop3A_766 : i32 to vector<16xi32>
        %parallel_loop3A_769 = vector.broadcast %parallel_loop3A_767 : i32 to vector<16xi32>
        %parallel_loop3A_770 = arith.select %parallel_loop3A_765, %parallel_loop3A_768, %parallel_loop3A_769 : vector<16xi1>, vector<16xi32>
        %parallel_loop3A_771 = arith.constant 1.000000e+03 : f32
        %parallel_loop3A_772 = vector.broadcast %parallel_loop3A_771 : f32 to vector<16xf32>
        %parallel_loop3A_773 = arith.cmpf ogt, %parallel_loop3A_754, %parallel_loop3A_772 : vector<16xf32>
        %parallel_loop3A_774 = arith.constant 1 : i32
        %parallel_loop3A_775 = arith.constant 0 : i32
        %parallel_loop3A_776 = vector.broadcast %parallel_loop3A_774 : i32 to vector<16xi32>
        %parallel_loop3A_777 = vector.broadcast %parallel_loop3A_775 : i32 to vector<16xi32>
        %parallel_loop3A_778 = arith.select %parallel_loop3A_773, %parallel_loop3A_776, %parallel_loop3A_777 : vector<16xi1>, vector<16xi32>
        %parallel_loop3A_779 = arith.constant 512 : i32
        %parallel_loop3A_780 = arith.muli %parallel_loop3A_275, %parallel_loop3A_779 : i32
        %parallel_loop3A_781 = arith.constant 49152 : i32
        %parallel_loop3A_782 = arith.addi %parallel_loop3A_781, %parallel_loop3A_780 : i32
        %parallel_loop3A_783 = arith.constant 112 : i32
        %parallel_loop3A_784 = arith.addi %parallel_loop3A_782, %parallel_loop3A_783 : i32
        %parallel_loop3A_785 = arith.constant 1 : i32
        %parallel_loop3A_786 = vector.broadcast %parallel_loop3A_785 : i32 to vector<16xi32>
        %parallel_loop3A_787 = arith.subi %parallel_loop3A_786, %parallel_loop3A_762 : vector<16xi32>
        %parallel_loop3A_788 = arith.index_cast %parallel_loop3A_784 : i32 to index
        %parallel_loop3A_789 = tpu.vector_load %arg5[%parallel_loop3A_788] {strides = array<i32>} : memref<65536xi32, #tpu.memory_space<vmem>>, vector<16xi32>,
        %parallel_loop3A_790 = vector.shape_cast %parallel_loop3A_789 : vector<16xi32> to vector<16xi32>
        %parallel_loop3A_791 = vector.shape_cast %parallel_loop3A_787 : vector<16xi32> to vector<16xi32>
        tpu.vector_store %arg5[%parallel_loop3A_788], %parallel_loop3A_791 {strides = array<i32>} : memref<65536xi32, #tpu.memory_space<vmem>>, vector<16xi32>,
        %parallel_loop3A_792 = arith.subi %parallel_loop3A_762, %parallel_loop3A_770 : vector<16xi32>
        %parallel_loop3A_793 = arith.constant 128 : i32
        %parallel_loop3A_794 = arith.addi %parallel_loop3A_784, %parallel_loop3A_793 : i32
        %parallel_loop3A_795 = arith.index_cast %parallel_loop3A_794 : i32 to index
        %parallel_loop3A_796 = tpu.vector_load %arg5[%parallel_loop3A_795] {strides = array<i32>} : memref<65536xi32, #tpu.memory_space<vmem>>, vector<16xi32>,
        %parallel_loop3A_797 = vector.shape_cast %parallel_loop3A_796 : vector<16xi32> to vector<16xi32>
        %parallel_loop3A_798 = vector.shape_cast %parallel_loop3A_792 : vector<16xi32> to vector<16xi32>
        tpu.vector_store %arg5[%parallel_loop3A_795], %parallel_loop3A_798 {strides = array<i32>} : memref<65536xi32, #tpu.memory_space<vmem>>, vector<16xi32>,
        %parallel_loop3A_799 = arith.subi %parallel_loop3A_770, %parallel_loop3A_778 : vector<16xi32>
        %parallel_loop3A_800 = arith.constant 256 : i32
        %parallel_loop3A_801 = arith.addi %parallel_loop3A_784, %parallel_loop3A_800 : i32
        %parallel_loop3A_802 = arith.index_cast %parallel_loop3A_801 : i32 to index
        %parallel_loop3A_803 = tpu.vector_load %arg5[%parallel_loop3A_802] {strides = array<i32>} : memref<65536xi32, #tpu.memory_space<vmem>>, vector<16xi32>,
        %parallel_loop3A_804 = vector.shape_cast %parallel_loop3A_803 : vector<16xi32> to vector<16xi32>
        %parallel_loop3A_805 = vector.shape_cast %parallel_loop3A_799 : vector<16xi32> to vector<16xi32>
        tpu.vector_store %arg5[%parallel_loop3A_802], %parallel_loop3A_805 {strides = array<i32>} : memref<65536xi32, #tpu.memory_space<vmem>>, vector<16xi32>,
        %parallel_loop3A_806 = arith.constant 384 : i32
        %parallel_loop3A_807 = arith.addi %parallel_loop3A_784, %parallel_loop3A_806 : i32
        %parallel_loop3A_808 = arith.index_cast %parallel_loop3A_807 : i32 to index
        %parallel_loop3A_809 = tpu.vector_load %arg5[%parallel_loop3A_808] {strides = array<i32>} : memref<65536xi32, #tpu.memory_space<vmem>>, vector<16xi32>,
        %parallel_loop3A_810 = vector.shape_cast %parallel_loop3A_809 : vector<16xi32> to vector<16xi32>
        %parallel_loop3A_811 = vector.shape_cast %parallel_loop3A_778 : vector<16xi32> to vector<16xi32>
        tpu.vector_store %arg5[%parallel_loop3A_808], %parallel_loop3A_811 {strides = array<i32>} : memref<65536xi32, #tpu.memory_space<vmem>>, vector<16xi32>,
      } {sc.loop_unroll_factor = 1 : i64, sc.parallel_access}
      %mul3A_253 = arith.constant 4096 : i32
      %mul3A_254 = arith.muli %add3A_232, %mul3A_253 : i32
      %mul3A_255 = arith.constant 4 : i32
      %mul3A_256 = arith.muli %mul3A_254, %mul3A_255 : i32
      %add3A_257 = arith.addi %mul3A_4, %mul3A_256 : i32
      %dma_start3A_258 = arith.constant 3 : i32
      %dma_start3A_259 = arith.constant 49152 : i32
      %dma_start3A_260 = tpu.memref_slice %arg5[%dma_start3A_259] : memref<65536xi32, #tpu.memory_space<vmem>> -> memref<16384xi32, #tpu.memory_space<vmem>>
      %dma_start3A_261 = tpu.memref_slice %arg3[%add3A_257] : memref<33554432xi32, #tpu.memory_space<hbm>> -> memref<16384xi32, #tpu.memory_space<hbm>>
      %dma_start3A_262 = tpu.memref_slice %arg7[%dma_start3A_258] : memref<4x!tpu.dma_semaphore, #tpu.memory_space<semaphore_mem>> -> memref<1x!tpu.dma_semaphore, #tpu.memory_space<semaphore_mem>>
      %dma_start3A_263 = tpu.memref_squeeze %dma_start3A_262 : memref<1x!tpu.dma_semaphore, #tpu.memory_space<semaphore_mem>> -> memref<!tpu.dma_semaphore, #tpu.memory_space<semaphore_mem>>
      %dma_start3A_264 = tpu.memref_slice %arg3[%add3A_257] : memref<33554432xi32, #tpu.memory_space<hbm>> -> memref<16384xi32, #tpu.memory_space<hbm>>
      %dma_start3A_265 = arith.constant 49152 : i32
      %dma_start3A_266 = tpu.memref_slice %arg5[%dma_start3A_265] : memref<65536xi32, #tpu.memory_space<vmem>> -> memref<16384xi32, #tpu.memory_space<vmem>>
      tpu.enqueue_dma source(%dma_start3A_266 : memref<16384xi32, #tpu.memory_space<vmem>>) target(%dma_start3A_264 : memref<16384xi32, #tpu.memory_space<hbm>>) target_semaphore(%dma_start3A_263 : memref<!tpu.dma_semaphore, #tpu.memory_space<semaphore_mem>>)
      %add3A_267 = arith.constant 4 : i32
      %add3A_268 = arith.addi %add3A_232, %add3A_267 : i32
      %lt3A_269 = arith.constant 64 : i32
      %lt3A_270 = arith.cmpi slt, %add3A_268, %lt3A_269 : i32
      %convert_element_type3A_271 = arith.extui %lt3A_270 : i1 to i32
      %cond3A_272 = arith.constant 0 : i32
      %cond3A_273 = arith.cmpi ne, %convert_element_type3A_271, %cond3A_272 : i32
      scf.if %cond3A_273 {
        %add3A_275 = arith.constant 4 : i32
        %add3A_276 = arith.addi %add3A_232, %add3A_275 : i32
        %mul3A_277 = arith.constant 4096 : i32
        %mul3A_278 = arith.muli %add3A_276, %mul3A_277 : i32
        %add3A_279 = arith.addi %mul3A_2, %mul3A_278 : i32
        %dma_start3A_280 = arith.constant 3 : i32
        %dma_start3A_281 = arith.constant 12288 : i32
        %dma_start3A_282 = tpu.memref_slice %arg4[%dma_start3A_281] : memref<16384xf32, #tpu.memory_space<vmem>> -> memref<4096xf32, #tpu.memory_space<vmem>>
        %dma_start3A_283 = tpu.memref_slice %arg2[%add3A_279] : memref<8388608xf32, #tpu.memory_space<hbm>> -> memref<4096xf32, #tpu.memory_space<hbm>>
        %dma_start3A_284 = tpu.memref_slice %arg6[%dma_start3A_280] : memref<4x!tpu.dma_semaphore, #tpu.memory_space<semaphore_mem>> -> memref<1x!tpu.dma_semaphore, #tpu.memory_space<semaphore_mem>>
        %dma_start3A_285 = tpu.memref_squeeze %dma_start3A_284 : memref<1x!tpu.dma_semaphore, #tpu.memory_space<semaphore_mem>> -> memref<!tpu.dma_semaphore, #tpu.memory_space<semaphore_mem>>
        %dma_start3A_286 = arith.constant 12288 : i32
        %dma_start3A_287 = tpu.memref_slice %arg4[%dma_start3A_286] : memref<16384xf32, #tpu.memory_space<vmem>> -> memref<4096xf32, #tpu.memory_space<vmem>>
        %dma_start3A_288 = tpu.memref_slice %arg2[%add3A_279] : memref<8388608xf32, #tpu.memory_space<hbm>> -> memref<4096xf32, #tpu.memory_space<hbm>>
        tpu.enqueue_dma source(%dma_start3A_288 : memref<4096xf32, #tpu.memory_space<hbm>>) target(%dma_start3A_287 : memref<4096xf32, #tpu.memory_space<vmem>>) target_semaphore(%dma_start3A_285 : memref<!tpu.dma_semaphore, #tpu.memory_space<semaphore_mem>>)
      } else {
      }
      %scan3A_274 = arith.constant 0 : i32
      scf.yield %scan3A_274 : i32
    }
    %scan3A_53 = arith.constant 16 : i32
    %add3A_54 = arith.constant 983040 : i32
    %add3A_55 = arith.addi %mul3A_4, %add3A_54 : i32
    %dma_wait3A = arith.constant 0 : i32
    %dma_wait3A_56 = arith.constant 0 : i32
    %dma_wait3A_57 = tpu.memref_slice %arg5[%dma_wait3A_56] : memref<65536xi32, #tpu.memory_space<vmem>> -> memref<16384xi32, #tpu.memory_space<vmem>>
    %dma_wait3A_58 = tpu.memref_slice %arg3[%add3A_55] : memref<33554432xi32, #tpu.memory_space<hbm>> -> memref<16384xi32, #tpu.memory_space<hbm>>
    %dma_wait3A_59 = tpu.memref_slice %arg7[%dma_wait3A] : memref<4x!tpu.dma_semaphore, #tpu.memory_space<semaphore_mem>> -> memref<1x!tpu.dma_semaphore, #tpu.memory_space<semaphore_mem>>
    %dma_wait3A_60 = tpu.memref_squeeze %dma_wait3A_59 : memref<1x!tpu.dma_semaphore, #tpu.memory_space<semaphore_mem>> -> memref<!tpu.dma_semaphore, #tpu.memory_space<semaphore_mem>>
    %dma_wait3A_61 = tpu.memref_slice %arg3[%add3A_55] : memref<33554432xi32, #tpu.memory_space<hbm>> -> memref<16384xi32, #tpu.memory_space<hbm>>
    %dma_wait3A_62 = arith.constant 0 : i32
    %dma_wait3A_63 = tpu.memref_slice %arg5[%dma_wait3A_62] : memref<65536xi32, #tpu.memory_space<vmem>> -> memref<16384xi32, #tpu.memory_space<vmem>>
    tpu.wait_dma2 semaphore(%dma_wait3A_60 : memref<!tpu.dma_semaphore, #tpu.memory_space<semaphore_mem>>) src(%dma_wait3A_63 : memref<16384xi32, #tpu.memory_space<vmem>>) dst(%dma_wait3A_61 : memref<16384xi32, #tpu.memory_space<hbm>>)
    %add3A_64 = arith.constant 999424 : i32
    %add3A_65 = arith.addi %mul3A_4, %add3A_64 : i32
    %dma_wait3A_66 = arith.constant 1 : i32
    %dma_wait3A_67 = arith.constant 16384 : i32
    %dma_wait3A_68 = tpu.memref_slice %arg5[%dma_wait3A_67] : memref<65536xi32, #tpu.memory_space<vmem>> -> memref<16384xi32, #tpu.memory_space<vmem>>
    %dma_wait3A_69 = tpu.memref_slice %arg3[%add3A_65] : memref<33554432xi32, #tpu.memory_space<hbm>> -> memref<16384xi32, #tpu.memory_space<hbm>>
    %dma_wait3A_70 = tpu.memref_slice %arg7[%dma_wait3A_66] : memref<4x!tpu.dma_semaphore, #tpu.memory_space<semaphore_mem>> -> memref<1x!tpu.dma_semaphore, #tpu.memory_space<semaphore_mem>>
    %dma_wait3A_71 = tpu.memref_squeeze %dma_wait3A_70 : memref<1x!tpu.dma_semaphore, #tpu.memory_space<semaphore_mem>> -> memref<!tpu.dma_semaphore, #tpu.memory_space<semaphore_mem>>
    %dma_wait3A_72 = tpu.memref_slice %arg3[%add3A_65] : memref<33554432xi32, #tpu.memory_space<hbm>> -> memref<16384xi32, #tpu.memory_space<hbm>>
    %dma_wait3A_73 = arith.constant 16384 : i32
    %dma_wait3A_74 = tpu.memref_slice %arg5[%dma_wait3A_73] : memref<65536xi32, #tpu.memory_space<vmem>> -> memref<16384xi32, #tpu.memory_space<vmem>>
    tpu.wait_dma2 semaphore(%dma_wait3A_71 : memref<!tpu.dma_semaphore, #tpu.memory_space<semaphore_mem>>) src(%dma_wait3A_74 : memref<16384xi32, #tpu.memory_space<vmem>>) dst(%dma_wait3A_72 : memref<16384xi32, #tpu.memory_space<hbm>>)
    %add3A_75 = arith.constant 1015808 : i32
    %add3A_76 = arith.addi %mul3A_4, %add3A_75 : i32
    %dma_wait3A_77 = arith.constant 2 : i32
    %dma_wait3A_78 = arith.constant 32768 : i32
    %dma_wait3A_79 = tpu.memref_slice %arg5[%dma_wait3A_78] : memref<65536xi32, #tpu.memory_space<vmem>> -> memref<16384xi32, #tpu.memory_space<vmem>>
    %dma_wait3A_80 = tpu.memref_slice %arg3[%add3A_76] : memref<33554432xi32, #tpu.memory_space<hbm>> -> memref<16384xi32, #tpu.memory_space<hbm>>
    %dma_wait3A_81 = tpu.memref_slice %arg7[%dma_wait3A_77] : memref<4x!tpu.dma_semaphore, #tpu.memory_space<semaphore_mem>> -> memref<1x!tpu.dma_semaphore, #tpu.memory_space<semaphore_mem>>
    %dma_wait3A_82 = tpu.memref_squeeze %dma_wait3A_81 : memref<1x!tpu.dma_semaphore, #tpu.memory_space<semaphore_mem>> -> memref<!tpu.dma_semaphore, #tpu.memory_space<semaphore_mem>>
    %dma_wait3A_83 = tpu.memref_slice %arg3[%add3A_76] : memref<33554432xi32, #tpu.memory_space<hbm>> -> memref<16384xi32, #tpu.memory_space<hbm>>
    %dma_wait3A_84 = arith.constant 32768 : i32
    %dma_wait3A_85 = tpu.memref_slice %arg5[%dma_wait3A_84] : memref<65536xi32, #tpu.memory_space<vmem>> -> memref<16384xi32, #tpu.memory_space<vmem>>
    tpu.wait_dma2 semaphore(%dma_wait3A_82 : memref<!tpu.dma_semaphore, #tpu.memory_space<semaphore_mem>>) src(%dma_wait3A_85 : memref<16384xi32, #tpu.memory_space<vmem>>) dst(%dma_wait3A_83 : memref<16384xi32, #tpu.memory_space<hbm>>)
    %add3A_86 = arith.constant 1032192 : i32
    %add3A_87 = arith.addi %mul3A_4, %add3A_86 : i32
    %dma_wait3A_88 = arith.constant 3 : i32
    %dma_wait3A_89 = arith.constant 49152 : i32
    %dma_wait3A_90 = tpu.memref_slice %arg5[%dma_wait3A_89] : memref<65536xi32, #tpu.memory_space<vmem>> -> memref<16384xi32, #tpu.memory_space<vmem>>
    %dma_wait3A_91 = tpu.memref_slice %arg3[%add3A_87] : memref<33554432xi32, #tpu.memory_space<hbm>> -> memref<16384xi32, #tpu.memory_space<hbm>>
    %dma_wait3A_92 = tpu.memref_slice %arg7[%dma_wait3A_88] : memref<4x!tpu.dma_semaphore, #tpu.memory_space<semaphore_mem>> -> memref<1x!tpu.dma_semaphore, #tpu.memory_space<semaphore_mem>>
    %dma_wait3A_93 = tpu.memref_squeeze %dma_wait3A_92 : memref<1x!tpu.dma_semaphore, #tpu.memory_space<semaphore_mem>> -> memref<!tpu.dma_semaphore, #tpu.memory_space<semaphore_mem>>
    %dma_wait3A_94 = tpu.memref_slice %arg3[%add3A_87] : memref<33554432xi32, #tpu.memory_space<hbm>> -> memref<16384xi32, #tpu.memory_space<hbm>>
    %dma_wait3A_95 = arith.constant 49152 : i32
    %dma_wait3A_96 = tpu.memref_slice %arg5[%dma_wait3A_95] : memref<65536xi32, #tpu.memory_space<vmem>> -> memref<16384xi32, #tpu.memory_space<vmem>>
    tpu.wait_dma2 semaphore(%dma_wait3A_93 : memref<!tpu.dma_semaphore, #tpu.memory_space<semaphore_mem>>) src(%dma_wait3A_96 : memref<16384xi32, #tpu.memory_space<vmem>>) dst(%dma_wait3A_94 : memref<16384xi32, #tpu.memory_space<hbm>>)
    return
  }
}

</mosaic_0001>

<sc_bundles>
// kernel: kernel.3.cloned.1.call-start
scs
__scs_entry_jumppad:
0x0: {  	(pc) =	sbr.rel $0x88, $3  }
0x1: {  	(tag) =	ssettag $0x0;
	lr =	simm.s32 $0x1  }
0x2: {  	[smem:$0x3FA0] =	sst lr;
	_ =	strace $0xD0000000  }
0x3: {  	_ = 	snop  }
0x4: {  	_ = 	snop  }
0x5: {  	_ = 	snop  }
0x6: {  	_ = 	snop  }
0x7: {  	_ = 	snop  }
__scs_overlays_trampoline_lowered:
0x8: {  	[smem:$0x3FAF] =	sst s0  }
0x9: {  	[smem:$0x3FB0] =	sst s1  }
0xa: {  	[smem:$0x3FB1] =	sst s2  }
0xb: {  	[smem:$0x3FB2] =	sst s3  }
0xc: {  	[smem:$0x3FB3] =	sst s4  }
0xd: {  	[smem:$0x3FB4] =	sst s5  }
0xe: {  	[smem:$0x3FB5] =	sst s6  }
0xf: {  	[smem:$0x3FB6] =	sst s7  }
0x10: {  	[smem:$0x3FB7] =	sst s8  }
0x11: {  	[smem:$0x3FB8] =	sst s9;
	s0 =	simm.s32 @!p0 $0x0  }
0x12: {  	s1 =	sld [smem:$0x3F9E];
	s0 =	simm.s32 @p0 $0x1  }
0x13: {  	[smem:$0x3FB9] =	sst s0;
	s0 =	simm.s32 @!p1 $0x0  }
0x14: {  	s2 =	sld [smem:$0x3F9D];
	s0 =	simm.s32 @p1 $0x1  }
0x15: {  	[smem:$0x3FBA] =	sst s0;
	s0 =	simm.s32 @!p2 $0x0  }
0x16: {  	s3 =	sld [smem:$0x3FDB];
	s0 =	simm.s32 @p2 $0x1  }
0x17: {  	s4 =	simm.s32 $0x1BF5;
	[smem:$0x3FBC] =	sst s0  }
0x18: {  	s0 =	sld [smem:$0x3F9F];
	_ =	swait.ge [sflag:s4], $0x0  }
0x19: {  	s7 =	sld [smem:$0x3FA0]  }
0x1a: {  	s8 =	sadd.s32 $0xFFFFE003, lr  }
0x1b: {  	s9 =	sadd.s32 $0xFFFFFEF7, lr;
	s5 =	simm.s32 $0xFFFFFFFF;
	p2 =	slt.u32 s8, $0xFFFFF086  }
0x1c: {  	p1 =	slt.u32 s9, $0xF7A;
	s5 =	simm.s32 @!p2 $0x0  }
0x1d: {  	s5 =	simm.s32 @p1 $0x1;
	p0 =	seq.s32 s7, s2  }
0x1e: {  	s7 =	smul.u32 @!p0 $0xF7A, s2;
	p2 =	seq.s32 @!p0 s5, $0x0  }
0x1f: {  	s9 =	smul.u32 $0xF7A, s1;
	s8 =	simm.s32 @!p0 $0x1BF5;
	p2 =	por !p2, p0  }
0x20: {  	[sflag:s8] =	ssyncset.s32 @!p0 $0xFFFFF086;
	s6 =	sadd.s32 @!p0 s3, s7;
	s7 =	simm.s32 @!p0 $0x108  }
0x21: {  	s3 =	sadd.s32 s3, s9;
	s6 =	sadd.s32 @!p0 $0x88, s6;
	s7 =	simm.s32 @p2 $0x1082  }
0x22: {  	[simem:s7], [sflag:s8] =	dma.local @!p0 [hbm:s6], $0xF7A  }
0x23: {  	s9 =	sor.u32 $0xD0000000, s2;
	s6 =	simm.s32 $0x108;
	_ =	swait.ge @!p0 [sflag:s8], $0x0  }
0x24: {  	s3 =	sadd.s32 $0x88, s3;
	s6 =	simm.s32 @!p1 $0x1082;
	[sflag:s4] =	ssyncset.s32 $0xFFFFF086  }
0x25: {  	[simem:s6], [sflag:s4] =	dma.local [hbm:s3], $0xF7A  }
0x26: {  	[smem:$0x3FA0] =	sst s1;
	(tag) =	ssettag s2;
	_ =	strace s9  }
0x27: {  	s1 =	sld [smem:$0x3FB0]  }
0x28: {  	s2 =	sld [smem:$0x3FB1]  }
0x29: {  	s4 =	sld [smem:$0x3FB3]  }
0x2a: {  	p0 =	seq.s32 s5, $0x0;
	s5 =	sld [smem:$0x3FB4]  }
0x2b: {  	s6 =	sld [smem:$0x3FB5]  }
0x2c: {  	s7 =	sld [smem:$0x3FB6]  }
0x2d: {  	s3 =	simm.s32 $0x108;
	s8 =	sld [smem:$0x3FB7]  }
0x2e: {  	s3 =	simm.s32 @!p0 $0x1082;
	s9 =	sld [smem:$0x3FB8]  }
0x2f: {  	lr =	sadd.s32 s0, s3;
	s0 =	sld [smem:$0x3FAF]  }
0x30: {  	s3 =	sld [smem:$0x3FB2]  }
0x31: {  	[smem:$0x3FBB] =	sst s10  }
0x32: {  	s10 =	sld [smem:$0x3FB9];
	_ =	sdelay $0x3  }
0x33: {  	p0 =	seq.s32 s10, $0x1;
	s10 =	sld [smem:$0x3FBB];
	_ =	sdelay $0x3  }
0x34: {  	[smem:$0x3FBB] =	sst s10  }
0x35: {  	s10 =	sld [smem:$0x3FBA];
	_ =	sdelay $0x3  }
0x36: {  	p1 =	seq.s32 s10, $0x1;
	s10 =	sld [smem:$0x3FBB];
	_ =	sdelay $0x3  }
0x37: {  	[smem:$0x3FBB] =	sst s10  }
0x38: {  	s10 =	sld [smem:$0x3FBC]  }
0x39: {  	_ = 	snop;
	(pc) =	sbr.ind lr, $3  }
0x3a: {  	_ = 	snop  }
0x3b: {  	_ = 	snop  }
0x3c: {  	p2 =	seq.s32 s10, $0x1;
	s10 =	sld [smem:$0x3FBB]  }
0x3d: {  	_ =	shalt  }
0x3e: {  	_ =	shalt  }
0x3f: {  	_ =	shalt  }
0x40: {  	_ =	shalt  }
0x41: {  	_ =	shalt  }
0x42: {  	_ =	shalt  }
0x43: {  	_ =	shalt  }
0x44: {  	_ =	shalt  }
0x45: {  	_ =	shalt  }
0x46: {  	_ =	shalt  }
0x47: {  	_ =	shalt  }
0x48: {  	_ =	shalt  }
0x49: {  	_ =	shalt  }
0x4a: {  	_ =	shalt  }
0x4b: {  	_ =	shalt  }
0x4c: {  	_ =	shalt  }
0x4d: {  	_ =	shalt  }
0x4e: {  	_ =	shalt  }
0x4f: {  	_ =	shalt  }
0x50: {  	_ =	shalt  }
0x51: {  	_ =	shalt  }
0x52: {  	_ =	shalt  }
0x53: {  	_ =	shalt  }
0x54: {  	_ =	shalt  }
0x55: {  	_ =	shalt  }
0x56: {  	_ =	shalt  }
0x57: {  	_ =	shalt  }
0x58: {  	_ =	shalt  }
0x59: {  	_ =	shalt  }
0x5a: {  	_ =	shalt  }
0x5b: {  	_ =	shalt  }
0x5c: {  	_ =	shalt  }
0x5d: {  	_ =	shalt  }
0x5e: {  	_ =	shalt  }
0x5f: {  	_ =	shalt  }
0x60: {  	_ =	shalt  }
0x61: {  	_ =	shalt  }
0x62: {  	_ =	shalt  }
0x63: {  	_ =	shalt  }
0x64: {  	_ =	shalt  }
0x65: {  	_ =	shalt  }
0x66: {  	_ =	shalt  }
0x67: {  	_ =	shalt  }
0x68: {  	_ =	shalt  }
0x69: {  	_ =	shalt  }
0x6a: {  	_ =	shalt  }
0x6b: {  	_ =	shalt  }
0x6c: {  	_ =	shalt  }
0x6d: {  	_ =	shalt  }
0x6e: {  	_ =	shalt  }
0x6f: {  	_ =	shalt  }
0x70: {  	_ =	shalt  }
0x71: {  	_ =	shalt  }
0x72: {  	_ =	shalt  }
0x73: {  	_ =	shalt  }
0x74: {  	_ =	shalt  }
0x75: {  	_ =	shalt  }
0x76: {  	_ =	shalt  }
0x77: {  	_ =	shalt  }
0x78: {  	_ =	shalt  }
0x79: {  	_ =	shalt  }
0x7a: {  	_ =	shalt  }
0x7b: {  	_ =	shalt  }
0x7c: {  	_ =	shalt  }
0x7d: {  	_ =	shalt  }
0x7e: {  	_ =	shalt  }
0x7f: {  	_ =	shalt  }
0x80: {  	_ =	shalt  }
0x81: {  	_ =	shalt  }
0x82: {  	_ =	shalt  }
0x83: {  	_ =	shalt  }
0x84: {  	_ =	shalt  }
0x85: {  	_ =	shalt  }
0x86: {  	_ =	shalt  }
0x87: {  	_ =	shalt  }
.Lfunc_end0:
.L_simem_size_0:
called_computation_lowered:
.L_overlay_start_0:
0x88: {  	s2 =	sld [smem:$0x3FD9]  }
0x89: {  	s3 =	sld [smem:$0x3FFE];
	_ =	sdelay $0x1  }
0x8a: {  	s1 =	srdreg.scid  }
0x8b: {  	s0 =	sand.u32 $0x1, s1  }
0x8c: {  	s18 =	sshll.u32 s0, $0xA;
	s2 =	sadd.s32 s3, s2  }
0x8d: {  	s2 =	sadd.s32 s2, s18  }
0x8e: {  	[smem:$0x3FC7] =	sst s2  }
0x8f: {  	_ = 	snop  }
0x90: {  	s2 =	sld [smem:$0x3FC9]  }
0x91: {  	s19 =	sld [smem:$0x3FD0];
	(tm) =	ssettm $0x1  }
0x92: {  	s4 =	sld [smem:$0x3FFB];
	_ =	sdelay $0x3  }
0x93: {  	_ =	strace s4  }
0x94: {  	s4 =	sld [smem:$0x3FFC];
	_ =	sdelay $0x3  }
0x95: {  	_ =	strace s4  }
0x96: {  	s4 =	sld [smem:$0x3FFD];
	_ =	sdelay $0x3  }
0x97: {  	_ =	strace s4  }
0x98: {  	_ =	strace $0x8FFFFFFF  }
0x99: {  	s20 =	sld [smem:$0x3FDB];
	_ =	sdelay $0x1  }
0x9a: {  	s5 =	simm.s32 $_scs_section_size  }
0x9b: {  	s6 =	simm.s32 $_size__tile_overlayer_lowered;
	s7 =	simm.s32 $_tile_overlayer_lowered  }
0x9c: {  	s23 =	simm.s32 $0x1BFF;
	s22 =	sshll.u32 s7, $0x1;
	s4 =	sadd.s32 s5, s20  }
0x9d: {  	s8 =	simm.s32 $0x0;
	s21 =	sshll.u32 s6, $0x1;
	s6 =	sadd.s32 s22, s4  }
0x9e: {  	[timem:s8], [sflag:s23] =	dma.local [hbm:s6], s21  }
0x9f: {  	_ =	swait.ge [sflag:s23], s21  }
0xa0: {  	s5 =	ssub.s32 $0x0, s21;
	[sflag:s23] =	ssyncset.done $0x0  }
0xa1: {  	[sflag:s23] =	ssyncadd.s32 s5;
	_ =	sdelay $0x1  }
0xa2: {  	s24 =	simm.s32 $0x1B8B  }
0xa3: {  	_ =	swait.ge [sflag:s24], $0x1  }
0xa4: {  	[sflag:s24] =	ssyncset.done $0x0  }
0xa5: {  	s25 =	simm.s32 $0x1B8E;
	[sflag:s24] =	ssyncadd.s32 $0xFFFFFFFF  }
0xa6: {  	s26 =	simm.s32 $execute0_lowered;
	[smem:$0x3FD2] =	sst s25  }
0xa7: {  	s5 =	sshll.u32 s26, $0x1;
	_ =	strace $0x80000046;
	[dreg:$0x1] =	wrdreg $0xFFFFFFFF  }
0xa8: {  	s28 =	simm.s32 $_size_execute0_lowered;
	s4 =	sadd.s32 s4, s5;
	[dreg:$0x0] =	wrdreg $0x0  }
0xa9: {  	s5 =	sshll.u32 s28, $0x1;
	[dreg:$0x2] =	wrdreg s4  }
0xaa: {  	[dreg:$0x3] =	wrdreg s5  }
0xab: {  	[dreg:$0x4] =	wrdreg $0xC0  }
0xac: {  	_ =	task [dreg:s8], $0x5FFFF  }
0xad: {  	[dreg:$0x1] =	wrdreg $0xFFFFFFFF  }
0xae: {  	[dreg:$0x0] =	wrdreg $0x60  }
0xaf: {  	[dreg:$0x2] =	wrdreg s2  }
0xb0: {  	[dreg:$0x3] =	wrdreg s19  }
0xb1: {  	[dreg:$0x4] =	wrdreg $0x9  }
0xb2: {  	_ =	task.clear_ibuf [dreg:s8], $0x5FFFF;
	_ =	strace $0x90000046  }
0xb3: {  	s29 =	simm.s32 $0x9;
	_ =	strace $0x80000048  }
0xb4: {  	_ =	swait.ge [sflag:s29], $0x1  }
0xb5: {  	[sflag:s29] =	ssyncadd.s32 $0xFFFFFFFF  }
0xb6: {  	_ =	strace $0x90000048  }
0xb7: {  	_ =	sfence  }
0xb8: {  	s30 =	sld [smem:$0x0];
	_ =	sdelay $0x2  }
0xb9: {  	s31 =	sshll.u32 s1, $0xD;
	s1 =	sshrl.u32 s1, $0x2  }
0xba: {  	s3 =	sand.u32 $0x4000, s31;
	s1 =	sadd.s32 s1, s30  }
0xbb: {  	s0 =	sor.u32 s3, s0;
	s1 =	sshll.u32 s1, $0x11  }
0xbc: {  	s0 =	sor.u32 s1, s0  }
0xbd: {  	s0 =	sadd.s32 $0x8F2B, s0  }
0xbe: {  	[sflag:s0] =	ssyncadd.remote.s32 $0x1  }
0xbf: {  	_ =	sfence.sel $0xFFFF  }
0xc0: {  	[dreg:$0x0] =	wrdreg $0xFFFFFFFF;
	(pc) =	sbr.abs _section_cstart, $3  }
0xc1: {  	[dreg:$0x1] =	wrdreg $0xFFFFFFFF  }
0xc2: {  	_ =	task.clear_ibuf [dreg:s8], $0x2FFFF;
	_ =	strace $0x9FFFFFFF  }
0xc3: {  	(tm) =	ssettm $0x7FFFFFFF  }
tec
execute0_lowered:
.L_overlay_start_1:
0x0: {  	(tag) =	ssettag $0x1  }
0x1: {  	s2 =	rddreg [dreg:$0x0]  }
0x2: {  	s3 =	rddreg [dreg:$0x1];
	s0 =	srdreg.scid  }
0x3: {  	s5 =	stileid.u32;
	s4 =	simm.s32 $0x0;
	s16 =	simm.s32 $0x2000  }
0x4: {  	s17 =	simm.s32 $0x3000;
	s18 =	simm.s32 $0x1;
	s19 =	simm.s32 $0x4000  }
0x5: {  	s20 =	simm.s32 $0x2;
	s21 =	simm.s32 $0x6;
	s22 =	simm.s32 $0x8000  }
0x6: {  	s23 =	simm.s32 $0x3;
	s24 =	simm.s32 $0x7;
	s28 =	simm.s32 $0x8  }
0x7: {  	s29 =	simm.s32 $0x10000;
	s0 =	sand.u32 $0x1, s0;
	s5 =	sshll.u32 s5, $0x1  }
0x8: {  	[smem:$0x7FF] =	sst s4;
	s1 =	ssub.s32 $0x2, s0;
	s0 =	sor.u32 s0, s5  }
0x9: {  	_ =	strace $0x80000047;
	s6 =	sshrl.u32 s1, $0x1;
	s25 =	sshll.u32 s0, $0xF  }
0xa: {  	s7 =	sshll.u32 s0, $0x12;
	s5 =	sshll.u32 s0, $0x14;
	s1 =	ssub.s32 s1, s6  }
0xb: {  	s26 =	sadd.s32 s2, s25;
	s10 =	sor.u32 $0x4000, s7;
	s11 =	sor.u32 $0x5000, s7  }
.Ltmp0:
0xc: {  	s6 =	sadd.s32 $0x200, s26;
	[dreg:$0x3] =	wrdreg s26;
	(pc) =	sbr.rel .LBB2_1-.Ltmp0, $4  }
0xd: {  	s12 =	sor.u32 $0x6000, s7;
	s30 =	sadd.s32 $0x400, s26;
	[dreg:$0x4] =	wrdreg s6  }
0xe: {  	s13 =	sor.u32 $0x7000, s7;
	s0 =	sadd.s32 $0x600, s26;
	[dreg:$0x5] =	wrdreg s30  }
0xf: {  	s25 =	simm.s32 $0xC000;
	s31 =	smax.u32 s1, $0x1;
	[dreg:$0x6] =	wrdreg s0  }
0x10: {  	v0 =	vimm.s32 $0x0;
	s26 =	simm.s32 $0x4;
	s1 =	simm.s32 $0x0;
	[dreg:$0x7] =	wrdreg s31  }
.LBB2_24:
0x11: {  	s0 =	simm.s32 $0x5  }
0x12: {  	_ =	swait.ge [sflag:s0], $0x4000  }
0x13: {  	[sflag:s0] =	ssyncset.done $0x0  }
0x14: {  	[sflag:s0] =	ssyncadd.s32 $0xFFFFC000  }
0x15: {  	_ =	swait.ge [sflag:s21], $0x4000  }
0x16: {  	[sflag:s21] =	ssyncset.done $0x0  }
0x17: {  	[sflag:s21] =	ssyncadd.s32 $0xFFFFC000  }
0x18: {  	_ =	swait.ge [sflag:s24], $0x4000  }
0x19: {  	[sflag:s24] =	ssyncset.done $0x0  }
0x1a: {  	[sflag:s24] =	ssyncadd.s32 $0xFFFFC000  }
0x1b: {  	_ =	swait.ge [sflag:s28], $0x4000  }
0x1c: {  	s1 =	rddreg [dreg:$0x8]  }
0x1d: {  	s31 =	rddreg [dreg:$0x7];
	s1 =	sadd.s32 $0x1, s1  }
0x1e: {  	p0 =	sne.s32 s1, s31  }
.Ltmp1:
0x1f: {  	_ = 	snop;
	(pc) =	sbr.rel @!p0 .LBB2_25-.Ltmp1, $3  }
0x20: {  	_ =	sdelay $0x1  }
0x21: {  	[sflag:s28] =	ssyncset.done $0x0  }
0x22: {  	[sflag:s28] =	ssyncadd.s32 $0xFFFFC000  }
.LBB2_1:
0x23: {  	[dreg:$0x8] =	wrdreg s1  }
0x24: {  	s0 =	rddreg [dreg:$0x3]  }
0x25: {  	[tilespmem:s4], [sflag:$0x1] =	stream.linear.gather [hbm4b:s0+s4], $0x1000, $0x38;
	[tilespmem:$0x14000] =	vst v63  }
0x26: {  	s14 =	rddreg [dreg:$0x4];
	s15 =	simm.s32 $0x1000  }
0x27: {  	[tilespmem:s15], [sflag:$0x2] =	stream.linear.gather [hbm4b:s14+s4], $0x1000, $0x38;
	[tilespmem:$0x14000] =	vst v63  }
0x28: {  	s30 =	rddreg [dreg:$0x5]  }
0x29: {  	[tilespmem:s16], [sflag:$0x3] =	stream.linear.gather [hbm4b:s30+s4], $0x1000, $0x38;
	[tilespmem:$0x14000] =	vst v63  }
0x2a: {  	s31 =	rddreg [dreg:$0x6];
	s0 =	simm.s32 $0x0  }
0x2b: {  	[tilespmem:s17], [sflag:$0x4] =	stream.linear.gather [hbm4b:s31+s4], $0x1000, $0x38;
	[tilespmem:$0x14000] =	vst v63  }
.LBB2_2:
0x2c: {  	_ =	swait.ge [sflag:s18], $0x1000  }
0x2d: {  	p0 =	seq.s32 s0, $0x0;
	[sflag:s18] =	ssyncset.done $0x0  }
0x2e: {  	s1 =	simm.s32 @!p0 $0x5;
	[sflag:s18] =	ssyncadd.s32 $0xFFFFF000  }
0x2f: {  	_ =	swait.ge @!p0 [sflag:s1], $0x4000  }
0x30: {  	[sflag:s1] =	ssyncset.done @!p0 $0x0  }
0x31: {  	s9 =	simm.s32 $0x0;
	[sflag:s1] =	ssyncadd.s32 @!p0 $0xFFFFC000  }
0x32: {  	v1 =	vld [tilespmem:s9+$0x0];
	_ =	sdelay $0x4  }
0x33: {  	v1 =	vand.u32 $0x7FFFFFFF, v1  }
0x34: {  	vm0 =	vgt.f32 v1, $1.000000000e+02;
	vm1 =	vgt.f32 v1, $1.000000000e+03  }
0x35: {  	s7 =	simm.s32 $0x4100;
	vm3 =	vgt.f32 v1, $5.000000000e+02;
	vm2 =	vmneg vm0;
	v1 =	vsel vm1, $0x1, v0  }
0x36: {  	v2 =	vsel vm0, $0x1, v0;
	v3 =	vsel vm3, $0x1, v0;
	v4 =	vsel vm2, $0x1, v0;
	[tilespmem:s7+$0x80] =	vst v1  }
0x37: {  	v2 =	vsub.s32 v2, v3;
	[tilespmem:s7+$0xFFFFFF00] =	vst v4  }
0x38: {  	v1 =	vsub.s32 v3, v1;
	[tilespmem:s7+$0xFFFFFF80] =	vst v2  }
0x39: {  	[tilespmem:s7+$0x0] =	vst v1  }
0x3a: {  	v1 =	vld [tilespmem:s9+$0x10];
	_ =	sdelay $0x4  }
0x3b: {  	v1 =	vand.u32 $0x7FFFFFFF, v1  }
0x3c: {  	vm6 =	vgt.f32 v1, $1.000000000e+02;
	vm7 =	vgt.f32 v1, $1.000000000e+03  }
0x3d: {  	vm9 =	vgt.f32 v1, $5.000000000e+02;
	vm8 =	vmneg vm6;
	v1 =	vsel vm7, $0x1, v0  }
0x3e: {  	v2 =	vsel vm6, $0x1, v0;
	v3 =	vsel vm9, $0x1, v0;
	v4 =	vsel vm8, $0x1, v0;
	[tilespmem:s7+$0x90] =	vst v1  }
0x3f: {  	v2 =	vsub.s32 v2, v3;
	[tilespmem:s7+$0xFFFFFF10] =	vst v4  }
0x40: {  	v1 =	vsub.s32 v3, v1;
	[tilespmem:s7+$0xFFFFFF90] =	vst v2  }
0x41: {  	[tilespmem:s7+$0x10] =	vst v1  }
0x42: {  	v1 =	vld [tilespmem:s9+$0x20];
	_ =	sdelay $0x4  }
0x43: {  	v1 =	vand.u32 $0x7FFFFFFF, v1  }
0x44: {  	vm10 =	vgt.f32 v1, $1.000000000e+02;
	vm11 =	vgt.f32 v1, $1.000000000e+03  }
0x45: {  	s14 =	simm.s32 $0x80;
	vm13 =	vgt.f32 v1, $5.000000000e+02;
	vm12 =	vmneg vm10;
	v1 =	vsel vm11, $0x1, v0  }
0x46: {  	v2 =	vld [tilespmem:s14+$0x0];
	v3 =	vsel vm10, $0x1, v0;
	v4 =	vsel vm13, $0x1, v0;
	v5 =	vsel vm12, $0x1, v0;
	[tilespmem:s7+$0xA0] =	vst v1  }
0x47: {  	v3 =	vsub.s32 v3, v4;
	[tilespmem:s7+$0xFFFFFF20] =	vst v5  }
0x48: {  	v1 =	vsub.s32 v4, v1;
	[tilespmem:s7+$0xFFFFFFA0] =	vst v3  }
0x49: {  	[tilespmem:s7+$0x20] =	vst v1  }
0x4a: {  	v1 =	vld [tilespmem:s9+$0x30]  }
0x4b: {  	v2 =	vand.u32 $0x7FFFFFFF, v2  }
0x4c: {  	vm14 =	vgt.f32 v2, $1.000000000e+02;
	vm15 =	vgt.f32 v2, $1.000000000e+03  }
0x4d: {  	s8 =	simm.s32 $0x4300;
	vm7 =	vgt.f32 v2, $5.000000000e+02;
	vm6 =	vmneg vm14;
	v2 =	vsel vm15, $0x1, v0  }
0x4e: {  	[tilespmem:s8+$0x80] =	vst v2;
	v4 =	vsel vm7, $0x1, v0;
	v5 =	vsel vm6, $0x1, v0  }
0x4f: {  	v3 =	vsel vm14, $0x1, v0;
	v2 =	vsub.s32 v4, v2;
	[tilespmem:s8+$0xFFFFFF00] =	vst v5;
	v1 =	vand.u32 $0x7FFFFFFF, v1  }
0x50: {  	v3 =	vsub.s32 v3, v4;
	[tilespmem:s8+$0x0] =	vst v2;
	vm8 =	vgt.f32 v1, $1.000000000e+02;
	vm9 =	vgt.f32 v1, $1.000000000e+03  }
0x51: {  	[tilespmem:s8+$0xFFFFFF80] =	vst v3;
	vm11 =	vgt.f32 v1, $5.000000000e+02;
	vm10 =	vmneg vm8;
	v1 =	vsel vm9, $0x1, v0  }
0x52: {  	v2 =	vld [tilespmem:s14+$0x10];
	v3 =	vsel vm8, $0x1, v0;
	v4 =	vsel vm11, $0x1, v0;
	v5 =	vsel vm10, $0x1, v0;
	[tilespmem:s7+$0xB0] =	vst v1  }
0x53: {  	v3 =	vsub.s32 v3, v4;
	[tilespmem:s7+$0xFFFFFF30] =	vst v5  }
0x54: {  	v1 =	vsub.s32 v4, v1;
	[tilespmem:s7+$0xFFFFFFB0] =	vst v3  }
0x55: {  	[tilespmem:s7+$0x30] =	vst v1  }
0x56: {  	v1 =	vld [tilespmem:s9+$0x40]  }
0x57: {  	v2 =	vand.u32 $0x7FFFFFFF, v2  }
0x58: {  	vm12 =	vgt.f32 v2, $1.000000000e+02;
	vm13 =	vgt.f32 v2, $1.000000000e+03  }
0x59: {  	vm15 =	vgt.f32 v2, $5.000000000e+02;
	vm14 =	vmneg vm12;
	v2 =	vsel vm13, $0x1, v0  }
0x5a: {  	v3 =	vsel vm12, $0x1, v0;
	v4 =	vsel vm15, $0x1, v0;
	v5 =	vsel vm14, $0x1, v0;
	[tilespmem:s8+$0x90] =	vst v2  }
0x5b: {  	v3 =	vsub.s32 v3, v4;
	[tilespmem:s8+$0xFFFFFF10] =	vst v5;
	v1 =	vand.u32 $0x7FFFFFFF, v1  }
0x5c: {  	v2 =	vsub.s32 v4, v2;
	[tilespmem:s8+$0xFFFFFF90] =	vst v3;
	vm6 =	vgt.f32 v1, $1.000000000e+02;
	vm7 =	vgt.f32 v1, $1.000000000e+03  }
0x5d: {  	[tilespmem:s8+$0x10] =	vst v2;
	vm9 =	vgt.f32 v1, $5.000000000e+02;
	vm8 =	vmneg vm6;
	v1 =	vsel vm7, $0x1, v0  }
0x5e: {  	v2 =	vld [tilespmem:s14+$0x20];
	v3 =	vsel vm6, $0x1, v0;
	v4 =	vsel vm9, $0x1, v0;
	v5 =	vsel vm8, $0x1, v0;
	[tilespmem:s7+$0xC0] =	vst v1  }
0x5f: {  	v3 =	vsub.s32 v3, v4;
	[tilespmem:s7+$0xFFFFFF40] =	vst v5  }
0x60: {  	v1 =	vsub.s32 v4, v1;
	[tilespmem:s7+$0xFFFFFFC0] =	vst v3  }
0x61: {  	[tilespmem:s7+$0x40] =	vst v1  }
0x62: {  	v1 =	vld [tilespmem:s9+$0x50]  }
0x63: {  	v2 =	vand.u32 $0x7FFFFFFF, v2  }
0x64: {  	vm10 =	vgt.f32 v2, $1.000000000e+02;
	vm11 =	vgt.f32 v2, $1.000000000e+03  }
0x65: {  	s30 =	simm.s32 $0x100;
	vm13 =	vgt.f32 v2, $5.000000000e+02;
	vm12 =	vmneg vm10;
	v2 =	vsel vm11, $0x1, v0  }
0x66: {  	v3 =	vld [tilespmem:s30+$0x0];
	v4 =	vsel vm10, $0x1, v0;
	v5 =	vsel vm13, $0x1, v0;
	v6 =	vsel vm12, $0x1, v0;
	[tilespmem:s8+$0xA0] =	vst v2  }
0x67: {  	v4 =	vsub.s32 v4, v5;
	[tilespmem:s8+$0xFFFFFF20] =	vst v6;
	v1 =	vand.u32 $0x7FFFFFFF, v1  }
0x68: {  	v2 =	vsub.s32 v5, v2;
	[tilespmem:s8+$0xFFFFFFA0] =	vst v4;
	vm14 =	vgt.f32 v1, $1.000000000e+02;
	vm15 =	vgt.f32 v1, $1.000000000e+03  }
0x69: {  	[tilespmem:s8+$0x20] =	vst v2;
	vm7 =	vgt.f32 v1, $5.000000000e+02;
	vm6 =	vmneg vm14;
	v1 =	vsel vm15, $0x1, v0  }
0x6a: {  	v2 =	vld [tilespmem:s14+$0x30];
	v4 =	vsel vm14, $0x1, v0;
	v5 =	vsel vm7, $0x1, v0;
	v6 =	vsel vm6, $0x1, v0;
	[tilespmem:s7+$0xD0] =	vst v1  }
0x6b: {  	v3 =	vand.u32 $0x7FFFFFFF, v3;
	v4 =	vsub.s32 v4, v5;
	[tilespmem:s7+$0xFFFFFF50] =	vst v6  }
0x6c: {  	vm8 =	vgt.f32 v3, $1.000000000e+02;
	vm9 =	vgt.f32 v3, $1.000000000e+03;
	v1 =	vsub.s32 v5, v1;
	[tilespmem:s7+$0xFFFFFFD0] =	vst v4  }
0x6d: {  	s6 =	simm.s32 $0x4500;
	vm11 =	vgt.f32 v3, $5.000000000e+02;
	vm10 =	vmneg vm8;
	v3 =	vsel vm9, $0x1, v0;
	[tilespmem:s7+$0x50] =	vst v1  }
0x6e: {  	[tilespmem:s6+$0x80] =	vst v3;
	v5 =	vsel vm10, $0x1, v0;
	v1 =	vsel vm8, $0x1, v0;
	v4 =	vsel vm11, $0x1, v0;
	v6 =	vld [tilespmem:s9+$0x60]  }
0x6f: {  	v2 =	vand.u32 $0x7FFFFFFF, v2;
	[tilespmem:s6+$0xFFFFFF00] =	vst v5;
	v1 =	vsub.s32 v1, v4  }
0x70: {  	vm12 =	vgt.f32 v2, $1.000000000e+02;
	vm13 =	vgt.f32 v2, $1.000000000e+03;
	[tilespmem:s6+$0xFFFFFF80] =	vst v1;
	v1 =	vsub.s32 v4, v3  }
0x71: {  	vm15 =	vgt.f32 v2, $5.000000000e+02;
	vm14 =	vmneg vm12;
	v2 =	vsel vm13, $0x1, v0;
	[tilespmem:s6+$0x0] =	vst v1  }
0x72: {  	[tilespmem:s8+$0xB0] =	vst v2;
	v3 =	vsel vm15, $0x1, v0;
	v4 =	vsel vm14, $0x1, v0;
	v1 =	vsel vm12, $0x1, v0;
	v5 =	vld [tilespmem:s30+$0x10]  }
0x73: {  	s15 =	simm.s32 $0x600;
	s1 =	sshll.u32 s0, $0xE;
	[tilespmem:s8+$0xFFFFFF30] =	vst v4;
	v4 =	vsub.s32 v1, v3;
	v1 =	vand.u32 $0x7FFFFFFF, v6  }
.LBB2_3:
0x74: {  	p1 =	sne.s32 s15, $0x3E00;
	[tilespmem:s8+$0xFFFFFFB0] =	vst v4;
	v2 =	vsub.s32 v3, v2;
	vm0 =	vgt.f32 v1, $1.000000000e+02;
	vm1 =	vgt.f32 v1, $1.000000000e+03  }
0x75: {  	vm3 =	vgt.f32 v1, $5.000000000e+02;
	[tilespmem:s8+$0x30] =	vst v2;
	vm2 =	vmneg vm0;
	v1 =	vsel vm1, $0x1, v0  }
0x76: {  	v3 =	vsel vm0, $0x1, v0;
	v4 =	vsel vm3, $0x1, v0;
	v2 =	vld [tilespmem:s14+$0x40];
	v6 =	vsel vm2, $0x1, v0;
	[tilespmem:s7+$0xE0] =	vst v1  }
0x77: {  	v3 =	vsub.s32 v3, v4;
	v5 =	vand.u32 $0x7FFFFFFF, v5;
	[tilespmem:s7+$0xFFFFFF60] =	vst v6  }
0x78: {  	v1 =	vsub.s32 v4, v1;
	vm0 =	vgt.f32 v5, $1.000000000e+02;
	vm1 =	vgt.f32 v5, $1.000000000e+03;
	[tilespmem:s7+$0xFFFFFFE0] =	vst v3  }
0x79: {  	vm3 =	vgt.f32 v5, $5.000000000e+02;
	vm2 =	vmneg vm0;
	v3 =	vsel vm1, $0x1, v0;
	[tilespmem:s7+$0x60] =	vst v1  }
0x7a: {  	v1 =	vsel vm0, $0x1, v0;
	v4 =	vsel vm3, $0x1, v0;
	v5 =	vsel vm2, $0x1, v0;
	[tilespmem:s6+$0x90] =	vst v3;
	v6 =	vld [tilespmem:s9+$0x70];
	s9 =	smov.u32 s14;
	s14 =	smov.u32 s30  }
0x7b: {  	v1 =	vsub.s32 v1, v4;
	[tilespmem:s6+$0xFFFFFF10] =	vst v5;
	v2 =	vand.u32 $0x7FFFFFFF, v2  }
0x7c: {  	[tilespmem:s6+$0xFFFFFF90] =	vst v1;
	v1 =	vsub.s32 v4, v3;
	vm0 =	vgt.f32 v2, $1.000000000e+02;
	vm1 =	vgt.f32 v2, $1.000000000e+03  }
0x7d: {  	vm3 =	vgt.f32 v2, $5.000000000e+02;
	[tilespmem:s6+$0x10] =	vst v1;
	vm2 =	vmneg vm0;
	v1 =	vsel vm1, $0x1, v0  }
0x7e: {  	v3 =	vsel vm0, $0x1, v0;
	v4 =	vsel vm3, $0x1, v0;
	v2 =	vld [tilespmem:s14+$0x20];
	v5 =	vsel vm2, $0x1, v0;
	[tilespmem:s8+$0xC0] =	vst v1  }
0x7f: {  	v3 =	vsub.s32 v3, v4;
	[tilespmem:s8+$0xFFFFFF40] =	vst v5;
	v5 =	vand.u32 $0x7FFFFFFF, v6  }
0x80: {  	v1 =	vsub.s32 v4, v1;
	[tilespmem:s8+$0xFFFFFFC0] =	vst v3;
	vm0 =	vgt.f32 v5, $5.000000000e+02;
	vm1 =	vgt.f32 v5, $1.000000000e+03  }
0x81: {  	vm2 =	vgt.f32 v5, $1.000000000e+02;
	[tilespmem:s8+$0x40] =	vst v1;
	v1 =	vsel vm0, $0x1, v0;
	v3 =	vsel vm1, $0x1, v0  }
0x82: {  	vm0 =	vmneg vm2;
	v5 =	vsel vm2, $0x1, v0;
	v4 =	vld [tilespmem:s9+$0x50];
	v6 =	vsub.s32 v1, v3;
	[tilespmem:s7+$0xF0] =	vst v3  }
0x83: {  	v3 =	vsel vm0, $0x1, v0;
	v1 =	vsub.s32 v5, v1;
	v2 =	vand.u32 $0x7FFFFFFF, v2;
	[tilespmem:s7+$0x70] =	vst v6  }
0x84: {  	vm0 =	vgt.f32 v2, $1.000000000e+02;
	vm1 =	vgt.f32 v2, $1.000000000e+03;
	[tilespmem:s7+$0xFFFFFF70] =	vst v3  }
0x85: {  	s30 =	sshra.s32 s15, $0x2;
	vm3 =	vgt.f32 v2, $5.000000000e+02;
	vm2 =	vmneg vm0;
	v2 =	vsel vm1, $0x1, v0;
	[tilespmem:s7+$0xFFFFFFF0] =	vst v1;
	s7 =	smov.u32 s8;
	s8 =	smov.u32 s6  }
0x86: {  	v3 =	vsel vm0, $0x1, v0;
	v5 =	vsel vm3, $0x1, v0;
	v1 =	vld [tilespmem:s30+$0x0];
	v6 =	vsel vm2, $0x1, v0;
	[tilespmem:s6+$0xA0] =	vst v2  }
0x87: {  	v3 =	vsub.s32 v3, v5;
	[tilespmem:s6+$0xFFFFFF20] =	vst v6;
	v4 =	vand.u32 $0x7FFFFFFF, v4  }
0x88: {  	v2 =	vsub.s32 v5, v2;
	[tilespmem:s6+$0xFFFFFFA0] =	vst v3;
	vm0 =	vgt.f32 v4, $1.000000000e+02;
	vm1 =	vgt.f32 v4, $1.000000000e+03  }
0x89: {  	vm3 =	vgt.f32 v4, $5.000000000e+02;
	[tilespmem:s6+$0x20] =	vst v2;
	vm2 =	vmneg vm0;
	v2 =	vsel vm1, $0x1, v0  }
0x8a: {  	v4 =	vsel vm0, $0x1, v0;
	v5 =	vsel vm3, $0x1, v0;
	v3 =	vld [tilespmem:s14+$0x30];
	v6 =	vsel vm2, $0x1, v0;
	[tilespmem:s7+$0xD0] =	vst v2  }
0x8b: {  	v4 =	vsub.s32 v4, v5;
	v1 =	vand.u32 $0x7FFFFFFF, v1;
	[tilespmem:s7+$0xFFFFFF50] =	vst v6  }
0x8c: {  	v2 =	vsub.s32 v5, v2;
	vm0 =	vgt.f32 v1, $1.000000000e+02;
	vm1 =	vgt.f32 v1, $1.000000000e+03;
	[tilespmem:s7+$0xFFFFFFD0] =	vst v4  }
0x8d: {  	s6 =	sadd.s32 $0x200, s6;
	vm3 =	vgt.f32 v1, $5.000000000e+02;
	vm2 =	vmneg vm0;
	v1 =	vsel vm1, $0x1, v0;
	[tilespmem:s7+$0x50] =	vst v2  }
0x8e: {  	v2 =	vsel vm0, $0x1, v0;
	v4 =	vsel vm3, $0x1, v0;
	v5 =	vsel vm2, $0x1, v0;
	[tilespmem:s6+$0x80] =	vst v1;
	v6 =	vld [tilespmem:s9+$0x60]  }
.Ltmp2:
0x8f: {  	v2 =	vsub.s32 v2, v4;
	[tilespmem:s6+$0xFFFFFF00] =	vst v5;
	v3 =	vand.u32 $0x7FFFFFFF, v3;
	(pc) =	sbr.rel @p1 .LBB2_3-.Ltmp2, $4  }
0x90: {  	v1 =	vsub.s32 v4, v1;
	[tilespmem:s6+$0xFFFFFF80] =	vst v2;
	vm0 =	vgt.f32 v3, $1.000000000e+02;
	vm1 =	vgt.f32 v3, $1.000000000e+03  }
0x91: {  	vm3 =	vgt.f32 v3, $5.000000000e+02;
	[tilespmem:s6+$0x0] =	vst v1;
	vm2 =	vmneg vm0;
	v2 =	vsel vm1, $0x1, v0  }
0x92: {  	v1 =	vsel vm0, $0x1, v0;
	v3 =	vsel vm3, $0x1, v0;
	v5 =	vld [tilespmem:s30+$0x10];
	v4 =	vsel vm2, $0x1, v0;
	[tilespmem:s8+$0xB0] =	vst v2  }
0x93: {  	s15 =	sadd.s32 $0x200, s15;
	[tilespmem:s8+$0xFFFFFF30] =	vst v4;
	v4 =	vsub.s32 v1, v3;
	v1 =	vand.u32 $0x7FFFFFFF, v6  }
0x94: {  	_ =	sdelay $0x2  }
0x95: {  	v5 =	vand.u32 $0x7FFFFFFF, v5  }
0x96: {  	vm0 =	vgt.f32 v5, $1.000000000e+02;
	vm1 =	vgt.f32 v5, $1.000000000e+03  }
0x97: {  	vm3 =	vgt.f32 v5, $5.000000000e+02;
	vm2 =	vmneg vm0;
	v32 =	vsel vm1, $0x1, v0  }
0x98: {  	v6 =	vsel vm0, $0x1, v0;
	v7 =	vsel vm3, $0x1, v0;
	v8 =	vsel vm2, $0x1, v0;
	[tilespmem:s6+$0x90] =	vst v32  }
0x99: {  	v6 =	vsub.s32 v6, v7;
	[tilespmem:s6+$0xFFFFFF10] =	vst v8  }
0x9a: {  	v5 =	vsub.s32 v7, v32;
	[tilespmem:s6+$0xFFFFFF90] =	vst v6  }
0x9b: {  	[tilespmem:s6+$0x10] =	vst v5  }
0x9c: {  	v5 =	vld [tilespmem:s30+$0x20];
	_ =	sdelay $0x4  }
0x9d: {  	v5 =	vand.u32 $0x7FFFFFFF, v5  }
0x9e: {  	vm10 =	vgt.f32 v5, $1.000000000e+02;
	vm11 =	vgt.f32 v5, $1.000000000e+03  }
0x9f: {  	vm13 =	vgt.f32 v5, $5.000000000e+02;
	vm12 =	vmneg vm10;
	v33 =	vsel vm11, $0x1, v0  }
0xa0: {  	v34 =	vsel vm10, $0x1, v0;
	v35 =	vsel vm13, $0x1, v0;
	v36 =	vsel vm12, $0x1, v0;
	[tilespmem:s6+$0xA0] =	vst v33  }
0xa1: {  	v6 =	vsub.s32 v34, v35;
	[tilespmem:s6+$0xFFFFFF20] =	vst v36  }
0xa2: {  	v5 =	vsub.s32 v35, v33;
	[tilespmem:s6+$0xFFFFFFA0] =	vst v6  }
0xa3: {  	[tilespmem:s6+$0x20] =	vst v5  }
0xa4: {  	v5 =	vld [tilespmem:s30+$0x30];
	_ =	sdelay $0x4  }
0xa5: {  	v5 =	vand.u32 $0x7FFFFFFF, v5  }
0xa6: {  	[tilespmem:s8+$0xFFFFFFB0] =	vst v4;
	v2 =	vsub.s32 v3, v2;
	vm14 =	vgt.f32 v5, $1.000000000e+02;
	vm15 =	vgt.f32 v5, $1.000000000e+03  }
0xa7: {  	[tilespmem:s8+$0x30] =	vst v2;
	vm7 =	vgt.f32 v5, $5.000000000e+02;
	vm6 =	vmneg vm14;
	v2 =	vsel vm15, $0x1, v0  }
0xa8: {  	v3 =	vld [tilespmem:s14+$0x40];
	v37 =	vsel vm14, $0x1, v0;
	v5 =	vsel vm7, $0x1, v0;
	v38 =	vsel vm6, $0x1, v0;
	[tilespmem:s6+$0xB0] =	vst v2  }
0xa9: {  	v4 =	vsub.s32 v37, v5;
	[tilespmem:s6+$0xFFFFFF30] =	vst v38  }
0xaa: {  	v2 =	vsub.s32 v5, v2;
	[tilespmem:s6+$0xFFFFFFB0] =	vst v4  }
0xab: {  	[tilespmem:s6+$0x30] =	vst v2  }
0xac: {  	v2 =	vld [tilespmem:s30+$0x40]  }
0xad: {  	v3 =	vand.u32 $0x7FFFFFFF, v3  }
0xae: {  	vm8 =	vgt.f32 v3, $1.000000000e+02;
	vm9 =	vgt.f32 v3, $1.000000000e+03  }
0xaf: {  	vm10 =	vmneg vm8;
	vm11 =	vgt.f32 v3, $5.000000000e+02;
	v3 =	vsel vm9, $0x1, v0  }
0xb0: {  	v40 =	vsel vm11, $0x1, v0;
	v41 =	vsel vm10, $0x1, v0;
	[tilespmem:s8+$0xC0] =	vst v3  }
0xb1: {  	v39 =	vsel vm8, $0x1, v0;
	[tilespmem:s8+$0xFFFFFF40] =	vst v41;
	v3 =	vsub.s32 v40, v3;
	v2 =	vand.u32 $0x7FFFFFFF, v2  }
0xb2: {  	[tilespmem:s8+$0x40] =	vst v3;
	v4 =	vsub.s32 v39, v40;
	vm12 =	vgt.f32 v2, $1.000000000e+02;
	vm13 =	vgt.f32 v2, $1.000000000e+03  }
0xb3: {  	[tilespmem:s8+$0xFFFFFFC0] =	vst v4;
	vm15 =	vgt.f32 v2, $5.000000000e+02;
	vm14 =	vmneg vm12;
	v2 =	vsel vm13, $0x1, v0  }
0xb4: {  	v3 =	vld [tilespmem:s14+$0x50];
	v42 =	vsel vm12, $0x1, v0;
	v43 =	vsel vm15, $0x1, v0;
	v44 =	vsel vm14, $0x1, v0;
	[tilespmem:s6+$0xC0] =	vst v2  }
0xb5: {  	v4 =	vsub.s32 v42, v43;
	[tilespmem:s6+$0xFFFFFF40] =	vst v44  }
0xb6: {  	v2 =	vsub.s32 v43, v2;
	[tilespmem:s6+$0xFFFFFFC0] =	vst v4  }
0xb7: {  	[tilespmem:s6+$0x40] =	vst v2  }
0xb8: {  	v2 =	vld [tilespmem:s30+$0x50]  }
0xb9: {  	v3 =	vand.u32 $0x7FFFFFFF, v3  }
0xba: {  	vm6 =	vgt.f32 v3, $1.000000000e+02;
	vm7 =	vgt.f32 v3, $1.000000000e+03  }
0xbb: {  	vm9 =	vgt.f32 v3, $5.000000000e+02;
	vm8 =	vmneg vm6;
	v3 =	vsel vm7, $0x1, v0  }
0xbc: {  	v45 =	vsel vm6, $0x1, v0;
	v46 =	vsel vm9, $0x1, v0;
	v47 =	vsel vm8, $0x1, v0;
	[tilespmem:s8+$0xD0] =	vst v3  }
0xbd: {  	v4 =	vsub.s32 v45, v46;
	[tilespmem:s8+$0xFFFFFF50] =	vst v47;
	v2 =	vand.u32 $0x7FFFFFFF, v2  }
0xbe: {  	v3 =	vsub.s32 v46, v3;
	[tilespmem:s8+$0xFFFFFFD0] =	vst v4;
	vm10 =	vgt.f32 v2, $1.000000000e+02;
	vm11 =	vgt.f32 v2, $1.000000000e+03  }
0xbf: {  	[tilespmem:s8+$0x50] =	vst v3;
	vm13 =	vgt.f32 v2, $5.000000000e+02;
	vm12 =	vmneg vm10;
	v2 =	vsel vm11, $0x1, v0  }
0xc0: {  	v3 =	vld [tilespmem:s14+$0x60];
	v48 =	vsel vm10, $0x1, v0;
	v49 =	vsel vm13, $0x1, v0;
	v50 =	vsel vm12, $0x1, v0;
	[tilespmem:s6+$0xD0] =	vst v2  }
0xc1: {  	v4 =	vsub.s32 v48, v49;
	[tilespmem:s6+$0xFFFFFF50] =	vst v50  }
0xc2: {  	vm15 =	vgt.f32 v1, $1.000000000e+03;
	vm14 =	vgt.f32 v1, $1.000000000e+02;
	v2 =	vsub.s32 v49, v2;
	[tilespmem:s6+$0xFFFFFFD0] =	vst v4  }
0xc3: {  	vm7 =	vgt.f32 v1, $5.000000000e+02;
	v1 =	vsel vm15, $0x1, v0;
	vm6 =	vmneg vm14;
	[tilespmem:s6+$0x50] =	vst v2  }
0xc4: {  	v51 =	vsel vm7, $0x1, v0;
	[tilespmem:s7+$0xE0] =	vst v1;
	v52 =	vsel vm6, $0x1, v0;
	v6 =	vld [tilespmem:s30+$0x60]  }
0xc5: {  	v1 =	vsub.s32 v51, v1;
	[tilespmem:s7+$0xFFFFFF60] =	vst v52;
	v3 =	vand.u32 $0x7FFFFFFF, v3;
	v2 =	vsel vm14, $0x1, v0  }
0xc6: {  	[tilespmem:s7+$0x60] =	vst v1;
	vm8 =	vgt.f32 v3, $1.000000000e+02;
	vm9 =	vgt.f32 v3, $1.000000000e+03;
	v2 =	vsub.s32 v2, v51  }
0xc7: {  	vm11 =	vgt.f32 v3, $5.000000000e+02;
	vm10 =	vmneg vm8;
	v1 =	vsel vm9, $0x1, v0;
	[tilespmem:s7+$0xFFFFFFE0] =	vst v2  }
0xc8: {  	v3 =	vsel vm8, $0x1, v0;
	v53 =	vsel vm11, $0x1, v0;
	v54 =	vsel vm10, $0x1, v0;
	[tilespmem:s8+$0xE0] =	vst v1;
	v2 =	vld [tilespmem:s9+$0x70]  }
0xc9: {  	v3 =	vsub.s32 v3, v53;
	[tilespmem:s8+$0xFFFFFF60] =	vst v54;
	v55 =	vand.u32 $0x7FFFFFFF, v6  }
0xca: {  	v1 =	vsub.s32 v53, v1;
	[tilespmem:s8+$0xFFFFFFE0] =	vst v3;
	vm12 =	vgt.f32 v55, $1.000000000e+02;
	vm13 =	vgt.f32 v55, $1.000000000e+03  }
0xcb: {  	[tilespmem:s8+$0x60] =	vst v1;
	vm15 =	vgt.f32 v55, $5.000000000e+02;
	vm14 =	vmneg vm12;
	v1 =	vsel vm13, $0x1, v0  }
0xcc: {  	v3 =	vld [tilespmem:s14+$0x70];
	v56 =	vsel vm12, $0x1, v0;
	v5 =	vsel vm15, $0x1, v0;
	v57 =	vsel vm14, $0x1, v0;
	[tilespmem:s6+$0xE0] =	vst v1  }
0xcd: {  	v2 =	vand.u32 $0x7FFFFFFF, v2;
	v4 =	vsub.s32 v56, v5;
	[tilespmem:s6+$0xFFFFFF60] =	vst v57  }
0xce: {  	vm4 =	vgt.f32 v2, $5.000000000e+02;
	vm5 =	vgt.f32 v2, $1.000000000e+03;
	v1 =	vsub.s32 v5, v1;
	[tilespmem:s6+$0xFFFFFFE0] =	vst v4  }
0xcf: {  	vm6 =	vgt.f32 v2, $1.000000000e+02;
	v2 =	vsel vm4, $0x1, v0;
	v58 =	vsel vm5, $0x1, v0;
	[tilespmem:s6+$0x60] =	vst v1  }
0xd0: {  	vm7 =	vmneg vm6;
	v1 =	vsub.s32 v2, v58;
	[tilespmem:s7+$0xF0] =	vst v58;
	v59 =	vld [tilespmem:s30+$0x70]  }
0xd1: {  	v60 =	vsel vm6, $0x1, v0;
	v61 =	vsel vm7, $0x1, v0;
	[tilespmem:s7+$0x70] =	vst v1;
	v1 =	vand.u32 $0x7FFFFFFF, v3  }
0xd2: {  	v2 =	vsub.s32 v60, v2;
	[tilespmem:s7+$0xFFFFFF70] =	vst v61;
	vm8 =	vgt.f32 v1, $5.000000000e+02;
	vm9 =	vgt.f32 v1, $1.000000000e+03  }
0xd3: {  	[tilespmem:s7+$0xFFFFFFF0] =	vst v2;
	vm10 =	vgt.f32 v1, $1.000000000e+02;
	v1 =	vsel vm8, $0x1, v0;
	v2 =	vsel vm9, $0x1, v0  }
0xd4: {  	vm11 =	vmneg vm10;
	v3 =	vsub.s32 v1, v2;
	[tilespmem:s8+$0xF0] =	vst v2  }
0xd5: {  	v2 =	vsel vm10, $0x1, v0;
	v62 =	vsel vm11, $0x1, v0;
	[tilespmem:s8+$0x70] =	vst v3;
	v3 =	vand.u32 $0x7FFFFFFF, v59  }
0xd6: {  	v1 =	vsub.s32 v2, v1;
	[tilespmem:s8+$0xFFFFFF70] =	vst v62;
	vm12 =	vgt.f32 v3, $5.000000000e+02;
	vm13 =	vgt.f32 v3, $1.000000000e+03  }
0xd7: {  	p1 =	sne.s32 s0, $0xF;
	[tilespmem:s8+$0xFFFFFFF0] =	vst v1;
	vm14 =	vgt.f32 v3, $1.000000000e+02;
	v1 =	vsel vm12, $0x1, v0;
	v2 =	vsel vm13, $0x1, v0  }
.Ltmp3:
0xd8: {  	s30 =	sshll.u32 s0, $0x10;
	vm15 =	vmneg vm14;
	v3 =	vsub.s32 v1, v2;
	[tilespmem:s6+$0xF0] =	vst v2;
	(pc) =	sbr.rel @p1 .LBB2_6-.Ltmp3, $4  }
0xd9: {  	s7 =	sor.u32 s5, s30;
	v2 =	vsel vm14, $0x1, v0;
	v63 =	vsel vm15, $0x1, v0;
	[tilespmem:s6+$0x70] =	vst v3  }
0xda: {  	s7 =	sshrl.u32 s7, $0x3;
	v1 =	vsub.s32 v2, v1;
	[tilespmem:s6+$0xFFFFFF70] =	vst v63  }
0xdb: {  	s31 =	sadd.s32 s3, s7;
	[tilespmem:s6+$0xFFFFFFF0] =	vst v1  }
0xdc: {  	[hbm4b:s31+s4] =	stream.linear.scatter [tilespmem:s19], [sflag:$0x5], $0x4000, $0x38;
	[tilespmem:$0x14000] =	vst v63  }
.Ltmp4:
0xdd: {  	(pc) =	sbr.rel .LBB2_7-.Ltmp4, $4  }
0xde: {  	_ = 	snop  }
0xdf: {  	_ =	swait.ge [sflag:s20], $0x1000  }
0xe0: {  	[sflag:s20] =	ssyncset.done $0x0  }
0xe1: {  	[sflag:s20] =	ssyncadd.s32 $0xFFFFF000  }
.LBB2_6:
0xe2: {  	s6 =	sadd.s32 s1, s10  }
0xe3: {  	s6 =	sshrl.u32 s6, $0x3  }
.Ltmp5:
0xe4: {  	s6 =	sadd.s32 s2, s6;
	(pc) =	sbr.rel @p0 .LBB2_8-.Ltmp5, $4  }
0xe5: {  	[tilespmem:s4], [sflag:$0x1] =	stream.linear.gather [hbm4b:s6+s4], $0x1000, $0x38;
	[tilespmem:$0x14000] =	vst v63  }
0xe6: {  	_ =	swait.ge [sflag:s20], $0x1000  }
0xe7: {  	[sflag:s20] =	ssyncset.done $0x0  }
0xe8: {  	[sflag:s20] =	ssyncadd.s32 $0xFFFFF000  }
.LBB2_7:
0xe9: {  	_ =	swait.ge [sflag:s21], $0x4000  }
0xea: {  	[sflag:s21] =	ssyncset.done $0x0  }
0xeb: {  	[sflag:s21] =	ssyncadd.s32 $0xFFFFC000  }
.LBB2_8:
0xec: {  	s14 =	simm.s32 $0x1070  }
0xed: {  	v1 =	vld [tilespmem:s14+$0xFFFFFF90];
	_ =	sdelay $0x4  }
0xee: {  	v1 =	vand.u32 $0x7FFFFFFF, v1  }
0xef: {  	vm0 =	vgt.f32 v1, $1.000000000e+02;
	vm1 =	vgt.f32 v1, $1.000000000e+03  }
0xf0: {  	s8 =	simm.s32 $0x0;
	vm3 =	vgt.f32 v1, $5.000000000e+02;
	vm2 =	vmneg vm0;
	v1 =	vsel vm1, $0x1, v0  }
0xf1: {  	v2 =	vsel vm0, $0x1, v0;
	v3 =	vsel vm3, $0x1, v0;
	v4 =	vsel vm2, $0x1, v0;
	[tilespmem:s8+$0x8180] =	vst v1  }
0xf2: {  	v2 =	vsub.s32 v2, v3;
	[tilespmem:s8+$0x8000] =	vst v4  }
0xf3: {  	v1 =	vsub.s32 v3, v1;
	[tilespmem:s8+$0x8080] =	vst v2  }
0xf4: {  	[tilespmem:s8+$0x8100] =	vst v1  }
0xf5: {  	v1 =	vld [tilespmem:s14+$0xFFFFFFA0];
	_ =	sdelay $0x4  }
0xf6: {  	v1 =	vand.u32 $0x7FFFFFFF, v1  }
0xf7: {  	vm0 =	vgt.f32 v1, $1.000000000e+02;
	vm1 =	vgt.f32 v1, $1.000000000e+03  }
0xf8: {  	vm3 =	vgt.f32 v1, $5.000000000e+02;
	vm2 =	vmneg vm0;
	v1 =	vsel vm1, $0x1, v0  }
0xf9: {  	v2 =	vsel vm0, $0x1, v0;
	v3 =	vsel vm3, $0x1, v0;
	v4 =	vsel vm2, $0x1, v0;
	[tilespmem:s8+$0x8190] =	vst v1  }
0xfa: {  	v2 =	vsub.s32 v2, v3;
	[tilespmem:s8+$0x8010] =	vst v4  }
0xfb: {  	v1 =	vsub.s32 v3, v1;
	[tilespmem:s8+$0x8090] =	vst v2  }
0xfc: {  	[tilespmem:s8+$0x8110] =	vst v1  }
0xfd: {  	v1 =	vld [tilespmem:s14+$0xFFFFFFB0];
	_ =	sdelay $0x4  }
0xfe: {  	s6 =	simm.s32 $0x10F0;
	v1 =	vand.u32 $0x7FFFFFFF, v1  }
0xff: {  	v2 =	vld [tilespmem:s6+$0xFFFFFF90];
	vm0 =	vgt.f32 v1, $1.000000000e+02;
	vm1 =	vgt.f32 v1, $1.000000000e+03  }
0x100: {  	vm3 =	vgt.f32 v1, $5.000000000e+02;
	vm2 =	vmneg vm0;
	v1 =	vsel vm1, $0x1, v0  }
0x101: {  	v3 =	vsel vm0, $0x1, v0;
	v4 =	vsel vm3, $0x1, v0;
	v5 =	vsel vm2, $0x1, v0;
	[tilespmem:s8+$0x81A0] =	vst v1  }
0x102: {  	v3 =	vsub.s32 v3, v4;
	[tilespmem:s8+$0x8020] =	vst v5  }
0x103: {  	v1 =	vsub.s32 v4, v1;
	[tilespmem:s8+$0x80A0] =	vst v3  }
0x104: {  	v2 =	vand.u32 $0x7FFFFFFF, v2;
	[tilespmem:s8+$0x8120] =	vst v1  }
0x105: {  	vm0 =	vgt.f32 v2, $1.000000000e+02;
	vm1 =	vgt.f32 v2, $1.000000000e+03;
	v1 =	vld [tilespmem:s14+$0xFFFFFFC0]  }
0x106: {  	s9 =	simm.s32 $0x200;
	vm3 =	vgt.f32 v2, $5.000000000e+02;
	vm2 =	vmneg vm0;
	v2 =	vsel vm1, $0x1, v0  }
0x107: {  	v4 =	vsel vm3, $0x1, v0;
	v5 =	vsel vm2, $0x1, v0;
	[tilespmem:s9+$0x8180] =	vst v2  }
0x108: {  	v3 =	vsel vm0, $0x1, v0;
	v2 =	vsub.s32 v4, v2;
	[tilespmem:s9+$0x8000] =	vst v5  }
0x109: {  	v3 =	vsub.s32 v3, v4;
	[tilespmem:s9+$0x8100] =	vst v2  }
0x10a: {  	[tilespmem:s9+$0x8080] =	vst v3;
	v1 =	vand.u32 $0x7FFFFFFF, v1  }
0x10b: {  	v2 =	vld [tilespmem:s6+$0xFFFFFFA0];
	vm0 =	vgt.f32 v1, $1.000000000e+02;
	vm1 =	vgt.f32 v1, $1.000000000e+03  }
0x10c: {  	vm3 =	vgt.f32 v1, $5.000000000e+02;
	vm2 =	vmneg vm0;
	v1 =	vsel vm1, $0x1, v0  }
0x10d: {  	v3 =	vsel vm0, $0x1, v0;
	v4 =	vsel vm3, $0x1, v0;
	v5 =	vsel vm2, $0x1, v0;
	[tilespmem:s8+$0x81B0] =	vst v1  }
0x10e: {  	v3 =	vsub.s32 v3, v4;
	[tilespmem:s8+$0x8030] =	vst v5  }
0x10f: {  	v1 =	vsub.s32 v4, v1;
	[tilespmem:s8+$0x80B0] =	vst v3  }
0x110: {  	v2 =	vand.u32 $0x7FFFFFFF, v2;
	[tilespmem:s8+$0x8130] =	vst v1  }
0x111: {  	vm0 =	vgt.f32 v2, $1.000000000e+02;
	vm1 =	vgt.f32 v2, $1.000000000e+03;
	v1 =	vld [tilespmem:s14+$0xFFFFFFD0]  }
0x112: {  	vm3 =	vgt.f32 v2, $5.000000000e+02;
	vm2 =	vmneg vm0;
	v2 =	vsel vm1, $0x1, v0  }
0x113: {  	v3 =	vsel vm0, $0x1, v0;
	v4 =	vsel vm3, $0x1, v0;
	v5 =	vsel vm2, $0x1, v0;
	[tilespmem:s9+$0x8190] =	vst v2  }
0x114: {  	v3 =	vsub.s32 v3, v4;
	[tilespmem:s9+$0x8010] =	vst v5  }
0x115: {  	v2 =	vsub.s32 v4, v2;
	[tilespmem:s9+$0x8090] =	vst v3  }
0x116: {  	[tilespmem:s9+$0x8110] =	vst v2;
	v1 =	vand.u32 $0x7FFFFFFF, v1  }
0x117: {  	v2 =	vld [tilespmem:s6+$0xFFFFFFB0];
	vm0 =	vgt.f32 v1, $1.000000000e+02;
	vm1 =	vgt.f32 v1, $1.000000000e+03  }
0x118: {  	vm3 =	vgt.f32 v1, $5.000000000e+02;
	vm2 =	vmneg vm0;
	v1 =	vsel vm1, $0x1, v0  }
0x119: {  	v3 =	vsel vm0, $0x1, v0;
	v4 =	vsel vm3, $0x1, v0;
	v5 =	vsel vm2, $0x1, v0;
	[tilespmem:s8+$0x81C0] =	vst v1  }
0x11a: {  	v3 =	vsub.s32 v3, v4;
	[tilespmem:s8+$0x8040] =	vst v5  }
0x11b: {  	v1 =	vsub.s32 v4, v1;
	[tilespmem:s8+$0x80C0] =	vst v3  }
0x11c: {  	v2 =	vand.u32 $0x7FFFFFFF, v2;
	[tilespmem:s8+$0x8140] =	vst v1  }
0x11d: {  	s30 =	simm.s32 $0x1170;
	vm0 =	vgt.f32 v2, $1.000000000e+02;
	vm1 =	vgt.f32 v2, $1.000000000e+03;
	v1 =	vld [tilespmem:s14+$0xFFFFFFE0]  }
0x11e: {  	vm3 =	vgt.f32 v2, $5.000000000e+02;
	vm2 =	vmneg vm0;
	v2 =	vsel vm1, $0x1, v0;
	v3 =	vld [tilespmem:s30+$0xFFFFFF90]  }
0x11f: {  	v4 =	vsel vm0, $0x1, v0;
	v5 =	vsel vm3, $0x1, v0;
	v6 =	vsel vm2, $0x1, v0;
	[tilespmem:s9+$0x81A0] =	vst v2  }
0x120: {  	v4 =	vsub.s32 v4, v5;
	[tilespmem:s9+$0x8020] =	vst v6  }
0x121: {  	v2 =	vsub.s32 v5, v2;
	[tilespmem:s9+$0x80A0] =	vst v4  }
0x122: {  	[tilespmem:s9+$0x8120] =	vst v2;
	v1 =	vand.u32 $0x7FFFFFFF, v1  }
0x123: {  	v2 =	vld [tilespmem:s6+$0xFFFFFFC0];
	v3 =	vand.u32 $0x7FFFFFFF, v3;
	vm0 =	vgt.f32 v1, $1.000000000e+02;
	vm1 =	vgt.f32 v1, $1.000000000e+03  }
0x124: {  	vm3 =	vgt.f32 v1, $5.000000000e+02;
	vm2 =	vmneg vm0;
	v1 =	vsel vm1, $0x1, v0  }
0x125: {  	v4 =	vsel vm0, $0x1, v0;
	v5 =	vsel vm3, $0x1, v0;
	v63 =	vsel vm2, $0x1, v0;
	[tilespmem:s8+$0x81D0] =	vst v1  }
0x126: {  	vm0 =	vgt.f32 v3, $1.000000000e+02;
	v4 =	vsub.s32 v4, v5;
	[tilespmem:s8+$0x8050] =	vst v63  }
0x127: {  	vm1 =	vgt.f32 v3, $1.000000000e+03;
	vm3 =	vgt.f32 v3, $5.000000000e+02;
	v1 =	vsub.s32 v5, v1;
	[tilespmem:s8+$0x80D0] =	vst v4  }
0x128: {  	s31 =	simm.s32 $0x400;
	v2 =	vand.u32 $0x7FFFFFFF, v2;
	vm2 =	vmneg vm0;
	v3 =	vsel vm1, $0x1, v0;
	[tilespmem:s8+$0x8150] =	vst v1  }
0x129: {  	v1 =	vsel vm0, $0x1, v0;
	v4 =	vsel vm3, $0x1, v0;
	v5 =	vsel vm2, $0x1, v0;
	[tilespmem:s31+$0x8180] =	vst v3;
	v6 =	vld [tilespmem:s14+$0xFFFFFFF0]  }
0x12a: {  	vm0 =	vgt.f32 v2, $1.000000000e+02;
	[tilespmem:s31+$0x8000] =	vst v5;
	v1 =	vsub.s32 v1, v4  }
0x12b: {  	vm2 =	vmneg vm0;
	[tilespmem:s31+$0x8080] =	vst v1;
	v1 =	vsub.s32 v4, v3  }
0x12c: {  	vm1 =	vgt.f32 v2, $1.000000000e+03;
	vm3 =	vgt.f32 v2, $5.000000000e+02;
	v3 =	vsel vm2, $0x1, v0;
	[tilespmem:s31+$0x8100] =	vst v1  }
0x12d: {  	v2 =	vsel vm1, $0x1, v0;
	v4 =	vsel vm3, $0x1, v0;
	v1 =	vsel vm0, $0x1, v0;
	[tilespmem:s9+$0x8030] =	vst v3;
	v3 =	vld [tilespmem:s30+$0xFFFFFFA0]  }
0x12e: {  	[tilespmem:s9+$0x81B0] =	vst v2;
	v5 =	vsub.s32 v1, v4;
	v1 =	vand.u32 $0x7FFFFFFF, v6  }
0x12f: {  	s15 =	simm.s32 $0x1800;
	v2 =	vsub.s32 v4, v2;
	[tilespmem:s9+$0x80B0] =	vst v5;
	vm0 =	vgt.f32 v1, $1.000000000e+02;
	vm1 =	vgt.f32 v1, $1.000000000e+03  }
.LBB2_9:
0x130: {  	p2 =	sne.s32 s15, $0xF800;
	[tilespmem:s9+$0x8130] =	vst v2;
	vm2 =	vmneg vm0;
	vm3 =	vgt.f32 v1, $5.000000000e+02;
	v1 =	vsel vm1, $0x1, v0  }
0x131: {  	v4 =	vsel vm0, $0x1, v0;
	v2 =	vld [tilespmem:s6+$0xFFFFFFD0];
	v5 =	vsel vm3, $0x1, v0;
	v6 =	vsel vm2, $0x1, v0;
	[tilespmem:s8+$0x81E0] =	vst v1  }
0x132: {  	v3 =	vand.u32 $0x7FFFFFFF, v3;
	[tilespmem:s8+$0x8060] =	vst v6;
	v4 =	vsub.s32 v4, v5  }
0x133: {  	v1 =	vsub.s32 v5, v1;
	vm0 =	vgt.f32 v3, $1.000000000e+02;
	vm1 =	vgt.f32 v3, $1.000000000e+03;
	[tilespmem:s8+$0x80E0] =	vst v4  }
0x134: {  	vm3 =	vgt.f32 v3, $5.000000000e+02;
	vm2 =	vmneg vm0;
	v3 =	vsel vm1, $0x1, v0;
	[tilespmem:s8+$0x8160] =	vst v1  }
0x135: {  	v1 =	vsel vm0, $0x1, v0;
	v4 =	vsel vm3, $0x1, v0;
	v5 =	vsel vm2, $0x1, v0;
	[tilespmem:s31+$0x8190] =	vst v3;
	v6 =	vld [tilespmem:s14+$0x0];
	s14 =	smov.u32 s6;
	s6 =	smov.u32 s30  }
0x136: {  	v1 =	vsub.s32 v1, v4;
	[tilespmem:s31+$0x8010] =	vst v5;
	v2 =	vand.u32 $0x7FFFFFFF, v2  }
0x137: {  	[tilespmem:s31+$0x8090] =	vst v1;
	v1 =	vsub.s32 v4, v3;
	vm0 =	vgt.f32 v2, $1.000000000e+02;
	vm1 =	vgt.f32 v2, $1.000000000e+03  }
0x138: {  	vm3 =	vgt.f32 v2, $5.000000000e+02;
	[tilespmem:s31+$0x8110] =	vst v1;
	vm2 =	vmneg vm0;
	v1 =	vsel vm1, $0x1, v0  }
0x139: {  	v3 =	vsel vm0, $0x1, v0;
	v4 =	vsel vm3, $0x1, v0;
	v2 =	vld [tilespmem:s30+$0xFFFFFFB0];
	v5 =	vsel vm2, $0x1, v0;
	[tilespmem:s9+$0x81C0] =	vst v1  }
0x13a: {  	v3 =	vsub.s32 v3, v4;
	[tilespmem:s9+$0x8040] =	vst v5;
	v5 =	vand.u32 $0x7FFFFFFF, v6  }
0x13b: {  	v1 =	vsub.s32 v4, v1;
	[tilespmem:s9+$0x80C0] =	vst v3;
	vm0 =	vgt.f32 v5, $5.000000000e+02;
	vm1 =	vgt.f32 v5, $1.000000000e+03  }
0x13c: {  	vm2 =	vgt.f32 v5, $1.000000000e+02;
	[tilespmem:s9+$0x8140] =	vst v1;
	v1 =	vsel vm0, $0x1, v0;
	v3 =	vsel vm1, $0x1, v0  }
0x13d: {  	vm0 =	vmneg vm2;
	v5 =	vsel vm2, $0x1, v0;
	v4 =	vld [tilespmem:s14+$0xFFFFFFE0];
	v6 =	vsub.s32 v1, v3;
	[tilespmem:s8+$0x81F0] =	vst v3  }
0x13e: {  	v3 =	vsel vm0, $0x1, v0;
	v1 =	vsub.s32 v5, v1;
	v2 =	vand.u32 $0x7FFFFFFF, v2;
	[tilespmem:s8+$0x8170] =	vst v6  }
0x13f: {  	vm0 =	vgt.f32 v2, $1.000000000e+02;
	vm1 =	vgt.f32 v2, $1.000000000e+03;
	[tilespmem:s8+$0x8070] =	vst v3  }
0x140: {  	s30 =	sadd.s32 $0x80, s30;
	vm3 =	vgt.f32 v2, $5.000000000e+02;
	vm2 =	vmneg vm0;
	v2 =	vsel vm1, $0x1, v0;
	[tilespmem:s8+$0x80F0] =	vst v1;
	s8 =	smov.u32 s9;
	s9 =	smov.u32 s31  }
0x141: {  	v3 =	vsel vm0, $0x1, v0;
	v5 =	vsel vm3, $0x1, v0;
	v1 =	vld [tilespmem:s30+$0xFFFFFF90];
	v6 =	vsel vm2, $0x1, v0;
	[tilespmem:s9+$0x81A0] =	vst v2  }
0x142: {  	v3 =	vsub.s32 v3, v5;
	[tilespmem:s9+$0x8020] =	vst v6;
	v4 =	vand.u32 $0x7FFFFFFF, v4  }
0x143: {  	v2 =	vsub.s32 v5, v2;
	[tilespmem:s9+$0x80A0] =	vst v3;
	vm0 =	vgt.f32 v4, $1.000000000e+02;
	vm1 =	vgt.f32 v4, $1.000000000e+03  }
0x144: {  	vm3 =	vgt.f32 v4, $5.000000000e+02;
	[tilespmem:s9+$0x8120] =	vst v2;
	vm2 =	vmneg vm0;
	v2 =	vsel vm1, $0x1, v0  }
0x145: {  	v4 =	vsel vm0, $0x1, v0;
	v5 =	vsel vm3, $0x1, v0;
	v3 =	vld [tilespmem:s6+$0xFFFFFFC0];
	v6 =	vsel vm2, $0x1, v0;
	[tilespmem:s8+$0x81D0] =	vst v2  }
0x146: {  	v4 =	vsub.s32 v4, v5;
	v1 =	vand.u32 $0x7FFFFFFF, v1;
	[tilespmem:s8+$0x8050] =	vst v6  }
0x147: {  	v2 =	vsub.s32 v5, v2;
	vm0 =	vgt.f32 v1, $1.000000000e+02;
	vm1 =	vgt.f32 v1, $1.000000000e+03;
	[tilespmem:s8+$0x80D0] =	vst v4  }
0x148: {  	s31 =	sshra.s32 s15, $0x2;
	vm3 =	vgt.f32 v1, $5.000000000e+02;
	vm2 =	vmneg vm0;
	v1 =	vsel vm1, $0x1, v0;
	[tilespmem:s8+$0x8150] =	vst v2  }
0x149: {  	v2 =	vsel vm0, $0x1, v0;
	v4 =	vsel vm3, $0x1, v0;
	v5 =	vsel vm2, $0x1, v0;
	[tilespmem:s31+$0x8180] =	vst v1;
	v6 =	vld [tilespmem:s14+$0xFFFFFFF0]  }
0x14a: {  	v2 =	vsub.s32 v2, v4;
	[tilespmem:s31+$0x8000] =	vst v5;
	v3 =	vand.u32 $0x7FFFFFFF, v3  }
.Ltmp6:
0x14b: {  	v1 =	vsub.s32 v4, v1;
	[tilespmem:s31+$0x8080] =	vst v2;
	vm0 =	vgt.f32 v3, $1.000000000e+02;
	vm1 =	vgt.f32 v3, $1.000000000e+03;
	(pc) =	sbr.rel @p2 .LBB2_9-.Ltmp6, $4  }
0x14c: {  	vm3 =	vgt.f32 v3, $5.000000000e+02;
	[tilespmem:s31+$0x8100] =	vst v1;
	vm2 =	vmneg vm0;
	v2 =	vsel vm1, $0x1, v0  }
0x14d: {  	v1 =	vsel vm0, $0x1, v0;
	v4 =	vsel vm3, $0x1, v0;
	v3 =	vld [tilespmem:s30+$0xFFFFFFA0];
	v5 =	vsel vm2, $0x1, v0;
	[tilespmem:s9+$0x81B0] =	vst v2  }
0x14e: {  	[tilespmem:s9+$0x8030] =	vst v5;
	v5 =	vsub.s32 v1, v4;
	v1 =	vand.u32 $0x7FFFFFFF, v6  }
0x14f: {  	s15 =	sadd.s32 $0x800, s15;
	v2 =	vsub.s32 v4, v2;
	[tilespmem:s9+$0x80B0] =	vst v5;
	vm0 =	vgt.f32 v1, $1.000000000e+02;
	vm1 =	vgt.f32 v1, $1.000000000e+03  }
0x150: {  	_ =	sdelay $0x1  }
0x151: {  	v3 =	vand.u32 $0x7FFFFFFF, v3  }
0x152: {  	vm2 =	vgt.f32 v3, $1.000000000e+02;
	vm3 =	vgt.f32 v3, $1.000000000e+03  }
0x153: {  	vm8 =	vgt.f32 v3, $5.000000000e+02;
	vm4 =	vmneg vm2;
	v4 =	vsel vm3, $0x1, v0  }
0x154: {  	v3 =	vsel vm2, $0x1, v0;
	v5 =	vsel vm8, $0x1, v0;
	v6 =	vsel vm4, $0x1, v0;
	[tilespmem:s31+$0x8190] =	vst v4  }
0x155: {  	v3 =	vsub.s32 v3, v5;
	[tilespmem:s31+$0x8010] =	vst v6  }
0x156: {  	[tilespmem:s31+$0x8090] =	vst v3;
	v3 =	vsub.s32 v5, v4  }
0x157: {  	[tilespmem:s31+$0x8110] =	vst v3  }
0x158: {  	v3 =	vld [tilespmem:s30+$0xFFFFFFB0];
	_ =	sdelay $0x4  }
0x159: {  	v3 =	vand.u32 $0x7FFFFFFF, v3  }
0x15a: {  	vm9 =	vgt.f32 v3, $1.000000000e+02;
	vm10 =	vgt.f32 v3, $1.000000000e+03  }
0x15b: {  	vm12 =	vgt.f32 v3, $5.000000000e+02;
	vm11 =	vmneg vm9;
	v35 =	vsel vm10, $0x1, v0  }
0x15c: {  	v3 =	vsel vm9, $0x1, v0;
	v36 =	vsel vm12, $0x1, v0;
	v37 =	vsel vm11, $0x1, v0;
	[tilespmem:s31+$0x81A0] =	vst v35  }
0x15d: {  	v3 =	vsub.s32 v3, v36;
	[tilespmem:s31+$0x8020] =	vst v37  }
0x15e: {  	[tilespmem:s31+$0x80A0] =	vst v3;
	v3 =	vsub.s32 v36, v35  }
0x15f: {  	[tilespmem:s31+$0x8120] =	vst v3  }
0x160: {  	v3 =	vld [tilespmem:s30+$0xFFFFFFC0];
	_ =	sdelay $0x4  }
0x161: {  	v3 =	vand.u32 $0x7FFFFFFF, v3  }
0x162: {  	vm13 =	vgt.f32 v3, $1.000000000e+02;
	vm14 =	vgt.f32 v3, $1.000000000e+03  }
0x163: {  	[tilespmem:s9+$0x8130] =	vst v2;
	vm8 =	vgt.f32 v3, $5.000000000e+02;
	vm15 =	vmneg vm13;
	v2 =	vsel vm14, $0x1, v0  }
0x164: {  	v3 =	vld [tilespmem:s6+$0xFFFFFFD0];
	v38 =	vsel vm13, $0x1, v0;
	v39 =	vsel vm8, $0x1, v0;
	v40 =	vsel vm15, $0x1, v0;
	[tilespmem:s31+$0x81B0] =	vst v2  }
0x165: {  	v4 =	vsub.s32 v38, v39;
	[tilespmem:s31+$0x8030] =	vst v40  }
0x166: {  	v2 =	vsub.s32 v39, v2;
	[tilespmem:s31+$0x80B0] =	vst v4  }
0x167: {  	[tilespmem:s31+$0x8130] =	vst v2  }
0x168: {  	v2 =	vld [tilespmem:s30+$0xFFFFFFD0]  }
0x169: {  	v3 =	vand.u32 $0x7FFFFFFF, v3  }
0x16a: {  	vm9 =	vgt.f32 v3, $1.000000000e+02;
	vm10 =	vgt.f32 v3, $1.000000000e+03  }
0x16b: {  	vm12 =	vgt.f32 v3, $5.000000000e+02;
	vm11 =	vmneg vm9;
	v41 =	vsel vm10, $0x1, v0  }
0x16c: {  	v3 =	vsel vm9, $0x1, v0;
	v42 =	vsel vm12, $0x1, v0;
	v43 =	vsel vm11, $0x1, v0;
	[tilespmem:s9+$0x81C0] =	vst v41  }
0x16d: {  	v3 =	vsub.s32 v3, v42;
	[tilespmem:s9+$0x8040] =	vst v43;
	v2 =	vand.u32 $0x7FFFFFFF, v2  }
0x16e: {  	[tilespmem:s9+$0x80C0] =	vst v3;
	v3 =	vsub.s32 v42, v41;
	vm13 =	vgt.f32 v2, $1.000000000e+02;
	vm14 =	vgt.f32 v2, $1.000000000e+03  }
0x16f: {  	[tilespmem:s9+$0x8140] =	vst v3;
	vm7 =	vgt.f32 v2, $5.000000000e+02;
	vm15 =	vmneg vm13;
	v3 =	vsel vm14, $0x1, v0  }
0x170: {  	v2 =	vld [tilespmem:s6+$0xFFFFFFE0];
	v44 =	vsel vm13, $0x1, v0;
	v45 =	vsel vm7, $0x1, v0;
	v46 =	vsel vm15, $0x1, v0;
	[tilespmem:s31+$0x81C0] =	vst v3  }
0x171: {  	v4 =	vsub.s32 v44, v45;
	[tilespmem:s31+$0x8040] =	vst v46  }
0x172: {  	v3 =	vsub.s32 v45, v3;
	[tilespmem:s31+$0x80C0] =	vst v4  }
0x173: {  	[tilespmem:s31+$0x8140] =	vst v3  }
0x174: {  	v3 =	vld [tilespmem:s30+$0xFFFFFFE0]  }
0x175: {  	v2 =	vand.u32 $0x7FFFFFFF, v2  }
0x176: {  	vm8 =	vgt.f32 v2, $1.000000000e+02;
	vm9 =	vgt.f32 v2, $1.000000000e+03  }
0x177: {  	vm11 =	vgt.f32 v2, $5.000000000e+02;
	vm10 =	vmneg vm8;
	v47 =	vsel vm9, $0x1, v0  }
0x178: {  	v2 =	vsel vm8, $0x1, v0;
	v48 =	vsel vm11, $0x1, v0;
	v49 =	vsel vm10, $0x1, v0;
	[tilespmem:s9+$0x81D0] =	vst v47  }
0x179: {  	v2 =	vsub.s32 v2, v48;
	v3 =	vand.u32 $0x7FFFFFFF, v3;
	[tilespmem:s9+$0x8050] =	vst v49  }
0x17a: {  	[tilespmem:s9+$0x80D0] =	vst v2;
	v2 =	vsub.s32 v48, v47;
	vm12 =	vgt.f32 v3, $1.000000000e+02;
	vm13 =	vgt.f32 v3, $1.000000000e+03  }
0x17b: {  	vm15 =	vgt.f32 v3, $5.000000000e+02;
	[tilespmem:s9+$0x8150] =	vst v2;
	vm14 =	vmneg vm12;
	v2 =	vsel vm13, $0x1, v0  }
0x17c: {  	v3 =	vsel vm12, $0x1, v0;
	v51 =	vsel vm15, $0x1, v0;
	v50 =	vld [tilespmem:s6+$0xFFFFFFF0];
	v52 =	vsel vm14, $0x1, v0;
	[tilespmem:s31+$0x81D0] =	vst v2  }
0x17d: {  	v3 =	vsub.s32 v3, v51;
	[tilespmem:s31+$0x8050] =	vst v52  }
0x17e: {  	vm6 =	vmneg vm0;
	v2 =	vsub.s32 v51, v2;
	[tilespmem:s31+$0x80D0] =	vst v3  }
0x17f: {  	v53 =	vsel vm6, $0x1, v0;
	vm7 =	vgt.f32 v1, $5.000000000e+02;
	[tilespmem:s31+$0x8150] =	vst v2  }
0x180: {  	[tilespmem:s8+$0x8060] =	vst v53;
	v1 =	vsel vm1, $0x1, v0;
	v2 =	vsel vm0, $0x1, v0;
	v3 =	vsel vm7, $0x1, v0;
	v6 =	vld [tilespmem:s30+$0xFFFFFFF0]  }
0x181: {  	[tilespmem:s8+$0x81E0] =	vst v1;
	v2 =	vsub.s32 v2, v3;
	v4 =	vand.u32 $0x7FFFFFFF, v50  }
0x182: {  	v1 =	vsub.s32 v3, v1;
	[tilespmem:s8+$0x80E0] =	vst v2;
	vm8 =	vgt.f32 v4, $1.000000000e+02;
	vm9 =	vgt.f32 v4, $1.000000000e+03  }
0x183: {  	[tilespmem:s8+$0x8160] =	vst v1;
	vm11 =	vgt.f32 v4, $5.000000000e+02;
	vm10 =	vmneg vm8;
	v1 =	vsel vm9, $0x1, v0  }
0x184: {  	v2 =	vld [tilespmem:s14+$0x0];
	v3 =	vsel vm8, $0x1, v0;
	v4 =	vsel vm11, $0x1, v0;
	v54 =	vsel vm10, $0x1, v0;
	[tilespmem:s9+$0x81E0] =	vst v1  }
0x185: {  	v55 =	vand.u32 $0x7FFFFFFF, v6;
	v3 =	vsub.s32 v3, v4;
	[tilespmem:s9+$0x8060] =	vst v54  }
0x186: {  	v1 =	vsub.s32 v4, v1;
	vm12 =	vgt.f32 v55, $1.000000000e+02;
	vm13 =	vgt.f32 v55, $1.000000000e+03;
	[tilespmem:s9+$0x80E0] =	vst v3  }
0x187: {  	vm15 =	vgt.f32 v55, $5.000000000e+02;
	[tilespmem:s9+$0x8160] =	vst v1;
	vm14 =	vmneg vm12;
	v1 =	vsel vm13, $0x1, v0  }
0x188: {  	v56 =	vsel vm12, $0x1, v0;
	v5 =	vsel vm15, $0x1, v0;
	v3 =	vld [tilespmem:s6+$0x0];
	v57 =	vsel vm14, $0x1, v0;
	[tilespmem:s31+$0x81E0] =	vst v1  }
0x189: {  	v2 =	vand.u32 $0x7FFFFFFF, v2;
	v4 =	vsub.s32 v56, v5;
	[tilespmem:s31+$0x8060] =	vst v57  }
0x18a: {  	vm4 =	vgt.f32 v2, $5.000000000e+02;
	vm5 =	vgt.f32 v2, $1.000000000e+03;
	v1 =	vsub.s32 v5, v1;
	[tilespmem:s31+$0x80E0] =	vst v4  }
0x18b: {  	vm6 =	vgt.f32 v2, $1.000000000e+02;
	v2 =	vsel vm4, $0x1, v0;
	v58 =	vsel vm5, $0x1, v0;
	[tilespmem:s31+$0x8160] =	vst v1  }
0x18c: {  	vm7 =	vmneg vm6;
	v1 =	vsub.s32 v2, v58;
	[tilespmem:s8+$0x81F0] =	vst v58;
	v59 =	vld [tilespmem:s30+$0x0]  }
0x18d: {  	v60 =	vsel vm6, $0x1, v0;
	v61 =	vsel vm7, $0x1, v0;
	[tilespmem:s8+$0x8170] =	vst v1;
	v1 =	vand.u32 $0x7FFFFFFF, v3  }
0x18e: {  	v2 =	vsub.s32 v60, v2;
	[tilespmem:s8+$0x8070] =	vst v61;
	vm8 =	vgt.f32 v1, $5.000000000e+02;
	vm9 =	vgt.f32 v1, $1.000000000e+03  }
0x18f: {  	[tilespmem:s8+$0x80F0] =	vst v2;
	vm10 =	vgt.f32 v1, $1.000000000e+02;
	v1 =	vsel vm8, $0x1, v0;
	v2 =	vsel vm9, $0x1, v0  }
0x190: {  	vm11 =	vmneg vm10;
	v3 =	vsub.s32 v1, v2;
	[tilespmem:s9+$0x81F0] =	vst v2  }
0x191: {  	v2 =	vsel vm10, $0x1, v0;
	v62 =	vsel vm11, $0x1, v0;
	[tilespmem:s9+$0x8170] =	vst v3;
	v3 =	vand.u32 $0x7FFFFFFF, v59  }
0x192: {  	v1 =	vsub.s32 v2, v1;
	[tilespmem:s9+$0x8070] =	vst v62;
	vm12 =	vgt.f32 v3, $5.000000000e+02;
	vm13 =	vgt.f32 v3, $1.000000000e+03  }
0x193: {  	[tilespmem:s9+$0x80F0] =	vst v1;
	vm14 =	vgt.f32 v3, $1.000000000e+02;
	v1 =	vsel vm12, $0x1, v0;
	v2 =	vsel vm13, $0x1, v0  }
.Ltmp7:
0x194: {  	vm15 =	vmneg vm14;
	v3 =	vsub.s32 v1, v2;
	[tilespmem:s31+$0x81F0] =	vst v2;
	(pc) =	sbr.rel @p1 .LBB2_12-.Ltmp7, $4  }
0x195: {  	v2 =	vsel vm14, $0x1, v0;
	v63 =	vsel vm15, $0x1, v0;
	[tilespmem:s31+$0x8170] =	vst v3  }
0x196: {  	s7 =	sadd.s32 s7, s3;
	v1 =	vsub.s32 v2, v1;
	[tilespmem:s31+$0x8070] =	vst v63  }
0x197: {  	[tilespmem:s31+$0x80F0] =	vst v1;
	s31 =	sadd.s32 $0x800, s7  }
0x198: {  	[hbm4b:s31+s4] =	stream.linear.scatter [tilespmem:s22], [sflag:$0x6], $0x4000, $0x38;
	[tilespmem:$0x14000] =	vst v63  }
.Ltmp8:
0x199: {  	(pc) =	sbr.rel .LBB2_13-.Ltmp8, $4  }
0x19a: {  	_ = 	snop  }
0x19b: {  	_ =	swait.ge [sflag:s23], $0x1000  }
0x19c: {  	[sflag:s23] =	ssyncset.done $0x0  }
0x19d: {  	[sflag:s23] =	ssyncadd.s32 $0xFFFFF000  }
.LBB2_12:
0x19e: {  	s6 =	sadd.s32 s1, s11  }
0x19f: {  	s6 =	sshrl.u32 s6, $0x3  }
.Ltmp9:
0x1a0: {  	s8 =	simm.s32 $0x1000;
	s6 =	sadd.s32 s2, s6;
	(pc) =	sbr.rel @p0 .LBB2_14-.Ltmp9, $4  }
0x1a1: {  	[tilespmem:s8], [sflag:$0x2] =	stream.linear.gather [hbm4b:s6+s4], $0x1000, $0x38;
	[tilespmem:$0x14000] =	vst v63  }
0x1a2: {  	_ =	swait.ge [sflag:s23], $0x1000  }
0x1a3: {  	[sflag:s23] =	ssyncset.done $0x0  }
0x1a4: {  	[sflag:s23] =	ssyncadd.s32 $0xFFFFF000  }
.LBB2_13:
0x1a5: {  	_ =	swait.ge [sflag:s24], $0x4000  }
0x1a6: {  	[sflag:s24] =	ssyncset.done $0x0  }
0x1a7: {  	[sflag:s24] =	ssyncadd.s32 $0xFFFFC000  }
.LBB2_14:
0x1a8: {  	s14 =	simm.s32 $0x2070  }
0x1a9: {  	v1 =	vld [tilespmem:s14+$0xFFFFFF90];
	_ =	sdelay $0x4  }
0x1aa: {  	v1 =	vand.u32 $0x7FFFFFFF, v1  }
0x1ab: {  	vm0 =	vgt.f32 v1, $1.000000000e+02;
	vm1 =	vgt.f32 v1, $1.000000000e+03  }
0x1ac: {  	s8 =	simm.s32 $0x0;
	vm3 =	vgt.f32 v1, $5.000000000e+02;
	vm2 =	vmneg vm0;
	v1 =	vsel vm1, $0x1, v0  }
0x1ad: {  	v2 =	vsel vm0, $0x1, v0;
	v3 =	vsel vm3, $0x1, v0;
	v4 =	vsel vm2, $0x1, v0;
	[tilespmem:s8+$0xC180] =	vst v1  }
0x1ae: {  	v2 =	vsub.s32 v2, v3;
	[tilespmem:s8+$0xC000] =	vst v4  }
0x1af: {  	v1 =	vsub.s32 v3, v1;
	[tilespmem:s8+$0xC080] =	vst v2  }
0x1b0: {  	[tilespmem:s8+$0xC100] =	vst v1  }
0x1b1: {  	v1 =	vld [tilespmem:s14+$0xFFFFFFA0];
	_ =	sdelay $0x4  }
0x1b2: {  	v1 =	vand.u32 $0x7FFFFFFF, v1  }
0x1b3: {  	vm0 =	vgt.f32 v1, $1.000000000e+02;
	vm1 =	vgt.f32 v1, $1.000000000e+03  }
0x1b4: {  	vm3 =	vgt.f32 v1, $5.000000000e+02;
	vm2 =	vmneg vm0;
	v1 =	vsel vm1, $0x1, v0  }
0x1b5: {  	v2 =	vsel vm0, $0x1, v0;
	v3 =	vsel vm3, $0x1, v0;
	v4 =	vsel vm2, $0x1, v0;
	[tilespmem:s8+$0xC190] =	vst v1  }
0x1b6: {  	v2 =	vsub.s32 v2, v3;
	[tilespmem:s8+$0xC010] =	vst v4  }
0x1b7: {  	v1 =	vsub.s32 v3, v1;
	[tilespmem:s8+$0xC090] =	vst v2  }
0x1b8: {  	[tilespmem:s8+$0xC110] =	vst v1  }
0x1b9: {  	v1 =	vld [tilespmem:s14+$0xFFFFFFB0];
	_ =	sdelay $0x4  }
0x1ba: {  	s6 =	simm.s32 $0x20F0;
	v1 =	vand.u32 $0x7FFFFFFF, v1  }
0x1bb: {  	v2 =	vld [tilespmem:s6+$0xFFFFFF90];
	vm0 =	vgt.f32 v1, $1.000000000e+02;
	vm1 =	vgt.f32 v1, $1.000000000e+03  }
0x1bc: {  	vm3 =	vgt.f32 v1, $5.000000000e+02;
	vm2 =	vmneg vm0;
	v1 =	vsel vm1, $0x1, v0  }
0x1bd: {  	v3 =	vsel vm0, $0x1, v0;
	v4 =	vsel vm3, $0x1, v0;
	v5 =	vsel vm2, $0x1, v0;
	[tilespmem:s8+$0xC1A0] =	vst v1  }
0x1be: {  	v3 =	vsub.s32 v3, v4;
	[tilespmem:s8+$0xC020] =	vst v5  }
0x1bf: {  	v1 =	vsub.s32 v4, v1;
	[tilespmem:s8+$0xC0A0] =	vst v3  }
0x1c0: {  	v2 =	vand.u32 $0x7FFFFFFF, v2;
	[tilespmem:s8+$0xC120] =	vst v1  }
0x1c1: {  	vm0 =	vgt.f32 v2, $1.000000000e+02;
	vm1 =	vgt.f32 v2, $1.000000000e+03;
	v1 =	vld [tilespmem:s14+$0xFFFFFFC0]  }
0x1c2: {  	s9 =	simm.s32 $0x200;
	vm3 =	vgt.f32 v2, $5.000000000e+02;
	vm2 =	vmneg vm0;
	v2 =	vsel vm1, $0x1, v0  }
0x1c3: {  	v4 =	vsel vm3, $0x1, v0;
	v5 =	vsel vm2, $0x1, v0;
	[tilespmem:s9+$0xC180] =	vst v2  }
0x1c4: {  	v3 =	vsel vm0, $0x1, v0;
	v2 =	vsub.s32 v4, v2;
	[tilespmem:s9+$0xC000] =	vst v5  }
0x1c5: {  	v3 =	vsub.s32 v3, v4;
	[tilespmem:s9+$0xC100] =	vst v2  }
0x1c6: {  	[tilespmem:s9+$0xC080] =	vst v3;
	v1 =	vand.u32 $0x7FFFFFFF, v1  }
0x1c7: {  	v2 =	vld [tilespmem:s6+$0xFFFFFFA0];
	vm0 =	vgt.f32 v1, $1.000000000e+02;
	vm1 =	vgt.f32 v1, $1.000000000e+03  }
0x1c8: {  	vm3 =	vgt.f32 v1, $5.000000000e+02;
	vm2 =	vmneg vm0;
	v1 =	vsel vm1, $0x1, v0  }
0x1c9: {  	v3 =	vsel vm0, $0x1, v0;
	v4 =	vsel vm3, $0x1, v0;
	v5 =	vsel vm2, $0x1, v0;
	[tilespmem:s8+$0xC1B0] =	vst v1  }
0x1ca: {  	v3 =	vsub.s32 v3, v4;
	[tilespmem:s8+$0xC030] =	vst v5  }
0x1cb: {  	v1 =	vsub.s32 v4, v1;
	[tilespmem:s8+$0xC0B0] =	vst v3  }
0x1cc: {  	v2 =	vand.u32 $0x7FFFFFFF, v2;
	[tilespmem:s8+$0xC130] =	vst v1  }
0x1cd: {  	vm0 =	vgt.f32 v2, $1.000000000e+02;
	vm1 =	vgt.f32 v2, $1.000000000e+03;
	v1 =	vld [tilespmem:s14+$0xFFFFFFD0]  }
0x1ce: {  	vm3 =	vgt.f32 v2, $5.000000000e+02;
	vm2 =	vmneg vm0;
	v2 =	vsel vm1, $0x1, v0  }
0x1cf: {  	v3 =	vsel vm0, $0x1, v0;
	v4 =	vsel vm3, $0x1, v0;
	v5 =	vsel vm2, $0x1, v0;
	[tilespmem:s9+$0xC190] =	vst v2  }
0x1d0: {  	v3 =	vsub.s32 v3, v4;
	[tilespmem:s9+$0xC010] =	vst v5  }
0x1d1: {  	v2 =	vsub.s32 v4, v2;
	[tilespmem:s9+$0xC090] =	vst v3  }
0x1d2: {  	[tilespmem:s9+$0xC110] =	vst v2;
	v1 =	vand.u32 $0x7FFFFFFF, v1  }
0x1d3: {  	v2 =	vld [tilespmem:s6+$0xFFFFFFB0];
	vm0 =	vgt.f32 v1, $1.000000000e+02;
	vm1 =	vgt.f32 v1, $1.000000000e+03  }
0x1d4: {  	vm3 =	vgt.f32 v1, $5.000000000e+02;
	vm2 =	vmneg vm0;
	v1 =	vsel vm1, $0x1, v0  }
0x1d5: {  	v3 =	vsel vm0, $0x1, v0;
	v4 =	vsel vm3, $0x1, v0;
	v5 =	vsel vm2, $0x1, v0;
	[tilespmem:s8+$0xC1C0] =	vst v1  }
0x1d6: {  	v3 =	vsub.s32 v3, v4;
	[tilespmem:s8+$0xC040] =	vst v5  }
0x1d7: {  	v1 =	vsub.s32 v4, v1;
	[tilespmem:s8+$0xC0C0] =	vst v3  }
0x1d8: {  	v2 =	vand.u32 $0x7FFFFFFF, v2;
	[tilespmem:s8+$0xC140] =	vst v1  }
0x1d9: {  	s30 =	simm.s32 $0x2170;
	vm0 =	vgt.f32 v2, $1.000000000e+02;
	vm1 =	vgt.f32 v2, $1.000000000e+03;
	v1 =	vld [tilespmem:s14+$0xFFFFFFE0]  }
0x1da: {  	vm3 =	vgt.f32 v2, $5.000000000e+02;
	vm2 =	vmneg vm0;
	v2 =	vsel vm1, $0x1, v0;
	v3 =	vld [tilespmem:s30+$0xFFFFFF90]  }
0x1db: {  	v4 =	vsel vm0, $0x1, v0;
	v5 =	vsel vm3, $0x1, v0;
	v6 =	vsel vm2, $0x1, v0;
	[tilespmem:s9+$0xC1A0] =	vst v2  }
0x1dc: {  	v4 =	vsub.s32 v4, v5;
	[tilespmem:s9+$0xC020] =	vst v6  }
0x1dd: {  	v2 =	vsub.s32 v5, v2;
	[tilespmem:s9+$0xC0A0] =	vst v4  }
0x1de: {  	[tilespmem:s9+$0xC120] =	vst v2;
	v1 =	vand.u32 $0x7FFFFFFF, v1  }
0x1df: {  	v2 =	vld [tilespmem:s6+$0xFFFFFFC0];
	v3 =	vand.u32 $0x7FFFFFFF, v3;
	vm0 =	vgt.f32 v1, $1.000000000e+02;
	vm1 =	vgt.f32 v1, $1.000000000e+03  }
0x1e0: {  	vm3 =	vgt.f32 v1, $5.000000000e+02;
	vm2 =	vmneg vm0;
	v1 =	vsel vm1, $0x1, v0  }
0x1e1: {  	v4 =	vsel vm0, $0x1, v0;
	v5 =	vsel vm3, $0x1, v0;
	v63 =	vsel vm2, $0x1, v0;
	[tilespmem:s8+$0xC1D0] =	vst v1  }
0x1e2: {  	vm0 =	vgt.f32 v3, $1.000000000e+02;
	v4 =	vsub.s32 v4, v5;
	[tilespmem:s8+$0xC050] =	vst v63  }
0x1e3: {  	vm1 =	vgt.f32 v3, $1.000000000e+03;
	vm3 =	vgt.f32 v3, $5.000000000e+02;
	v1 =	vsub.s32 v5, v1;
	[tilespmem:s8+$0xC0D0] =	vst v4  }
0x1e4: {  	s31 =	simm.s32 $0x400;
	v2 =	vand.u32 $0x7FFFFFFF, v2;
	vm2 =	vmneg vm0;
	v3 =	vsel vm1, $0x1, v0;
	[tilespmem:s8+$0xC150] =	vst v1  }
0x1e5: {  	v1 =	vsel vm0, $0x1, v0;
	v4 =	vsel vm3, $0x1, v0;
	v5 =	vsel vm2, $0x1, v0;
	[tilespmem:s31+$0xC180] =	vst v3;
	v6 =	vld [tilespmem:s14+$0xFFFFFFF0]  }
0x1e6: {  	vm0 =	vgt.f32 v2, $1.000000000e+02;
	[tilespmem:s31+$0xC000] =	vst v5;
	v1 =	vsub.s32 v1, v4  }
0x1e7: {  	vm2 =	vmneg vm0;
	[tilespmem:s31+$0xC080] =	vst v1;
	v1 =	vsub.s32 v4, v3  }
0x1e8: {  	vm1 =	vgt.f32 v2, $1.000000000e+03;
	vm3 =	vgt.f32 v2, $5.000000000e+02;
	v3 =	vsel vm2, $0x1, v0;
	[tilespmem:s31+$0xC100] =	vst v1  }
0x1e9: {  	v2 =	vsel vm1, $0x1, v0;
	v4 =	vsel vm3, $0x1, v0;
	v1 =	vsel vm0, $0x1, v0;
	[tilespmem:s9+$0xC030] =	vst v3;
	v3 =	vld [tilespmem:s30+$0xFFFFFFA0]  }
0x1ea: {  	[tilespmem:s9+$0xC1B0] =	vst v2;
	v5 =	vsub.s32 v1, v4;
	v1 =	vand.u32 $0x7FFFFFFF, v6  }
0x1eb: {  	s15 =	simm.s32 $0x1800;
	v2 =	vsub.s32 v4, v2;
	[tilespmem:s9+$0xC0B0] =	vst v5;
	vm0 =	vgt.f32 v1, $1.000000000e+02;
	vm1 =	vgt.f32 v1, $1.000000000e+03  }
.LBB2_15:
0x1ec: {  	p2 =	sne.s32 s15, $0xF800;
	[tilespmem:s9+$0xC130] =	vst v2;
	vm2 =	vmneg vm0;
	vm3 =	vgt.f32 v1, $5.000000000e+02;
	v1 =	vsel vm1, $0x1, v0  }
0x1ed: {  	v4 =	vsel vm0, $0x1, v0;
	v2 =	vld [tilespmem:s6+$0xFFFFFFD0];
	v5 =	vsel vm3, $0x1, v0;
	v6 =	vsel vm2, $0x1, v0;
	[tilespmem:s8+$0xC1E0] =	vst v1  }
0x1ee: {  	v3 =	vand.u32 $0x7FFFFFFF, v3;
	[tilespmem:s8+$0xC060] =	vst v6;
	v4 =	vsub.s32 v4, v5  }
0x1ef: {  	v1 =	vsub.s32 v5, v1;
	vm0 =	vgt.f32 v3, $1.000000000e+02;
	vm1 =	vgt.f32 v3, $1.000000000e+03;
	[tilespmem:s8+$0xC0E0] =	vst v4  }
0x1f0: {  	vm3 =	vgt.f32 v3, $5.000000000e+02;
	vm2 =	vmneg vm0;
	v3 =	vsel vm1, $0x1, v0;
	[tilespmem:s8+$0xC160] =	vst v1  }
0x1f1: {  	v1 =	vsel vm0, $0x1, v0;
	v4 =	vsel vm3, $0x1, v0;
	v5 =	vsel vm2, $0x1, v0;
	[tilespmem:s31+$0xC190] =	vst v3;
	v6 =	vld [tilespmem:s14+$0x0];
	s14 =	smov.u32 s6;
	s6 =	smov.u32 s30  }
0x1f2: {  	v1 =	vsub.s32 v1, v4;
	[tilespmem:s31+$0xC010] =	vst v5;
	v2 =	vand.u32 $0x7FFFFFFF, v2  }
0x1f3: {  	[tilespmem:s31+$0xC090] =	vst v1;
	v1 =	vsub.s32 v4, v3;
	vm0 =	vgt.f32 v2, $1.000000000e+02;
	vm1 =	vgt.f32 v2, $1.000000000e+03  }
0x1f4: {  	vm3 =	vgt.f32 v2, $5.000000000e+02;
	[tilespmem:s31+$0xC110] =	vst v1;
	vm2 =	vmneg vm0;
	v1 =	vsel vm1, $0x1, v0  }
0x1f5: {  	v3 =	vsel vm0, $0x1, v0;
	v4 =	vsel vm3, $0x1, v0;
	v2 =	vld [tilespmem:s30+$0xFFFFFFB0];
	v5 =	vsel vm2, $0x1, v0;
	[tilespmem:s9+$0xC1C0] =	vst v1  }
0x1f6: {  	v3 =	vsub.s32 v3, v4;
	[tilespmem:s9+$0xC040] =	vst v5;
	v5 =	vand.u32 $0x7FFFFFFF, v6  }
0x1f7: {  	v1 =	vsub.s32 v4, v1;
	[tilespmem:s9+$0xC0C0] =	vst v3;
	vm0 =	vgt.f32 v5, $5.000000000e+02;
	vm1 =	vgt.f32 v5, $1.000000000e+03  }
0x1f8: {  	vm2 =	vgt.f32 v5, $1.000000000e+02;
	[tilespmem:s9+$0xC140] =	vst v1;
	v1 =	vsel vm0, $0x1, v0;
	v3 =	vsel vm1, $0x1, v0  }
0x1f9: {  	vm0 =	vmneg vm2;
	v5 =	vsel vm2, $0x1, v0;
	v4 =	vld [tilespmem:s14+$0xFFFFFFE0];
	v6 =	vsub.s32 v1, v3;
	[tilespmem:s8+$0xC1F0] =	vst v3  }
0x1fa: {  	v3 =	vsel vm0, $0x1, v0;
	v1 =	vsub.s32 v5, v1;
	v2 =	vand.u32 $0x7FFFFFFF, v2;
	[tilespmem:s8+$0xC170] =	vst v6  }
0x1fb: {  	vm0 =	vgt.f32 v2, $1.000000000e+02;
	vm1 =	vgt.f32 v2, $1.000000000e+03;
	[tilespmem:s8+$0xC070] =	vst v3  }
0x1fc: {  	s30 =	sadd.s32 $0x80, s30;
	vm3 =	vgt.f32 v2, $5.000000000e+02;
	vm2 =	vmneg vm0;
	v2 =	vsel vm1, $0x1, v0;
	[tilespmem:s8+$0xC0F0] =	vst v1;
	s8 =	smov.u32 s9;
	s9 =	smov.u32 s31  }
0x1fd: {  	v3 =	vsel vm0, $0x1, v0;
	v5 =	vsel vm3, $0x1, v0;
	v1 =	vld [tilespmem:s30+$0xFFFFFF90];
	v6 =	vsel vm2, $0x1, v0;
	[tilespmem:s9+$0xC1A0] =	vst v2  }
0x1fe: {  	v3 =	vsub.s32 v3, v5;
	[tilespmem:s9+$0xC020] =	vst v6;
	v4 =	vand.u32 $0x7FFFFFFF, v4  }
0x1ff: {  	v2 =	vsub.s32 v5, v2;
	[tilespmem:s9+$0xC0A0] =	vst v3;
	vm0 =	vgt.f32 v4, $1.000000000e+02;
	vm1 =	vgt.f32 v4, $1.000000000e+03  }
0x200: {  	vm3 =	vgt.f32 v4, $5.000000000e+02;
	[tilespmem:s9+$0xC120] =	vst v2;
	vm2 =	vmneg vm0;
	v2 =	vsel vm1, $0x1, v0  }
0x201: {  	v4 =	vsel vm0, $0x1, v0;
	v5 =	vsel vm3, $0x1, v0;
	v3 =	vld [tilespmem:s6+$0xFFFFFFC0];
	v6 =	vsel vm2, $0x1, v0;
	[tilespmem:s8+$0xC1D0] =	vst v2  }
0x202: {  	v4 =	vsub.s32 v4, v5;
	v1 =	vand.u32 $0x7FFFFFFF, v1;
	[tilespmem:s8+$0xC050] =	vst v6  }
0x203: {  	v2 =	vsub.s32 v5, v2;
	vm0 =	vgt.f32 v1, $1.000000000e+02;
	vm1 =	vgt.f32 v1, $1.000000000e+03;
	[tilespmem:s8+$0xC0D0] =	vst v4  }
0x204: {  	s31 =	sshra.s32 s15, $0x2;
	vm3 =	vgt.f32 v1, $5.000000000e+02;
	vm2 =	vmneg vm0;
	v1 =	vsel vm1, $0x1, v0;
	[tilespmem:s8+$0xC150] =	vst v2  }
0x205: {  	v2 =	vsel vm0, $0x1, v0;
	v4 =	vsel vm3, $0x1, v0;
	v5 =	vsel vm2, $0x1, v0;
	[tilespmem:s31+$0xC180] =	vst v1;
	v6 =	vld [tilespmem:s14+$0xFFFFFFF0]  }
0x206: {  	v2 =	vsub.s32 v2, v4;
	[tilespmem:s31+$0xC000] =	vst v5;
	v3 =	vand.u32 $0x7FFFFFFF, v3  }
.Ltmp10:
0x207: {  	v1 =	vsub.s32 v4, v1;
	[tilespmem:s31+$0xC080] =	vst v2;
	vm0 =	vgt.f32 v3, $1.000000000e+02;
	vm1 =	vgt.f32 v3, $1.000000000e+03;
	(pc) =	sbr.rel @p2 .LBB2_15-.Ltmp10, $4  }
0x208: {  	vm3 =	vgt.f32 v3, $5.000000000e+02;
	[tilespmem:s31+$0xC100] =	vst v1;
	vm2 =	vmneg vm0;
	v2 =	vsel vm1, $0x1, v0  }
0x209: {  	v1 =	vsel vm0, $0x1, v0;
	v4 =	vsel vm3, $0x1, v0;
	v3 =	vld [tilespmem:s30+$0xFFFFFFA0];
	v5 =	vsel vm2, $0x1, v0;
	[tilespmem:s9+$0xC1B0] =	vst v2  }
0x20a: {  	[tilespmem:s9+$0xC030] =	vst v5;
	v5 =	vsub.s32 v1, v4;
	v1 =	vand.u32 $0x7FFFFFFF, v6  }
0x20b: {  	s15 =	sadd.s32 $0x800, s15;
	v2 =	vsub.s32 v4, v2;
	[tilespmem:s9+$0xC0B0] =	vst v5;
	vm0 =	vgt.f32 v1, $1.000000000e+02;
	vm1 =	vgt.f32 v1, $1.000000000e+03  }
0x20c: {  	_ =	sdelay $0x1  }
0x20d: {  	v3 =	vand.u32 $0x7FFFFFFF, v3  }
0x20e: {  	vm2 =	vgt.f32 v3, $1.000000000e+02;
	vm3 =	vgt.f32 v3, $1.000000000e+03  }
0x20f: {  	vm8 =	vgt.f32 v3, $5.000000000e+02;
	vm4 =	vmneg vm2;
	v4 =	vsel vm3, $0x1, v0  }
0x210: {  	v3 =	vsel vm2, $0x1, v0;
	v5 =	vsel vm8, $0x1, v0;
	v6 =	vsel vm4, $0x1, v0;
	[tilespmem:s31+$0xC190] =	vst v4  }
0x211: {  	v3 =	vsub.s32 v3, v5;
	[tilespmem:s31+$0xC010] =	vst v6  }
0x212: {  	[tilespmem:s31+$0xC090] =	vst v3;
	v3 =	vsub.s32 v5, v4  }
0x213: {  	[tilespmem:s31+$0xC110] =	vst v3  }
0x214: {  	v3 =	vld [tilespmem:s30+$0xFFFFFFB0];
	_ =	sdelay $0x4  }
0x215: {  	v3 =	vand.u32 $0x7FFFFFFF, v3  }
0x216: {  	vm9 =	vgt.f32 v3, $1.000000000e+02;
	vm10 =	vgt.f32 v3, $1.000000000e+03  }
0x217: {  	vm12 =	vgt.f32 v3, $5.000000000e+02;
	vm11 =	vmneg vm9;
	v35 =	vsel vm10, $0x1, v0  }
0x218: {  	v3 =	vsel vm9, $0x1, v0;
	v36 =	vsel vm12, $0x1, v0;
	v37 =	vsel vm11, $0x1, v0;
	[tilespmem:s31+$0xC1A0] =	vst v35  }
0x219: {  	v3 =	vsub.s32 v3, v36;
	[tilespmem:s31+$0xC020] =	vst v37  }
0x21a: {  	[tilespmem:s31+$0xC0A0] =	vst v3;
	v3 =	vsub.s32 v36, v35  }
0x21b: {  	[tilespmem:s31+$0xC120] =	vst v3  }
0x21c: {  	v3 =	vld [tilespmem:s30+$0xFFFFFFC0];
	_ =	sdelay $0x4  }
0x21d: {  	v3 =	vand.u32 $0x7FFFFFFF, v3  }
0x21e: {  	vm13 =	vgt.f32 v3, $1.000000000e+02;
	vm14 =	vgt.f32 v3, $1.000000000e+03  }
0x21f: {  	[tilespmem:s9+$0xC130] =	vst v2;
	vm8 =	vgt.f32 v3, $5.000000000e+02;
	vm15 =	vmneg vm13;
	v2 =	vsel vm14, $0x1, v0  }
0x220: {  	v3 =	vld [tilespmem:s6+$0xFFFFFFD0];
	v38 =	vsel vm13, $0x1, v0;
	v39 =	vsel vm8, $0x1, v0;
	v40 =	vsel vm15, $0x1, v0;
	[tilespmem:s31+$0xC1B0] =	vst v2  }
0x221: {  	v4 =	vsub.s32 v38, v39;
	[tilespmem:s31+$0xC030] =	vst v40  }
0x222: {  	v2 =	vsub.s32 v39, v2;
	[tilespmem:s31+$0xC0B0] =	vst v4  }
0x223: {  	[tilespmem:s31+$0xC130] =	vst v2  }
0x224: {  	v2 =	vld [tilespmem:s30+$0xFFFFFFD0]  }
0x225: {  	v3 =	vand.u32 $0x7FFFFFFF, v3  }
0x226: {  	vm9 =	vgt.f32 v3, $1.000000000e+02;
	vm10 =	vgt.f32 v3, $1.000000000e+03  }
0x227: {  	vm12 =	vgt.f32 v3, $5.000000000e+02;
	vm11 =	vmneg vm9;
	v41 =	vsel vm10, $0x1, v0  }
0x228: {  	v3 =	vsel vm9, $0x1, v0;
	v42 =	vsel vm12, $0x1, v0;
	v43 =	vsel vm11, $0x1, v0;
	[tilespmem:s9+$0xC1C0] =	vst v41  }
0x229: {  	v3 =	vsub.s32 v3, v42;
	[tilespmem:s9+$0xC040] =	vst v43;
	v2 =	vand.u32 $0x7FFFFFFF, v2  }
0x22a: {  	[tilespmem:s9+$0xC0C0] =	vst v3;
	v3 =	vsub.s32 v42, v41;
	vm13 =	vgt.f32 v2, $1.000000000e+02;
	vm14 =	vgt.f32 v2, $1.000000000e+03  }
0x22b: {  	[tilespmem:s9+$0xC140] =	vst v3;
	vm7 =	vgt.f32 v2, $5.000000000e+02;
	vm15 =	vmneg vm13;
	v3 =	vsel vm14, $0x1, v0  }
0x22c: {  	v2 =	vld [tilespmem:s6+$0xFFFFFFE0];
	v44 =	vsel vm13, $0x1, v0;
	v45 =	vsel vm7, $0x1, v0;
	v46 =	vsel vm15, $0x1, v0;
	[tilespmem:s31+$0xC1C0] =	vst v3  }
0x22d: {  	v4 =	vsub.s32 v44, v45;
	[tilespmem:s31+$0xC040] =	vst v46  }
0x22e: {  	v3 =	vsub.s32 v45, v3;
	[tilespmem:s31+$0xC0C0] =	vst v4  }
0x22f: {  	[tilespmem:s31+$0xC140] =	vst v3  }
0x230: {  	v3 =	vld [tilespmem:s30+$0xFFFFFFE0]  }
0x231: {  	v2 =	vand.u32 $0x7FFFFFFF, v2  }
0x232: {  	vm8 =	vgt.f32 v2, $1.000000000e+02;
	vm9 =	vgt.f32 v2, $1.000000000e+03  }
0x233: {  	vm11 =	vgt.f32 v2, $5.000000000e+02;
	vm10 =	vmneg vm8;
	v47 =	vsel vm9, $0x1, v0  }
0x234: {  	v2 =	vsel vm8, $0x1, v0;
	v48 =	vsel vm11, $0x1, v0;
	v49 =	vsel vm10, $0x1, v0;
	[tilespmem:s9+$0xC1D0] =	vst v47  }
0x235: {  	v2 =	vsub.s32 v2, v48;
	v3 =	vand.u32 $0x7FFFFFFF, v3;
	[tilespmem:s9+$0xC050] =	vst v49  }
0x236: {  	[tilespmem:s9+$0xC0D0] =	vst v2;
	v2 =	vsub.s32 v48, v47;
	vm12 =	vgt.f32 v3, $1.000000000e+02;
	vm13 =	vgt.f32 v3, $1.000000000e+03  }
0x237: {  	vm15 =	vgt.f32 v3, $5.000000000e+02;
	[tilespmem:s9+$0xC150] =	vst v2;
	vm14 =	vmneg vm12;
	v2 =	vsel vm13, $0x1, v0  }
0x238: {  	v3 =	vsel vm12, $0x1, v0;
	v51 =	vsel vm15, $0x1, v0;
	v50 =	vld [tilespmem:s6+$0xFFFFFFF0];
	v52 =	vsel vm14, $0x1, v0;
	[tilespmem:s31+$0xC1D0] =	vst v2  }
0x239: {  	v3 =	vsub.s32 v3, v51;
	[tilespmem:s31+$0xC050] =	vst v52  }
0x23a: {  	vm6 =	vmneg vm0;
	v2 =	vsub.s32 v51, v2;
	[tilespmem:s31+$0xC0D0] =	vst v3  }
0x23b: {  	v53 =	vsel vm6, $0x1, v0;
	vm7 =	vgt.f32 v1, $5.000000000e+02;
	[tilespmem:s31+$0xC150] =	vst v2  }
0x23c: {  	[tilespmem:s8+$0xC060] =	vst v53;
	v1 =	vsel vm1, $0x1, v0;
	v2 =	vsel vm0, $0x1, v0;
	v3 =	vsel vm7, $0x1, v0;
	v6 =	vld [tilespmem:s30+$0xFFFFFFF0]  }
0x23d: {  	[tilespmem:s8+$0xC1E0] =	vst v1;
	v2 =	vsub.s32 v2, v3;
	v4 =	vand.u32 $0x7FFFFFFF, v50  }
0x23e: {  	v1 =	vsub.s32 v3, v1;
	[tilespmem:s8+$0xC0E0] =	vst v2;
	vm8 =	vgt.f32 v4, $1.000000000e+02;
	vm9 =	vgt.f32 v4, $1.000000000e+03  }
0x23f: {  	[tilespmem:s8+$0xC160] =	vst v1;
	vm11 =	vgt.f32 v4, $5.000000000e+02;
	vm10 =	vmneg vm8;
	v1 =	vsel vm9, $0x1, v0  }
0x240: {  	v2 =	vld [tilespmem:s14+$0x0];
	v3 =	vsel vm8, $0x1, v0;
	v4 =	vsel vm11, $0x1, v0;
	v54 =	vsel vm10, $0x1, v0;
	[tilespmem:s9+$0xC1E0] =	vst v1  }
0x241: {  	v55 =	vand.u32 $0x7FFFFFFF, v6;
	v3 =	vsub.s32 v3, v4;
	[tilespmem:s9+$0xC060] =	vst v54  }
0x242: {  	v1 =	vsub.s32 v4, v1;
	vm12 =	vgt.f32 v55, $1.000000000e+02;
	vm13 =	vgt.f32 v55, $1.000000000e+03;
	[tilespmem:s9+$0xC0E0] =	vst v3  }
0x243: {  	vm15 =	vgt.f32 v55, $5.000000000e+02;
	[tilespmem:s9+$0xC160] =	vst v1;
	vm14 =	vmneg vm12;
	v1 =	vsel vm13, $0x1, v0  }
0x244: {  	v56 =	vsel vm12, $0x1, v0;
	v5 =	vsel vm15, $0x1, v0;
	v3 =	vld [tilespmem:s6+$0x0];
	v57 =	vsel vm14, $0x1, v0;
	[tilespmem:s31+$0xC1E0] =	vst v1  }
0x245: {  	v2 =	vand.u32 $0x7FFFFFFF, v2;
	v4 =	vsub.s32 v56, v5;
	[tilespmem:s31+$0xC060] =	vst v57  }
0x246: {  	vm4 =	vgt.f32 v2, $5.000000000e+02;
	vm5 =	vgt.f32 v2, $1.000000000e+03;
	v1 =	vsub.s32 v5, v1;
	[tilespmem:s31+$0xC0E0] =	vst v4  }
0x247: {  	vm6 =	vgt.f32 v2, $1.000000000e+02;
	v2 =	vsel vm4, $0x1, v0;
	v58 =	vsel vm5, $0x1, v0;
	[tilespmem:s31+$0xC160] =	vst v1  }
0x248: {  	vm7 =	vmneg vm6;
	v1 =	vsub.s32 v2, v58;
	[tilespmem:s8+$0xC1F0] =	vst v58;
	v59 =	vld [tilespmem:s30+$0x0]  }
0x249: {  	v60 =	vsel vm6, $0x1, v0;
	v61 =	vsel vm7, $0x1, v0;
	[tilespmem:s8+$0xC170] =	vst v1;
	v1 =	vand.u32 $0x7FFFFFFF, v3  }
0x24a: {  	v2 =	vsub.s32 v60, v2;
	[tilespmem:s8+$0xC070] =	vst v61;
	vm8 =	vgt.f32 v1, $5.000000000e+02;
	vm9 =	vgt.f32 v1, $1.000000000e+03  }
0x24b: {  	[tilespmem:s8+$0xC0F0] =	vst v2;
	vm10 =	vgt.f32 v1, $1.000000000e+02;
	v1 =	vsel vm8, $0x1, v0;
	v2 =	vsel vm9, $0x1, v0  }
0x24c: {  	vm11 =	vmneg vm10;
	v3 =	vsub.s32 v1, v2;
	[tilespmem:s9+$0xC1F0] =	vst v2  }
0x24d: {  	v2 =	vsel vm10, $0x1, v0;
	v62 =	vsel vm11, $0x1, v0;
	[tilespmem:s9+$0xC170] =	vst v3;
	v3 =	vand.u32 $0x7FFFFFFF, v59  }
0x24e: {  	v1 =	vsub.s32 v2, v1;
	[tilespmem:s9+$0xC070] =	vst v62;
	vm12 =	vgt.f32 v3, $5.000000000e+02;
	vm13 =	vgt.f32 v3, $1.000000000e+03  }
0x24f: {  	[tilespmem:s9+$0xC0F0] =	vst v1;
	vm14 =	vgt.f32 v3, $1.000000000e+02;
	v1 =	vsel vm12, $0x1, v0;
	v2 =	vsel vm13, $0x1, v0  }
.Ltmp11:
0x250: {  	vm15 =	vmneg vm14;
	v3 =	vsub.s32 v1, v2;
	[tilespmem:s31+$0xC1F0] =	vst v2;
	(pc) =	sbr.rel @p1 .LBB2_18-.Ltmp11, $4  }
0x251: {  	v2 =	vsel vm14, $0x1, v0;
	v63 =	vsel vm15, $0x1, v0;
	[tilespmem:s31+$0xC170] =	vst v3  }
0x252: {  	v1 =	vsub.s32 v2, v1;
	[tilespmem:s31+$0xC070] =	vst v63  }
0x253: {  	[tilespmem:s31+$0xC0F0] =	vst v1;
	s31 =	sadd.s32 $0x1000, s7  }
0x254: {  	[hbm4b:s31+s4] =	stream.linear.scatter [tilespmem:s25], [sflag:$0x7], $0x4000, $0x38;
	[tilespmem:$0x14000] =	vst v63  }
.Ltmp12:
0x255: {  	(pc) =	sbr.rel .LBB2_19-.Ltmp12, $4  }
0x256: {  	_ = 	snop  }
0x257: {  	_ =	swait.ge [sflag:s26], $0x1000  }
0x258: {  	[sflag:s26] =	ssyncset.done $0x0  }
0x259: {  	[sflag:s26] =	ssyncadd.s32 $0xFFFFF000  }
.LBB2_18:
0x25a: {  	s6 =	sadd.s32 s1, s12  }
0x25b: {  	s6 =	sshrl.u32 s6, $0x3  }
.Ltmp13:
0x25c: {  	s6 =	sadd.s32 s2, s6;
	(pc) =	sbr.rel @p0 .LBB2_20-.Ltmp13, $4  }
0x25d: {  	[tilespmem:s16], [sflag:$0x3] =	stream.linear.gather [hbm4b:s6+s4], $0x1000, $0x38;
	[tilespmem:$0x14000] =	vst v63  }
0x25e: {  	_ =	swait.ge [sflag:s26], $0x1000  }
0x25f: {  	[sflag:s26] =	ssyncset.done $0x0  }
0x260: {  	[sflag:s26] =	ssyncadd.s32 $0xFFFFF000  }
.LBB2_19:
0x261: {  	_ =	swait.ge [sflag:s28], $0x4000  }
0x262: {  	[sflag:s28] =	ssyncset.done $0x0  }
0x263: {  	[sflag:s28] =	ssyncadd.s32 $0xFFFFC000  }
.LBB2_20:
0x264: {  	s14 =	simm.s32 $0x3070  }
0x265: {  	v1 =	vld [tilespmem:s14+$0xFFFFFF90];
	_ =	sdelay $0x4  }
0x266: {  	v1 =	vand.u32 $0x7FFFFFFF, v1  }
0x267: {  	vm0 =	vgt.f32 v1, $1.000000000e+02;
	vm1 =	vgt.f32 v1, $1.000000000e+03  }
0x268: {  	s8 =	simm.s32 $0x0;
	vm3 =	vgt.f32 v1, $5.000000000e+02;
	vm2 =	vmneg vm0;
	v1 =	vsel vm1, $0x1, v0  }
0x269: {  	v2 =	vsel vm0, $0x1, v0;
	v3 =	vsel vm3, $0x1, v0;
	v4 =	vsel vm2, $0x1, v0;
	[tilespmem:s8+$0x10180] =	vst v1  }
0x26a: {  	v2 =	vsub.s32 v2, v3;
	[tilespmem:s8+$0x10000] =	vst v4  }
0x26b: {  	v1 =	vsub.s32 v3, v1;
	[tilespmem:s8+$0x10080] =	vst v2  }
0x26c: {  	[tilespmem:s8+$0x10100] =	vst v1  }
0x26d: {  	v1 =	vld [tilespmem:s14+$0xFFFFFFA0];
	_ =	sdelay $0x4  }
0x26e: {  	v1 =	vand.u32 $0x7FFFFFFF, v1  }
0x26f: {  	vm0 =	vgt.f32 v1, $1.000000000e+02;
	vm1 =	vgt.f32 v1, $1.000000000e+03  }
0x270: {  	vm3 =	vgt.f32 v1, $5.000000000e+02;
	vm2 =	vmneg vm0;
	v1 =	vsel vm1, $0x1, v0  }
0x271: {  	v2 =	vsel vm0, $0x1, v0;
	v3 =	vsel vm3, $0x1, v0;
	v4 =	vsel vm2, $0x1, v0;
	[tilespmem:s8+$0x10190] =	vst v1  }
0x272: {  	v2 =	vsub.s32 v2, v3;
	[tilespmem:s8+$0x10010] =	vst v4  }
0x273: {  	v1 =	vsub.s32 v3, v1;
	[tilespmem:s8+$0x10090] =	vst v2  }
0x274: {  	[tilespmem:s8+$0x10110] =	vst v1  }
0x275: {  	v1 =	vld [tilespmem:s14+$0xFFFFFFB0];
	_ =	sdelay $0x4  }
0x276: {  	s6 =	simm.s32 $0x30F0;
	v1 =	vand.u32 $0x7FFFFFFF, v1  }
0x277: {  	v2 =	vld [tilespmem:s6+$0xFFFFFF90];
	vm0 =	vgt.f32 v1, $1.000000000e+02;
	vm1 =	vgt.f32 v1, $1.000000000e+03  }
0x278: {  	vm3 =	vgt.f32 v1, $5.000000000e+02;
	vm2 =	vmneg vm0;
	v1 =	vsel vm1, $0x1, v0  }
0x279: {  	v3 =	vsel vm0, $0x1, v0;
	v4 =	vsel vm3, $0x1, v0;
	v5 =	vsel vm2, $0x1, v0;
	[tilespmem:s8+$0x101A0] =	vst v1  }
0x27a: {  	v3 =	vsub.s32 v3, v4;
	[tilespmem:s8+$0x10020] =	vst v5  }
0x27b: {  	v1 =	vsub.s32 v4, v1;
	[tilespmem:s8+$0x100A0] =	vst v3  }
0x27c: {  	v2 =	vand.u32 $0x7FFFFFFF, v2;
	[tilespmem:s8+$0x10120] =	vst v1  }
0x27d: {  	vm0 =	vgt.f32 v2, $1.000000000e+02;
	vm1 =	vgt.f32 v2, $1.000000000e+03;
	v1 =	vld [tilespmem:s14+$0xFFFFFFC0]  }
0x27e: {  	s9 =	simm.s32 $0x200;
	vm3 =	vgt.f32 v2, $5.000000000e+02;
	vm2 =	vmneg vm0;
	v2 =	vsel vm1, $0x1, v0  }
0x27f: {  	v4 =	vsel vm3, $0x1, v0;
	v5 =	vsel vm2, $0x1, v0;
	[tilespmem:s9+$0x10180] =	vst v2  }
0x280: {  	v3 =	vsel vm0, $0x1, v0;
	v2 =	vsub.s32 v4, v2;
	[tilespmem:s9+$0x10000] =	vst v5  }
0x281: {  	v3 =	vsub.s32 v3, v4;
	[tilespmem:s9+$0x10100] =	vst v2  }
0x282: {  	[tilespmem:s9+$0x10080] =	vst v3;
	v1 =	vand.u32 $0x7FFFFFFF, v1  }
0x283: {  	v2 =	vld [tilespmem:s6+$0xFFFFFFA0];
	vm0 =	vgt.f32 v1, $1.000000000e+02;
	vm1 =	vgt.f32 v1, $1.000000000e+03  }
0x284: {  	vm3 =	vgt.f32 v1, $5.000000000e+02;
	vm2 =	vmneg vm0;
	v1 =	vsel vm1, $0x1, v0  }
0x285: {  	v3 =	vsel vm0, $0x1, v0;
	v4 =	vsel vm3, $0x1, v0;
	v5 =	vsel vm2, $0x1, v0;
	[tilespmem:s8+$0x101B0] =	vst v1  }
0x286: {  	v3 =	vsub.s32 v3, v4;
	[tilespmem:s8+$0x10030] =	vst v5  }
0x287: {  	v1 =	vsub.s32 v4, v1;
	[tilespmem:s8+$0x100B0] =	vst v3  }
0x288: {  	v2 =	vand.u32 $0x7FFFFFFF, v2;
	[tilespmem:s8+$0x10130] =	vst v1  }
0x289: {  	vm0 =	vgt.f32 v2, $1.000000000e+02;
	vm1 =	vgt.f32 v2, $1.000000000e+03;
	v1 =	vld [tilespmem:s14+$0xFFFFFFD0]  }
0x28a: {  	vm3 =	vgt.f32 v2, $5.000000000e+02;
	vm2 =	vmneg vm0;
	v2 =	vsel vm1, $0x1, v0  }
0x28b: {  	v3 =	vsel vm0, $0x1, v0;
	v4 =	vsel vm3, $0x1, v0;
	v5 =	vsel vm2, $0x1, v0;
	[tilespmem:s9+$0x10190] =	vst v2  }
0x28c: {  	v3 =	vsub.s32 v3, v4;
	[tilespmem:s9+$0x10010] =	vst v5  }
0x28d: {  	v2 =	vsub.s32 v4, v2;
	[tilespmem:s9+$0x10090] =	vst v3  }
0x28e: {  	[tilespmem:s9+$0x10110] =	vst v2;
	v1 =	vand.u32 $0x7FFFFFFF, v1  }
0x28f: {  	v2 =	vld [tilespmem:s6+$0xFFFFFFB0];
	vm0 =	vgt.f32 v1, $1.000000000e+02;
	vm1 =	vgt.f32 v1, $1.000000000e+03  }
0x290: {  	vm3 =	vgt.f32 v1, $5.000000000e+02;
	vm2 =	vmneg vm0;
	v1 =	vsel vm1, $0x1, v0  }
0x291: {  	v3 =	vsel vm0, $0x1, v0;
	v4 =	vsel vm3, $0x1, v0;
	v5 =	vsel vm2, $0x1, v0;
	[tilespmem:s8+$0x101C0] =	vst v1  }
0x292: {  	v3 =	vsub.s32 v3, v4;
	[tilespmem:s8+$0x10040] =	vst v5  }
0x293: {  	v1 =	vsub.s32 v4, v1;
	[tilespmem:s8+$0x100C0] =	vst v3  }
0x294: {  	v2 =	vand.u32 $0x7FFFFFFF, v2;
	[tilespmem:s8+$0x10140] =	vst v1  }
0x295: {  	s30 =	simm.s32 $0x3170;
	vm0 =	vgt.f32 v2, $1.000000000e+02;
	vm1 =	vgt.f32 v2, $1.000000000e+03;
	v1 =	vld [tilespmem:s14+$0xFFFFFFE0]  }
0x296: {  	vm3 =	vgt.f32 v2, $5.000000000e+02;
	vm2 =	vmneg vm0;
	v2 =	vsel vm1, $0x1, v0;
	v3 =	vld [tilespmem:s30+$0xFFFFFF90]  }
0x297: {  	v4 =	vsel vm0, $0x1, v0;
	v5 =	vsel vm3, $0x1, v0;
	v6 =	vsel vm2, $0x1, v0;
	[tilespmem:s9+$0x101A0] =	vst v2  }
0x298: {  	v4 =	vsub.s32 v4, v5;
	[tilespmem:s9+$0x10020] =	vst v6  }
0x299: {  	v2 =	vsub.s32 v5, v2;
	[tilespmem:s9+$0x100A0] =	vst v4  }
0x29a: {  	[tilespmem:s9+$0x10120] =	vst v2;
	v1 =	vand.u32 $0x7FFFFFFF, v1  }
0x29b: {  	v2 =	vld [tilespmem:s6+$0xFFFFFFC0];
	v3 =	vand.u32 $0x7FFFFFFF, v3;
	vm0 =	vgt.f32 v1, $1.000000000e+02;
	vm1 =	vgt.f32 v1, $1.000000000e+03  }
0x29c: {  	vm3 =	vgt.f32 v1, $5.000000000e+02;
	vm2 =	vmneg vm0;
	v1 =	vsel vm1, $0x1, v0  }
0x29d: {  	v4 =	vsel vm0, $0x1, v0;
	v5 =	vsel vm3, $0x1, v0;
	v63 =	vsel vm2, $0x1, v0;
	[tilespmem:s8+$0x101D0] =	vst v1  }
0x29e: {  	vm0 =	vgt.f32 v3, $1.000000000e+02;
	v4 =	vsub.s32 v4, v5;
	[tilespmem:s8+$0x10050] =	vst v63  }
0x29f: {  	vm1 =	vgt.f32 v3, $1.000000000e+03;
	vm3 =	vgt.f32 v3, $5.000000000e+02;
	v1 =	vsub.s32 v5, v1;
	[tilespmem:s8+$0x100D0] =	vst v4  }
0x2a0: {  	s31 =	simm.s32 $0x400;
	v2 =	vand.u32 $0x7FFFFFFF, v2;
	vm2 =	vmneg vm0;
	v3 =	vsel vm1, $0x1, v0;
	[tilespmem:s8+$0x10150] =	vst v1  }
0x2a1: {  	v1 =	vsel vm0, $0x1, v0;
	v4 =	vsel vm3, $0x1, v0;
	v5 =	vsel vm2, $0x1, v0;
	[tilespmem:s31+$0x10180] =	vst v3;
	v6 =	vld [tilespmem:s14+$0xFFFFFFF0]  }
0x2a2: {  	vm0 =	vgt.f32 v2, $1.000000000e+02;
	[tilespmem:s31+$0x10000] =	vst v5;
	v1 =	vsub.s32 v1, v4  }
0x2a3: {  	vm2 =	vmneg vm0;
	[tilespmem:s31+$0x10080] =	vst v1;
	v1 =	vsub.s32 v4, v3  }
0x2a4: {  	vm1 =	vgt.f32 v2, $1.000000000e+03;
	vm3 =	vgt.f32 v2, $5.000000000e+02;
	v3 =	vsel vm2, $0x1, v0;
	[tilespmem:s31+$0x10100] =	vst v1  }
0x2a5: {  	v2 =	vsel vm1, $0x1, v0;
	v4 =	vsel vm3, $0x1, v0;
	v1 =	vsel vm0, $0x1, v0;
	[tilespmem:s9+$0x10030] =	vst v3;
	v3 =	vld [tilespmem:s30+$0xFFFFFFA0]  }
0x2a6: {  	[tilespmem:s9+$0x101B0] =	vst v2;
	v5 =	vsub.s32 v1, v4;
	v1 =	vand.u32 $0x7FFFFFFF, v6  }
0x2a7: {  	s15 =	simm.s32 $0x1800;
	v2 =	vsub.s32 v4, v2;
	[tilespmem:s9+$0x100B0] =	vst v5;
	vm0 =	vgt.f32 v1, $1.000000000e+02;
	vm1 =	vgt.f32 v1, $1.000000000e+03  }
.LBB2_21:
0x2a8: {  	p0 =	sne.s32 s15, $0xF800;
	[tilespmem:s9+$0x10130] =	vst v2;
	vm2 =	vmneg vm0;
	vm3 =	vgt.f32 v1, $5.000000000e+02;
	v1 =	vsel vm1, $0x1, v0  }
0x2a9: {  	v4 =	vsel vm0, $0x1, v0;
	v2 =	vld [tilespmem:s6+$0xFFFFFFD0];
	v5 =	vsel vm3, $0x1, v0;
	v6 =	vsel vm2, $0x1, v0;
	[tilespmem:s8+$0x101E0] =	vst v1  }
0x2aa: {  	v3 =	vand.u32 $0x7FFFFFFF, v3;
	[tilespmem:s8+$0x10060] =	vst v6;
	v4 =	vsub.s32 v4, v5  }
0x2ab: {  	v1 =	vsub.s32 v5, v1;
	vm0 =	vgt.f32 v3, $1.000000000e+02;
	vm1 =	vgt.f32 v3, $1.000000000e+03;
	[tilespmem:s8+$0x100E0] =	vst v4  }
0x2ac: {  	vm3 =	vgt.f32 v3, $5.000000000e+02;
	vm2 =	vmneg vm0;
	v3 =	vsel vm1, $0x1, v0;
	[tilespmem:s8+$0x10160] =	vst v1  }
0x2ad: {  	v1 =	vsel vm0, $0x1, v0;
	v4 =	vsel vm3, $0x1, v0;
	v5 =	vsel vm2, $0x1, v0;
	[tilespmem:s31+$0x10190] =	vst v3;
	v6 =	vld [tilespmem:s14+$0x0];
	s14 =	smov.u32 s6;
	s6 =	smov.u32 s30  }
0x2ae: {  	v1 =	vsub.s32 v1, v4;
	[tilespmem:s31+$0x10010] =	vst v5;
	v2 =	vand.u32 $0x7FFFFFFF, v2  }
0x2af: {  	[tilespmem:s31+$0x10090] =	vst v1;
	v1 =	vsub.s32 v4, v3;
	vm0 =	vgt.f32 v2, $1.000000000e+02;
	vm1 =	vgt.f32 v2, $1.000000000e+03  }
0x2b0: {  	vm3 =	vgt.f32 v2, $5.000000000e+02;
	[tilespmem:s31+$0x10110] =	vst v1;
	vm2 =	vmneg vm0;
	v1 =	vsel vm1, $0x1, v0  }
0x2b1: {  	v3 =	vsel vm0, $0x1, v0;
	v4 =	vsel vm3, $0x1, v0;
	v2 =	vld [tilespmem:s30+$0xFFFFFFB0];
	v5 =	vsel vm2, $0x1, v0;
	[tilespmem:s9+$0x101C0] =	vst v1  }
0x2b2: {  	v3 =	vsub.s32 v3, v4;
	[tilespmem:s9+$0x10040] =	vst v5;
	v5 =	vand.u32 $0x7FFFFFFF, v6  }
0x2b3: {  	v1 =	vsub.s32 v4, v1;
	[tilespmem:s9+$0x100C0] =	vst v3;
	vm0 =	vgt.f32 v5, $5.000000000e+02;
	vm1 =	vgt.f32 v5, $1.000000000e+03  }
0x2b4: {  	vm2 =	vgt.f32 v5, $1.000000000e+02;
	[tilespmem:s9+$0x10140] =	vst v1;
	v1 =	vsel vm0, $0x1, v0;
	v3 =	vsel vm1, $0x1, v0  }
0x2b5: {  	vm0 =	vmneg vm2;
	v5 =	vsel vm2, $0x1, v0;
	v4 =	vld [tilespmem:s14+$0xFFFFFFE0];
	v6 =	vsub.s32 v1, v3;
	[tilespmem:s8+$0x101F0] =	vst v3  }
0x2b6: {  	v3 =	vsel vm0, $0x1, v0;
	v1 =	vsub.s32 v5, v1;
	v2 =	vand.u32 $0x7FFFFFFF, v2;
	[tilespmem:s8+$0x10170] =	vst v6  }
0x2b7: {  	vm0 =	vgt.f32 v2, $1.000000000e+02;
	vm1 =	vgt.f32 v2, $1.000000000e+03;
	[tilespmem:s8+$0x10070] =	vst v3  }
0x2b8: {  	s30 =	sadd.s32 $0x80, s30;
	vm3 =	vgt.f32 v2, $5.000000000e+02;
	vm2 =	vmneg vm0;
	v2 =	vsel vm1, $0x1, v0;
	[tilespmem:s8+$0x100F0] =	vst v1;
	s8 =	smov.u32 s9;
	s9 =	smov.u32 s31  }
0x2b9: {  	v3 =	vsel vm0, $0x1, v0;
	v5 =	vsel vm3, $0x1, v0;
	v1 =	vld [tilespmem:s30+$0xFFFFFF90];
	v6 =	vsel vm2, $0x1, v0;
	[tilespmem:s9+$0x101A0] =	vst v2  }
0x2ba: {  	v3 =	vsub.s32 v3, v5;
	[tilespmem:s9+$0x10020] =	vst v6;
	v4 =	vand.u32 $0x7FFFFFFF, v4  }
0x2bb: {  	v2 =	vsub.s32 v5, v2;
	[tilespmem:s9+$0x100A0] =	vst v3;
	vm0 =	vgt.f32 v4, $1.000000000e+02;
	vm1 =	vgt.f32 v4, $1.000000000e+03  }
0x2bc: {  	vm3 =	vgt.f32 v4, $5.000000000e+02;
	[tilespmem:s9+$0x10120] =	vst v2;
	vm2 =	vmneg vm0;
	v2 =	vsel vm1, $0x1, v0  }
0x2bd: {  	v4 =	vsel vm0, $0x1, v0;
	v5 =	vsel vm3, $0x1, v0;
	v3 =	vld [tilespmem:s6+$0xFFFFFFC0];
	v6 =	vsel vm2, $0x1, v0;
	[tilespmem:s8+$0x101D0] =	vst v2  }
0x2be: {  	v4 =	vsub.s32 v4, v5;
	v1 =	vand.u32 $0x7FFFFFFF, v1;
	[tilespmem:s8+$0x10050] =	vst v6  }
0x2bf: {  	v2 =	vsub.s32 v5, v2;
	vm0 =	vgt.f32 v1, $1.000000000e+02;
	vm1 =	vgt.f32 v1, $1.000000000e+03;
	[tilespmem:s8+$0x100D0] =	vst v4  }
0x2c0: {  	s31 =	sshra.s32 s15, $0x2;
	vm3 =	vgt.f32 v1, $5.000000000e+02;
	vm2 =	vmneg vm0;
	v1 =	vsel vm1, $0x1, v0;
	[tilespmem:s8+$0x10150] =	vst v2  }
0x2c1: {  	v2 =	vsel vm0, $0x1, v0;
	v4 =	vsel vm3, $0x1, v0;
	v5 =	vsel vm2, $0x1, v0;
	[tilespmem:s31+$0x10180] =	vst v1;
	v6 =	vld [tilespmem:s14+$0xFFFFFFF0]  }
0x2c2: {  	v2 =	vsub.s32 v2, v4;
	[tilespmem:s31+$0x10000] =	vst v5;
	v3 =	vand.u32 $0x7FFFFFFF, v3  }
.Ltmp14:
0x2c3: {  	v1 =	vsub.s32 v4, v1;
	[tilespmem:s31+$0x10080] =	vst v2;
	vm0 =	vgt.f32 v3, $1.000000000e+02;
	vm1 =	vgt.f32 v3, $1.000000000e+03;
	(pc) =	sbr.rel @p0 .LBB2_21-.Ltmp14, $4  }
0x2c4: {  	vm3 =	vgt.f32 v3, $5.000000000e+02;
	[tilespmem:s31+$0x10100] =	vst v1;
	vm2 =	vmneg vm0;
	v2 =	vsel vm1, $0x1, v0  }
0x2c5: {  	v1 =	vsel vm0, $0x1, v0;
	v4 =	vsel vm3, $0x1, v0;
	v3 =	vld [tilespmem:s30+$0xFFFFFFA0];
	v5 =	vsel vm2, $0x1, v0;
	[tilespmem:s9+$0x101B0] =	vst v2  }
0x2c6: {  	[tilespmem:s9+$0x10030] =	vst v5;
	v5 =	vsub.s32 v1, v4;
	v1 =	vand.u32 $0x7FFFFFFF, v6  }
0x2c7: {  	s15 =	sadd.s32 $0x800, s15;
	v2 =	vsub.s32 v4, v2;
	[tilespmem:s9+$0x100B0] =	vst v5;
	vm0 =	vgt.f32 v1, $1.000000000e+02;
	vm1 =	vgt.f32 v1, $1.000000000e+03  }
0x2c8: {  	_ =	sdelay $0x1  }
0x2c9: {  	v3 =	vand.u32 $0x7FFFFFFF, v3  }
0x2ca: {  	vm2 =	vgt.f32 v3, $1.000000000e+02;
	vm3 =	vgt.f32 v3, $1.000000000e+03  }
0x2cb: {  	vm8 =	vgt.f32 v3, $5.000000000e+02;
	vm4 =	vmneg vm2;
	v4 =	vsel vm3, $0x1, v0  }
0x2cc: {  	v3 =	vsel vm2, $0x1, v0;
	v5 =	vsel vm8, $0x1, v0;
	v6 =	vsel vm4, $0x1, v0;
	[tilespmem:s31+$0x10190] =	vst v4  }
0x2cd: {  	v3 =	vsub.s32 v3, v5;
	[tilespmem:s31+$0x10010] =	vst v6  }
0x2ce: {  	[tilespmem:s31+$0x10090] =	vst v3;
	v3 =	vsub.s32 v5, v4  }
0x2cf: {  	[tilespmem:s31+$0x10110] =	vst v3  }
0x2d0: {  	v3 =	vld [tilespmem:s30+$0xFFFFFFB0];
	_ =	sdelay $0x4  }
0x2d1: {  	v3 =	vand.u32 $0x7FFFFFFF, v3  }
0x2d2: {  	vm9 =	vgt.f32 v3, $1.000000000e+02;
	vm10 =	vgt.f32 v3, $1.000000000e+03  }
0x2d3: {  	vm12 =	vgt.f32 v3, $5.000000000e+02;
	vm11 =	vmneg vm9;
	v35 =	vsel vm10, $0x1, v0  }
0x2d4: {  	v3 =	vsel vm9, $0x1, v0;
	v36 =	vsel vm12, $0x1, v0;
	v37 =	vsel vm11, $0x1, v0;
	[tilespmem:s31+$0x101A0] =	vst v35  }
0x2d5: {  	v3 =	vsub.s32 v3, v36;
	[tilespmem:s31+$0x10020] =	vst v37  }
0x2d6: {  	[tilespmem:s31+$0x100A0] =	vst v3;
	v3 =	vsub.s32 v36, v35  }
0x2d7: {  	[tilespmem:s31+$0x10120] =	vst v3  }
0x2d8: {  	v3 =	vld [tilespmem:s30+$0xFFFFFFC0];
	_ =	sdelay $0x4  }
0x2d9: {  	v3 =	vand.u32 $0x7FFFFFFF, v3  }
0x2da: {  	vm13 =	vgt.f32 v3, $1.000000000e+02;
	vm14 =	vgt.f32 v3, $1.000000000e+03  }
0x2db: {  	[tilespmem:s9+$0x10130] =	vst v2;
	vm8 =	vgt.f32 v3, $5.000000000e+02;
	vm15 =	vmneg vm13;
	v2 =	vsel vm14, $0x1, v0  }
0x2dc: {  	v3 =	vld [tilespmem:s6+$0xFFFFFFD0];
	v38 =	vsel vm13, $0x1, v0;
	v39 =	vsel vm8, $0x1, v0;
	v40 =	vsel vm15, $0x1, v0;
	[tilespmem:s31+$0x101B0] =	vst v2  }
0x2dd: {  	v4 =	vsub.s32 v38, v39;
	[tilespmem:s31+$0x10030] =	vst v40  }
0x2de: {  	v2 =	vsub.s32 v39, v2;
	[tilespmem:s31+$0x100B0] =	vst v4  }
0x2df: {  	[tilespmem:s31+$0x10130] =	vst v2  }
0x2e0: {  	v2 =	vld [tilespmem:s30+$0xFFFFFFD0]  }
0x2e1: {  	v3 =	vand.u32 $0x7FFFFFFF, v3  }
0x2e2: {  	vm9 =	vgt.f32 v3, $1.000000000e+02;
	vm10 =	vgt.f32 v3, $1.000000000e+03  }
0x2e3: {  	vm12 =	vgt.f32 v3, $5.000000000e+02;
	vm11 =	vmneg vm9;
	v41 =	vsel vm10, $0x1, v0  }
0x2e4: {  	v3 =	vsel vm9, $0x1, v0;
	v42 =	vsel vm12, $0x1, v0;
	v43 =	vsel vm11, $0x1, v0;
	[tilespmem:s9+$0x101C0] =	vst v41  }
0x2e5: {  	v3 =	vsub.s32 v3, v42;
	[tilespmem:s9+$0x10040] =	vst v43;
	v2 =	vand.u32 $0x7FFFFFFF, v2  }
0x2e6: {  	[tilespmem:s9+$0x100C0] =	vst v3;
	v3 =	vsub.s32 v42, v41;
	vm13 =	vgt.f32 v2, $1.000000000e+02;
	vm14 =	vgt.f32 v2, $1.000000000e+03  }
0x2e7: {  	[tilespmem:s9+$0x10140] =	vst v3;
	vm7 =	vgt.f32 v2, $5.000000000e+02;
	vm15 =	vmneg vm13;
	v3 =	vsel vm14, $0x1, v0  }
0x2e8: {  	v2 =	vld [tilespmem:s6+$0xFFFFFFE0];
	v44 =	vsel vm13, $0x1, v0;
	v45 =	vsel vm7, $0x1, v0;
	v46 =	vsel vm15, $0x1, v0;
	[tilespmem:s31+$0x101C0] =	vst v3  }
0x2e9: {  	v4 =	vsub.s32 v44, v45;
	[tilespmem:s31+$0x10040] =	vst v46  }
0x2ea: {  	v3 =	vsub.s32 v45, v3;
	[tilespmem:s31+$0x100C0] =	vst v4  }
0x2eb: {  	[tilespmem:s31+$0x10140] =	vst v3  }
0x2ec: {  	v3 =	vld [tilespmem:s30+$0xFFFFFFE0]  }
0x2ed: {  	v2 =	vand.u32 $0x7FFFFFFF, v2  }
0x2ee: {  	vm8 =	vgt.f32 v2, $1.000000000e+02;
	vm9 =	vgt.f32 v2, $1.000000000e+03  }
0x2ef: {  	vm11 =	vgt.f32 v2, $5.000000000e+02;
	vm10 =	vmneg vm8;
	v47 =	vsel vm9, $0x1, v0  }
0x2f0: {  	v2 =	vsel vm8, $0x1, v0;
	v48 =	vsel vm11, $0x1, v0;
	v49 =	vsel vm10, $0x1, v0;
	[tilespmem:s9+$0x101D0] =	vst v47  }
0x2f1: {  	v2 =	vsub.s32 v2, v48;
	v3 =	vand.u32 $0x7FFFFFFF, v3;
	[tilespmem:s9+$0x10050] =	vst v49  }
0x2f2: {  	[tilespmem:s9+$0x100D0] =	vst v2;
	v2 =	vsub.s32 v48, v47;
	vm12 =	vgt.f32 v3, $1.000000000e+02;
	vm13 =	vgt.f32 v3, $1.000000000e+03  }
0x2f3: {  	vm15 =	vgt.f32 v3, $5.000000000e+02;
	[tilespmem:s9+$0x10150] =	vst v2;
	vm14 =	vmneg vm12;
	v2 =	vsel vm13, $0x1, v0  }
0x2f4: {  	v3 =	vsel vm12, $0x1, v0;
	v51 =	vsel vm15, $0x1, v0;
	v50 =	vld [tilespmem:s6+$0xFFFFFFF0];
	v52 =	vsel vm14, $0x1, v0;
	[tilespmem:s31+$0x101D0] =	vst v2  }
0x2f5: {  	v3 =	vsub.s32 v3, v51;
	[tilespmem:s31+$0x10050] =	vst v52  }
0x2f6: {  	vm6 =	vmneg vm0;
	v2 =	vsub.s32 v51, v2;
	[tilespmem:s31+$0x100D0] =	vst v3  }
0x2f7: {  	v53 =	vsel vm6, $0x1, v0;
	vm7 =	vgt.f32 v1, $5.000000000e+02;
	[tilespmem:s31+$0x10150] =	vst v2  }
0x2f8: {  	[tilespmem:s8+$0x10060] =	vst v53;
	v1 =	vsel vm1, $0x1, v0;
	v2 =	vsel vm0, $0x1, v0;
	v3 =	vsel vm7, $0x1, v0;
	v6 =	vld [tilespmem:s30+$0xFFFFFFF0]  }
0x2f9: {  	[tilespmem:s8+$0x101E0] =	vst v1;
	v2 =	vsub.s32 v2, v3;
	v4 =	vand.u32 $0x7FFFFFFF, v50  }
0x2fa: {  	v1 =	vsub.s32 v3, v1;
	[tilespmem:s8+$0x100E0] =	vst v2;
	vm8 =	vgt.f32 v4, $1.000000000e+02;
	vm9 =	vgt.f32 v4, $1.000000000e+03  }
0x2fb: {  	[tilespmem:s8+$0x10160] =	vst v1;
	vm11 =	vgt.f32 v4, $5.000000000e+02;
	vm10 =	vmneg vm8;
	v1 =	vsel vm9, $0x1, v0  }
0x2fc: {  	v2 =	vld [tilespmem:s14+$0x0];
	v3 =	vsel vm8, $0x1, v0;
	v4 =	vsel vm11, $0x1, v0;
	v54 =	vsel vm10, $0x1, v0;
	[tilespmem:s9+$0x101E0] =	vst v1  }
0x2fd: {  	v55 =	vand.u32 $0x7FFFFFFF, v6;
	v3 =	vsub.s32 v3, v4;
	[tilespmem:s9+$0x10060] =	vst v54  }
0x2fe: {  	v1 =	vsub.s32 v4, v1;
	vm12 =	vgt.f32 v55, $1.000000000e+02;
	vm13 =	vgt.f32 v55, $1.000000000e+03;
	[tilespmem:s9+$0x100E0] =	vst v3  }
0x2ff: {  	vm15 =	vgt.f32 v55, $5.000000000e+02;
	[tilespmem:s9+$0x10160] =	vst v1;
	vm14 =	vmneg vm12;
	v1 =	vsel vm13, $0x1, v0  }
0x300: {  	v56 =	vsel vm12, $0x1, v0;
	v5 =	vsel vm15, $0x1, v0;
	v3 =	vld [tilespmem:s6+$0x0];
	v57 =	vsel vm14, $0x1, v0;
	[tilespmem:s31+$0x101E0] =	vst v1  }
0x301: {  	v2 =	vand.u32 $0x7FFFFFFF, v2;
	v4 =	vsub.s32 v56, v5;
	[tilespmem:s31+$0x10060] =	vst v57  }
0x302: {  	vm4 =	vgt.f32 v2, $5.000000000e+02;
	vm5 =	vgt.f32 v2, $1.000000000e+03;
	v1 =	vsub.s32 v5, v1;
	[tilespmem:s31+$0x100E0] =	vst v4  }
0x303: {  	vm6 =	vgt.f32 v2, $1.000000000e+02;
	v2 =	vsel vm4, $0x1, v0;
	v58 =	vsel vm5, $0x1, v0;
	[tilespmem:s31+$0x10160] =	vst v1  }
0x304: {  	vm7 =	vmneg vm6;
	v1 =	vsub.s32 v2, v58;
	[tilespmem:s8+$0x101F0] =	vst v58;
	v59 =	vld [tilespmem:s30+$0x0]  }
0x305: {  	v60 =	vsel vm6, $0x1, v0;
	v61 =	vsel vm7, $0x1, v0;
	[tilespmem:s8+$0x10170] =	vst v1;
	v1 =	vand.u32 $0x7FFFFFFF, v3  }
0x306: {  	v2 =	vsub.s32 v60, v2;
	[tilespmem:s8+$0x10070] =	vst v61;
	vm8 =	vgt.f32 v1, $5.000000000e+02;
	vm9 =	vgt.f32 v1, $1.000000000e+03  }
0x307: {  	[tilespmem:s8+$0x100F0] =	vst v2;
	vm10 =	vgt.f32 v1, $1.000000000e+02;
	v1 =	vsel vm8, $0x1, v0;
	v2 =	vsel vm9, $0x1, v0  }
0x308: {  	vm11 =	vmneg vm10;
	v3 =	vsub.s32 v1, v2;
	[tilespmem:s9+$0x101F0] =	vst v2  }
0x309: {  	v2 =	vsel vm10, $0x1, v0;
	v62 =	vsel vm11, $0x1, v0;
	[tilespmem:s9+$0x10170] =	vst v3;
	v3 =	vand.u32 $0x7FFFFFFF, v59  }
0x30a: {  	v1 =	vsub.s32 v2, v1;
	[tilespmem:s9+$0x10070] =	vst v62;
	vm12 =	vgt.f32 v3, $5.000000000e+02;
	vm13 =	vgt.f32 v3, $1.000000000e+03  }
0x30b: {  	p0 =	seq.s32 s0, $0xF;
	[tilespmem:s9+$0x100F0] =	vst v1;
	vm14 =	vgt.f32 v3, $1.000000000e+02;
	v1 =	vsel vm12, $0x1, v0;
	v2 =	vsel vm13, $0x1, v0  }
.Ltmp15:
0x30c: {  	vm15 =	vmneg vm14;
	v3 =	vsub.s32 v1, v2;
	[tilespmem:s31+$0x101F0] =	vst v2;
	(pc) =	sbr.rel @p0 .LBB2_24-.Ltmp15, $4  }
0x30d: {  	v2 =	vsel vm14, $0x1, v0;
	v63 =	vsel vm15, $0x1, v0;
	[tilespmem:s31+$0x10170] =	vst v3  }
0x30e: {  	v1 =	vsub.s32 v2, v1;
	[tilespmem:s31+$0x10070] =	vst v63  }
0x30f: {  	[tilespmem:s31+$0x100F0] =	vst v1;
	s31 =	sadd.s32 $0x1800, s7  }
0x310: {  	[hbm4b:s31+s4] =	stream.linear.scatter [tilespmem:s29], [sflag:$0x8], $0x4000, $0x38;
	[tilespmem:$0x14000] =	vst v63  }
.Ltmp16:
0x311: {  	(pc) =	sbr.rel .LBB2_2-.Ltmp16, $4  }
0x312: {  	s1 =	sadd.s32 s1, s13  }
0x313: {  	s1 =	sshrl.u32 s1, $0x3  }
0x314: {  	s0 =	sadd.s32 $0x1, s0;
	s1 =	sadd.s32 s2, s1  }
0x315: {  	[tilespmem:s17], [sflag:$0x4] =	stream.linear.gather [hbm4b:s1+s4], $0x1000, $0x38;
	[tilespmem:$0x14000] =	vst v63  }
.LBB2_25:
0x316: {  	_ =	sfence.sel $0x180000  }
0x317: {  	[bflag:$0x0] =	sbarrier.arrive $0xFFFF  }
0x318: {  	_ =	strace $0x90000047  }
0x319: {  	s0 =	stileid.u32;
	[bflag:$0x2] =	sbarrier.arrive $0xFFFF  }
0x31a: {  	p0 =	sne.s32 s0, $0x0;
	s0 =	rddreg [dreg:$0x2]  }
0x31b: {  	s0 =	sadd.s32 @!p0 $0x100000, s0  }
0x31c: {  	[sflag:s0] =	ssyncadd.tile.s32 @!p0 $0x1;
	_ =	shalt  }
.Lfunc_end2:
_tile_overlayer_lowered:
.L_overlay_start_2:
0x31d: {  	(tag) =	ssettag $0x2  }
0x31e: {  	s0 =	rddreg [dreg:$0x0];
	s2 =	stileid.u32  }
0x31f: {  	s1 =	rddreg [dreg:$0x1];
	p0 =	sne.s32 s2, $0x0  }
0x320: {  	s3 =	rddreg [dreg:$0x2];
	[bflag:$0x3] =	sbarrier.arrive $0xFFFF;
	s2 =	simm.s32 @!p0 $0x1C09  }
0x321: {  	[timem:s3], [sflag:s2] =	dma.local @!p0 [hbm:s0], s1  }
0x322: {  	s0 =	simm.s32 @!p0 $0x9  }
0x323: {  	_ =	swait.ge @!p0 [sflag:s0], s1  }
0x324: {  	s1 =	ssub.s32 @!p0 $0x0, s1;
	[sflag:s0] =	ssyncset.done @!p0 $0x0  }
0x325: {  	[sflag:s0] =	ssyncadd.s32 @!p0 s1  }
0x326: {  	[bflag:$0x3] =	sbarrier.arrive $0xFFFF  }
0x327: {  	_ =	shalt  }

</sc_bundles>
